<compile_context>
chip_gen: v7x
topology: tpu7x:2x2x1
jax: 0.10.2.dev20260603
libtpu: 0.0.44.dev20260713+nightly
codegen_flags: <defaults>
</compile_context>

<pallas_src>
import functools

import jax
import jax.numpy as jnp
from jax import lax
from jax.experimental import pallas as pl
from jax.experimental.pallas import tpu as pltpu
from jax.experimental.pallas import tpu_sc as plsc

N = 10000
E = 320000
G = 128
H = 64
DE = 16
DEPTH = 2
EPS = 1e-5

BN = 2000
BE = 4000
NB_N = N // BN
NB_E = E // BE

NC = 2
NS = 16
NW = NC * NS
EPT = E // NW
CH = 80
NCH = EPT // CH
SPT = 640
NSP = SPT * NS

_f32 = jnp.float32


def _iota_eq(idx, rows, axis):
    return (lax.broadcasted_iota(jnp.int32, rows, axis) == idx).astype(_f32)



def _sc_take1d(table, idx3, dtype):
    mesh = plsc.VectorSubcoreMesh(core_axis_name="c", subcore_axis_name="s")

    @functools.partial(
        pl.kernel,
        out_type=jax.ShapeDtypeStruct((E,), dtype),
        mesh=mesh,
        compiler_params=pltpu.CompilerParams(use_tc_tiling_on_sc=False),
        scratch_types=[
            pltpu.VMEM((NCH, CH), jnp.int32),
            pltpu.VMEM((CH,), dtype),
            pltpu.VMEM((CH,), dtype),
            pltpu.SemaphoreType.DMA,
            pltpu.SemaphoreType.DMA,
            pltpu.SemaphoreType.DMA,
            pltpu.SemaphoreType.DMA,
        ],
    )
    def k(batch_hbm, row3_hbm, out_hbm, ridx2, bufa, bufb, sga, sgb, swa, swb):
        wid = lax.axis_index("s") * NC + lax.axis_index("c")
        base = wid * EPT
        pltpu.sync_copy(row3_hbm.at[wid], ridx2)

        def issue(c, buf, sem):
            pltpu.async_copy(batch_hbm.at[ridx2.at[c]], buf, sem)

        def wait_g(buf, sem):
            pltpu.make_async_copy(batch_hbm.at[ridx2.at[0]], buf, sem).wait()

        def wout(c, buf, sem):
            pltpu.async_copy(buf, out_hbm.at[pl.ds(base + c * CH, CH)], sem)

        def wait_w(buf, sem):
            pltpu.make_async_copy(buf, out_hbm.at[pl.ds(0, CH)], sem).wait()

        issue(0, bufa, sga)
        issue(1, bufb, sgb)

        def body(kk, _):
            c0 = 2 * kk
            wait_g(bufa, sga)
            wout(c0 - 2, bufa, swa)
            wait_g(bufb, sgb)
            wout(c0 - 1, bufb, swb)
            wait_w(bufa, swa)
            issue(c0, bufa, sga)
            wait_w(bufb, swb)
            issue(c0 + 1, bufb, sgb)
            return 0

        lax.fori_loop(1, (NCH - 1) // 2, body, 0)
        wait_g(bufa, sga)
        wout(NCH - 3, bufa, swa)
        wait_g(bufb, sgb)
        wout(NCH - 2, bufb, swb)
        wait_w(bufa, swa)
        issue(NCH - 1, bufa, sga)
        wait_g(bufa, sga)
        wout(NCH - 1, bufa, swa)
        wait_w(bufa, swa)
        wait_w(bufb, swb)

    return k(table, idx3)


def _sc_gather(row3, col3, t, xb):
    mesh = plsc.VectorSubcoreMesh(core_axis_name="c", subcore_axis_name="s")

    @functools.partial(
        pl.kernel,
        out_type=[jax.ShapeDtypeStruct((E, H), _f32),
                  jax.ShapeDtypeStruct((E, H), _f32)],
        mesh=mesh,
        compiler_params=pltpu.CompilerParams(use_tc_tiling_on_sc=False),
        scratch_types=[
            pltpu.VMEM((NCH, CH), jnp.int32),
            pltpu.VMEM((NCH, CH), jnp.int32),
            pltpu.VMEM((CH, H), _f32),
            pltpu.VMEM((CH, H), _f32),
            pltpu.VMEM((CH, H), _f32),
            pltpu.VMEM((CH, H), _f32),
            pltpu.SemaphoreType.DMA,
            pltpu.SemaphoreType.DMA,
            pltpu.SemaphoreType.DMA,
            pltpu.SemaphoreType.DMA,
        ],
    )
    def k(row3_hbm, col3_hbm, t_hbm, xb_hbm, ot_hbm, oxb_hbm,
          ridx2, cidx2, ta, tb, xa, xb_, sga, sgb, swa, swb):
        wid = lax.axis_index("s") * NC + lax.axis_index("c")
        base = wid * EPT
        pltpu.sync_copy(row3_hbm.at[wid], ridx2)
        pltpu.sync_copy(col3_hbm.at[wid], cidx2)

        def issue(c, bt, bx, sem):
            pltpu.async_copy(t_hbm.at[ridx2.at[c]], bt, sem)
            pltpu.async_copy(xb_hbm.at[cidx2.at[c]], bx, sem)

        def wait_g(bt, bx, sem):
            pltpu.make_async_copy(t_hbm.at[ridx2.at[0]], bt, sem).wait()
            pltpu.make_async_copy(xb_hbm.at[cidx2.at[0]], bx, sem).wait()

        def wout(c, bt, bx, sem):
            off = base + c * CH
            pltpu.async_copy(bt, ot_hbm.at[pl.ds(off, CH)], sem)
            pltpu.async_copy(bx, oxb_hbm.at[pl.ds(off, CH)], sem)

        def wait_w(bt, bx, sem):
            pltpu.make_async_copy(bt, ot_hbm.at[pl.ds(0, CH)], sem).wait()
            pltpu.make_async_copy(bx, oxb_hbm.at[pl.ds(0, CH)], sem).wait()

        issue(0, ta, xa, sga)
        issue(1, tb, xb_, sgb)

        def body(kk, _):
            c0 = 2 * kk
            wait_g(ta, xa, sga)
            wout(c0 - 2, ta, xa, swa)
            wait_g(tb, xb_, sgb)
            wout(c0 - 1, tb, xb_, swb)
            wait_w(ta, xa, swa)
            issue(c0, ta, xa, sga)
            wait_w(tb, xb_, swb)
            issue(c0 + 1, tb, xb_, sgb)
            return 0

        lax.fori_loop(1, (NCH - 1) // 2, body, 0)
        wait_g(ta, xa, sga)
        wout(NCH - 3, ta, xa, swa)
        wait_g(tb, xb_, sgb)
        wout(NCH - 2, tb, xb_, swb)
        wait_w(ta, xa, swa)
        issue(NCH - 1, ta, xa, sga)
        wait_g(ta, xa, sga)
        wout(NCH - 1, ta, xa, swa)
        wait_w(ta, xa, swa)
        wait_w(tb, xb_, swb)

    return k(row3, col3, t, xb)


def _sc_scatter(row3, col3, xnorm, enew, zrows):
    mesh = plsc.VectorSubcoreMesh(core_axis_name="c", subcore_axis_name="s")

    @functools.partial(
        pl.kernel,
        out_type=[jax.ShapeDtypeStruct((NC, NSP, H), _f32),
                  jax.ShapeDtypeStruct((NC, NSP, H), _f32)],
        mesh=mesh,
        compiler_params=pltpu.CompilerParams(use_tc_tiling_on_sc=False),
        scratch_types=[
            pltpu.VMEM((NCH, CH), jnp.int32),
            pltpu.VMEM((NCH, CH), jnp.int32),
            pltpu.VMEM((CH, H), _f32),
            pltpu.VMEM((CH, H), _f32),
            pltpu.VMEM((CH, H), _f32),
            pltpu.VMEM((CH, H), _f32),
            pltpu.VMEM_SHARED((NSP, H), _f32),
            pltpu.VMEM_SHARED((NSP, H), _f32),
            pltpu.SemaphoreType.DMA,
            pltpu.SemaphoreType.DMA,
            pltpu.SemaphoreType.DMA,
            pltpu.SemaphoreType.DMA,
        ],
    )
    def k(row3_hbm, col3_hbm, xn_hbm, en_hbm, z_hbm, oa_hbm, ob_hbm,
          ridx2, cidx2, aa, ab, ba, bb, spa, spb, sga, sgb, ssa, ssb):
        cid = lax.axis_index("c")
        sid = lax.axis_index("s")
        wid = sid * NC + cid
        base = wid * EPT
        pltpu.sync_copy(z_hbm, spa.at[pl.ds(sid * SPT, SPT)])
        pltpu.sync_copy(z_hbm, spb.at[pl.ds(sid * SPT, SPT)])
        pltpu.sync_copy(row3_hbm.at[wid], ridx2)
        pltpu.sync_copy(col3_hbm.at[wid], cidx2)
        plsc.subcore_barrier()

        def issue(c, bxn, ben, sem):
            pltpu.async_copy(xn_hbm.at[ridx2.at[c]], bxn, sem)
            pltpu.async_copy(en_hbm.at[pl.ds(base + c * CH, CH)], ben, sem)

        def wait_g(bxn, ben, sem):
            pltpu.make_async_copy(xn_hbm.at[ridx2.at[0]], bxn, sem).wait()
            pltpu.make_async_copy(en_hbm.at[pl.ds(0, CH)], ben, sem).wait()

        def scat(c, bxn, ben, sem):
            pltpu.async_copy(bxn, spa.at[cidx2.at[c]], sem, add=True)
            pltpu.async_copy(ben, spb.at[cidx2.at[c]], sem, add=True)

        def wait_s(bxn, ben, sem):
            pltpu.make_async_copy(bxn, spa.at[cidx2.at[0]], sem).wait()
            pltpu.make_async_copy(ben, spb.at[cidx2.at[0]], sem).wait()

        issue(0, aa, ba, sga)
        issue(1, ab, bb, sgb)

        def body(kk, _):
            c0 = 2 * kk
            wait_g(aa, ba, sga)
            scat(c0 - 2, aa, ba, ssa)
            wait_g(ab, bb, sgb)
            scat(c0 - 1, ab, bb, ssb)
            wait_s(aa, ba, ssa)
            issue(c0, aa, ba, sga)
            wait_s(ab, bb, ssb)
            issue(c0 + 1, ab, bb, sgb)
            return 0

        lax.fori_loop(1, (NCH - 1) // 2, body, 0)
        wait_g(aa, ba, sga)
        scat(NCH - 3, aa, ba, ssa)
        wait_g(ab, bb, sgb)
        scat(NCH - 2, ab, bb, ssb)
        wait_s(aa, ba, ssa)
        issue(NCH - 1, aa, ba, sga)
        wait_g(aa, ba, sga)
        scat(NCH - 1, aa, ba, ssa)
        wait_s(aa, ba, ssa)
        wait_s(ab, bb, ssb)
        plsc.subcore_barrier()
        pltpu.sync_copy(spa.at[pl.ds(sid * SPT, SPT)],
                        oa_hbm.at[cid, pl.ds(sid * SPT, SPT)])
        pltpu.sync_copy(spb.at[pl.ds(sid * SPT, SPT)],
                        ob_hbm.at[cid, pl.ds(sid * SPT, SPT)])

    return k(row3, col3, xnorm, enew, zrows)



def _dot(a, b):
    return jnp.dot(a, b, preferred_element_type=_f32)


def _dot_hi(a, b):
    return jnp.dot(a, b, preferred_element_type=_f32,
                   precision=lax.Precision.HIGHEST)


def _gsum(oht, v):
    hi = v.astype(jnp.bfloat16).astype(_f32)
    r = v - hi
    mid = r.astype(jnp.bfloat16).astype(_f32)
    return _dot(oht, hi) + (_dot(oht, mid) + _dot(oht, r - mid))


def _enc_x(x, batch_r, W1, b1, W2, b2):

    def body(x_ref, bidx_ref, w1, bb1, w2, bb2, o_x1, o_s, o_q, o_c):
        i = pl.program_id(0)
        xx = x_ref[...]
        h = jnp.maximum(_dot(xx, w1[...]) + bb1[...], 0.0)
        x1 = _dot(h, w2[...]) + bb2[...]
        o_x1[...] = x1
        bidx = bidx_ref[0, 0, :]
        oht = _iota_eq(bidx[None, :], (G, BN), 0)

        @pl.when(i == 0)
        def _():
            o_s[...] = jnp.zeros_like(o_s)
            o_q[...] = jnp.zeros_like(o_q)
            o_c[...] = jnp.zeros_like(o_c)

        o_s[...] += _gsum(oht, x1)
        o_q[...] += _gsum(oht, x1 * x1)
        o_c[...] += _dot(oht, jnp.ones((BN, H), _f32))

    return pl.pallas_call(
        body,
        grid=(NB_N,),
        in_specs=[
            pl.BlockSpec((BN, 128), lambda i: (i, 0)),
            pl.BlockSpec((1, 1, BN), lambda i: (i, 0, 0)),
            pl.BlockSpec((128, H), lambda i: (0, 0)),
            pl.BlockSpec((1, H), lambda i: (0, 0)),
            pl.BlockSpec((H, H), lambda i: (0, 0)),
            pl.BlockSpec((1, H), lambda i: (0, 0)),
        ],
        out_specs=[
            pl.BlockSpec((BN, H), lambda i: (i, 0)),
            pl.BlockSpec((G, H), lambda i: (0, 0)),
            pl.BlockSpec((G, H), lambda i: (0, 0)),
            pl.BlockSpec((G, H), lambda i: (0, 0)),
        ],
        out_shape=[
            jax.ShapeDtypeStruct((N, H), _f32),
            jax.ShapeDtypeStruct((G, H), _f32),
            jax.ShapeDtypeStruct((G, H), _f32),
            jax.ShapeDtypeStruct((G, H), _f32),
        ],
    )(x, batch_r, W1, b1, W2, b2)


def _enc_e(eattr, brow_r, W1, b1, W2, b2):

    def body(e_ref, bidx_ref, w1, bb1, w2, bb2, o_e0, o_sraw, o_s, o_q, o_c):
        i = pl.program_id(0)
        er = e_ref[...]
        h = jnp.maximum(_dot(er, w1[...]) + bb1[...], 0.0)
        e0 = _dot(h, w2[...]) + bb2[...]
        o_e0[...] = e0
        bidx = bidx_ref[0, 0, :]
        oht = _iota_eq(bidx[None, :], (G, BE), 0)

        @pl.when(i == 0)
        def _():
            o_sraw[...] = jnp.zeros_like(o_sraw)
            o_s[...] = jnp.zeros_like(o_s)
            o_q[...] = jnp.zeros_like(o_q)
            o_c[...] = jnp.zeros_like(o_c)

        o_sraw[...] += _gsum(oht, er)
        o_s[...] += _gsum(oht, e0)
        o_q[...] += _gsum(oht, e0 * e0)
        o_c[...] += _dot(oht, jnp.ones((BE, H), _f32))

    return pl.pallas_call(
        body,
        grid=(NB_E,),
        in_specs=[
            pl.BlockSpec((BE, DE), lambda i: (i, 0)),
            pl.BlockSpec((1, 1, BE), lambda i: (i, 0, 0)),
            pl.BlockSpec((DE, H), lambda i: (0, 0)),
            pl.BlockSpec((1, H), lambda i: (0, 0)),
            pl.BlockSpec((H, H), lambda i: (0, 0)),
            pl.BlockSpec((1, H), lambda i: (0, 0)),
        ],
        out_specs=[
            pl.BlockSpec((BE, H), lambda i: (i, 0)),
            pl.BlockSpec((G, DE), lambda i: (0, 0)),
            pl.BlockSpec((G, H), lambda i: (0, 0)),
            pl.BlockSpec((G, H), lambda i: (0, 0)),
            pl.BlockSpec((G, H), lambda i: (0, 0)),
        ],
        out_shape=[
            jax.ShapeDtypeStruct((E, H), _f32),
            jax.ShapeDtypeStruct((G, DE), _f32),
            jax.ShapeDtypeStruct((G, H), _f32),
            jax.ShapeDtypeStruct((G, H), _f32),
            jax.ShapeDtypeStruct((G, H), _f32),
        ],
    )(eattr, brow_r, W1, b1, W2, b2)


def _bn_fold_expr(gw, bw, S, Q, svec_col, total):
    m = _dot_hi(svec_col.T, S) / total
    exx = _dot_hi((svec_col * svec_col).T, Q) / total
    v = exx - m * m
    scale = gw * lax.rsqrt(v + EPS)
    shift = bw - m * scale
    return scale, shift


def _glob0(S_raw, cnte, cntn, S_x, Q_x, S_e, Q_e,
           gx, bx, ge, be_, gu, bu, W1, b1, W2, b2):

    def body(sraw, ce_, cn_, sx, qx, se, qe, gxr, bxr, ger, ber, gur, bur,
             w1, bb1, w2, bb2, o_u, o_scal, o_svec):
        dege = ce_[...][:, 0:1]
        degn = cn_[...][:, 0:1]
        cee = jnp.maximum(dege, 1.0)
        cnn = jnp.maximum(degn, 1.0)
        u0 = sraw[...] / cee
        h = jnp.maximum(_dot(u0, w1[...]) + bb1[...], 0.0)
        u1 = _dot(h, w2[...]) + bb2[...]
        m = jnp.mean(u1, axis=0, keepdims=True)
        v = jnp.mean(u1 * u1, axis=0, keepdims=True) - m * m
        o_u[...] = (u1 - m) * lax.rsqrt(v + EPS) * gur[...] + bur[...]
        s_n = jnp.where(degn > 0, lax.rsqrt(jnp.maximum(degn, 1e-30)), 0.0)
        s_e = jnp.where(dege > 0, lax.rsqrt(jnp.maximum(dege, 1e-30)), 0.0)
        sc_x, sh_x = _bn_fold_expr(gxr[...], bxr[...], sx[...], qx[...], s_n, float(N))
        sc_e, sh_e = _bn_fold_expr(ger[...], ber[...], se[...], qe[...], s_e, float(E))
        o_scal[...] = jnp.concatenate(
            [sc_x, sh_x, sc_e, sh_e, jnp.zeros((4, H), _f32)], axis=0)
        o_svec[...] = jnp.concatenate(
            [s_n.reshape(1, G), s_e.reshape(1, G),
             (1.0 / cee).reshape(1, G), (1.0 / cnn).reshape(1, G),
             jnp.zeros((4, G), _f32)], axis=0)

    return pl.pallas_call(
        body,
        out_shape=[
            jax.ShapeDtypeStruct((G, H), _f32),
            jax.ShapeDtypeStruct((8, H), _f32),
            jax.ShapeDtypeStruct((8, G), _f32),
        ],
    )(S_raw, cnte, cntn, S_x, Q_x, S_e, Q_e,
      gx, bx, ge, be_, gu, bu, W1, b1, W2, b2)


def _tables(xraw, batch_r, scal, svec, u, W1a, W1b, W1d, b1):

    def body(x_ref, bidx_ref, scal_ref, svec_ref, u_ref, wa, wb, wd, bb1,
             o_xn, o_t, o_xb):
        bidx = bidx_ref[0, 0, :]
        oh = _iota_eq(bidx[:, None], (BN, G), 1)
        s_row = jnp.sum(oh * svec_ref[0:1, :], axis=1, keepdims=True)
        xn = x_ref[...] * s_row * scal_ref[0:1, :] + scal_ref[1:2, :]
        o_xn[...] = xn
        ug = _dot(u_ref[...], wd[...])
        o_t[...] = _dot(xn, wa[...]) + _dot_hi(oh, ug) + bb1[...]
        o_xb[...] = _dot(xn, wb[...])

    return pl.pallas_call(
        body,
        grid=(NB_N,),
        in_specs=[
            pl.BlockSpec((BN, H), lambda i: (i, 0)),
            pl.BlockSpec((1, 1, BN), lambda i: (i, 0, 0)),
            pl.BlockSpec((8, H), lambda i: (0, 0)),
            pl.BlockSpec((8, G), lambda i: (0, 0)),
            pl.BlockSpec((G, H), lambda i: (0, 0)),
            pl.BlockSpec((H, H), lambda i: (0, 0)),
            pl.BlockSpec((H, H), lambda i: (0, 0)),
            pl.BlockSpec((H, H), lambda i: (0, 0)),
            pl.BlockSpec((1, H), lambda i: (0, 0)),
        ],
        out_specs=[
            pl.BlockSpec((BN, H), lambda i: (i, 0)),
            pl.BlockSpec((BN, H), lambda i: (i, 0)),
            pl.BlockSpec((BN, H), lambda i: (i, 0)),
        ],
        out_shape=[
            jax.ShapeDtypeStruct((N, H), _f32),
            jax.ShapeDtypeStruct((N, H), _f32),
            jax.ShapeDtypeStruct((N, H), _f32),
        ],
    )(xraw, batch_r, scal, svec, u, W1a, W1b, W1d, b1)


def _edge(t_row, xb_col, eprev, brow_r, svec, scal, W1c, W2, b2):

    def body(t_ref, xb_ref, ep_ref, bidx_ref, svec_ref, scal_ref, w1c, w2, bb2,
             o_en, o_s, o_q):
        i = pl.program_id(0)
        bidx = bidx_ref[0, 0, :]
        oh = _iota_eq(bidx[:, None], (BE, G), 1)
        s_edge = jnp.sum(oh * svec_ref[1:2, :], axis=1, keepdims=True)
        sc_e = scal_ref[2:3, :]
        sh_e = scal_ref[3:4, :]
        e_bn = ep_ref[...] * s_edge * sc_e + sh_e
        ec = _dot(e_bn, w1c[...])
        pre = t_ref[...] + xb_ref[...] + ec
        h = jnp.maximum(pre, 0.0)
        en = _dot(h, w2[...]) + bb2[...]
        o_en[...] = en
        oht = _iota_eq(bidx[None, :], (G, BE), 0)

        @pl.when(i == 0)
        def _():
            o_s[...] = jnp.zeros_like(o_s)
            o_q[...] = jnp.zeros_like(o_q)

        o_s[...] += _gsum(oht, en)
        o_q[...] += _gsum(oht, en * en)

    return pl.pallas_call(
        body,
        grid=(NB_E,),
        in_specs=[
            pl.BlockSpec((BE, H), lambda i: (i, 0)),
            pl.BlockSpec((BE, H), lambda i: (i, 0)),
            pl.BlockSpec((BE, H), lambda i: (i, 0)),
            pl.BlockSpec((1, 1, BE), lambda i: (i, 0, 0)),
            pl.BlockSpec((8, G), lambda i: (0, 0)),
            pl.BlockSpec((8, H), lambda i: (0, 0)),
            pl.BlockSpec((H, H), lambda i: (0, 0)),
            pl.BlockSpec((H, H), lambda i: (0, 0)),
            pl.BlockSpec((1, H), lambda i: (0, 0)),
        ],
        out_specs=[
            pl.BlockSpec((BE, H), lambda i: (i, 0)),
            pl.BlockSpec((G, H), lambda i: (0, 0)),
            pl.BlockSpec((G, H), lambda i: (0, 0)),
        ],
        out_shape=[
            jax.ShapeDtypeStruct((E, H), _f32),
            jax.ShapeDtypeStruct((G, H), _f32),
            jax.ShapeDtypeStruct((G, H), _f32),
        ],
    )(t_row, xb_col, eprev, brow_r, svec, scal, W1c, W2, b2)


def _node(aggA, aggB, xnorm, batch_r, u, W11, b11, W12, b12, V1, bV1, V2, bV2):

    def body(aa_ref, ab_ref, x_ref, bidx_ref, u_ref, w11, bb11, w12, bb12,
             v1, bbv1, v2, bbv2, o_xn, o_s, o_q):
        i = pl.program_id(0)
        agga = aa_ref[0] + aa_ref[1]
        aggb = ab_ref[0] + ab_ref[1]
        w11v = w11[...]
        hn = jnp.maximum(_dot(agga, w11v[:H]) + _dot(aggb, w11v[H:]) + bb11[...], 0.0)
        hn = _dot(hn, w12[...]) + bb12[...]
        bidx = bidx_ref[0, 0, :]
        oh = _iota_eq(bidx[:, None], (BN, G), 1)
        ub = _dot_hi(oh, u_ref[...])
        v1v = v1[...]
        z = jnp.maximum(_dot(x_ref[...], v1v[:H]) + _dot(hn, v1v[H:2 * H])
                        + _dot(ub, v1v[2 * H:]) + bbv1[...], 0.0)
        xn = _dot(z, v2[...]) + bbv2[...]
        o_xn[...] = xn
        oht = _iota_eq(bidx[None, :], (G, BN), 0)

        @pl.when(i == 0)
        def _():
            o_s[...] = jnp.zeros_like(o_s)
            o_q[...] = jnp.zeros_like(o_q)

        o_s[...] += _gsum(oht, xn)
        o_q[...] += _gsum(oht, xn * xn)

    return pl.pallas_call(
        body,
        grid=(NB_N,),
        in_specs=[
            pl.BlockSpec((NC, BN, H), lambda i: (0, i, 0)),
            pl.BlockSpec((NC, BN, H), lambda i: (0, i, 0)),
            pl.BlockSpec((BN, H), lambda i: (i, 0)),
            pl.BlockSpec((1, 1, BN), lambda i: (i, 0, 0)),
            pl.BlockSpec((G, H), lambda i: (0, 0)),
            pl.BlockSpec((2 * H, H), lambda i: (0, 0)),
            pl.BlockSpec((1, H), lambda i: (0, 0)),
            pl.BlockSpec((H, H), lambda i: (0, 0)),
            pl.BlockSpec((1, H), lambda i: (0, 0)),
            pl.BlockSpec((3 * H, H), lambda i: (0, 0)),
            pl.BlockSpec((1, H), lambda i: (0, 0)),
            pl.BlockSpec((H, H), lambda i: (0, 0)),
            pl.BlockSpec((1, H), lambda i: (0, 0)),
        ],
        out_specs=[
            pl.BlockSpec((BN, H), lambda i: (i, 0)),
            pl.BlockSpec((G, H), lambda i: (0, 0)),
            pl.BlockSpec((G, H), lambda i: (0, 0)),
        ],
        out_shape=[
            jax.ShapeDtypeStruct((N, H), _f32),
            jax.ShapeDtypeStruct((G, H), _f32),
            jax.ShapeDtypeStruct((G, H), _f32),
        ],
    )(aggA, aggB, xnorm, batch_r, u, W11, b11, W12, b12, V1, bV1, V2, bV2)


def _glob_layer(u, S_e, Q_e, S_xn, Q_xn, svec,
                gx, bx, ge, be_, gu, bu, GW1, Gb1, GW2, Gb2):

    def body(u_ref, se, qe, sxn, qxn, svec_ref, gxr, bxr, ger, ber, gur, bur,
             gw1, gb1, gw2, gb2, o_u, o_scal):
        s_n = svec_ref[0:1, :].reshape(G, 1)
        s_e = svec_ref[1:2, :].reshape(G, 1)
        inv_ce = svec_ref[2:3, :].reshape(G, 1)
        inv_cn = svec_ref[3:4, :].reshape(G, 1)
        edge_info = se[...] * inv_ce
        node_info = sxn[...] * inv_cn
        gw1v = gw1[...]
        h = jnp.maximum(_dot(u_ref[...], gw1v[:H]) + _dot(node_info, gw1v[H:2 * H])
                        + _dot(edge_info, gw1v[2 * H:]) + gb1[...], 0.0)
        un = _dot(h, gw2[...]) + gb2[...]
        m = jnp.mean(un, axis=0, keepdims=True)
        v = jnp.mean(un * un, axis=0, keepdims=True) - m * m
        o_u[...] = (un - m) * lax.rsqrt(v + EPS) * gur[...] + bur[...]
        sc_x, sh_x = _bn_fold_expr(gxr[...], bxr[...], sxn[...], qxn[...], s_n, float(N))
        sc_e, sh_e = _bn_fold_expr(ger[...], ber[...], se[...], qe[...], s_e, float(E))
        o_scal[...] = jnp.concatenate(
            [sc_x, sh_x, sc_e, sh_e, jnp.zeros((4, H), _f32)], axis=0)

    return pl.pallas_call(
        body,
        out_shape=[
            jax.ShapeDtypeStruct((G, H), _f32),
            jax.ShapeDtypeStruct((8, H), _f32),
        ],
    )(u, S_e, Q_e, S_xn, Q_xn, svec, gx, bx, ge, be_, gu, bu, GW1, Gb1, GW2, Gb2)


def _final(u, W1, b1, W2, b2):
    def body(u_ref, w1, bb1, w2, bb2, o):
        h = jnp.maximum(_dot(u_ref[...], w1[...]) + bb1[...], 0.0)
        o[...] = _dot(h, w2[...]) + bb2[...]

    return pl.pallas_call(
        body,
        out_shape=jax.ShapeDtypeStruct((G, 1), _f32),
    )(u, W1, b1, W2, b2)



def kernel(x, edge_attr, params, edge_index, batch):
    row3 = edge_index[0].reshape(NW, NCH, CH)
    col3 = edge_index[1].reshape(NW, NCH, CH)
    brow = _sc_take1d(batch, row3, jnp.int32)
    batch_r = batch.reshape(NB_N, 1, BN)
    brow_r = brow.reshape(NB_E, 1, BE)
    zrows = jnp.zeros((SPT, H), _f32)

    def r1(v):
        return v.reshape(1, -1)

    pn = params["mlp_node"]
    pe = params["mlp_edge"]
    pg = params["mlp_global"]
    x1, S_x, Q_x, cntn = _enc_x(x, batch_r, pn["W1"], r1(pn["b1"]),
                                pn["W2"], r1(pn["b2"]))
    e0, S_raw, S_e, Q_e, cnte = _enc_e(edge_attr, brow_r, pe["W1"], r1(pe["b1"]),
                                       pe["W2"], r1(pe["b2"]))
    bnx = params["bn_node"][DEPTH]
    bne = params["bn_edge"][DEPTH]
    bnu = params["bn_global"][DEPTH]
    u, scal, svec = _glob0(S_raw, cnte, cntn, S_x, Q_x, S_e, Q_e,
                           r1(bnx["g"]), r1(bnx["b"]), r1(bne["g"]), r1(bne["b"]),
                           r1(bnu["g"]), r1(bnu["b"]),
                           pg["W1"], r1(pg["b1"]), pg["W2"], r1(pg["b2"]))

    eprev = e0
    xraw = x1
    for i in range(DEPTH):
        lp = params["layers"][i]
        em = lp["edge_mlp"]
        W1 = em["W1"]
        xnorm, t, xb = _tables(xraw, batch_r, scal, svec, u,
                               W1[:H], W1[H:2 * H], W1[3 * H:], r1(em["b1"]))
        t_row, xb_col = _sc_gather(row3, col3, t, xb)
        enew, S_e, Q_e = _edge(t_row, xb_col, eprev, brow_r, svec, scal,
                               W1[2 * H:3 * H], em["W2"], r1(em["b2"]))
        aggA, aggB = _sc_scatter(row3, col3, xnorm, enew, zrows)
        nm1 = lp["node_mlp_1"]
        nm2 = lp["node_mlp_2"]
        xnew, S_xn, Q_xn = _node(aggA, aggB, xnorm, batch_r, u,
                                 nm1["W1"], r1(nm1["b1"]), nm1["W2"], r1(nm1["b2"]),
                                 nm2["W1"], r1(nm2["b1"]), nm2["W2"], r1(nm2["b2"]))
        bnx = params["bn_node"][i]
        bne = params["bn_edge"][i]
        bnu = params["bn_global"][i]
        gm = lp["global_mlp"]
        u, scal = _glob_layer(u, S_e, Q_e, S_xn, Q_xn, svec,
                              r1(bnx["g"]), r1(bnx["b"]), r1(bne["g"]), r1(bne["b"]),
                              r1(bnu["g"]), r1(bnu["b"]),
                              gm["W1"], r1(gm["b1"]), gm["W2"], r1(gm["b2"]))
        eprev = enew
        xraw = xnew

    m1 = params["mlp1"]
    return _final(u, m1["W1"], r1(m1["b1"]), m1["W2"], r1(m1["b2"]))

# --- scband reference (transcript-rebuilt; emitter-appended) ---
"""Pipeline reference for scband-mlnet3-31284541784583 (READ-ONLY COPY).

The authoritative reference and input builder live on the scoring server;
editing this copy changes nothing except your own understanding.
"""

import jax, jax.numpy as jnp
import numpy as np

N = 10000
E = 320000
G = 128
D_NODE = 128
D_EDGE = 16
H = 64
DEPTH = 2
TASKS = 1


def _lin_params(key, fan_in, fan_out):
    k1, k2 = jax.random.split(key)
    bound = 1.0 / np.sqrt(fan_in)
    W = jax.random.uniform(k1, (fan_in, fan_out), minval=-bound, maxval=bound, dtype=jnp.float32)
    b = jax.random.uniform(k2, (fan_out,), minval=-bound, maxval=bound, dtype=jnp.float32)
    return W, b


def _mlp_params(key, din, dh, dout):
    k1, k2 = jax.random.split(key)
    W1, b1 = _lin_params(k1, din, dh)
    W2, b2 = _lin_params(k2, dh, dout)
    return {"W1": W1, "b1": b1, "W2": W2, "b2": b2}


def _bn_params():
    return {"g": jnp.ones((H,), jnp.float32), "b": jnp.zeros((H,), jnp.float32)}


def setup_inputs(seed: int = 0):
    key = jax.random.key(seed)
    ks = jax.random.split(key, 8 + 4 * DEPTH)
    x = jax.random.normal(ks[0], (N, D_NODE), dtype=jnp.float32)
    edge_attr = jax.random.normal(ks[1], (E, D_EDGE), dtype=jnp.float32)
    edge_index = jax.random.randint(ks[2], (2, E), 0, N, dtype=jnp.int32)
    batch = jnp.sort(jax.random.randint(ks[3], (N,), 0, G, dtype=jnp.int32))
    layers = []
    for i in range(DEPTH):
        base = ks[8 + 4 * i: 8 + 4 * (i + 1)]
        layers.append({
            "edge_mlp": _mlp_params(base[0], 2 * H + H + H, H, H),
            "node_mlp_1": _mlp_params(base[1], H + H, H, H),
            "node_mlp_2": _mlp_params(base[2], H + H + H, H, H),
            "global_mlp": _mlp_params(base[3], H + H + H, H, H),
        })
    params = {
        "mlp_node": _mlp_params(ks[4], D_NODE, H, H),
        "mlp_edge": _mlp_params(ks[5], D_EDGE, H, H),
        "mlp_global": _mlp_params(ks[6], D_EDGE, H, H),
        "mlp1": _mlp_params(ks[7], H, H, TASKS),
        "layers": layers,
        "bn_node": [_bn_params() for _ in range(DEPTH + 1)],
        "bn_edge": [_bn_params() for _ in range(DEPTH + 1)],
        "bn_global": [_bn_params() for _ in range(DEPTH + 1)],
    }
    return {"x": x, "edge_attr": edge_attr, "params": params, "edge_index": edge_index, "batch": batch}


def _mlp(p, x):
    h = jax.nn.relu(jnp.dot(x, p["W1"]) + p["b1"])
    return jnp.dot(h, p["W2"]) + p["b2"]


def _bn(p, x):
    m = jnp.mean(x, axis=0)
    v = jnp.var(x, axis=0)
    return (x - m) / jnp.sqrt(v + 1e-5) * p["g"] + p["b"]


def _size_norm(x, b, num):
    deg = jnp.bincount(b, length=num).astype(x.dtype)
    inv = jnp.where(deg > 0, deg ** -0.5, 0.0)
    return x * inv[b][:, None]


def _scatter_mean(data, idx, num):
    s = jax.ops.segment_sum(data, idx, num_segments=num)
    cnt = jax.ops.segment_sum(jnp.ones((data.shape[0], 1), data.dtype), idx, num_segments=num)
    return s / jnp.clip(cnt, 1.0)


def _forward(x, edge_attr, params, edge_index, batch):
    row, col = edge_index[0], edge_index[1]
    u = _scatter_mean(edge_attr, batch[row], G)
    x = _mlp(params["mlp_node"], x)
    edge_attr = _mlp(params["mlp_edge"], edge_attr)
    u = _mlp(params["mlp_global"], u)
    x = _size_norm(x, batch, G)
    edge_attr = _size_norm(edge_attr, batch[row], G)
    x = _bn(params["bn_node"][DEPTH], x)
    edge_attr = _bn(params["bn_edge"][DEPTH], edge_attr)
    u = _bn(params["bn_global"][DEPTH], u)
    for i in range(DEPTH):
        lp = params["layers"][i]
        e_in = jnp.concatenate([x[row], x[col], edge_attr, u[batch[row]]], axis=1)
        edge_attr = _mlp(lp["edge_mlp"], e_in)
        n_in = jnp.concatenate([x[row], edge_attr], axis=1)
        agg = jax.ops.segment_sum(n_in, col, num_segments=N)
        h = _mlp(lp["node_mlp_1"], agg)
        x = _mlp(lp["node_mlp_2"], jnp.concatenate([x, h, u[batch]], axis=1))
        edge_info = _scatter_mean(edge_attr, batch[row], G)
        node_info = _scatter_mean(x, batch, G)
        u = _mlp(lp["global_mlp"], jnp.concatenate([u, node_info, edge_info], axis=1))
        x = _size_norm(x, batch, G)
        edge_attr = _size_norm(edge_attr, batch[row], G)
        x = _bn(params["bn_node"][i], x)
        edge_attr = _bn(params["bn_edge"][i], edge_attr)
        u = _bn(params["bn_global"][i], u)
    return _mlp(params["mlp1"], u)


def reference(x, edge_attr, params, edge_index, batch):
    return _forward(x, edge_attr, params, edge_index, batch)

if __name__ == "__main__":
    import jax
    _d = setup_inputs()
    print(jax.jit(kernel)(*tuple(_d.values())))

</pallas_src>

<mosaic_0001>
#map = affine_map<(d0, d1) -> (0, 0, 0)>
#map1 = affine_map<(d0, d1) -> (0, 0)>
module attributes {stable_mosaic.version = 14 : i64} {
  func.func @k(%arg0: i32, %arg1: i32, %arg2: memref<32x125x80xi32, #tpu.memory_space<hbm>>, %arg3: memref<32x125x80xi32, #tpu.memory_space<hbm>>, %arg4: memref<10000x64xf32, #tpu.memory_space<hbm>>, %arg5: memref<10000x64xf32, #tpu.memory_space<hbm>>, %arg6: memref<320000x64xf32, #tpu.memory_space<hbm>>, %arg7: memref<320000x64xf32, #tpu.memory_space<hbm>>, %arg8: memref<125x80xi32, #tpu.memory_space<vmem>>, %arg9: memref<125x80xi32, #tpu.memory_space<vmem>>, %arg10: memref<80x64xf32, #tpu.memory_space<vmem>>, %arg11: memref<80x64xf32, #tpu.memory_space<vmem>>, %arg12: memref<80x64xf32, #tpu.memory_space<vmem>>, %arg13: memref<80x64xf32, #tpu.memory_space<vmem>>, %arg14: memref<!tpu.dma_semaphore, #tpu.memory_space<semaphore_mem>>, %arg15: memref<!tpu.dma_semaphore, #tpu.memory_space<semaphore_mem>>, %arg16: memref<!tpu.dma_semaphore, #tpu.memory_space<semaphore_mem>>, %arg17: memref<!tpu.dma_semaphore, #tpu.memory_space<semaphore_mem>>) attributes {dimension_semantics = [#tpu.dimension_semantics<core_parallel>, #tpu.dimension_semantics<subcore_parallel>], iteration_bounds = array<i64: 2, 16>, scalar_prefetch = 0 : i64, scratch_operands = 10 : i64, tpu.core_type = #tpu.core_type<sc_vector_subcore>, window_params = [{transform_indices = #map}, {transform_indices = #map}, {transform_indices = #map1}, {transform_indices = #map1}, {transform_indices = #map1}, {transform_indices = #map1}]} {
    %mul3A = arith.constant 2 : i32
    %mul3A_0 = arith.muli %arg1, %mul3A : i32
    %add3A = arith.addi %mul3A_0, %arg0 : i32
    %mul3A_1 = arith.constant 10000 : i32
    %mul3A_2 = arith.muli %add3A, %mul3A_1 : i32
    "tpu.region"() ({
      %run_scoped3A = tpu.sem_alloc : memref<!tpu.dma_semaphore, #tpu.memory_space<semaphore_mem>>
      %dma_start3A_157 = arith.constant 0 : i32
      %dma_start3A_158 = arith.constant 0 : i32
      %dma_start3A_159 = tpu.memref_slice %arg2[%add3A, %dma_start3A_157, %dma_start3A_158] : memref<32x125x80xi32, #tpu.memory_space<hbm>> -> memref<1x125x80xi32, #tpu.memory_space<hbm>>
      %dma_start3A_160 = tpu.memref_squeeze %dma_start3A_159 : memref<1x125x80xi32, #tpu.memory_space<hbm>> -> memref<125x80xi32, #tpu.memory_space<hbm>>
      %dma_start3A_161 = arith.constant 0 : i32
      %dma_start3A_162 = arith.constant 0 : i32
      %dma_start3A_163 = tpu.memref_slice %arg2[%add3A, %dma_start3A_161, %dma_start3A_162] : memref<32x125x80xi32, #tpu.memory_space<hbm>> -> memref<1x125x80xi32, #tpu.memory_space<hbm>>
      %dma_start3A_164 = tpu.memref_squeeze %dma_start3A_163 : memref<1x125x80xi32, #tpu.memory_space<hbm>> -> memref<125x80xi32, #tpu.memory_space<hbm>>
      tpu.enqueue_dma source(%dma_start3A_164 : memref<125x80xi32, #tpu.memory_space<hbm>>) target(%arg8 : memref<125x80xi32, #tpu.memory_space<vmem>>) target_semaphore(%run_scoped3A : memref<!tpu.dma_semaphore, #tpu.memory_space<semaphore_mem>>)
      %dma_wait3A_165 = arith.constant 0 : i32
      %dma_wait3A_166 = arith.constant 0 : i32
      %dma_wait3A_167 = tpu.memref_slice %arg2[%add3A, %dma_wait3A_165, %dma_wait3A_166] : memref<32x125x80xi32, #tpu.memory_space<hbm>> -> memref<1x125x80xi32, #tpu.memory_space<hbm>>
      %dma_wait3A_168 = tpu.memref_squeeze %dma_wait3A_167 : memref<1x125x80xi32, #tpu.memory_space<hbm>> -> memref<125x80xi32, #tpu.memory_space<hbm>>
      %dma_wait3A_169 = arith.constant 0 : i32
      %dma_wait3A_170 = arith.constant 0 : i32
      %dma_wait3A_171 = tpu.memref_slice %arg2[%add3A, %dma_wait3A_169, %dma_wait3A_170] : memref<32x125x80xi32, #tpu.memory_space<hbm>> -> memref<1x125x80xi32, #tpu.memory_space<hbm>>
      %dma_wait3A_172 = tpu.memref_squeeze %dma_wait3A_171 : memref<1x125x80xi32, #tpu.memory_space<hbm>> -> memref<125x80xi32, #tpu.memory_space<hbm>>
      tpu.wait_dma2 semaphore(%run_scoped3A : memref<!tpu.dma_semaphore, #tpu.memory_space<semaphore_mem>>) src(%dma_wait3A_172 : memref<125x80xi32, #tpu.memory_space<hbm>>) dst(%arg8 : memref<125x80xi32, #tpu.memory_space<vmem>>)
      tpu.yield
    }) : () -> ()
    "tpu.region"() ({
      %run_scoped3A = tpu.sem_alloc : memref<!tpu.dma_semaphore, #tpu.memory_space<semaphore_mem>>
      %dma_start3A_157 = arith.constant 0 : i32
      %dma_start3A_158 = arith.constant 0 : i32
      %dma_start3A_159 = tpu.memref_slice %arg3[%add3A, %dma_start3A_157, %dma_start3A_158] : memref<32x125x80xi32, #tpu.memory_space<hbm>> -> memref<1x125x80xi32, #tpu.memory_space<hbm>>
      %dma_start3A_160 = tpu.memref_squeeze %dma_start3A_159 : memref<1x125x80xi32, #tpu.memory_space<hbm>> -> memref<125x80xi32, #tpu.memory_space<hbm>>
      %dma_start3A_161 = arith.constant 0 : i32
      %dma_start3A_162 = arith.constant 0 : i32
      %dma_start3A_163 = tpu.memref_slice %arg3[%add3A, %dma_start3A_161, %dma_start3A_162] : memref<32x125x80xi32, #tpu.memory_space<hbm>> -> memref<1x125x80xi32, #tpu.memory_space<hbm>>
      %dma_start3A_164 = tpu.memref_squeeze %dma_start3A_163 : memref<1x125x80xi32, #tpu.memory_space<hbm>> -> memref<125x80xi32, #tpu.memory_space<hbm>>
      tpu.enqueue_dma source(%dma_start3A_164 : memref<125x80xi32, #tpu.memory_space<hbm>>) target(%arg9 : memref<125x80xi32, #tpu.memory_space<vmem>>) target_semaphore(%run_scoped3A : memref<!tpu.dma_semaphore, #tpu.memory_space<semaphore_mem>>)
      %dma_wait3A_165 = arith.constant 0 : i32
      %dma_wait3A_166 = arith.constant 0 : i32
      %dma_wait3A_167 = tpu.memref_slice %arg3[%add3A, %dma_wait3A_165, %dma_wait3A_166] : memref<32x125x80xi32, #tpu.memory_space<hbm>> -> memref<1x125x80xi32, #tpu.memory_space<hbm>>
      %dma_wait3A_168 = tpu.memref_squeeze %dma_wait3A_167 : memref<1x125x80xi32, #tpu.memory_space<hbm>> -> memref<125x80xi32, #tpu.memory_space<hbm>>
      %dma_wait3A_169 = arith.constant 0 : i32
      %dma_wait3A_170 = arith.constant 0 : i32
      %dma_wait3A_171 = tpu.memref_slice %arg3[%add3A, %dma_wait3A_169, %dma_wait3A_170] : memref<32x125x80xi32, #tpu.memory_space<hbm>> -> memref<1x125x80xi32, #tpu.memory_space<hbm>>
      %dma_wait3A_172 = tpu.memref_squeeze %dma_wait3A_171 : memref<1x125x80xi32, #tpu.memory_space<hbm>> -> memref<125x80xi32, #tpu.memory_space<hbm>>
      tpu.wait_dma2 semaphore(%run_scoped3A : memref<!tpu.dma_semaphore, #tpu.memory_space<semaphore_mem>>) src(%dma_wait3A_172 : memref<125x80xi32, #tpu.memory_space<hbm>>) dst(%arg9 : memref<125x80xi32, #tpu.memory_space<vmem>>)
      tpu.yield
    }) : () -> ()
    %dma_start3A = arith.constant 0 : i32
    %dma_start3A_3 = arith.constant 0 : i32
    %dma_start3A_4 = tpu.memref_slice %arg8[%dma_start3A, %dma_start3A_3] : memref<125x80xi32, #tpu.memory_space<vmem>> -> memref<1x80xi32, #tpu.memory_space<vmem>>
    %dma_start3A_5 = tpu.memref_squeeze %dma_start3A_4 : memref<1x80xi32, #tpu.memory_space<vmem>> -> memref<80xi32, #tpu.memory_space<vmem>>
    %dma_start3A_6 = arith.constant 0 : i32
    %dma_start3A_7 = arith.constant 0 : i32
    %dma_start3A_8 = tpu.memref_slice %arg4[%dma_start3A_6, %dma_start3A_7] : memref<10000x64xf32, #tpu.memory_space<hbm>> -> memref<10000x64xf32, #tpu.memory_space<hbm>>
    tpu.enqueue_indirect_dma source(%dma_start3A_8 : memref<10000x64xf32, #tpu.memory_space<hbm>>) target(%arg10 : memref<80x64xf32, #tpu.memory_space<vmem>>) offsets(%dma_start3A_5 : memref<80xi32, #tpu.memory_space<vmem>>) semaphore(%arg14 : memref<!tpu.dma_semaphore, #tpu.memory_space<semaphore_mem>>)
    %dma_start3A_9 = arith.constant 0 : i32
    %dma_start3A_10 = arith.constant 0 : i32
    %dma_start3A_11 = tpu.memref_slice %arg9[%dma_start3A_9, %dma_start3A_10] : memref<125x80xi32, #tpu.memory_space<vmem>> -> memref<1x80xi32, #tpu.memory_space<vmem>>
    %dma_start3A_12 = tpu.memref_squeeze %dma_start3A_11 : memref<1x80xi32, #tpu.memory_space<vmem>> -> memref<80xi32, #tpu.memory_space<vmem>>
    %dma_start3A_13 = arith.constant 0 : i32
    %dma_start3A_14 = arith.constant 0 : i32
    %dma_start3A_15 = tpu.memref_slice %arg5[%dma_start3A_13, %dma_start3A_14] : memref<10000x64xf32, #tpu.memory_space<hbm>> -> memref<10000x64xf32, #tpu.memory_space<hbm>>
    tpu.enqueue_indirect_dma source(%dma_start3A_15 : memref<10000x64xf32, #tpu.memory_space<hbm>>) target(%arg12 : memref<80x64xf32, #tpu.memory_space<vmem>>) offsets(%dma_start3A_12 : memref<80xi32, #tpu.memory_space<vmem>>) semaphore(%arg14 : memref<!tpu.dma_semaphore, #tpu.memory_space<semaphore_mem>>)
    %dma_start3A_16 = arith.constant 1 : i32
    %dma_start3A_17 = arith.constant 0 : i32
    %dma_start3A_18 = tpu.memref_slice %arg8[%dma_start3A_16, %dma_start3A_17] : memref<125x80xi32, #tpu.memory_space<vmem>> -> memref<1x80xi32, #tpu.memory_space<vmem>>
    %dma_start3A_19 = tpu.memref_squeeze %dma_start3A_18 : memref<1x80xi32, #tpu.memory_space<vmem>> -> memref<80xi32, #tpu.memory_space<vmem>>
    %dma_start3A_20 = arith.constant 0 : i32
    %dma_start3A_21 = arith.constant 0 : i32
    %dma_start3A_22 = tpu.memref_slice %arg4[%dma_start3A_20, %dma_start3A_21] : memref<10000x64xf32, #tpu.memory_space<hbm>> -> memref<10000x64xf32, #tpu.memory_space<hbm>>
    tpu.enqueue_indirect_dma source(%dma_start3A_22 : memref<10000x64xf32, #tpu.memory_space<hbm>>) target(%arg11 : memref<80x64xf32, #tpu.memory_space<vmem>>) offsets(%dma_start3A_19 : memref<80xi32, #tpu.memory_space<vmem>>) semaphore(%arg15 : memref<!tpu.dma_semaphore, #tpu.memory_space<semaphore_mem>>)
    %dma_start3A_23 = arith.constant 1 : i32
    %dma_start3A_24 = arith.constant 0 : i32
    %dma_start3A_25 = tpu.memref_slice %arg9[%dma_start3A_23, %dma_start3A_24] : memref<125x80xi32, #tpu.memory_space<vmem>> -> memref<1x80xi32, #tpu.memory_space<vmem>>
    %dma_start3A_26 = tpu.memref_squeeze %dma_start3A_25 : memref<1x80xi32, #tpu.memory_space<vmem>> -> memref<80xi32, #tpu.memory_space<vmem>>
    %dma_start3A_27 = arith.constant 0 : i32
    %dma_start3A_28 = arith.constant 0 : i32
    %dma_start3A_29 = tpu.memref_slice %arg5[%dma_start3A_27, %dma_start3A_28] : memref<10000x64xf32, #tpu.memory_space<hbm>> -> memref<10000x64xf32, #tpu.memory_space<hbm>>
    tpu.enqueue_indirect_dma source(%dma_start3A_29 : memref<10000x64xf32, #tpu.memory_space<hbm>>) target(%arg13 : memref<80x64xf32, #tpu.memory_space<vmem>>) offsets(%dma_start3A_26 : memref<80xi32, #tpu.memory_space<vmem>>) semaphore(%arg15 : memref<!tpu.dma_semaphore, #tpu.memory_space<semaphore_mem>>)
    %scan3A = arith.constant 0 : i32
    %scan3A_30 = arith.constant 1 : i32
    %scan3A_31 = arith.constant 61 : i32
    %scan3A_32 = arith.addi %scan3A_30, %scan3A_31 : i32
    %scan3A_33 = arith.constant 1 : i32
    %scan3A_34 = scf.for %scan3A_157 = %scan3A_30 to %scan3A_32 step %scan3A_33 iter_args(%scan3A_158 = %scan3A) -> (i32)  : i32 {
      %mul3A_159 = arith.constant 2 : i32
      %mul3A_160 = arith.muli %mul3A_159, %scan3A_157 : i32
      %dma_wait3A_161 = arith.constant 0 : i32
      %dma_wait3A_162 = arith.constant 0 : i32
      %dma_wait3A_163 = tpu.memref_slice %arg8[%dma_wait3A_161, %dma_wait3A_162] : memref<125x80xi32, #tpu.memory_space<vmem>> -> memref<1x80xi32, #tpu.memory_space<vmem>>
      %dma_wait3A_164 = tpu.memref_squeeze %dma_wait3A_163 : memref<1x80xi32, #tpu.memory_space<vmem>> -> memref<80xi32, #tpu.memory_space<vmem>>
      %dma_wait3A_165 = arith.constant 0 : i32
      %dma_wait3A_166 = arith.constant 0 : i32
      %dma_wait3A_167 = tpu.memref_slice %arg4[%dma_wait3A_165, %dma_wait3A_166] : memref<10000x64xf32, #tpu.memory_space<hbm>> -> memref<10000x64xf32, #tpu.memory_space<hbm>>
      tpu.wait_indirect_dma semaphore(%arg14 : memref<!tpu.dma_semaphore, #tpu.memory_space<semaphore_mem>>) src(%dma_wait3A_167 : memref<10000x64xf32, #tpu.memory_space<hbm>>) dst(%arg10 : memref<80x64xf32, #tpu.memory_space<vmem>>)
      %dma_wait3A_168 = arith.constant 0 : i32
      %dma_wait3A_169 = arith.constant 0 : i32
      %dma_wait3A_170 = tpu.memref_slice %arg9[%dma_wait3A_168, %dma_wait3A_169] : memref<125x80xi32, #tpu.memory_space<vmem>> -> memref<1x80xi32, #tpu.memory_space<vmem>>
      %dma_wait3A_171 = tpu.memref_squeeze %dma_wait3A_170 : memref<1x80xi32, #tpu.memory_space<vmem>> -> memref<80xi32, #tpu.memory_space<vmem>>
      %dma_wait3A_172 = arith.constant 0 : i32
      %dma_wait3A_173 = arith.constant 0 : i32
      %dma_wait3A_174 = tpu.memref_slice %arg5[%dma_wait3A_172, %dma_wait3A_173] : memref<10000x64xf32, #tpu.memory_space<hbm>> -> memref<10000x64xf32, #tpu.memory_space<hbm>>
      tpu.wait_indirect_dma semaphore(%arg14 : memref<!tpu.dma_semaphore, #tpu.memory_space<semaphore_mem>>) src(%dma_wait3A_174 : memref<10000x64xf32, #tpu.memory_space<hbm>>) dst(%arg12 : memref<80x64xf32, #tpu.memory_space<vmem>>)
      %sub3A = arith.constant 2 : i32
      %sub3A_175 = arith.subi %mul3A_160, %sub3A : i32
      %mul3A_176 = arith.constant 80 : i32
      %mul3A_177 = arith.muli %sub3A_175, %mul3A_176 : i32
      %add3A_178 = arith.addi %mul3A_2, %mul3A_177 : i32
      %dma_start3A_179 = arith.constant 0 : i32
      %dma_start3A_180 = tpu.memref_slice %arg6[%add3A_178, %dma_start3A_179] : memref<320000x64xf32, #tpu.memory_space<hbm>> -> memref<80x64xf32, #tpu.memory_space<hbm>>
      %dma_start3A_181 = arith.constant 0 : i32
      %dma_start3A_182 = tpu.memref_slice %arg6[%add3A_178, %dma_start3A_181] : memref<320000x64xf32, #tpu.memory_space<hbm>> -> memref<80x64xf32, #tpu.memory_space<hbm>>
      tpu.enqueue_dma source(%arg10 : memref<80x64xf32, #tpu.memory_space<vmem>>) target(%dma_start3A_182 : memref<80x64xf32, #tpu.memory_space<hbm>>) target_semaphore(%arg16 : memref<!tpu.dma_semaphore, #tpu.memory_space<semaphore_mem>>)
      %dma_start3A_183 = arith.constant 0 : i32
      %dma_start3A_184 = tpu.memref_slice %arg7[%add3A_178, %dma_start3A_183] : memref<320000x64xf32, #tpu.memory_space<hbm>> -> memref<80x64xf32, #tpu.memory_space<hbm>>
      %dma_start3A_185 = arith.constant 0 : i32
      %dma_start3A_186 = tpu.memref_slice %arg7[%add3A_178, %dma_start3A_185] : memref<320000x64xf32, #tpu.memory_space<hbm>> -> memref<80x64xf32, #tpu.memory_space<hbm>>
      tpu.enqueue_dma source(%arg12 : memref<80x64xf32, #tpu.memory_space<vmem>>) target(%dma_start3A_186 : memref<80x64xf32, #tpu.memory_space<hbm>>) target_semaphore(%arg16 : memref<!tpu.dma_semaphore, #tpu.memory_space<semaphore_mem>>)
      %dma_wait3A_187 = arith.constant 0 : i32
      %dma_wait3A_188 = arith.constant 0 : i32
      %dma_wait3A_189 = tpu.memref_slice %arg8[%dma_wait3A_187, %dma_wait3A_188] : memref<125x80xi32, #tpu.memory_space<vmem>> -> memref<1x80xi32, #tpu.memory_space<vmem>>
      %dma_wait3A_190 = tpu.memref_squeeze %dma_wait3A_189 : memref<1x80xi32, #tpu.memory_space<vmem>> -> memref<80xi32, #tpu.memory_space<vmem>>
      %dma_wait3A_191 = arith.constant 0 : i32
      %dma_wait3A_192 = arith.constant 0 : i32
      %dma_wait3A_193 = tpu.memref_slice %arg4[%dma_wait3A_191, %dma_wait3A_192] : memref<10000x64xf32, #tpu.memory_space<hbm>> -> memref<10000x64xf32, #tpu.memory_space<hbm>>
      tpu.wait_indirect_dma semaphore(%arg15 : memref<!tpu.dma_semaphore, #tpu.memory_space<semaphore_mem>>) src(%dma_wait3A_193 : memref<10000x64xf32, #tpu.memory_space<hbm>>) dst(%arg11 : memref<80x64xf32, #tpu.memory_space<vmem>>)
      %dma_wait3A_194 = arith.constant 0 : i32
      %dma_wait3A_195 = arith.constant 0 : i32
      %dma_wait3A_196 = tpu.memref_slice %arg9[%dma_wait3A_194, %dma_wait3A_195] : memref<125x80xi32, #tpu.memory_space<vmem>> -> memref<1x80xi32, #tpu.memory_space<vmem>>
      %dma_wait3A_197 = tpu.memref_squeeze %dma_wait3A_196 : memref<1x80xi32, #tpu.memory_space<vmem>> -> memref<80xi32, #tpu.memory_space<vmem>>
      %dma_wait3A_198 = arith.constant 0 : i32
      %dma_wait3A_199 = arith.constant 0 : i32
      %dma_wait3A_200 = tpu.memref_slice %arg5[%dma_wait3A_198, %dma_wait3A_199] : memref<10000x64xf32, #tpu.memory_space<hbm>> -> memref<10000x64xf32, #tpu.memory_space<hbm>>
      tpu.wait_indirect_dma semaphore(%arg15 : memref<!tpu.dma_semaphore, #tpu.memory_space<semaphore_mem>>) src(%dma_wait3A_200 : memref<10000x64xf32, #tpu.memory_space<hbm>>) dst(%arg13 : memref<80x64xf32, #tpu.memory_space<vmem>>)
      %sub3A_201 = arith.constant 1 : i32
      %sub3A_202 = arith.subi %mul3A_160, %sub3A_201 : i32
      %mul3A_203 = arith.constant 80 : i32
      %mul3A_204 = arith.muli %sub3A_202, %mul3A_203 : i32
      %add3A_205 = arith.addi %mul3A_2, %mul3A_204 : i32
      %dma_start3A_206 = arith.constant 0 : i32
      %dma_start3A_207 = tpu.memref_slice %arg6[%add3A_205, %dma_start3A_206] : memref<320000x64xf32, #tpu.memory_space<hbm>> -> memref<80x64xf32, #tpu.memory_space<hbm>>
      %dma_start3A_208 = arith.constant 0 : i32
      %dma_start3A_209 = tpu.memref_slice %arg6[%add3A_205, %dma_start3A_208] : memref<320000x64xf32, #tpu.memory_space<hbm>> -> memref<80x64xf32, #tpu.memory_space<hbm>>
      tpu.enqueue_dma source(%arg11 : memref<80x64xf32, #tpu.memory_space<vmem>>) target(%dma_start3A_209 : memref<80x64xf32, #tpu.memory_space<hbm>>) target_semaphore(%arg17 : memref<!tpu.dma_semaphore, #tpu.memory_space<semaphore_mem>>)
      %dma_start3A_210 = arith.constant 0 : i32
      %dma_start3A_211 = tpu.memref_slice %arg7[%add3A_205, %dma_start3A_210] : memref<320000x64xf32, #tpu.memory_space<hbm>> -> memref<80x64xf32, #tpu.memory_space<hbm>>
      %dma_start3A_212 = arith.constant 0 : i32
      %dma_start3A_213 = tpu.memref_slice %arg7[%add3A_205, %dma_start3A_212] : memref<320000x64xf32, #tpu.memory_space<hbm>> -> memref<80x64xf32, #tpu.memory_space<hbm>>
      tpu.enqueue_dma source(%arg13 : memref<80x64xf32, #tpu.memory_space<vmem>>) target(%dma_start3A_213 : memref<80x64xf32, #tpu.memory_space<hbm>>) target_semaphore(%arg17 : memref<!tpu.dma_semaphore, #tpu.memory_space<semaphore_mem>>)
      %dma_wait3A_214 = arith.constant 0 : i32
      %dma_wait3A_215 = arith.constant 0 : i32
      %dma_wait3A_216 = tpu.memref_slice %arg6[%dma_wait3A_214, %dma_wait3A_215] : memref<320000x64xf32, #tpu.memory_space<hbm>> -> memref<80x64xf32, #tpu.memory_space<hbm>>
      %dma_wait3A_217 = arith.constant 0 : i32
      %dma_wait3A_218 = arith.constant 0 : i32
      %dma_wait3A_219 = tpu.memref_slice %arg6[%dma_wait3A_217, %dma_wait3A_218] : memref<320000x64xf32, #tpu.memory_space<hbm>> -> memref<80x64xf32, #tpu.memory_space<hbm>>
      tpu.wait_dma2 semaphore(%arg16 : memref<!tpu.dma_semaphore, #tpu.memory_space<semaphore_mem>>) src(%arg10 : memref<80x64xf32, #tpu.memory_space<vmem>>) dst(%dma_wait3A_219 : memref<80x64xf32, #tpu.memory_space<hbm>>)
      %dma_wait3A_220 = arith.constant 0 : i32
      %dma_wait3A_221 = arith.constant 0 : i32
      %dma_wait3A_222 = tpu.memref_slice %arg7[%dma_wait3A_220, %dma_wait3A_221] : memref<320000x64xf32, #tpu.memory_space<hbm>> -> memref<80x64xf32, #tpu.memory_space<hbm>>
      %dma_wait3A_223 = arith.constant 0 : i32
      %dma_wait3A_224 = arith.constant 0 : i32
      %dma_wait3A_225 = tpu.memref_slice %arg7[%dma_wait3A_223, %dma_wait3A_224] : memref<320000x64xf32, #tpu.memory_space<hbm>> -> memref<80x64xf32, #tpu.memory_space<hbm>>
      tpu.wait_dma2 semaphore(%arg16 : memref<!tpu.dma_semaphore, #tpu.memory_space<semaphore_mem>>) src(%arg12 : memref<80x64xf32, #tpu.memory_space<vmem>>) dst(%dma_wait3A_225 : memref<80x64xf32, #tpu.memory_space<hbm>>)
      %dma_start3A_226 = arith.constant 0 : i32
      %dma_start3A_227 = tpu.memref_slice %arg8[%mul3A_160, %dma_start3A_226] : memref<125x80xi32, #tpu.memory_space<vmem>> -> memref<1x80xi32, #tpu.memory_space<vmem>>
      %dma_start3A_228 = tpu.memref_squeeze %dma_start3A_227 : memref<1x80xi32, #tpu.memory_space<vmem>> -> memref<80xi32, #tpu.memory_space<vmem>>
      %dma_start3A_229 = arith.constant 0 : i32
      %dma_start3A_230 = arith.constant 0 : i32
      %dma_start3A_231 = tpu.memref_slice %arg4[%dma_start3A_229, %dma_start3A_230] : memref<10000x64xf32, #tpu.memory_space<hbm>> -> memref<10000x64xf32, #tpu.memory_space<hbm>>
      tpu.enqueue_indirect_dma source(%dma_start3A_231 : memref<10000x64xf32, #tpu.memory_space<hbm>>) target(%arg10 : memref<80x64xf32, #tpu.memory_space<vmem>>) offsets(%dma_start3A_228 : memref<80xi32, #tpu.memory_space<vmem>>) semaphore(%arg14 : memref<!tpu.dma_semaphore, #tpu.memory_space<semaphore_mem>>)
      %dma_start3A_232 = arith.constant 0 : i32
      %dma_start3A_233 = tpu.memref_slice %arg9[%mul3A_160, %dma_start3A_232] : memref<125x80xi32, #tpu.memory_space<vmem>> -> memref<1x80xi32, #tpu.memory_space<vmem>>
      %dma_start3A_234 = tpu.memref_squeeze %dma_start3A_233 : memref<1x80xi32, #tpu.memory_space<vmem>> -> memref<80xi32, #tpu.memory_space<vmem>>
      %dma_start3A_235 = arith.constant 0 : i32
      %dma_start3A_236 = arith.constant 0 : i32
      %dma_start3A_237 = tpu.memref_slice %arg5[%dma_start3A_235, %dma_start3A_236] : memref<10000x64xf32, #tpu.memory_space<hbm>> -> memref<10000x64xf32, #tpu.memory_space<hbm>>
      tpu.enqueue_indirect_dma source(%dma_start3A_237 : memref<10000x64xf32, #tpu.memory_space<hbm>>) target(%arg12 : memref<80x64xf32, #tpu.memory_space<vmem>>) offsets(%dma_start3A_234 : memref<80xi32, #tpu.memory_space<vmem>>) semaphore(%arg14 : memref<!tpu.dma_semaphore, #tpu.memory_space<semaphore_mem>>)
      %dma_wait3A_238 = arith.constant 0 : i32
      %dma_wait3A_239 = arith.constant 0 : i32
      %dma_wait3A_240 = tpu.memref_slice %arg6[%dma_wait3A_238, %dma_wait3A_239] : memref<320000x64xf32, #tpu.memory_space<hbm>> -> memref<80x64xf32, #tpu.memory_space<hbm>>
      %dma_wait3A_241 = arith.constant 0 : i32
      %dma_wait3A_242 = arith.constant 0 : i32
      %dma_wait3A_243 = tpu.memref_slice %arg6[%dma_wait3A_241, %dma_wait3A_242] : memref<320000x64xf32, #tpu.memory_space<hbm>> -> memref<80x64xf32, #tpu.memory_space<hbm>>
      tpu.wait_dma2 semaphore(%arg17 : memref<!tpu.dma_semaphore, #tpu.memory_space<semaphore_mem>>) src(%arg11 : memref<80x64xf32, #tpu.memory_space<vmem>>) dst(%dma_wait3A_243 : memref<80x64xf32, #tpu.memory_space<hbm>>)
      %dma_wait3A_244 = arith.constant 0 : i32
      %dma_wait3A_245 = arith.constant 0 : i32
      %dma_wait3A_246 = tpu.memref_slice %arg7[%dma_wait3A_244, %dma_wait3A_245] : memref<320000x64xf32, #tpu.memory_space<hbm>> -> memref<80x64xf32, #tpu.memory_space<hbm>>
      %dma_wait3A_247 = arith.constant 0 : i32
      %dma_wait3A_248 = arith.constant 0 : i32
      %dma_wait3A_249 = tpu.memref_slice %arg7[%dma_wait3A_247, %dma_wait3A_248] : memref<320000x64xf32, #tpu.memory_space<hbm>> -> memref<80x64xf32, #tpu.memory_space<hbm>>
      tpu.wait_dma2 semaphore(%arg17 : memref<!tpu.dma_semaphore, #tpu.memory_space<semaphore_mem>>) src(%arg13 : memref<80x64xf32, #tpu.memory_space<vmem>>) dst(%dma_wait3A_249 : memref<80x64xf32, #tpu.memory_space<hbm>>)
      %add3A_250 = arith.constant 1 : i32
      %add3A_251 = arith.addi %mul3A_160, %add3A_250 : i32
      %dma_start3A_252 = arith.constant 0 : i32
      %dma_start3A_253 = tpu.memref_slice %arg8[%add3A_251, %dma_start3A_252] : memref<125x80xi32, #tpu.memory_space<vmem>> -> memref<1x80xi32, #tpu.memory_space<vmem>>
      %dma_start3A_254 = tpu.memref_squeeze %dma_start3A_253 : memref<1x80xi32, #tpu.memory_space<vmem>> -> memref<80xi32, #tpu.memory_space<vmem>>
      %dma_start3A_255 = arith.constant 0 : i32
      %dma_start3A_256 = arith.constant 0 : i32
      %dma_start3A_257 = tpu.memref_slice %arg4[%dma_start3A_255, %dma_start3A_256] : memref<10000x64xf32, #tpu.memory_space<hbm>> -> memref<10000x64xf32, #tpu.memory_space<hbm>>
      tpu.enqueue_indirect_dma source(%dma_start3A_257 : memref<10000x64xf32, #tpu.memory_space<hbm>>) target(%arg11 : memref<80x64xf32, #tpu.memory_space<vmem>>) offsets(%dma_start3A_254 : memref<80xi32, #tpu.memory_space<vmem>>) semaphore(%arg15 : memref<!tpu.dma_semaphore, #tpu.memory_space<semaphore_mem>>)
      %dma_start3A_258 = arith.constant 0 : i32
      %dma_start3A_259 = tpu.memref_slice %arg9[%add3A_251, %dma_start3A_258] : memref<125x80xi32, #tpu.memory_space<vmem>> -> memref<1x80xi32, #tpu.memory_space<vmem>>
      %dma_start3A_260 = tpu.memref_squeeze %dma_start3A_259 : memref<1x80xi32, #tpu.memory_space<vmem>> -> memref<80xi32, #tpu.memory_space<vmem>>
      %dma_start3A_261 = arith.constant 0 : i32
      %dma_start3A_262 = arith.constant 0 : i32
      %dma_start3A_263 = tpu.memref_slice %arg5[%dma_start3A_261, %dma_start3A_262] : memref<10000x64xf32, #tpu.memory_space<hbm>> -> memref<10000x64xf32, #tpu.memory_space<hbm>>
      tpu.enqueue_indirect_dma source(%dma_start3A_263 : memref<10000x64xf32, #tpu.memory_space<hbm>>) target(%arg13 : memref<80x64xf32, #tpu.memory_space<vmem>>) offsets(%dma_start3A_260 : memref<80xi32, #tpu.memory_space<vmem>>) semaphore(%arg15 : memref<!tpu.dma_semaphore, #tpu.memory_space<semaphore_mem>>)
      %scan3A_264 = arith.constant 0 : i32
      scf.yield %scan3A_264 : i32
    }
    %scan3A_35 = arith.constant 61 : i32
    %dma_wait3A = arith.constant 0 : i32
    %dma_wait3A_36 = arith.constant 0 : i32
    %dma_wait3A_37 = tpu.memref_slice %arg8[%dma_wait3A, %dma_wait3A_36] : memref<125x80xi32, #tpu.memory_space<vmem>> -> memref<1x80xi32, #tpu.memory_space<vmem>>
    %dma_wait3A_38 = tpu.memref_squeeze %dma_wait3A_37 : memref<1x80xi32, #tpu.memory_space<vmem>> -> memref<80xi32, #tpu.memory_space<vmem>>
    %dma_wait3A_39 = arith.constant 0 : i32
    %dma_wait3A_40 = arith.constant 0 : i32
    %dma_wait3A_41 = tpu.memref_slice %arg4[%dma_wait3A_39, %dma_wait3A_40] : memref<10000x64xf32, #tpu.memory_space<hbm>> -> memref<10000x64xf32, #tpu.memory_space<hbm>>
    tpu.wait_indirect_dma semaphore(%arg14 : memref<!tpu.dma_semaphore, #tpu.memory_space<semaphore_mem>>) src(%dma_wait3A_41 : memref<10000x64xf32, #tpu.memory_space<hbm>>) dst(%arg10 : memref<80x64xf32, #tpu.memory_space<vmem>>)
    %dma_wait3A_42 = arith.constant 0 : i32
    %dma_wait3A_43 = arith.constant 0 : i32
    %dma_wait3A_44 = tpu.memref_slice %arg9[%dma_wait3A_42, %dma_wait3A_43] : memref<125x80xi32, #tpu.memory_space<vmem>> -> memref<1x80xi32, #tpu.memory_space<vmem>>
    %dma_wait3A_45 = tpu.memref_squeeze %dma_wait3A_44 : memref<1x80xi32, #tpu.memory_space<vmem>> -> memref<80xi32, #tpu.memory_space<vmem>>
    %dma_wait3A_46 = arith.constant 0 : i32
    %dma_wait3A_47 = arith.constant 0 : i32
    %dma_wait3A_48 = tpu.memref_slice %arg5[%dma_wait3A_46, %dma_wait3A_47] : memref<10000x64xf32, #tpu.memory_space<hbm>> -> memref<10000x64xf32, #tpu.memory_space<hbm>>
    tpu.wait_indirect_dma semaphore(%arg14 : memref<!tpu.dma_semaphore, #tpu.memory_space<semaphore_mem>>) src(%dma_wait3A_48 : memref<10000x64xf32, #tpu.memory_space<hbm>>) dst(%arg12 : memref<80x64xf32, #tpu.memory_space<vmem>>)
    %add3A_49 = arith.constant 9760 : i32
    %add3A_50 = arith.addi %mul3A_2, %add3A_49 : i32
    %dma_start3A_51 = arith.constant 0 : i32
    %dma_start3A_52 = tpu.memref_slice %arg6[%add3A_50, %dma_start3A_51] : memref<320000x64xf32, #tpu.memory_space<hbm>> -> memref<80x64xf32, #tpu.memory_space<hbm>>
    %dma_start3A_53 = arith.constant 0 : i32
    %dma_start3A_54 = tpu.memref_slice %arg6[%add3A_50, %dma_start3A_53] : memref<320000x64xf32, #tpu.memory_space<hbm>> -> memref<80x64xf32, #tpu.memory_space<hbm>>
    tpu.enqueue_dma source(%arg10 : memref<80x64xf32, #tpu.memory_space<vmem>>) target(%dma_start3A_54 : memref<80x64xf32, #tpu.memory_space<hbm>>) target_semaphore(%arg16 : memref<!tpu.dma_semaphore, #tpu.memory_space<semaphore_mem>>)
    %dma_start3A_55 = arith.constant 0 : i32
    %dma_start3A_56 = tpu.memref_slice %arg7[%add3A_50, %dma_start3A_55] : memref<320000x64xf32, #tpu.memory_space<hbm>> -> memref<80x64xf32, #tpu.memory_space<hbm>>
    %dma_start3A_57 = arith.constant 0 : i32
    %dma_start3A_58 = tpu.memref_slice %arg7[%add3A_50, %dma_start3A_57] : memref<320000x64xf32, #tpu.memory_space<hbm>> -> memref<80x64xf32, #tpu.memory_space<hbm>>
    tpu.enqueue_dma source(%arg12 : memref<80x64xf32, #tpu.memory_space<vmem>>) target(%dma_start3A_58 : memref<80x64xf32, #tpu.memory_space<hbm>>) target_semaphore(%arg16 : memref<!tpu.dma_semaphore, #tpu.memory_space<semaphore_mem>>)
    %dma_wait3A_59 = arith.constant 0 : i32
    %dma_wait3A_60 = arith.constant 0 : i32
    %dma_wait3A_61 = tpu.memref_slice %arg8[%dma_wait3A_59, %dma_wait3A_60] : memref<125x80xi32, #tpu.memory_space<vmem>> -> memref<1x80xi32, #tpu.memory_space<vmem>>
    %dma_wait3A_62 = tpu.memref_squeeze %dma_wait3A_61 : memref<1x80xi32, #tpu.memory_space<vmem>> -> memref<80xi32, #tpu.memory_space<vmem>>
    %dma_wait3A_63 = arith.constant 0 : i32
    %dma_wait3A_64 = arith.constant 0 : i32
    %dma_wait3A_65 = tpu.memref_slice %arg4[%dma_wait3A_63, %dma_wait3A_64] : memref<10000x64xf32, #tpu.memory_space<hbm>> -> memref<10000x64xf32, #tpu.memory_space<hbm>>
    tpu.wait_indirect_dma semaphore(%arg15 : memref<!tpu.dma_semaphore, #tpu.memory_space<semaphore_mem>>) src(%dma_wait3A_65 : memref<10000x64xf32, #tpu.memory_space<hbm>>) dst(%arg11 : memref<80x64xf32, #tpu.memory_space<vmem>>)
    %dma_wait3A_66 = arith.constant 0 : i32
    %dma_wait3A_67 = arith.constant 0 : i32
    %dma_wait3A_68 = tpu.memref_slice %arg9[%dma_wait3A_66, %dma_wait3A_67] : memref<125x80xi32, #tpu.memory_space<vmem>> -> memref<1x80xi32, #tpu.memory_space<vmem>>
    %dma_wait3A_69 = tpu.memref_squeeze %dma_wait3A_68 : memref<1x80xi32, #tpu.memory_space<vmem>> -> memref<80xi32, #tpu.memory_space<vmem>>
    %dma_wait3A_70 = arith.constant 0 : i32
    %dma_wait3A_71 = arith.constant 0 : i32
    %dma_wait3A_72 = tpu.memref_slice %arg5[%dma_wait3A_70, %dma_wait3A_71] : memref<10000x64xf32, #tpu.memory_space<hbm>> -> memref<10000x64xf32, #tpu.memory_space<hbm>>
    tpu.wait_indirect_dma semaphore(%arg15 : memref<!tpu.dma_semaphore, #tpu.memory_space<semaphore_mem>>) src(%dma_wait3A_72 : memref<10000x64xf32, #tpu.memory_space<hbm>>) dst(%arg13 : memref<80x64xf32, #tpu.memory_space<vmem>>)
    %add3A_73 = arith.constant 9840 : i32
    %add3A_74 = arith.addi %mul3A_2, %add3A_73 : i32
    %dma_start3A_75 = arith.constant 0 : i32
    %dma_start3A_76 = tpu.memref_slice %arg6[%add3A_74, %dma_start3A_75] : memref<320000x64xf32, #tpu.memory_space<hbm>> -> memref<80x64xf32, #tpu.memory_space<hbm>>
    %dma_start3A_77 = arith.constant 0 : i32
    %dma_start3A_78 = tpu.memref_slice %arg6[%add3A_74, %dma_start3A_77] : memref<320000x64xf32, #tpu.memory_space<hbm>> -> memref<80x64xf32, #tpu.memory_space<hbm>>
    tpu.enqueue_dma source(%arg11 : memref<80x64xf32, #tpu.memory_space<vmem>>) target(%dma_start3A_78 : memref<80x64xf32, #tpu.memory_space<hbm>>) target_semaphore(%arg17 : memref<!tpu.dma_semaphore, #tpu.memory_space<semaphore_mem>>)
    %dma_start3A_79 = arith.constant 0 : i32
    %dma_start3A_80 = tpu.memref_slice %arg7[%add3A_74, %dma_start3A_79] : memref<320000x64xf32, #tpu.memory_space<hbm>> -> memref<80x64xf32, #tpu.memory_space<hbm>>
    %dma_start3A_81 = arith.constant 0 : i32
    %dma_start3A_82 = tpu.memref_slice %arg7[%add3A_74, %dma_start3A_81] : memref<320000x64xf32, #tpu.memory_space<hbm>> -> memref<80x64xf32, #tpu.memory_space<hbm>>
    tpu.enqueue_dma source(%arg13 : memref<80x64xf32, #tpu.memory_space<vmem>>) target(%dma_start3A_82 : memref<80x64xf32, #tpu.memory_space<hbm>>) target_semaphore(%arg17 : memref<!tpu.dma_semaphore, #tpu.memory_space<semaphore_mem>>)
    %dma_wait3A_83 = arith.constant 0 : i32
    %dma_wait3A_84 = arith.constant 0 : i32
    %dma_wait3A_85 = tpu.memref_slice %arg6[%dma_wait3A_83, %dma_wait3A_84] : memref<320000x64xf32, #tpu.memory_space<hbm>> -> memref<80x64xf32, #tpu.memory_space<hbm>>
    %dma_wait3A_86 = arith.constant 0 : i32
    %dma_wait3A_87 = arith.constant 0 : i32
    %dma_wait3A_88 = tpu.memref_slice %arg6[%dma_wait3A_86, %dma_wait3A_87] : memref<320000x64xf32, #tpu.memory_space<hbm>> -> memref<80x64xf32, #tpu.memory_space<hbm>>
    tpu.wait_dma2 semaphore(%arg16 : memref<!tpu.dma_semaphore, #tpu.memory_space<semaphore_mem>>) src(%arg10 : memref<80x64xf32, #tpu.memory_space<vmem>>) dst(%dma_wait3A_88 : memref<80x64xf32, #tpu.memory_space<hbm>>)
    %dma_wait3A_89 = arith.constant 0 : i32
    %dma_wait3A_90 = arith.constant 0 : i32
    %dma_wait3A_91 = tpu.memref_slice %arg7[%dma_wait3A_89, %dma_wait3A_90] : memref<320000x64xf32, #tpu.memory_space<hbm>> -> memref<80x64xf32, #tpu.memory_space<hbm>>
    %dma_wait3A_92 = arith.constant 0 : i32
    %dma_wait3A_93 = arith.constant 0 : i32
    %dma_wait3A_94 = tpu.memref_slice %arg7[%dma_wait3A_92, %dma_wait3A_93] : memref<320000x64xf32, #tpu.memory_space<hbm>> -> memref<80x64xf32, #tpu.memory_space<hbm>>
    tpu.wait_dma2 semaphore(%arg16 : memref<!tpu.dma_semaphore, #tpu.memory_space<semaphore_mem>>) src(%arg12 : memref<80x64xf32, #tpu.memory_space<vmem>>) dst(%dma_wait3A_94 : memref<80x64xf32, #tpu.memory_space<hbm>>)
    %dma_start3A_95 = arith.constant 124 : i32
    %dma_start3A_96 = arith.constant 0 : i32
    %dma_start3A_97 = tpu.memref_slice %arg8[%dma_start3A_95, %dma_start3A_96] : memref<125x80xi32, #tpu.memory_space<vmem>> -> memref<1x80xi32, #tpu.memory_space<vmem>>
    %dma_start3A_98 = tpu.memref_squeeze %dma_start3A_97 : memref<1x80xi32, #tpu.memory_space<vmem>> -> memref<80xi32, #tpu.memory_space<vmem>>
    %dma_start3A_99 = arith.constant 0 : i32
    %dma_start3A_100 = arith.constant 0 : i32
    %dma_start3A_101 = tpu.memref_slice %arg4[%dma_start3A_99, %dma_start3A_100] : memref<10000x64xf32, #tpu.memory_space<hbm>> -> memref<10000x64xf32, #tpu.memory_space<hbm>>
    tpu.enqueue_indirect_dma source(%dma_start3A_101 : memref<10000x64xf32, #tpu.memory_space<hbm>>) target(%arg10 : memref<80x64xf32, #tpu.memory_space<vmem>>) offsets(%dma_start3A_98 : memref<80xi32, #tpu.memory_space<vmem>>) semaphore(%arg14 : memref<!tpu.dma_semaphore, #tpu.memory_space<semaphore_mem>>)
    %dma_start3A_102 = arith.constant 124 : i32
    %dma_start3A_103 = arith.constant 0 : i32
    %dma_start3A_104 = tpu.memref_slice %arg9[%dma_start3A_102, %dma_start3A_103] : memref<125x80xi32, #tpu.memory_space<vmem>> -> memref<1x80xi32, #tpu.memory_space<vmem>>
    %dma_start3A_105 = tpu.memref_squeeze %dma_start3A_104 : memref<1x80xi32, #tpu.memory_space<vmem>> -> memref<80xi32, #tpu.memory_space<vmem>>
    %dma_start3A_106 = arith.constant 0 : i32
    %dma_start3A_107 = arith.constant 0 : i32
    %dma_start3A_108 = tpu.memref_slice %arg5[%dma_start3A_106, %dma_start3A_107] : memref<10000x64xf32, #tpu.memory_space<hbm>> -> memref<10000x64xf32, #tpu.memory_space<hbm>>
    tpu.enqueue_indirect_dma source(%dma_start3A_108 : memref<10000x64xf32, #tpu.memory_space<hbm>>) target(%arg12 : memref<80x64xf32, #tpu.memory_space<vmem>>) offsets(%dma_start3A_105 : memref<80xi32, #tpu.memory_space<vmem>>) semaphore(%arg14 : memref<!tpu.dma_semaphore, #tpu.memory_space<semaphore_mem>>)
    %dma_wait3A_109 = arith.constant 0 : i32
    %dma_wait3A_110 = arith.constant 0 : i32
    %dma_wait3A_111 = tpu.memref_slice %arg8[%dma_wait3A_109, %dma_wait3A_110] : memref<125x80xi32, #tpu.memory_space<vmem>> -> memref<1x80xi32, #tpu.memory_space<vmem>>
    %dma_wait3A_112 = tpu.memref_squeeze %dma_wait3A_111 : memref<1x80xi32, #tpu.memory_space<vmem>> -> memref<80xi32, #tpu.memory_space<vmem>>
    %dma_wait3A_113 = arith.constant 0 : i32
    %dma_wait3A_114 = arith.constant 0 : i32
    %dma_wait3A_115 = tpu.memref_slice %arg4[%dma_wait3A_113, %dma_wait3A_114] : memref<10000x64xf32, #tpu.memory_space<hbm>> -> memref<10000x64xf32, #tpu.memory_space<hbm>>
    tpu.wait_indirect_dma semaphore(%arg14 : memref<!tpu.dma_semaphore, #tpu.memory_space<semaphore_mem>>) src(%dma_wait3A_115 : memref<10000x64xf32, #tpu.memory_space<hbm>>) dst(%arg10 : memref<80x64xf32, #tpu.memory_space<vmem>>)
    %dma_wait3A_116 = arith.constant 0 : i32
    %dma_wait3A_117 = arith.constant 0 : i32
    %dma_wait3A_118 = tpu.memref_slice %arg9[%dma_wait3A_116, %dma_wait3A_117] : memref<125x80xi32, #tpu.memory_space<vmem>> -> memref<1x80xi32, #tpu.memory_space<vmem>>
    %dma_wait3A_119 = tpu.memref_squeeze %dma_wait3A_118 : memref<1x80xi32, #tpu.memory_space<vmem>> -> memref<80xi32, #tpu.memory_space<vmem>>
    %dma_wait3A_120 = arith.constant 0 : i32
    %dma_wait3A_121 = arith.constant 0 : i32
    %dma_wait3A_122 = tpu.memref_slice %arg5[%dma_wait3A_120, %dma_wait3A_121] : memref<10000x64xf32, #tpu.memory_space<hbm>> -> memref<10000x64xf32, #tpu.memory_space<hbm>>
    tpu.wait_indirect_dma semaphore(%arg14 : memref<!tpu.dma_semaphore, #tpu.memory_space<semaphore_mem>>) src(%dma_wait3A_122 : memref<10000x64xf32, #tpu.memory_space<hbm>>) dst(%arg12 : memref<80x64xf32, #tpu.memory_space<vmem>>)
    %add3A_123 = arith.constant 9920 : i32
    %add3A_124 = arith.addi %mul3A_2, %add3A_123 : i32
    %dma_start3A_125 = arith.constant 0 : i32
    %dma_start3A_126 = tpu.memref_slice %arg6[%add3A_124, %dma_start3A_125] : memref<320000x64xf32, #tpu.memory_space<hbm>> -> memref<80x64xf32, #tpu.memory_space<hbm>>
    %dma_start3A_127 = arith.constant 0 : i32
    %dma_start3A_128 = tpu.memref_slice %arg6[%add3A_124, %dma_start3A_127] : memref<320000x64xf32, #tpu.memory_space<hbm>> -> memref<80x64xf32, #tpu.memory_space<hbm>>
    tpu.enqueue_dma source(%arg10 : memref<80x64xf32, #tpu.memory_space<vmem>>) target(%dma_start3A_128 : memref<80x64xf32, #tpu.memory_space<hbm>>) target_semaphore(%arg16 : memref<!tpu.dma_semaphore, #tpu.memory_space<semaphore_mem>>)
    %dma_start3A_129 = arith.constant 0 : i32
    %dma_start3A_130 = tpu.memref_slice %arg7[%add3A_124, %dma_start3A_129] : memref<320000x64xf32, #tpu.memory_space<hbm>> -> memref<80x64xf32, #tpu.memory_space<hbm>>
    %dma_start3A_131 = arith.constant 0 : i32
    %dma_start3A_132 = tpu.memref_slice %arg7[%add3A_124, %dma_start3A_131] : memref<320000x64xf32, #tpu.memory_space<hbm>> -> memref<80x64xf32, #tpu.memory_space<hbm>>
    tpu.enqueue_dma source(%arg12 : memref<80x64xf32, #tpu.memory_space<vmem>>) target(%dma_start3A_132 : memref<80x64xf32, #tpu.memory_space<hbm>>) target_semaphore(%arg16 : memref<!tpu.dma_semaphore, #tpu.memory_space<semaphore_mem>>)
    %dma_wait3A_133 = arith.constant 0 : i32
    %dma_wait3A_134 = arith.constant 0 : i32
    %dma_wait3A_135 = tpu.memref_slice %arg6[%dma_wait3A_133, %dma_wait3A_134] : memref<320000x64xf32, #tpu.memory_space<hbm>> -> memref<80x64xf32, #tpu.memory_space<hbm>>
    %dma_wait3A_136 = arith.constant 0 : i32
    %dma_wait3A_137 = arith.constant 0 : i32
    %dma_wait3A_138 = tpu.memref_slice %arg6[%dma_wait3A_136, %dma_wait3A_137] : memref<320000x64xf32, #tpu.memory_space<hbm>> -> memref<80x64xf32, #tpu.memory_space<hbm>>
    tpu.wait_dma2 semaphore(%arg16 : memref<!tpu.dma_semaphore, #tpu.memory_space<semaphore_mem>>) src(%arg10 : memref<80x64xf32, #tpu.memory_space<vmem>>) dst(%dma_wait3A_138 : memref<80x64xf32, #tpu.memory_space<hbm>>)
    %dma_wait3A_139 = arith.constant 0 : i32
    %dma_wait3A_140 = arith.constant 0 : i32
    %dma_wait3A_141 = tpu.memref_slice %arg7[%dma_wait3A_139, %dma_wait3A_140] : memref<320000x64xf32, #tpu.memory_space<hbm>> -> memref<80x64xf32, #tpu.memory_space<hbm>>
    %dma_wait3A_142 = arith.constant 0 : i32
    %dma_wait3A_143 = arith.constant 0 : i32
    %dma_wait3A_144 = tpu.memref_slice %arg7[%dma_wait3A_142, %dma_wait3A_143] : memref<320000x64xf32, #tpu.memory_space<hbm>> -> memref<80x64xf32, #tpu.memory_space<hbm>>
    tpu.wait_dma2 semaphore(%arg16 : memref<!tpu.dma_semaphore, #tpu.memory_space<semaphore_mem>>) src(%arg12 : memref<80x64xf32, #tpu.memory_space<vmem>>) dst(%dma_wait3A_144 : memref<80x64xf32, #tpu.memory_space<hbm>>)
    %dma_wait3A_145 = arith.constant 0 : i32
    %dma_wait3A_146 = arith.constant 0 : i32
    %dma_wait3A_147 = tpu.memref_slice %arg6[%dma_wait3A_145, %dma_wait3A_146] : memref<320000x64xf32, #tpu.memory_space<hbm>> -> memref<80x64xf32, #tpu.memory_space<hbm>>
    %dma_wait3A_148 = arith.constant 0 : i32
    %dma_wait3A_149 = arith.constant 0 : i32
    %dma_wait3A_150 = tpu.memref_slice %arg6[%dma_wait3A_148, %dma_wait3A_149] : memref<320000x64xf32, #tpu.memory_space<hbm>> -> memref<80x64xf32, #tpu.memory_space<hbm>>
    tpu.wait_dma2 semaphore(%arg17 : memref<!tpu.dma_semaphore, #tpu.memory_space<semaphore_mem>>) src(%arg11 : memref<80x64xf32, #tpu.memory_space<vmem>>) dst(%dma_wait3A_150 : memref<80x64xf32, #tpu.memory_space<hbm>>)
    %dma_wait3A_151 = arith.constant 0 : i32
    %dma_wait3A_152 = arith.constant 0 : i32
    %dma_wait3A_153 = tpu.memref_slice %arg7[%dma_wait3A_151, %dma_wait3A_152] : memref<320000x64xf32, #tpu.memory_space<hbm>> -> memref<80x64xf32, #tpu.memory_space<hbm>>
    %dma_wait3A_154 = arith.constant 0 : i32
    %dma_wait3A_155 = arith.constant 0 : i32
    %dma_wait3A_156 = tpu.memref_slice %arg7[%dma_wait3A_154, %dma_wait3A_155] : memref<320000x64xf32, #tpu.memory_space<hbm>> -> memref<80x64xf32, #tpu.memory_space<hbm>>
    tpu.wait_dma2 semaphore(%arg17 : memref<!tpu.dma_semaphore, #tpu.memory_space<semaphore_mem>>) src(%arg13 : memref<80x64xf32, #tpu.memory_space<vmem>>) dst(%dma_wait3A_156 : memref<80x64xf32, #tpu.memory_space<hbm>>)
    return
  }
}

#map = affine_map<(d0, d1) -> (0, 0, 0)>
#map1 = affine_map<(d0, d1) -> (0, 0)>
module attributes {stable_mosaic.version = 14 : i64} {
  func.func @k(%arg0: i32, %arg1: i32, %arg2: memref<32x125x80xi32, #tpu.memory_space<hbm>>, %arg3: memref<32x125x80xi32, #tpu.memory_space<hbm>>, %arg4: memref<10000x64xf32, #tpu.memory_space<hbm>>, %arg5: memref<320000x64xf32, #tpu.memory_space<hbm>>, %arg6: memref<640x64xf32, #tpu.memory_space<hbm>>, %arg7: memref<2x10240x64xf32, #tpu.memory_space<hbm>>, %arg8: memref<2x10240x64xf32, #tpu.memory_space<hbm>>, %arg9: memref<125x80xi32, #tpu.memory_space<vmem>>, %arg10: memref<125x80xi32, #tpu.memory_space<vmem>>, %arg11: memref<80x64xf32, #tpu.memory_space<vmem>>, %arg12: memref<80x64xf32, #tpu.memory_space<vmem>>, %arg13: memref<80x64xf32, #tpu.memory_space<vmem>>, %arg14: memref<80x64xf32, #tpu.memory_space<vmem>>, %arg15: memref<10240x64xf32, #tpu.memory_space<vmem_shared>>, %arg16: memref<10240x64xf32, #tpu.memory_space<vmem_shared>>, %arg17: memref<!tpu.dma_semaphore, #tpu.memory_space<semaphore_mem>>, %arg18: memref<!tpu.dma_semaphore, #tpu.memory_space<semaphore_mem>>, %arg19: memref<!tpu.dma_semaphore, #tpu.memory_space<semaphore_mem>>, %arg20: memref<!tpu.dma_semaphore, #tpu.memory_space<semaphore_mem>>) attributes {dimension_semantics = [#tpu.dimension_semantics<core_parallel>, #tpu.dimension_semantics<subcore_parallel>], iteration_bounds = array<i64: 2, 16>, scalar_prefetch = 0 : i64, scratch_operands = 12 : i64, tpu.core_type = #tpu.core_type<sc_vector_subcore>, window_params = [{transform_indices = #map}, {transform_indices = #map}, {transform_indices = #map1}, {transform_indices = #map1}, {transform_indices = #map1}, {transform_indices = #map}, {transform_indices = #map}]} {
    %mul3A = arith.constant 2 : i32
    %mul3A_0 = arith.muli %arg1, %mul3A : i32
    %add3A = arith.addi %mul3A_0, %arg0 : i32
    %mul3A_1 = arith.constant 10000 : i32
    %mul3A_2 = arith.muli %add3A, %mul3A_1 : i32
    %mul3A_3 = arith.constant 640 : i32
    %mul3A_4 = arith.muli %arg1, %mul3A_3 : i32
    "tpu.region"() ({
      %run_scoped3A = tpu.sem_alloc : memref<!tpu.dma_semaphore, #tpu.memory_space<semaphore_mem>>
      %dma_start3A_182 = arith.constant 0 : i32
      %dma_start3A_183 = tpu.memref_slice %arg15[%mul3A_4, %dma_start3A_182] : memref<10240x64xf32, #tpu.memory_space<vmem_shared>> -> memref<640x64xf32, #tpu.memory_space<vmem_shared>>
      tpu.enqueue_dma source(%arg6 : memref<640x64xf32, #tpu.memory_space<hbm>>) target(%dma_start3A_183 : memref<640x64xf32, #tpu.memory_space<vmem_shared>>) target_semaphore(%run_scoped3A : memref<!tpu.dma_semaphore, #tpu.memory_space<semaphore_mem>>)
      %dma_wait3A_184 = arith.constant 0 : i32
      %dma_wait3A_185 = tpu.memref_slice %arg15[%mul3A_4, %dma_wait3A_184] : memref<10240x64xf32, #tpu.memory_space<vmem_shared>> -> memref<640x64xf32, #tpu.memory_space<vmem_shared>>
      tpu.wait_dma2 semaphore(%run_scoped3A : memref<!tpu.dma_semaphore, #tpu.memory_space<semaphore_mem>>) src(%arg6 : memref<640x64xf32, #tpu.memory_space<hbm>>) dst(%dma_wait3A_185 : memref<640x64xf32, #tpu.memory_space<vmem_shared>>)
      tpu.yield
    }) : () -> ()
    %mul3A_5 = arith.constant 640 : i32
    %mul3A_6 = arith.muli %arg1, %mul3A_5 : i32
    "tpu.region"() ({
      %run_scoped3A = tpu.sem_alloc : memref<!tpu.dma_semaphore, #tpu.memory_space<semaphore_mem>>
      %dma_start3A_182 = arith.constant 0 : i32
      %dma_start3A_183 = tpu.memref_slice %arg16[%mul3A_6, %dma_start3A_182] : memref<10240x64xf32, #tpu.memory_space<vmem_shared>> -> memref<640x64xf32, #tpu.memory_space<vmem_shared>>
      tpu.enqueue_dma source(%arg6 : memref<640x64xf32, #tpu.memory_space<hbm>>) target(%dma_start3A_183 : memref<640x64xf32, #tpu.memory_space<vmem_shared>>) target_semaphore(%run_scoped3A : memref<!tpu.dma_semaphore, #tpu.memory_space<semaphore_mem>>)
      %dma_wait3A_184 = arith.constant 0 : i32
      %dma_wait3A_185 = tpu.memref_slice %arg16[%mul3A_6, %dma_wait3A_184] : memref<10240x64xf32, #tpu.memory_space<vmem_shared>> -> memref<640x64xf32, #tpu.memory_space<vmem_shared>>
      tpu.wait_dma2 semaphore(%run_scoped3A : memref<!tpu.dma_semaphore, #tpu.memory_space<semaphore_mem>>) src(%arg6 : memref<640x64xf32, #tpu.memory_space<hbm>>) dst(%dma_wait3A_185 : memref<640x64xf32, #tpu.memory_space<vmem_shared>>)
      tpu.yield
    }) : () -> ()
    "tpu.region"() ({
      %run_scoped3A = tpu.sem_alloc : memref<!tpu.dma_semaphore, #tpu.memory_space<semaphore_mem>>
      %dma_start3A_182 = arith.constant 0 : i32
      %dma_start3A_183 = arith.constant 0 : i32
      %dma_start3A_184 = tpu.memref_slice %arg2[%add3A, %dma_start3A_182, %dma_start3A_183] : memref<32x125x80xi32, #tpu.memory_space<hbm>> -> memref<1x125x80xi32, #tpu.memory_space<hbm>>
      %dma_start3A_185 = tpu.memref_squeeze %dma_start3A_184 : memref<1x125x80xi32, #tpu.memory_space<hbm>> -> memref<125x80xi32, #tpu.memory_space<hbm>>
      %dma_start3A_186 = arith.constant 0 : i32
      %dma_start3A_187 = arith.constant 0 : i32
      %dma_start3A_188 = tpu.memref_slice %arg2[%add3A, %dma_start3A_186, %dma_start3A_187] : memref<32x125x80xi32, #tpu.memory_space<hbm>> -> memref<1x125x80xi32, #tpu.memory_space<hbm>>
      %dma_start3A_189 = tpu.memref_squeeze %dma_start3A_188 : memref<1x125x80xi32, #tpu.memory_space<hbm>> -> memref<125x80xi32, #tpu.memory_space<hbm>>
      tpu.enqueue_dma source(%dma_start3A_189 : memref<125x80xi32, #tpu.memory_space<hbm>>) target(%arg9 : memref<125x80xi32, #tpu.memory_space<vmem>>) target_semaphore(%run_scoped3A : memref<!tpu.dma_semaphore, #tpu.memory_space<semaphore_mem>>)
      %dma_wait3A_190 = arith.constant 0 : i32
      %dma_wait3A_191 = arith.constant 0 : i32
      %dma_wait3A_192 = tpu.memref_slice %arg2[%add3A, %dma_wait3A_190, %dma_wait3A_191] : memref<32x125x80xi32, #tpu.memory_space<hbm>> -> memref<1x125x80xi32, #tpu.memory_space<hbm>>
      %dma_wait3A_193 = tpu.memref_squeeze %dma_wait3A_192 : memref<1x125x80xi32, #tpu.memory_space<hbm>> -> memref<125x80xi32, #tpu.memory_space<hbm>>
      %dma_wait3A_194 = arith.constant 0 : i32
      %dma_wait3A_195 = arith.constant 0 : i32
      %dma_wait3A_196 = tpu.memref_slice %arg2[%add3A, %dma_wait3A_194, %dma_wait3A_195] : memref<32x125x80xi32, #tpu.memory_space<hbm>> -> memref<1x125x80xi32, #tpu.memory_space<hbm>>
      %dma_wait3A_197 = tpu.memref_squeeze %dma_wait3A_196 : memref<1x125x80xi32, #tpu.memory_space<hbm>> -> memref<125x80xi32, #tpu.memory_space<hbm>>
      tpu.wait_dma2 semaphore(%run_scoped3A : memref<!tpu.dma_semaphore, #tpu.memory_space<semaphore_mem>>) src(%dma_wait3A_197 : memref<125x80xi32, #tpu.memory_space<hbm>>) dst(%arg9 : memref<125x80xi32, #tpu.memory_space<vmem>>)
      tpu.yield
    }) : () -> ()
    "tpu.region"() ({
      %run_scoped3A = tpu.sem_alloc : memref<!tpu.dma_semaphore, #tpu.memory_space<semaphore_mem>>
      %dma_start3A_182 = arith.constant 0 : i32
      %dma_start3A_183 = arith.constant 0 : i32
      %dma_start3A_184 = tpu.memref_slice %arg3[%add3A, %dma_start3A_182, %dma_start3A_183] : memref<32x125x80xi32, #tpu.memory_space<hbm>> -> memref<1x125x80xi32, #tpu.memory_space<hbm>>
      %dma_start3A_185 = tpu.memref_squeeze %dma_start3A_184 : memref<1x125x80xi32, #tpu.memory_space<hbm>> -> memref<125x80xi32, #tpu.memory_space<hbm>>
      %dma_start3A_186 = arith.constant 0 : i32
      %dma_start3A_187 = arith.constant 0 : i32
      %dma_start3A_188 = tpu.memref_slice %arg3[%add3A, %dma_start3A_186, %dma_start3A_187] : memref<32x125x80xi32, #tpu.memory_space<hbm>> -> memref<1x125x80xi32, #tpu.memory_space<hbm>>
      %dma_start3A_189 = tpu.memref_squeeze %dma_start3A_188 : memref<1x125x80xi32, #tpu.memory_space<hbm>> -> memref<125x80xi32, #tpu.memory_space<hbm>>
      tpu.enqueue_dma source(%dma_start3A_189 : memref<125x80xi32, #tpu.memory_space<hbm>>) target(%arg10 : memref<125x80xi32, #tpu.memory_space<vmem>>) target_semaphore(%run_scoped3A : memref<!tpu.dma_semaphore, #tpu.memory_space<semaphore_mem>>)
      %dma_wait3A_190 = arith.constant 0 : i32
      %dma_wait3A_191 = arith.constant 0 : i32
      %dma_wait3A_192 = tpu.memref_slice %arg3[%add3A, %dma_wait3A_190, %dma_wait3A_191] : memref<32x125x80xi32, #tpu.memory_space<hbm>> -> memref<1x125x80xi32, #tpu.memory_space<hbm>>
      %dma_wait3A_193 = tpu.memref_squeeze %dma_wait3A_192 : memref<1x125x80xi32, #tpu.memory_space<hbm>> -> memref<125x80xi32, #tpu.memory_space<hbm>>
      %dma_wait3A_194 = arith.constant 0 : i32
      %dma_wait3A_195 = arith.constant 0 : i32
      %dma_wait3A_196 = tpu.memref_slice %arg3[%add3A, %dma_wait3A_194, %dma_wait3A_195] : memref<32x125x80xi32, #tpu.memory_space<hbm>> -> memref<1x125x80xi32, #tpu.memory_space<hbm>>
      %dma_wait3A_197 = tpu.memref_squeeze %dma_wait3A_196 : memref<1x125x80xi32, #tpu.memory_space<hbm>> -> memref<125x80xi32, #tpu.memory_space<hbm>>
      tpu.wait_dma2 semaphore(%run_scoped3A : memref<!tpu.dma_semaphore, #tpu.memory_space<semaphore_mem>>) src(%dma_wait3A_197 : memref<125x80xi32, #tpu.memory_space<hbm>>) dst(%arg10 : memref<125x80xi32, #tpu.memory_space<vmem>>)
      tpu.yield
    }) : () -> ()
    %barrier3A = arith.constant 0 : index
    tpu.barrier barrier_id(%barrier3A)
    %dma_start3A = arith.constant 0 : i32
    %dma_start3A_7 = arith.constant 0 : i32
    %dma_start3A_8 = tpu.memref_slice %arg9[%dma_start3A, %dma_start3A_7] : memref<125x80xi32, #tpu.memory_space<vmem>> -> memref<1x80xi32, #tpu.memory_space<vmem>>
    %dma_start3A_9 = tpu.memref_squeeze %dma_start3A_8 : memref<1x80xi32, #tpu.memory_space<vmem>> -> memref<80xi32, #tpu.memory_space<vmem>>
    %dma_start3A_10 = arith.constant 0 : i32
    %dma_start3A_11 = arith.constant 0 : i32
    %dma_start3A_12 = tpu.memref_slice %arg4[%dma_start3A_10, %dma_start3A_11] : memref<10000x64xf32, #tpu.memory_space<hbm>> -> memref<10000x64xf32, #tpu.memory_space<hbm>>
    tpu.enqueue_indirect_dma source(%dma_start3A_12 : memref<10000x64xf32, #tpu.memory_space<hbm>>) target(%arg11 : memref<80x64xf32, #tpu.memory_space<vmem>>) offsets(%dma_start3A_9 : memref<80xi32, #tpu.memory_space<vmem>>) semaphore(%arg17 : memref<!tpu.dma_semaphore, #tpu.memory_space<semaphore_mem>>)
    %add3A_13 = arith.constant 0 : i32
    %add3A_14 = arith.addi %mul3A_2, %add3A_13 : i32
    %dma_start3A_15 = arith.constant 0 : i32
    %dma_start3A_16 = tpu.memref_slice %arg5[%add3A_14, %dma_start3A_15] : memref<320000x64xf32, #tpu.memory_space<hbm>> -> memref<80x64xf32, #tpu.memory_space<hbm>>
    %dma_start3A_17 = arith.constant 0 : i32
    %dma_start3A_18 = tpu.memref_slice %arg5[%add3A_14, %dma_start3A_17] : memref<320000x64xf32, #tpu.memory_space<hbm>> -> memref<80x64xf32, #tpu.memory_space<hbm>>
    tpu.enqueue_dma source(%dma_start3A_18 : memref<80x64xf32, #tpu.memory_space<hbm>>) target(%arg13 : memref<80x64xf32, #tpu.memory_space<vmem>>) target_semaphore(%arg17 : memref<!tpu.dma_semaphore, #tpu.memory_space<semaphore_mem>>)
    %dma_start3A_19 = arith.constant 1 : i32
    %dma_start3A_20 = arith.constant 0 : i32
    %dma_start3A_21 = tpu.memref_slice %arg9[%dma_start3A_19, %dma_start3A_20] : memref<125x80xi32, #tpu.memory_space<vmem>> -> memref<1x80xi32, #tpu.memory_space<vmem>>
    %dma_start3A_22 = tpu.memref_squeeze %dma_start3A_21 : memref<1x80xi32, #tpu.memory_space<vmem>> -> memref<80xi32, #tpu.memory_space<vmem>>
    %dma_start3A_23 = arith.constant 0 : i32
    %dma_start3A_24 = arith.constant 0 : i32
    %dma_start3A_25 = tpu.memref_slice %arg4[%dma_start3A_23, %dma_start3A_24] : memref<10000x64xf32, #tpu.memory_space<hbm>> -> memref<10000x64xf32, #tpu.memory_space<hbm>>
    tpu.enqueue_indirect_dma source(%dma_start3A_25 : memref<10000x64xf32, #tpu.memory_space<hbm>>) target(%arg12 : memref<80x64xf32, #tpu.memory_space<vmem>>) offsets(%dma_start3A_22 : memref<80xi32, #tpu.memory_space<vmem>>) semaphore(%arg18 : memref<!tpu.dma_semaphore, #tpu.memory_space<semaphore_mem>>)
    %add3A_26 = arith.constant 80 : i32
    %add3A_27 = arith.addi %mul3A_2, %add3A_26 : i32
    %dma_start3A_28 = arith.constant 0 : i32
    %dma_start3A_29 = tpu.memref_slice %arg5[%add3A_27, %dma_start3A_28] : memref<320000x64xf32, #tpu.memory_space<hbm>> -> memref<80x64xf32, #tpu.memory_space<hbm>>
    %dma_start3A_30 = arith.constant 0 : i32
    %dma_start3A_31 = tpu.memref_slice %arg5[%add3A_27, %dma_start3A_30] : memref<320000x64xf32, #tpu.memory_space<hbm>> -> memref<80x64xf32, #tpu.memory_space<hbm>>
    tpu.enqueue_dma source(%dma_start3A_31 : memref<80x64xf32, #tpu.memory_space<hbm>>) target(%arg14 : memref<80x64xf32, #tpu.memory_space<vmem>>) target_semaphore(%arg18 : memref<!tpu.dma_semaphore, #tpu.memory_space<semaphore_mem>>)
    %scan3A = arith.constant 0 : i32
    %scan3A_32 = arith.constant 1 : i32
    %scan3A_33 = arith.constant 61 : i32
    %scan3A_34 = arith.addi %scan3A_32, %scan3A_33 : i32
    %scan3A_35 = arith.constant 1 : i32
    %scan3A_36 = scf.for %scan3A_182 = %scan3A_32 to %scan3A_34 step %scan3A_35 iter_args(%scan3A_183 = %scan3A) -> (i32)  : i32 {
      %mul3A_184 = arith.constant 2 : i32
      %mul3A_185 = arith.muli %mul3A_184, %scan3A_182 : i32
      %dma_wait3A_186 = arith.constant 0 : i32
      %dma_wait3A_187 = arith.constant 0 : i32
      %dma_wait3A_188 = tpu.memref_slice %arg9[%dma_wait3A_186, %dma_wait3A_187] : memref<125x80xi32, #tpu.memory_space<vmem>> -> memref<1x80xi32, #tpu.memory_space<vmem>>
      %dma_wait3A_189 = tpu.memref_squeeze %dma_wait3A_188 : memref<1x80xi32, #tpu.memory_space<vmem>> -> memref<80xi32, #tpu.memory_space<vmem>>
      %dma_wait3A_190 = arith.constant 0 : i32
      %dma_wait3A_191 = arith.constant 0 : i32
      %dma_wait3A_192 = tpu.memref_slice %arg4[%dma_wait3A_190, %dma_wait3A_191] : memref<10000x64xf32, #tpu.memory_space<hbm>> -> memref<10000x64xf32, #tpu.memory_space<hbm>>
      tpu.wait_indirect_dma semaphore(%arg17 : memref<!tpu.dma_semaphore, #tpu.memory_space<semaphore_mem>>) src(%dma_wait3A_192 : memref<10000x64xf32, #tpu.memory_space<hbm>>) dst(%arg11 : memref<80x64xf32, #tpu.memory_space<vmem>>)
      %dma_wait3A_193 = arith.constant 0 : i32
      %dma_wait3A_194 = arith.constant 0 : i32
      %dma_wait3A_195 = tpu.memref_slice %arg5[%dma_wait3A_193, %dma_wait3A_194] : memref<320000x64xf32, #tpu.memory_space<hbm>> -> memref<80x64xf32, #tpu.memory_space<hbm>>
      %dma_wait3A_196 = arith.constant 0 : i32
      %dma_wait3A_197 = arith.constant 0 : i32
      %dma_wait3A_198 = tpu.memref_slice %arg5[%dma_wait3A_196, %dma_wait3A_197] : memref<320000x64xf32, #tpu.memory_space<hbm>> -> memref<80x64xf32, #tpu.memory_space<hbm>>
      tpu.wait_dma2 semaphore(%arg17 : memref<!tpu.dma_semaphore, #tpu.memory_space<semaphore_mem>>) src(%dma_wait3A_198 : memref<80x64xf32, #tpu.memory_space<hbm>>) dst(%arg13 : memref<80x64xf32, #tpu.memory_space<vmem>>)
      %sub3A = arith.constant 2 : i32
      %sub3A_199 = arith.subi %mul3A_185, %sub3A : i32
      %dma_start3A_200 = arith.constant 0 : i32
      %dma_start3A_201 = tpu.memref_slice %arg10[%sub3A_199, %dma_start3A_200] : memref<125x80xi32, #tpu.memory_space<vmem>> -> memref<1x80xi32, #tpu.memory_space<vmem>>
      %dma_start3A_202 = tpu.memref_squeeze %dma_start3A_201 : memref<1x80xi32, #tpu.memory_space<vmem>> -> memref<80xi32, #tpu.memory_space<vmem>>
      %dma_start3A_203 = arith.constant 0 : i32
      %dma_start3A_204 = arith.constant 0 : i32
      %dma_start3A_205 = tpu.memref_slice %arg15[%dma_start3A_203, %dma_start3A_204] : memref<10240x64xf32, #tpu.memory_space<vmem_shared>> -> memref<10240x64xf32, #tpu.memory_space<vmem_shared>>
      tpu.enqueue_indirect_dma source(%arg11 : memref<80x64xf32, #tpu.memory_space<vmem>>) target(%dma_start3A_205 : memref<10240x64xf32, #tpu.memory_space<vmem_shared>>) offsets(%dma_start3A_202 : memref<80xi32, #tpu.memory_space<vmem>>) semaphore(%arg19 : memref<!tpu.dma_semaphore, #tpu.memory_space<semaphore_mem>>) {add = true}
      %dma_start3A_206 = arith.constant 0 : i32
      %dma_start3A_207 = tpu.memref_slice %arg10[%sub3A_199, %dma_start3A_206] : memref<125x80xi32, #tpu.memory_space<vmem>> -> memref<1x80xi32, #tpu.memory_space<vmem>>
      %dma_start3A_208 = tpu.memref_squeeze %dma_start3A_207 : memref<1x80xi32, #tpu.memory_space<vmem>> -> memref<80xi32, #tpu.memory_space<vmem>>
      %dma_start3A_209 = arith.constant 0 : i32
      %dma_start3A_210 = arith.constant 0 : i32
      %dma_start3A_211 = tpu.memref_slice %arg16[%dma_start3A_209, %dma_start3A_210] : memref<10240x64xf32, #tpu.memory_space<vmem_shared>> -> memref<10240x64xf32, #tpu.memory_space<vmem_shared>>
      tpu.enqueue_indirect_dma source(%arg13 : memref<80x64xf32, #tpu.memory_space<vmem>>) target(%dma_start3A_211 : memref<10240x64xf32, #tpu.memory_space<vmem_shared>>) offsets(%dma_start3A_208 : memref<80xi32, #tpu.memory_space<vmem>>) semaphore(%arg19 : memref<!tpu.dma_semaphore, #tpu.memory_space<semaphore_mem>>) {add = true}
      %dma_wait3A_212 = arith.constant 0 : i32
      %dma_wait3A_213 = arith.constant 0 : i32
      %dma_wait3A_214 = tpu.memref_slice %arg9[%dma_wait3A_212, %dma_wait3A_213] : memref<125x80xi32, #tpu.memory_space<vmem>> -> memref<1x80xi32, #tpu.memory_space<vmem>>
      %dma_wait3A_215 = tpu.memref_squeeze %dma_wait3A_214 : memref<1x80xi32, #tpu.memory_space<vmem>> -> memref<80xi32, #tpu.memory_space<vmem>>
      %dma_wait3A_216 = arith.constant 0 : i32
      %dma_wait3A_217 = arith.constant 0 : i32
      %dma_wait3A_218 = tpu.memref_slice %arg4[%dma_wait3A_216, %dma_wait3A_217] : memref<10000x64xf32, #tpu.memory_space<hbm>> -> memref<10000x64xf32, #tpu.memory_space<hbm>>
      tpu.wait_indirect_dma semaphore(%arg18 : memref<!tpu.dma_semaphore, #tpu.memory_space<semaphore_mem>>) src(%dma_wait3A_218 : memref<10000x64xf32, #tpu.memory_space<hbm>>) dst(%arg12 : memref<80x64xf32, #tpu.memory_space<vmem>>)
      %dma_wait3A_219 = arith.constant 0 : i32
      %dma_wait3A_220 = arith.constant 0 : i32
      %dma_wait3A_221 = tpu.memref_slice %arg5[%dma_wait3A_219, %dma_wait3A_220] : memref<320000x64xf32, #tpu.memory_space<hbm>> -> memref<80x64xf32, #tpu.memory_space<hbm>>
      %dma_wait3A_222 = arith.constant 0 : i32
      %dma_wait3A_223 = arith.constant 0 : i32
      %dma_wait3A_224 = tpu.memref_slice %arg5[%dma_wait3A_222, %dma_wait3A_223] : memref<320000x64xf32, #tpu.memory_space<hbm>> -> memref<80x64xf32, #tpu.memory_space<hbm>>
      tpu.wait_dma2 semaphore(%arg18 : memref<!tpu.dma_semaphore, #tpu.memory_space<semaphore_mem>>) src(%dma_wait3A_224 : memref<80x64xf32, #tpu.memory_space<hbm>>) dst(%arg14 : memref<80x64xf32, #tpu.memory_space<vmem>>)
      %sub3A_225 = arith.constant 1 : i32
      %sub3A_226 = arith.subi %mul3A_185, %sub3A_225 : i32
      %dma_start3A_227 = arith.constant 0 : i32
      %dma_start3A_228 = tpu.memref_slice %arg10[%sub3A_226, %dma_start3A_227] : memref<125x80xi32, #tpu.memory_space<vmem>> -> memref<1x80xi32, #tpu.memory_space<vmem>>
      %dma_start3A_229 = tpu.memref_squeeze %dma_start3A_228 : memref<1x80xi32, #tpu.memory_space<vmem>> -> memref<80xi32, #tpu.memory_space<vmem>>
      %dma_start3A_230 = arith.constant 0 : i32
      %dma_start3A_231 = arith.constant 0 : i32
      %dma_start3A_232 = tpu.memref_slice %arg15[%dma_start3A_230, %dma_start3A_231] : memref<10240x64xf32, #tpu.memory_space<vmem_shared>> -> memref<10240x64xf32, #tpu.memory_space<vmem_shared>>
      tpu.enqueue_indirect_dma source(%arg12 : memref<80x64xf32, #tpu.memory_space<vmem>>) target(%dma_start3A_232 : memref<10240x64xf32, #tpu.memory_space<vmem_shared>>) offsets(%dma_start3A_229 : memref<80xi32, #tpu.memory_space<vmem>>) semaphore(%arg20 : memref<!tpu.dma_semaphore, #tpu.memory_space<semaphore_mem>>) {add = true}
      %dma_start3A_233 = arith.constant 0 : i32
      %dma_start3A_234 = tpu.memref_slice %arg10[%sub3A_226, %dma_start3A_233] : memref<125x80xi32, #tpu.memory_space<vmem>> -> memref<1x80xi32, #tpu.memory_space<vmem>>
      %dma_start3A_235 = tpu.memref_squeeze %dma_start3A_234 : memref<1x80xi32, #tpu.memory_space<vmem>> -> memref<80xi32, #tpu.memory_space<vmem>>
      %dma_start3A_236 = arith.constant 0 : i32
      %dma_start3A_237 = arith.constant 0 : i32
      %dma_start3A_238 = tpu.memref_slice %arg16[%dma_start3A_236, %dma_start3A_237] : memref<10240x64xf32, #tpu.memory_space<vmem_shared>> -> memref<10240x64xf32, #tpu.memory_space<vmem_shared>>
      tpu.enqueue_indirect_dma source(%arg14 : memref<80x64xf32, #tpu.memory_space<vmem>>) target(%dma_start3A_238 : memref<10240x64xf32, #tpu.memory_space<vmem_shared>>) offsets(%dma_start3A_235 : memref<80xi32, #tpu.memory_space<vmem>>) semaphore(%arg20 : memref<!tpu.dma_semaphore, #tpu.memory_space<semaphore_mem>>) {add = true}
      %dma_wait3A_239 = arith.constant 0 : i32
      %dma_wait3A_240 = arith.constant 0 : i32
      %dma_wait3A_241 = tpu.memref_slice %arg10[%dma_wait3A_239, %dma_wait3A_240] : memref<125x80xi32, #tpu.memory_space<vmem>> -> memref<1x80xi32, #tpu.memory_space<vmem>>
      %dma_wait3A_242 = tpu.memref_squeeze %dma_wait3A_241 : memref<1x80xi32, #tpu.memory_space<vmem>> -> memref<80xi32, #tpu.memory_space<vmem>>
      %dma_wait3A_243 = arith.constant 0 : i32
      %dma_wait3A_244 = arith.constant 0 : i32
      %dma_wait3A_245 = tpu.memref_slice %arg15[%dma_wait3A_243, %dma_wait3A_244] : memref<10240x64xf32, #tpu.memory_space<vmem_shared>> -> memref<10240x64xf32, #tpu.memory_space<vmem_shared>>
      tpu.wait_indirect_dma semaphore(%arg19 : memref<!tpu.dma_semaphore, #tpu.memory_space<semaphore_mem>>) src(%arg11 : memref<80x64xf32, #tpu.memory_space<vmem>>) dst(%dma_wait3A_245 : memref<10240x64xf32, #tpu.memory_space<vmem_shared>>)
      %dma_wait3A_246 = arith.constant 0 : i32
      %dma_wait3A_247 = arith.constant 0 : i32
      %dma_wait3A_248 = tpu.memref_slice %arg10[%dma_wait3A_246, %dma_wait3A_247] : memref<125x80xi32, #tpu.memory_space<vmem>> -> memref<1x80xi32, #tpu.memory_space<vmem>>
      %dma_wait3A_249 = tpu.memref_squeeze %dma_wait3A_248 : memref<1x80xi32, #tpu.memory_space<vmem>> -> memref<80xi32, #tpu.memory_space<vmem>>
      %dma_wait3A_250 = arith.constant 0 : i32
      %dma_wait3A_251 = arith.constant 0 : i32
      %dma_wait3A_252 = tpu.memref_slice %arg16[%dma_wait3A_250, %dma_wait3A_251] : memref<10240x64xf32, #tpu.memory_space<vmem_shared>> -> memref<10240x64xf32, #tpu.memory_space<vmem_shared>>
      tpu.wait_indirect_dma semaphore(%arg19 : memref<!tpu.dma_semaphore, #tpu.memory_space<semaphore_mem>>) src(%arg13 : memref<80x64xf32, #tpu.memory_space<vmem>>) dst(%dma_wait3A_252 : memref<10240x64xf32, #tpu.memory_space<vmem_shared>>)
      %dma_start3A_253 = arith.constant 0 : i32
      %dma_start3A_254 = tpu.memref_slice %arg9[%mul3A_185, %dma_start3A_253] : memref<125x80xi32, #tpu.memory_space<vmem>> -> memref<1x80xi32, #tpu.memory_space<vmem>>
      %dma_start3A_255 = tpu.memref_squeeze %dma_start3A_254 : memref<1x80xi32, #tpu.memory_space<vmem>> -> memref<80xi32, #tpu.memory_space<vmem>>
      %dma_start3A_256 = arith.constant 0 : i32
      %dma_start3A_257 = arith.constant 0 : i32
      %dma_start3A_258 = tpu.memref_slice %arg4[%dma_start3A_256, %dma_start3A_257] : memref<10000x64xf32, #tpu.memory_space<hbm>> -> memref<10000x64xf32, #tpu.memory_space<hbm>>
      tpu.enqueue_indirect_dma source(%dma_start3A_258 : memref<10000x64xf32, #tpu.memory_space<hbm>>) target(%arg11 : memref<80x64xf32, #tpu.memory_space<vmem>>) offsets(%dma_start3A_255 : memref<80xi32, #tpu.memory_space<vmem>>) semaphore(%arg17 : memref<!tpu.dma_semaphore, #tpu.memory_space<semaphore_mem>>)
      %mul3A_259 = arith.constant 80 : i32
      %mul3A_260 = arith.muli %mul3A_185, %mul3A_259 : i32
      %add3A_261 = arith.addi %mul3A_2, %mul3A_260 : i32
      %dma_start3A_262 = arith.constant 0 : i32
      %dma_start3A_263 = tpu.memref_slice %arg5[%add3A_261, %dma_start3A_262] : memref<320000x64xf32, #tpu.memory_space<hbm>> -> memref<80x64xf32, #tpu.memory_space<hbm>>
      %dma_start3A_264 = arith.constant 0 : i32
      %dma_start3A_265 = tpu.memref_slice %arg5[%add3A_261, %dma_start3A_264] : memref<320000x64xf32, #tpu.memory_space<hbm>> -> memref<80x64xf32, #tpu.memory_space<hbm>>
      tpu.enqueue_dma source(%dma_start3A_265 : memref<80x64xf32, #tpu.memory_space<hbm>>) target(%arg13 : memref<80x64xf32, #tpu.memory_space<vmem>>) target_semaphore(%arg17 : memref<!tpu.dma_semaphore, #tpu.memory_space<semaphore_mem>>)
      %dma_wait3A_266 = arith.constant 0 : i32
      %dma_wait3A_267 = arith.constant 0 : i32
      %dma_wait3A_268 = tpu.memref_slice %arg10[%dma_wait3A_266, %dma_wait3A_267] : memref<125x80xi32, #tpu.memory_space<vmem>> -> memref<1x80xi32, #tpu.memory_space<vmem>>
      %dma_wait3A_269 = tpu.memref_squeeze %dma_wait3A_268 : memref<1x80xi32, #tpu.memory_space<vmem>> -> memref<80xi32, #tpu.memory_space<vmem>>
      %dma_wait3A_270 = arith.constant 0 : i32
      %dma_wait3A_271 = arith.constant 0 : i32
      %dma_wait3A_272 = tpu.memref_slice %arg15[%dma_wait3A_270, %dma_wait3A_271] : memref<10240x64xf32, #tpu.memory_space<vmem_shared>> -> memref<10240x64xf32, #tpu.memory_space<vmem_shared>>
      tpu.wait_indirect_dma semaphore(%arg20 : memref<!tpu.dma_semaphore, #tpu.memory_space<semaphore_mem>>) src(%arg12 : memref<80x64xf32, #tpu.memory_space<vmem>>) dst(%dma_wait3A_272 : memref<10240x64xf32, #tpu.memory_space<vmem_shared>>)
      %dma_wait3A_273 = arith.constant 0 : i32
      %dma_wait3A_274 = arith.constant 0 : i32
      %dma_wait3A_275 = tpu.memref_slice %arg10[%dma_wait3A_273, %dma_wait3A_274] : memref<125x80xi32, #tpu.memory_space<vmem>> -> memref<1x80xi32, #tpu.memory_space<vmem>>
      %dma_wait3A_276 = tpu.memref_squeeze %dma_wait3A_275 : memref<1x80xi32, #tpu.memory_space<vmem>> -> memref<80xi32, #tpu.memory_space<vmem>>
      %dma_wait3A_277 = arith.constant 0 : i32
      %dma_wait3A_278 = arith.constant 0 : i32
      %dma_wait3A_279 = tpu.memref_slice %arg16[%dma_wait3A_277, %dma_wait3A_278] : memref<10240x64xf32, #tpu.memory_space<vmem_shared>> -> memref<10240x64xf32, #tpu.memory_space<vmem_shared>>
      tpu.wait_indirect_dma semaphore(%arg20 : memref<!tpu.dma_semaphore, #tpu.memory_space<semaphore_mem>>) src(%arg14 : memref<80x64xf32, #tpu.memory_space<vmem>>) dst(%dma_wait3A_279 : memref<10240x64xf32, #tpu.memory_space<vmem_shared>>)
      %add3A_280 = arith.constant 1 : i32
      %add3A_281 = arith.addi %mul3A_185, %add3A_280 : i32
      %dma_start3A_282 = arith.constant 0 : i32
      %dma_start3A_283 = tpu.memref_slice %arg9[%add3A_281, %dma_start3A_282] : memref<125x80xi32, #tpu.memory_space<vmem>> -> memref<1x80xi32, #tpu.memory_space<vmem>>
      %dma_start3A_284 = tpu.memref_squeeze %dma_start3A_283 : memref<1x80xi32, #tpu.memory_space<vmem>> -> memref<80xi32, #tpu.memory_space<vmem>>
      %dma_start3A_285 = arith.constant 0 : i32
      %dma_start3A_286 = arith.constant 0 : i32
      %dma_start3A_287 = tpu.memref_slice %arg4[%dma_start3A_285, %dma_start3A_286] : memref<10000x64xf32, #tpu.memory_space<hbm>> -> memref<10000x64xf32, #tpu.memory_space<hbm>>
      tpu.enqueue_indirect_dma source(%dma_start3A_287 : memref<10000x64xf32, #tpu.memory_space<hbm>>) target(%arg12 : memref<80x64xf32, #tpu.memory_space<vmem>>) offsets(%dma_start3A_284 : memref<80xi32, #tpu.memory_space<vmem>>) semaphore(%arg18 : memref<!tpu.dma_semaphore, #tpu.memory_space<semaphore_mem>>)
      %mul3A_288 = arith.constant 80 : i32
      %mul3A_289 = arith.muli %add3A_281, %mul3A_288 : i32
      %add3A_290 = arith.addi %mul3A_2, %mul3A_289 : i32
      %dma_start3A_291 = arith.constant 0 : i32
      %dma_start3A_292 = tpu.memref_slice %arg5[%add3A_290, %dma_start3A_291] : memref<320000x64xf32, #tpu.memory_space<hbm>> -> memref<80x64xf32, #tpu.memory_space<hbm>>
      %dma_start3A_293 = arith.constant 0 : i32
      %dma_start3A_294 = tpu.memref_slice %arg5[%add3A_290, %dma_start3A_293] : memref<320000x64xf32, #tpu.memory_space<hbm>> -> memref<80x64xf32, #tpu.memory_space<hbm>>
      tpu.enqueue_dma source(%dma_start3A_294 : memref<80x64xf32, #tpu.memory_space<hbm>>) target(%arg14 : memref<80x64xf32, #tpu.memory_space<vmem>>) target_semaphore(%arg18 : memref<!tpu.dma_semaphore, #tpu.memory_space<semaphore_mem>>)
      %scan3A_295 = arith.constant 0 : i32
      scf.yield %scan3A_295 : i32
    }
    %scan3A_37 = arith.constant 61 : i32
    %dma_wait3A = arith.constant 0 : i32
    %dma_wait3A_38 = arith.constant 0 : i32
    %dma_wait3A_39 = tpu.memref_slice %arg9[%dma_wait3A, %dma_wait3A_38] : memref<125x80xi32, #tpu.memory_space<vmem>> -> memref<1x80xi32, #tpu.memory_space<vmem>>
    %dma_wait3A_40 = tpu.memref_squeeze %dma_wait3A_39 : memref<1x80xi32, #tpu.memory_space<vmem>> -> memref<80xi32, #tpu.memory_space<vmem>>
    %dma_wait3A_41 = arith.constant 0 : i32
    %dma_wait3A_42 = arith.constant 0 : i32
    %dma_wait3A_43 = tpu.memref_slice %arg4[%dma_wait3A_41, %dma_wait3A_42] : memref<10000x64xf32, #tpu.memory_space<hbm>> -> memref<10000x64xf32, #tpu.memory_space<hbm>>
    tpu.wait_indirect_dma semaphore(%arg17 : memref<!tpu.dma_semaphore, #tpu.memory_space<semaphore_mem>>) src(%dma_wait3A_43 : memref<10000x64xf32, #tpu.memory_space<hbm>>) dst(%arg11 : memref<80x64xf32, #tpu.memory_space<vmem>>)
    %dma_wait3A_44 = arith.constant 0 : i32
    %dma_wait3A_45 = arith.constant 0 : i32
    %dma_wait3A_46 = tpu.memref_slice %arg5[%dma_wait3A_44, %dma_wait3A_45] : memref<320000x64xf32, #tpu.memory_space<hbm>> -> memref<80x64xf32, #tpu.memory_space<hbm>>
    %dma_wait3A_47 = arith.constant 0 : i32
    %dma_wait3A_48 = arith.constant 0 : i32
    %dma_wait3A_49 = tpu.memref_slice %arg5[%dma_wait3A_47, %dma_wait3A_48] : memref<320000x64xf32, #tpu.memory_space<hbm>> -> memref<80x64xf32, #tpu.memory_space<hbm>>
    tpu.wait_dma2 semaphore(%arg17 : memref<!tpu.dma_semaphore, #tpu.memory_space<semaphore_mem>>) src(%dma_wait3A_49 : memref<80x64xf32, #tpu.memory_space<hbm>>) dst(%arg13 : memref<80x64xf32, #tpu.memory_space<vmem>>)
    %dma_start3A_50 = arith.constant 122 : i32
    %dma_start3A_51 = arith.constant 0 : i32
    %dma_start3A_52 = tpu.memref_slice %arg10[%dma_start3A_50, %dma_start3A_51] : memref<125x80xi32, #tpu.memory_space<vmem>> -> memref<1x80xi32, #tpu.memory_space<vmem>>
    %dma_start3A_53 = tpu.memref_squeeze %dma_start3A_52 : memref<1x80xi32, #tpu.memory_space<vmem>> -> memref<80xi32, #tpu.memory_space<vmem>>
    %dma_start3A_54 = arith.constant 0 : i32
    %dma_start3A_55 = arith.constant 0 : i32
    %dma_start3A_56 = tpu.memref_slice %arg15[%dma_start3A_54, %dma_start3A_55] : memref<10240x64xf32, #tpu.memory_space<vmem_shared>> -> memref<10240x64xf32, #tpu.memory_space<vmem_shared>>
    tpu.enqueue_indirect_dma source(%arg11 : memref<80x64xf32, #tpu.memory_space<vmem>>) target(%dma_start3A_56 : memref<10240x64xf32, #tpu.memory_space<vmem_shared>>) offsets(%dma_start3A_53 : memref<80xi32, #tpu.memory_space<vmem>>) semaphore(%arg19 : memref<!tpu.dma_semaphore, #tpu.memory_space<semaphore_mem>>) {add = true}
    %dma_start3A_57 = arith.constant 122 : i32
    %dma_start3A_58 = arith.constant 0 : i32
    %dma_start3A_59 = tpu.memref_slice %arg10[%dma_start3A_57, %dma_start3A_58] : memref<125x80xi32, #tpu.memory_space<vmem>> -> memref<1x80xi32, #tpu.memory_space<vmem>>
    %dma_start3A_60 = tpu.memref_squeeze %dma_start3A_59 : memref<1x80xi32, #tpu.memory_space<vmem>> -> memref<80xi32, #tpu.memory_space<vmem>>
    %dma_start3A_61 = arith.constant 0 : i32
    %dma_start3A_62 = arith.constant 0 : i32
    %dma_start3A_63 = tpu.memref_slice %arg16[%dma_start3A_61, %dma_start3A_62] : memref<10240x64xf32, #tpu.memory_space<vmem_shared>> -> memref<10240x64xf32, #tpu.memory_space<vmem_shared>>
    tpu.enqueue_indirect_dma source(%arg13 : memref<80x64xf32, #tpu.memory_space<vmem>>) target(%dma_start3A_63 : memref<10240x64xf32, #tpu.memory_space<vmem_shared>>) offsets(%dma_start3A_60 : memref<80xi32, #tpu.memory_space<vmem>>) semaphore(%arg19 : memref<!tpu.dma_semaphore, #tpu.memory_space<semaphore_mem>>) {add = true}
    %dma_wait3A_64 = arith.constant 0 : i32
    %dma_wait3A_65 = arith.constant 0 : i32
    %dma_wait3A_66 = tpu.memref_slice %arg9[%dma_wait3A_64, %dma_wait3A_65] : memref<125x80xi32, #tpu.memory_space<vmem>> -> memref<1x80xi32, #tpu.memory_space<vmem>>
    %dma_wait3A_67 = tpu.memref_squeeze %dma_wait3A_66 : memref<1x80xi32, #tpu.memory_space<vmem>> -> memref<80xi32, #tpu.memory_space<vmem>>
    %dma_wait3A_68 = arith.constant 0 : i32
    %dma_wait3A_69 = arith.constant 0 : i32
    %dma_wait3A_70 = tpu.memref_slice %arg4[%dma_wait3A_68, %dma_wait3A_69] : memref<10000x64xf32, #tpu.memory_space<hbm>> -> memref<10000x64xf32, #tpu.memory_space<hbm>>
    tpu.wait_indirect_dma semaphore(%arg18 : memref<!tpu.dma_semaphore, #tpu.memory_space<semaphore_mem>>) src(%dma_wait3A_70 : memref<10000x64xf32, #tpu.memory_space<hbm>>) dst(%arg12 : memref<80x64xf32, #tpu.memory_space<vmem>>)
    %dma_wait3A_71 = arith.constant 0 : i32
    %dma_wait3A_72 = arith.constant 0 : i32
    %dma_wait3A_73 = tpu.memref_slice %arg5[%dma_wait3A_71, %dma_wait3A_72] : memref<320000x64xf32, #tpu.memory_space<hbm>> -> memref<80x64xf32, #tpu.memory_space<hbm>>
    %dma_wait3A_74 = arith.constant 0 : i32
    %dma_wait3A_75 = arith.constant 0 : i32
    %dma_wait3A_76 = tpu.memref_slice %arg5[%dma_wait3A_74, %dma_wait3A_75] : memref<320000x64xf32, #tpu.memory_space<hbm>> -> memref<80x64xf32, #tpu.memory_space<hbm>>
    tpu.wait_dma2 semaphore(%arg18 : memref<!tpu.dma_semaphore, #tpu.memory_space<semaphore_mem>>) src(%dma_wait3A_76 : memref<80x64xf32, #tpu.memory_space<hbm>>) dst(%arg14 : memref<80x64xf32, #tpu.memory_space<vmem>>)
    %dma_start3A_77 = arith.constant 123 : i32
    %dma_start3A_78 = arith.constant 0 : i32
    %dma_start3A_79 = tpu.memref_slice %arg10[%dma_start3A_77, %dma_start3A_78] : memref<125x80xi32, #tpu.memory_space<vmem>> -> memref<1x80xi32, #tpu.memory_space<vmem>>
    %dma_start3A_80 = tpu.memref_squeeze %dma_start3A_79 : memref<1x80xi32, #tpu.memory_space<vmem>> -> memref<80xi32, #tpu.memory_space<vmem>>
    %dma_start3A_81 = arith.constant 0 : i32
    %dma_start3A_82 = arith.constant 0 : i32
    %dma_start3A_83 = tpu.memref_slice %arg15[%dma_start3A_81, %dma_start3A_82] : memref<10240x64xf32, #tpu.memory_space<vmem_shared>> -> memref<10240x64xf32, #tpu.memory_space<vmem_shared>>
    tpu.enqueue_indirect_dma source(%arg12 : memref<80x64xf32, #tpu.memory_space<vmem>>) target(%dma_start3A_83 : memref<10240x64xf32, #tpu.memory_space<vmem_shared>>) offsets(%dma_start3A_80 : memref<80xi32, #tpu.memory_space<vmem>>) semaphore(%arg20 : memref<!tpu.dma_semaphore, #tpu.memory_space<semaphore_mem>>) {add = true}
    %dma_start3A_84 = arith.constant 123 : i32
    %dma_start3A_85 = arith.constant 0 : i32
    %dma_start3A_86 = tpu.memref_slice %arg10[%dma_start3A_84, %dma_start3A_85] : memref<125x80xi32, #tpu.memory_space<vmem>> -> memref<1x80xi32, #tpu.memory_space<vmem>>
    %dma_start3A_87 = tpu.memref_squeeze %dma_start3A_86 : memref<1x80xi32, #tpu.memory_space<vmem>> -> memref<80xi32, #tpu.memory_space<vmem>>
    %dma_start3A_88 = arith.constant 0 : i32
    %dma_start3A_89 = arith.constant 0 : i32
    %dma_start3A_90 = tpu.memref_slice %arg16[%dma_start3A_88, %dma_start3A_89] : memref<10240x64xf32, #tpu.memory_space<vmem_shared>> -> memref<10240x64xf32, #tpu.memory_space<vmem_shared>>
    tpu.enqueue_indirect_dma source(%arg14 : memref<80x64xf32, #tpu.memory_space<vmem>>) target(%dma_start3A_90 : memref<10240x64xf32, #tpu.memory_space<vmem_shared>>) offsets(%dma_start3A_87 : memref<80xi32, #tpu.memory_space<vmem>>) semaphore(%arg20 : memref<!tpu.dma_semaphore, #tpu.memory_space<semaphore_mem>>) {add = true}
    %dma_wait3A_91 = arith.constant 0 : i32
    %dma_wait3A_92 = arith.constant 0 : i32
    %dma_wait3A_93 = tpu.memref_slice %arg10[%dma_wait3A_91, %dma_wait3A_92] : memref<125x80xi32, #tpu.memory_space<vmem>> -> memref<1x80xi32, #tpu.memory_space<vmem>>
    %dma_wait3A_94 = tpu.memref_squeeze %dma_wait3A_93 : memref<1x80xi32, #tpu.memory_space<vmem>> -> memref<80xi32, #tpu.memory_space<vmem>>
    %dma_wait3A_95 = arith.constant 0 : i32
    %dma_wait3A_96 = arith.constant 0 : i32
    %dma_wait3A_97 = tpu.memref_slice %arg15[%dma_wait3A_95, %dma_wait3A_96] : memref<10240x64xf32, #tpu.memory_space<vmem_shared>> -> memref<10240x64xf32, #tpu.memory_space<vmem_shared>>
    tpu.wait_indirect_dma semaphore(%arg19 : memref<!tpu.dma_semaphore, #tpu.memory_space<semaphore_mem>>) src(%arg11 : memref<80x64xf32, #tpu.memory_space<vmem>>) dst(%dma_wait3A_97 : memref<10240x64xf32, #tpu.memory_space<vmem_shared>>)
    %dma_wait3A_98 = arith.constant 0 : i32
    %dma_wait3A_99 = arith.constant 0 : i32
    %dma_wait3A_100 = tpu.memref_slice %arg10[%dma_wait3A_98, %dma_wait3A_99] : memref<125x80xi32, #tpu.memory_space<vmem>> -> memref<1x80xi32, #tpu.memory_space<vmem>>
    %dma_wait3A_101 = tpu.memref_squeeze %dma_wait3A_100 : memref<1x80xi32, #tpu.memory_space<vmem>> -> memref<80xi32, #tpu.memory_space<vmem>>
    %dma_wait3A_102 = arith.constant 0 : i32
    %dma_wait3A_103 = arith.constant 0 : i32
    %dma_wait3A_104 = tpu.memref_slice %arg16[%dma_wait3A_102, %dma_wait3A_103] : memref<10240x64xf32, #tpu.memory_space<vmem_shared>> -> memref<10240x64xf32, #tpu.memory_space<vmem_shared>>
    tpu.wait_indirect_dma semaphore(%arg19 : memref<!tpu.dma_semaphore, #tpu.memory_space<semaphore_mem>>) src(%arg13 : memref<80x64xf32, #tpu.memory_space<vmem>>) dst(%dma_wait3A_104 : memref<10240x64xf32, #tpu.memory_space<vmem_shared>>)
    %dma_start3A_105 = arith.constant 124 : i32
    %dma_start3A_106 = arith.constant 0 : i32
    %dma_start3A_107 = tpu.memref_slice %arg9[%dma_start3A_105, %dma_start3A_106] : memref<125x80xi32, #tpu.memory_space<vmem>> -> memref<1x80xi32, #tpu.memory_space<vmem>>
    %dma_start3A_108 = tpu.memref_squeeze %dma_start3A_107 : memref<1x80xi32, #tpu.memory_space<vmem>> -> memref<80xi32, #tpu.memory_space<vmem>>
    %dma_start3A_109 = arith.constant 0 : i32
    %dma_start3A_110 = arith.constant 0 : i32
    %dma_start3A_111 = tpu.memref_slice %arg4[%dma_start3A_109, %dma_start3A_110] : memref<10000x64xf32, #tpu.memory_space<hbm>> -> memref<10000x64xf32, #tpu.memory_space<hbm>>
    tpu.enqueue_indirect_dma source(%dma_start3A_111 : memref<10000x64xf32, #tpu.memory_space<hbm>>) target(%arg11 : memref<80x64xf32, #tpu.memory_space<vmem>>) offsets(%dma_start3A_108 : memref<80xi32, #tpu.memory_space<vmem>>) semaphore(%arg17 : memref<!tpu.dma_semaphore, #tpu.memory_space<semaphore_mem>>)
    %add3A_112 = arith.constant 9920 : i32
    %add3A_113 = arith.addi %mul3A_2, %add3A_112 : i32
    %dma_start3A_114 = arith.constant 0 : i32
    %dma_start3A_115 = tpu.memref_slice %arg5[%add3A_113, %dma_start3A_114] : memref<320000x64xf32, #tpu.memory_space<hbm>> -> memref<80x64xf32, #tpu.memory_space<hbm>>
    %dma_start3A_116 = arith.constant 0 : i32
    %dma_start3A_117 = tpu.memref_slice %arg5[%add3A_113, %dma_start3A_116] : memref<320000x64xf32, #tpu.memory_space<hbm>> -> memref<80x64xf32, #tpu.memory_space<hbm>>
    tpu.enqueue_dma source(%dma_start3A_117 : memref<80x64xf32, #tpu.memory_space<hbm>>) target(%arg13 : memref<80x64xf32, #tpu.memory_space<vmem>>) target_semaphore(%arg17 : memref<!tpu.dma_semaphore, #tpu.memory_space<semaphore_mem>>)
    %dma_wait3A_118 = arith.constant 0 : i32
    %dma_wait3A_119 = arith.constant 0 : i32
    %dma_wait3A_120 = tpu.memref_slice %arg9[%dma_wait3A_118, %dma_wait3A_119] : memref<125x80xi32, #tpu.memory_space<vmem>> -> memref<1x80xi32, #tpu.memory_space<vmem>>
    %dma_wait3A_121 = tpu.memref_squeeze %dma_wait3A_120 : memref<1x80xi32, #tpu.memory_space<vmem>> -> memref<80xi32, #tpu.memory_space<vmem>>
    %dma_wait3A_122 = arith.constant 0 : i32
    %dma_wait3A_123 = arith.constant 0 : i32
    %dma_wait3A_124 = tpu.memref_slice %arg4[%dma_wait3A_122, %dma_wait3A_123] : memref<10000x64xf32, #tpu.memory_space<hbm>> -> memref<10000x64xf32, #tpu.memory_space<hbm>>
    tpu.wait_indirect_dma semaphore(%arg17 : memref<!tpu.dma_semaphore, #tpu.memory_space<semaphore_mem>>) src(%dma_wait3A_124 : memref<10000x64xf32, #tpu.memory_space<hbm>>) dst(%arg11 : memref<80x64xf32, #tpu.memory_space<vmem>>)
    %dma_wait3A_125 = arith.constant 0 : i32
    %dma_wait3A_126 = arith.constant 0 : i32
    %dma_wait3A_127 = tpu.memref_slice %arg5[%dma_wait3A_125, %dma_wait3A_126] : memref<320000x64xf32, #tpu.memory_space<hbm>> -> memref<80x64xf32, #tpu.memory_space<hbm>>
    %dma_wait3A_128 = arith.constant 0 : i32
    %dma_wait3A_129 = arith.constant 0 : i32
    %dma_wait3A_130 = tpu.memref_slice %arg5[%dma_wait3A_128, %dma_wait3A_129] : memref<320000x64xf32, #tpu.memory_space<hbm>> -> memref<80x64xf32, #tpu.memory_space<hbm>>
    tpu.wait_dma2 semaphore(%arg17 : memref<!tpu.dma_semaphore, #tpu.memory_space<semaphore_mem>>) src(%dma_wait3A_130 : memref<80x64xf32, #tpu.memory_space<hbm>>) dst(%arg13 : memref<80x64xf32, #tpu.memory_space<vmem>>)
    %dma_start3A_131 = arith.constant 124 : i32
    %dma_start3A_132 = arith.constant 0 : i32
    %dma_start3A_133 = tpu.memref_slice %arg10[%dma_start3A_131, %dma_start3A_132] : memref<125x80xi32, #tpu.memory_space<vmem>> -> memref<1x80xi32, #tpu.memory_space<vmem>>
    %dma_start3A_134 = tpu.memref_squeeze %dma_start3A_133 : memref<1x80xi32, #tpu.memory_space<vmem>> -> memref<80xi32, #tpu.memory_space<vmem>>
    %dma_start3A_135 = arith.constant 0 : i32
    %dma_start3A_136 = arith.constant 0 : i32
    %dma_start3A_137 = tpu.memref_slice %arg15[%dma_start3A_135, %dma_start3A_136] : memref<10240x64xf32, #tpu.memory_space<vmem_shared>> -> memref<10240x64xf32, #tpu.memory_space<vmem_shared>>
    tpu.enqueue_indirect_dma source(%arg11 : memref<80x64xf32, #tpu.memory_space<vmem>>) target(%dma_start3A_137 : memref<10240x64xf32, #tpu.memory_space<vmem_shared>>) offsets(%dma_start3A_134 : memref<80xi32, #tpu.memory_space<vmem>>) semaphore(%arg19 : memref<!tpu.dma_semaphore, #tpu.memory_space<semaphore_mem>>) {add = true}
    %dma_start3A_138 = arith.constant 124 : i32
    %dma_start3A_139 = arith.constant 0 : i32
    %dma_start3A_140 = tpu.memref_slice %arg10[%dma_start3A_138, %dma_start3A_139] : memref<125x80xi32, #tpu.memory_space<vmem>> -> memref<1x80xi32, #tpu.memory_space<vmem>>
    %dma_start3A_141 = tpu.memref_squeeze %dma_start3A_140 : memref<1x80xi32, #tpu.memory_space<vmem>> -> memref<80xi32, #tpu.memory_space<vmem>>
    %dma_start3A_142 = arith.constant 0 : i32
    %dma_start3A_143 = arith.constant 0 : i32
    %dma_start3A_144 = tpu.memref_slice %arg16[%dma_start3A_142, %dma_start3A_143] : memref<10240x64xf32, #tpu.memory_space<vmem_shared>> -> memref<10240x64xf32, #tpu.memory_space<vmem_shared>>
    tpu.enqueue_indirect_dma source(%arg13 : memref<80x64xf32, #tpu.memory_space<vmem>>) target(%dma_start3A_144 : memref<10240x64xf32, #tpu.memory_space<vmem_shared>>) offsets(%dma_start3A_141 : memref<80xi32, #tpu.memory_space<vmem>>) semaphore(%arg19 : memref<!tpu.dma_semaphore, #tpu.memory_space<semaphore_mem>>) {add = true}
    %dma_wait3A_145 = arith.constant 0 : i32
    %dma_wait3A_146 = arith.constant 0 : i32
    %dma_wait3A_147 = tpu.memref_slice %arg10[%dma_wait3A_145, %dma_wait3A_146] : memref<125x80xi32, #tpu.memory_space<vmem>> -> memref<1x80xi32, #tpu.memory_space<vmem>>
    %dma_wait3A_148 = tpu.memref_squeeze %dma_wait3A_147 : memref<1x80xi32, #tpu.memory_space<vmem>> -> memref<80xi32, #tpu.memory_space<vmem>>
    %dma_wait3A_149 = arith.constant 0 : i32
    %dma_wait3A_150 = arith.constant 0 : i32
    %dma_wait3A_151 = tpu.memref_slice %arg15[%dma_wait3A_149, %dma_wait3A_150] : memref<10240x64xf32, #tpu.memory_space<vmem_shared>> -> memref<10240x64xf32, #tpu.memory_space<vmem_shared>>
    tpu.wait_indirect_dma semaphore(%arg19 : memref<!tpu.dma_semaphore, #tpu.memory_space<semaphore_mem>>) src(%arg11 : memref<80x64xf32, #tpu.memory_space<vmem>>) dst(%dma_wait3A_151 : memref<10240x64xf32, #tpu.memory_space<vmem_shared>>)
    %dma_wait3A_152 = arith.constant 0 : i32
    %dma_wait3A_153 = arith.constant 0 : i32
    %dma_wait3A_154 = tpu.memref_slice %arg10[%dma_wait3A_152, %dma_wait3A_153] : memref<125x80xi32, #tpu.memory_space<vmem>> -> memref<1x80xi32, #tpu.memory_space<vmem>>
    %dma_wait3A_155 = tpu.memref_squeeze %dma_wait3A_154 : memref<1x80xi32, #tpu.memory_space<vmem>> -> memref<80xi32, #tpu.memory_space<vmem>>
    %dma_wait3A_156 = arith.constant 0 : i32
    %dma_wait3A_157 = arith.constant 0 : i32
    %dma_wait3A_158 = tpu.memref_slice %arg16[%dma_wait3A_156, %dma_wait3A_157] : memref<10240x64xf32, #tpu.memory_space<vmem_shared>> -> memref<10240x64xf32, #tpu.memory_space<vmem_shared>>
    tpu.wait_indirect_dma semaphore(%arg19 : memref<!tpu.dma_semaphore, #tpu.memory_space<semaphore_mem>>) src(%arg13 : memref<80x64xf32, #tpu.memory_space<vmem>>) dst(%dma_wait3A_158 : memref<10240x64xf32, #tpu.memory_space<vmem_shared>>)
    %dma_wait3A_159 = arith.constant 0 : i32
    %dma_wait3A_160 = arith.constant 0 : i32
    %dma_wait3A_161 = tpu.memref_slice %arg10[%dma_wait3A_159, %dma_wait3A_160] : memref<125x80xi32, #tpu.memory_space<vmem>> -> memref<1x80xi32, #tpu.memory_space<vmem>>
    %dma_wait3A_162 = tpu.memref_squeeze %dma_wait3A_161 : memref<1x80xi32, #tpu.memory_space<vmem>> -> memref<80xi32, #tpu.memory_space<vmem>>
    %dma_wait3A_163 = arith.constant 0 : i32
    %dma_wait3A_164 = arith.constant 0 : i32
    %dma_wait3A_165 = tpu.memref_slice %arg15[%dma_wait3A_163, %dma_wait3A_164] : memref<10240x64xf32, #tpu.memory_space<vmem_shared>> -> memref<10240x64xf32, #tpu.memory_space<vmem_shared>>
    tpu.wait_indirect_dma semaphore(%arg20 : memref<!tpu.dma_semaphore, #tpu.memory_space<semaphore_mem>>) src(%arg12 : memref<80x64xf32, #tpu.memory_space<vmem>>) dst(%dma_wait3A_165 : memref<10240x64xf32, #tpu.memory_space<vmem_shared>>)
    %dma_wait3A_166 = arith.constant 0 : i32
    %dma_wait3A_167 = arith.constant 0 : i32
    %dma_wait3A_168 = tpu.memref_slice %arg10[%dma_wait3A_166, %dma_wait3A_167] : memref<125x80xi32, #tpu.memory_space<vmem>> -> memref<1x80xi32, #tpu.memory_space<vmem>>
    %dma_wait3A_169 = tpu.memref_squeeze %dma_wait3A_168 : memref<1x80xi32, #tpu.memory_space<vmem>> -> memref<80xi32, #tpu.memory_space<vmem>>
    %dma_wait3A_170 = arith.constant 0 : i32
    %dma_wait3A_171 = arith.constant 0 : i32
    %dma_wait3A_172 = tpu.memref_slice %arg16[%dma_wait3A_170, %dma_wait3A_171] : memref<10240x64xf32, #tpu.memory_space<vmem_shared>> -> memref<10240x64xf32, #tpu.memory_space<vmem_shared>>
    tpu.wait_indirect_dma semaphore(%arg20 : memref<!tpu.dma_semaphore, #tpu.memory_space<semaphore_mem>>) src(%arg14 : memref<80x64xf32, #tpu.memory_space<vmem>>) dst(%dma_wait3A_172 : memref<10240x64xf32, #tpu.memory_space<vmem_shared>>)
    %barrier3A_173 = arith.constant 0 : index
    tpu.barrier barrier_id(%barrier3A_173)
    %mul3A_174 = arith.constant 640 : i32
    %mul3A_175 = arith.muli %arg1, %mul3A_174 : i32
    %mul3A_176 = arith.constant 640 : i32
    %mul3A_177 = arith.muli %arg1, %mul3A_176 : i32
    "tpu.region"() ({
      %run_scoped3A = tpu.sem_alloc : memref<!tpu.dma_semaphore, #tpu.memory_space<semaphore_mem>>
      %dma_start3A_182 = arith.constant 0 : i32
      %dma_start3A_183 = tpu.memref_slice %arg7[%arg0, %mul3A_177, %dma_start3A_182] : memref<2x10240x64xf32, #tpu.memory_space<hbm>> -> memref<1x640x64xf32, #tpu.memory_space<hbm>>
      %dma_start3A_184 = tpu.memref_squeeze %dma_start3A_183 : memref<1x640x64xf32, #tpu.memory_space<hbm>> -> memref<640x64xf32, #tpu.memory_space<hbm>>
      %dma_start3A_185 = arith.constant 0 : i32
      %dma_start3A_186 = tpu.memref_slice %arg15[%mul3A_175, %dma_start3A_185] : memref<10240x64xf32, #tpu.memory_space<vmem_shared>> -> memref<640x64xf32, #tpu.memory_space<vmem_shared>>
      tpu.enqueue_dma source(%dma_start3A_186 : memref<640x64xf32, #tpu.memory_space<vmem_shared>>) target(%dma_start3A_184 : memref<640x64xf32, #tpu.memory_space<hbm>>) target_semaphore(%run_scoped3A : memref<!tpu.dma_semaphore, #tpu.memory_space<semaphore_mem>>)
      %dma_wait3A_187 = arith.constant 0 : i32
      %dma_wait3A_188 = tpu.memref_slice %arg7[%arg0, %mul3A_177, %dma_wait3A_187] : memref<2x10240x64xf32, #tpu.memory_space<hbm>> -> memref<1x640x64xf32, #tpu.memory_space<hbm>>
      %dma_wait3A_189 = tpu.memref_squeeze %dma_wait3A_188 : memref<1x640x64xf32, #tpu.memory_space<hbm>> -> memref<640x64xf32, #tpu.memory_space<hbm>>
      %dma_wait3A_190 = arith.constant 0 : i32
      %dma_wait3A_191 = tpu.memref_slice %arg15[%mul3A_175, %dma_wait3A_190] : memref<10240x64xf32, #tpu.memory_space<vmem_shared>> -> memref<640x64xf32, #tpu.memory_space<vmem_shared>>
      tpu.wait_dma2 semaphore(%run_scoped3A : memref<!tpu.dma_semaphore, #tpu.memory_space<semaphore_mem>>) src(%dma_wait3A_191 : memref<640x64xf32, #tpu.memory_space<vmem_shared>>) dst(%dma_wait3A_189 : memref<640x64xf32, #tpu.memory_space<hbm>>)
      tpu.yield
    }) : () -> ()
    %mul3A_178 = arith.constant 640 : i32
    %mul3A_179 = arith.muli %arg1, %mul3A_178 : i32
    %mul3A_180 = arith.constant 640 : i32
    %mul3A_181 = arith.muli %arg1, %mul3A_180 : i32
    "tpu.region"() ({
      %run_scoped3A = tpu.sem_alloc : memref<!tpu.dma_semaphore, #tpu.memory_space<semaphore_mem>>
      %dma_start3A_182 = arith.constant 0 : i32
      %dma_start3A_183 = tpu.memref_slice %arg8[%arg0, %mul3A_181, %dma_start3A_182] : memref<2x10240x64xf32, #tpu.memory_space<hbm>> -> memref<1x640x64xf32, #tpu.memory_space<hbm>>
      %dma_start3A_184 = tpu.memref_squeeze %dma_start3A_183 : memref<1x640x64xf32, #tpu.memory_space<hbm>> -> memref<640x64xf32, #tpu.memory_space<hbm>>
      %dma_start3A_185 = arith.constant 0 : i32
      %dma_start3A_186 = tpu.memref_slice %arg16[%mul3A_179, %dma_start3A_185] : memref<10240x64xf32, #tpu.memory_space<vmem_shared>> -> memref<640x64xf32, #tpu.memory_space<vmem_shared>>
      tpu.enqueue_dma source(%dma_start3A_186 : memref<640x64xf32, #tpu.memory_space<vmem_shared>>) target(%dma_start3A_184 : memref<640x64xf32, #tpu.memory_space<hbm>>) target_semaphore(%run_scoped3A : memref<!tpu.dma_semaphore, #tpu.memory_space<semaphore_mem>>)
      %dma_wait3A_187 = arith.constant 0 : i32
      %dma_wait3A_188 = tpu.memref_slice %arg8[%arg0, %mul3A_181, %dma_wait3A_187] : memref<2x10240x64xf32, #tpu.memory_space<hbm>> -> memref<1x640x64xf32, #tpu.memory_space<hbm>>
      %dma_wait3A_189 = tpu.memref_squeeze %dma_wait3A_188 : memref<1x640x64xf32, #tpu.memory_space<hbm>> -> memref<640x64xf32, #tpu.memory_space<hbm>>
      %dma_wait3A_190 = arith.constant 0 : i32
      %dma_wait3A_191 = tpu.memref_slice %arg16[%mul3A_179, %dma_wait3A_190] : memref<10240x64xf32, #tpu.memory_space<vmem_shared>> -> memref<640x64xf32, #tpu.memory_space<vmem_shared>>
      tpu.wait_dma2 semaphore(%run_scoped3A : memref<!tpu.dma_semaphore, #tpu.memory_space<semaphore_mem>>) src(%dma_wait3A_191 : memref<640x64xf32, #tpu.memory_space<vmem_shared>>) dst(%dma_wait3A_189 : memref<640x64xf32, #tpu.memory_space<hbm>>)
      tpu.yield
    }) : () -> ()
    return
  }
}

#map = affine_map<(d0, d1) -> (0, 0, 0)>
#map1 = affine_map<(d0, d1) -> (0, 0)>
module attributes {stable_mosaic.version = 14 : i64} {
  func.func @k(%arg0: i32, %arg1: i32, %arg2: memref<32x125x80xi32, #tpu.memory_space<hbm>>, %arg3: memref<32x125x80xi32, #tpu.memory_space<hbm>>, %arg4: memref<10000x64xf32, #tpu.memory_space<hbm>>, %arg5: memref<10000x64xf32, #tpu.memory_space<hbm>>, %arg6: memref<320000x64xf32, #tpu.memory_space<hbm>>, %arg7: memref<320000x64xf32, #tpu.memory_space<hbm>>, %arg8: memref<125x80xi32, #tpu.memory_space<vmem>>, %arg9: memref<125x80xi32, #tpu.memory_space<vmem>>, %arg10: memref<80x64xf32, #tpu.memory_space<vmem>>, %arg11: memref<80x64xf32, #tpu.memory_space<vmem>>, %arg12: memref<80x64xf32, #tpu.memory_space<vmem>>, %arg13: memref<80x64xf32, #tpu.memory_space<vmem>>, %arg14: memref<!tpu.dma_semaphore, #tpu.memory_space<semaphore_mem>>, %arg15: memref<!tpu.dma_semaphore, #tpu.memory_space<semaphore_mem>>, %arg16: memref<!tpu.dma_semaphore, #tpu.memory_space<semaphore_mem>>, %arg17: memref<!tpu.dma_semaphore, #tpu.memory_space<semaphore_mem>>) attributes {dimension_semantics = [#tpu.dimension_semantics<core_parallel>, #tpu.dimension_semantics<subcore_parallel>], iteration_bounds = array<i64: 2, 16>, scalar_prefetch = 0 : i64, scratch_operands = 10 : i64, tpu.core_type = #tpu.core_type<sc_vector_subcore>, window_params = [{transform_indices = #map}, {transform_indices = #map}, {transform_indices = #map1}, {transform_indices = #map1}, {transform_indices = #map1}, {transform_indices = #map1}]} {
    %mul3A = arith.constant 2 : i32
    %mul3A_0 = arith.muli %arg1, %mul3A : i32
    %add3A = arith.addi %mul3A_0, %arg0 : i32
    %mul3A_1 = arith.constant 10000 : i32
    %mul3A_2 = arith.muli %add3A, %mul3A_1 : i32
    "tpu.region"() ({
      %run_scoped3A = tpu.sem_alloc : memref<!tpu.dma_semaphore, #tpu.memory_space<semaphore_mem>>
      %dma_start3A_157 = arith.constant 0 : i32
      %dma_start3A_158 = arith.constant 0 : i32
      %dma_start3A_159 = tpu.memref_slice %arg2[%add3A, %dma_start3A_157, %dma_start3A_158] : memref<32x125x80xi32, #tpu.memory_space<hbm>> -> memref<1x125x80xi32, #tpu.memory_space<hbm>>
      %dma_start3A_160 = tpu.memref_squeeze %dma_start3A_159 : memref<1x125x80xi32, #tpu.memory_space<hbm>> -> memref<125x80xi32, #tpu.memory_space<hbm>>
      %dma_start3A_161 = arith.constant 0 : i32
      %dma_start3A_162 = arith.constant 0 : i32
      %dma_start3A_163 = tpu.memref_slice %arg2[%add3A, %dma_start3A_161, %dma_start3A_162] : memref<32x125x80xi32, #tpu.memory_space<hbm>> -> memref<1x125x80xi32, #tpu.memory_space<hbm>>
      %dma_start3A_164 = tpu.memref_squeeze %dma_start3A_163 : memref<1x125x80xi32, #tpu.memory_space<hbm>> -> memref<125x80xi32, #tpu.memory_space<hbm>>
      tpu.enqueue_dma source(%dma_start3A_164 : memref<125x80xi32, #tpu.memory_space<hbm>>) target(%arg8 : memref<125x80xi32, #tpu.memory_space<vmem>>) target_semaphore(%run_scoped3A : memref<!tpu.dma_semaphore, #tpu.memory_space<semaphore_mem>>)
      %dma_wait3A_165 = arith.constant 0 : i32
      %dma_wait3A_166 = arith.constant 0 : i32
      %dma_wait3A_167 = tpu.memref_slice %arg2[%add3A, %dma_wait3A_165, %dma_wait3A_166] : memref<32x125x80xi32, #tpu.memory_space<hbm>> -> memref<1x125x80xi32, #tpu.memory_space<hbm>>
      %dma_wait3A_168 = tpu.memref_squeeze %dma_wait3A_167 : memref<1x125x80xi32, #tpu.memory_space<hbm>> -> memref<125x80xi32, #tpu.memory_space<hbm>>
      %dma_wait3A_169 = arith.constant 0 : i32
      %dma_wait3A_170 = arith.constant 0 : i32
      %dma_wait3A_171 = tpu.memref_slice %arg2[%add3A, %dma_wait3A_169, %dma_wait3A_170] : memref<32x125x80xi32, #tpu.memory_space<hbm>> -> memref<1x125x80xi32, #tpu.memory_space<hbm>>
      %dma_wait3A_172 = tpu.memref_squeeze %dma_wait3A_171 : memref<1x125x80xi32, #tpu.memory_space<hbm>> -> memref<125x80xi32, #tpu.memory_space<hbm>>
      tpu.wait_dma2 semaphore(%run_scoped3A : memref<!tpu.dma_semaphore, #tpu.memory_space<semaphore_mem>>) src(%dma_wait3A_172 : memref<125x80xi32, #tpu.memory_space<hbm>>) dst(%arg8 : memref<125x80xi32, #tpu.memory_space<vmem>>)
      tpu.yield
    }) : () -> ()
    "tpu.region"() ({
      %run_scoped3A = tpu.sem_alloc : memref<!tpu.dma_semaphore, #tpu.memory_space<semaphore_mem>>
      %dma_start3A_157 = arith.constant 0 : i32
      %dma_start3A_158 = arith.constant 0 : i32
      %dma_start3A_159 = tpu.memref_slice %arg3[%add3A, %dma_start3A_157, %dma_start3A_158] : memref<32x125x80xi32, #tpu.memory_space<hbm>> -> memref<1x125x80xi32, #tpu.memory_space<hbm>>
      %dma_start3A_160 = tpu.memref_squeeze %dma_start3A_159 : memref<1x125x80xi32, #tpu.memory_space<hbm>> -> memref<125x80xi32, #tpu.memory_space<hbm>>
      %dma_start3A_161 = arith.constant 0 : i32
      %dma_start3A_162 = arith.constant 0 : i32
      %dma_start3A_163 = tpu.memref_slice %arg3[%add3A, %dma_start3A_161, %dma_start3A_162] : memref<32x125x80xi32, #tpu.memory_space<hbm>> -> memref<1x125x80xi32, #tpu.memory_space<hbm>>
      %dma_start3A_164 = tpu.memref_squeeze %dma_start3A_163 : memref<1x125x80xi32, #tpu.memory_space<hbm>> -> memref<125x80xi32, #tpu.memory_space<hbm>>
      tpu.enqueue_dma source(%dma_start3A_164 : memref<125x80xi32, #tpu.memory_space<hbm>>) target(%arg9 : memref<125x80xi32, #tpu.memory_space<vmem>>) target_semaphore(%run_scoped3A : memref<!tpu.dma_semaphore, #tpu.memory_space<semaphore_mem>>)
      %dma_wait3A_165 = arith.constant 0 : i32
      %dma_wait3A_166 = arith.constant 0 : i32
      %dma_wait3A_167 = tpu.memref_slice %arg3[%add3A, %dma_wait3A_165, %dma_wait3A_166] : memref<32x125x80xi32, #tpu.memory_space<hbm>> -> memref<1x125x80xi32, #tpu.memory_space<hbm>>
      %dma_wait3A_168 = tpu.memref_squeeze %dma_wait3A_167 : memref<1x125x80xi32, #tpu.memory_space<hbm>> -> memref<125x80xi32, #tpu.memory_space<hbm>>
      %dma_wait3A_169 = arith.constant 0 : i32
      %dma_wait3A_170 = arith.constant 0 : i32
      %dma_wait3A_171 = tpu.memref_slice %arg3[%add3A, %dma_wait3A_169, %dma_wait3A_170] : memref<32x125x80xi32, #tpu.memory_space<hbm>> -> memref<1x125x80xi32, #tpu.memory_space<hbm>>
      %dma_wait3A_172 = tpu.memref_squeeze %dma_wait3A_171 : memref<1x125x80xi32, #tpu.memory_space<hbm>> -> memref<125x80xi32, #tpu.memory_space<hbm>>
      tpu.wait_dma2 semaphore(%run_scoped3A : memref<!tpu.dma_semaphore, #tpu.memory_space<semaphore_mem>>) src(%dma_wait3A_172 : memref<125x80xi32, #tpu.memory_space<hbm>>) dst(%arg9 : memref<125x80xi32, #tpu.memory_space<vmem>>)
      tpu.yield
    }) : () -> ()
    %dma_start3A = arith.constant 0 : i32
    %dma_start3A_3 = arith.constant 0 : i32
    %dma_start3A_4 = tpu.memref_slice %arg8[%dma_start3A, %dma_start3A_3] : memref<125x80xi32, #tpu.memory_space<vmem>> -> memref<1x80xi32, #tpu.memory_space<vmem>>
    %dma_start3A_5 = tpu.memref_squeeze %dma_start3A_4 : memref<1x80xi32, #tpu.memory_space<vmem>> -> memref<80xi32, #tpu.memory_space<vmem>>
    %dma_start3A_6 = arith.constant 0 : i32
    %dma_start3A_7 = arith.constant 0 : i32
    %dma_start3A_8 = tpu.memref_slice %arg4[%dma_start3A_6, %dma_start3A_7] : memref<10000x64xf32, #tpu.memory_space<hbm>> -> memref<10000x64xf32, #tpu.memory_space<hbm>>
    tpu.enqueue_indirect_dma source(%dma_start3A_8 : memref<10000x64xf32, #tpu.memory_space<hbm>>) target(%arg10 : memref<80x64xf32, #tpu.memory_space<vmem>>) offsets(%dma_start3A_5 : memref<80xi32, #tpu.memory_space<vmem>>) semaphore(%arg14 : memref<!tpu.dma_semaphore, #tpu.memory_space<semaphore_mem>>)
    %dma_start3A_9 = arith.constant 0 : i32
    %dma_start3A_10 = arith.constant 0 : i32
    %dma_start3A_11 = tpu.memref_slice %arg9[%dma_start3A_9, %dma_start3A_10] : memref<125x80xi32, #tpu.memory_space<vmem>> -> memref<1x80xi32, #tpu.memory_space<vmem>>
    %dma_start3A_12 = tpu.memref_squeeze %dma_start3A_11 : memref<1x80xi32, #tpu.memory_space<vmem>> -> memref<80xi32, #tpu.memory_space<vmem>>
    %dma_start3A_13 = arith.constant 0 : i32
    %dma_start3A_14 = arith.constant 0 : i32
    %dma_start3A_15 = tpu.memref_slice %arg5[%dma_start3A_13, %dma_start3A_14] : memref<10000x64xf32, #tpu.memory_space<hbm>> -> memref<10000x64xf32, #tpu.memory_space<hbm>>
    tpu.enqueue_indirect_dma source(%dma_start3A_15 : memref<10000x64xf32, #tpu.memory_space<hbm>>) target(%arg12 : memref<80x64xf32, #tpu.memory_space<vmem>>) offsets(%dma_start3A_12 : memref<80xi32, #tpu.memory_space<vmem>>) semaphore(%arg14 : memref<!tpu.dma_semaphore, #tpu.memory_space<semaphore_mem>>)
    %dma_start3A_16 = arith.constant 1 : i32
    %dma_start3A_17 = arith.constant 0 : i32
    %dma_start3A_18 = tpu.memref_slice %arg8[%dma_start3A_16, %dma_start3A_17] : memref<125x80xi32, #tpu.memory_space<vmem>> -> memref<1x80xi32, #tpu.memory_space<vmem>>
    %dma_start3A_19 = tpu.memref_squeeze %dma_start3A_18 : memref<1x80xi32, #tpu.memory_space<vmem>> -> memref<80xi32, #tpu.memory_space<vmem>>
    %dma_start3A_20 = arith.constant 0 : i32
    %dma_start3A_21 = arith.constant 0 : i32
    %dma_start3A_22 = tpu.memref_slice %arg4[%dma_start3A_20, %dma_start3A_21] : memref<10000x64xf32, #tpu.memory_space<hbm>> -> memref<10000x64xf32, #tpu.memory_space<hbm>>
    tpu.enqueue_indirect_dma source(%dma_start3A_22 : memref<10000x64xf32, #tpu.memory_space<hbm>>) target(%arg11 : memref<80x64xf32, #tpu.memory_space<vmem>>) offsets(%dma_start3A_19 : memref<80xi32, #tpu.memory_space<vmem>>) semaphore(%arg15 : memref<!tpu.dma_semaphore, #tpu.memory_space<semaphore_mem>>)
    %dma_start3A_23 = arith.constant 1 : i32
    %dma_start3A_24 = arith.constant 0 : i32
    %dma_start3A_25 = tpu.memref_slice %arg9[%dma_start3A_23, %dma_start3A_24] : memref<125x80xi32, #tpu.memory_space<vmem>> -> memref<1x80xi32, #tpu.memory_space<vmem>>
    %dma_start3A_26 = tpu.memref_squeeze %dma_start3A_25 : memref<1x80xi32, #tpu.memory_space<vmem>> -> memref<80xi32, #tpu.memory_space<vmem>>
    %dma_start3A_27 = arith.constant 0 : i32
    %dma_start3A_28 = arith.constant 0 : i32
    %dma_start3A_29 = tpu.memref_slice %arg5[%dma_start3A_27, %dma_start3A_28] : memref<10000x64xf32, #tpu.memory_space<hbm>> -> memref<10000x64xf32, #tpu.memory_space<hbm>>
    tpu.enqueue_indirect_dma source(%dma_start3A_29 : memref<10000x64xf32, #tpu.memory_space<hbm>>) target(%arg13 : memref<80x64xf32, #tpu.memory_space<vmem>>) offsets(%dma_start3A_26 : memref<80xi32, #tpu.memory_space<vmem>>) semaphore(%arg15 : memref<!tpu.dma_semaphore, #tpu.memory_space<semaphore_mem>>)
    %scan3A = arith.constant 0 : i32
    %scan3A_30 = arith.constant 1 : i32
    %scan3A_31 = arith.constant 61 : i32
    %scan3A_32 = arith.addi %scan3A_30, %scan3A_31 : i32
    %scan3A_33 = arith.constant 1 : i32
    %scan3A_34 = scf.for %scan3A_157 = %scan3A_30 to %scan3A_32 step %scan3A_33 iter_args(%scan3A_158 = %scan3A) -> (i32)  : i32 {
      %mul3A_159 = arith.constant 2 : i32
      %mul3A_160 = arith.muli %mul3A_159, %scan3A_157 : i32
      %dma_wait3A_161 = arith.constant 0 : i32
      %dma_wait3A_162 = arith.constant 0 : i32
      %dma_wait3A_163 = tpu.memref_slice %arg8[%dma_wait3A_161, %dma_wait3A_162] : memref<125x80xi32, #tpu.memory_space<vmem>> -> memref<1x80xi32, #tpu.memory_space<vmem>>
      %dma_wait3A_164 = tpu.memref_squeeze %dma_wait3A_163 : memref<1x80xi32, #tpu.memory_space<vmem>> -> memref<80xi32, #tpu.memory_space<vmem>>
      %dma_wait3A_165 = arith.constant 0 : i32
      %dma_wait3A_166 = arith.constant 0 : i32
      %dma_wait3A_167 = tpu.memref_slice %arg4[%dma_wait3A_165, %dma_wait3A_166] : memref<10000x64xf32, #tpu.memory_space<hbm>> -> memref<10000x64xf32, #tpu.memory_space<hbm>>
      tpu.wait_indirect_dma semaphore(%arg14 : memref<!tpu.dma_semaphore, #tpu.memory_space<semaphore_mem>>) src(%dma_wait3A_167 : memref<10000x64xf32, #tpu.memory_space<hbm>>) dst(%arg10 : memref<80x64xf32, #tpu.memory_space<vmem>>)
      %dma_wait3A_168 = arith.constant 0 : i32
      %dma_wait3A_169 = arith.constant 0 : i32
      %dma_wait3A_170 = tpu.memref_slice %arg9[%dma_wait3A_168, %dma_wait3A_169] : memref<125x80xi32, #tpu.memory_space<vmem>> -> memref<1x80xi32, #tpu.memory_space<vmem>>
      %dma_wait3A_171 = tpu.memref_squeeze %dma_wait3A_170 : memref<1x80xi32, #tpu.memory_space<vmem>> -> memref<80xi32, #tpu.memory_space<vmem>>
      %dma_wait3A_172 = arith.constant 0 : i32
      %dma_wait3A_173 = arith.constant 0 : i32
      %dma_wait3A_174 = tpu.memref_slice %arg5[%dma_wait3A_172, %dma_wait3A_173] : memref<10000x64xf32, #tpu.memory_space<hbm>> -> memref<10000x64xf32, #tpu.memory_space<hbm>>
      tpu.wait_indirect_dma semaphore(%arg14 : memref<!tpu.dma_semaphore, #tpu.memory_space<semaphore_mem>>) src(%dma_wait3A_174 : memref<10000x64xf32, #tpu.memory_space<hbm>>) dst(%arg12 : memref<80x64xf32, #tpu.memory_space<vmem>>)
      %sub3A = arith.constant 2 : i32
      %sub3A_175 = arith.subi %mul3A_160, %sub3A : i32
      %mul3A_176 = arith.constant 80 : i32
      %mul3A_177 = arith.muli %sub3A_175, %mul3A_176 : i32
      %add3A_178 = arith.addi %mul3A_2, %mul3A_177 : i32
      %dma_start3A_179 = arith.constant 0 : i32
      %dma_start3A_180 = tpu.memref_slice %arg6[%add3A_178, %dma_start3A_179] : memref<320000x64xf32, #tpu.memory_space<hbm>> -> memref<80x64xf32, #tpu.memory_space<hbm>>
      %dma_start3A_181 = arith.constant 0 : i32
      %dma_start3A_182 = tpu.memref_slice %arg6[%add3A_178, %dma_start3A_181] : memref<320000x64xf32, #tpu.memory_space<hbm>> -> memref<80x64xf32, #tpu.memory_space<hbm>>
      tpu.enqueue_dma source(%arg10 : memref<80x64xf32, #tpu.memory_space<vmem>>) target(%dma_start3A_182 : memref<80x64xf32, #tpu.memory_space<hbm>>) target_semaphore(%arg16 : memref<!tpu.dma_semaphore, #tpu.memory_space<semaphore_mem>>)
      %dma_start3A_183 = arith.constant 0 : i32
      %dma_start3A_184 = tpu.memref_slice %arg7[%add3A_178, %dma_start3A_183] : memref<320000x64xf32, #tpu.memory_space<hbm>> -> memref<80x64xf32, #tpu.memory_space<hbm>>
      %dma_start3A_185 = arith.constant 0 : i32
      %dma_start3A_186 = tpu.memref_slice %arg7[%add3A_178, %dma_start3A_185] : memref<320000x64xf32, #tpu.memory_space<hbm>> -> memref<80x64xf32, #tpu.memory_space<hbm>>
      tpu.enqueue_dma source(%arg12 : memref<80x64xf32, #tpu.memory_space<vmem>>) target(%dma_start3A_186 : memref<80x64xf32, #tpu.memory_space<hbm>>) target_semaphore(%arg16 : memref<!tpu.dma_semaphore, #tpu.memory_space<semaphore_mem>>)
      %dma_wait3A_187 = arith.constant 0 : i32
      %dma_wait3A_188 = arith.constant 0 : i32
      %dma_wait3A_189 = tpu.memref_slice %arg8[%dma_wait3A_187, %dma_wait3A_188] : memref<125x80xi32, #tpu.memory_space<vmem>> -> memref<1x80xi32, #tpu.memory_space<vmem>>
      %dma_wait3A_190 = tpu.memref_squeeze %dma_wait3A_189 : memref<1x80xi32, #tpu.memory_space<vmem>> -> memref<80xi32, #tpu.memory_space<vmem>>
      %dma_wait3A_191 = arith.constant 0 : i32
      %dma_wait3A_192 = arith.constant 0 : i32
      %dma_wait3A_193 = tpu.memref_slice %arg4[%dma_wait3A_191, %dma_wait3A_192] : memref<10000x64xf32, #tpu.memory_space<hbm>> -> memref<10000x64xf32, #tpu.memory_space<hbm>>
      tpu.wait_indirect_dma semaphore(%arg15 : memref<!tpu.dma_semaphore, #tpu.memory_space<semaphore_mem>>) src(%dma_wait3A_193 : memref<10000x64xf32, #tpu.memory_space<hbm>>) dst(%arg11 : memref<80x64xf32, #tpu.memory_space<vmem>>)
      %dma_wait3A_194 = arith.constant 0 : i32
      %dma_wait3A_195 = arith.constant 0 : i32
      %dma_wait3A_196 = tpu.memref_slice %arg9[%dma_wait3A_194, %dma_wait3A_195] : memref<125x80xi32, #tpu.memory_space<vmem>> -> memref<1x80xi32, #tpu.memory_space<vmem>>
      %dma_wait3A_197 = tpu.memref_squeeze %dma_wait3A_196 : memref<1x80xi32, #tpu.memory_space<vmem>> -> memref<80xi32, #tpu.memory_space<vmem>>
      %dma_wait3A_198 = arith.constant 0 : i32
      %dma_wait3A_199 = arith.constant 0 : i32
      %dma_wait3A_200 = tpu.memref_slice %arg5[%dma_wait3A_198, %dma_wait3A_199] : memref<10000x64xf32, #tpu.memory_space<hbm>> -> memref<10000x64xf32, #tpu.memory_space<hbm>>
      tpu.wait_indirect_dma semaphore(%arg15 : memref<!tpu.dma_semaphore, #tpu.memory_space<semaphore_mem>>) src(%dma_wait3A_200 : memref<10000x64xf32, #tpu.memory_space<hbm>>) dst(%arg13 : memref<80x64xf32, #tpu.memory_space<vmem>>)
      %sub3A_201 = arith.constant 1 : i32
      %sub3A_202 = arith.subi %mul3A_160, %sub3A_201 : i32
      %mul3A_203 = arith.constant 80 : i32
      %mul3A_204 = arith.muli %sub3A_202, %mul3A_203 : i32
      %add3A_205 = arith.addi %mul3A_2, %mul3A_204 : i32
      %dma_start3A_206 = arith.constant 0 : i32
      %dma_start3A_207 = tpu.memref_slice %arg6[%add3A_205, %dma_start3A_206] : memref<320000x64xf32, #tpu.memory_space<hbm>> -> memref<80x64xf32, #tpu.memory_space<hbm>>
      %dma_start3A_208 = arith.constant 0 : i32
      %dma_start3A_209 = tpu.memref_slice %arg6[%add3A_205, %dma_start3A_208] : memref<320000x64xf32, #tpu.memory_space<hbm>> -> memref<80x64xf32, #tpu.memory_space<hbm>>
      tpu.enqueue_dma source(%arg11 : memref<80x64xf32, #tpu.memory_space<vmem>>) target(%dma_start3A_209 : memref<80x64xf32, #tpu.memory_space<hbm>>) target_semaphore(%arg17 : memref<!tpu.dma_semaphore, #tpu.memory_space<semaphore_mem>>)
      %dma_start3A_210 = arith.constant 0 : i32
      %dma_start3A_211 = tpu.memref_slice %arg7[%add3A_205, %dma_start3A_210] : memref<320000x64xf32, #tpu.memory_space<hbm>> -> memref<80x64xf32, #tpu.memory_space<hbm>>
      %dma_start3A_212 = arith.constant 0 : i32
      %dma_start3A_213 = tpu.memref_slice %arg7[%add3A_205, %dma_start3A_212] : memref<320000x64xf32, #tpu.memory_space<hbm>> -> memref<80x64xf32, #tpu.memory_space<hbm>>
      tpu.enqueue_dma source(%arg13 : memref<80x64xf32, #tpu.memory_space<vmem>>) target(%dma_start3A_213 : memref<80x64xf32, #tpu.memory_space<hbm>>) target_semaphore(%arg17 : memref<!tpu.dma_semaphore, #tpu.memory_space<semaphore_mem>>)
      %dma_wait3A_214 = arith.constant 0 : i32
      %dma_wait3A_215 = arith.constant 0 : i32
      %dma_wait3A_216 = tpu.memref_slice %arg6[%dma_wait3A_214, %dma_wait3A_215] : memref<320000x64xf32, #tpu.memory_space<hbm>> -> memref<80x64xf32, #tpu.memory_space<hbm>>
      %dma_wait3A_217 = arith.constant 0 : i32
      %dma_wait3A_218 = arith.constant 0 : i32
      %dma_wait3A_219 = tpu.memref_slice %arg6[%dma_wait3A_217, %dma_wait3A_218] : memref<320000x64xf32, #tpu.memory_space<hbm>> -> memref<80x64xf32, #tpu.memory_space<hbm>>
      tpu.wait_dma2 semaphore(%arg16 : memref<!tpu.dma_semaphore, #tpu.memory_space<semaphore_mem>>) src(%arg10 : memref<80x64xf32, #tpu.memory_space<vmem>>) dst(%dma_wait3A_219 : memref<80x64xf32, #tpu.memory_space<hbm>>)
      %dma_wait3A_220 = arith.constant 0 : i32
      %dma_wait3A_221 = arith.constant 0 : i32
      %dma_wait3A_222 = tpu.memref_slice %arg7[%dma_wait3A_220, %dma_wait3A_221] : memref<320000x64xf32, #tpu.memory_space<hbm>> -> memref<80x64xf32, #tpu.memory_space<hbm>>
      %dma_wait3A_223 = arith.constant 0 : i32
      %dma_wait3A_224 = arith.constant 0 : i32
      %dma_wait3A_225 = tpu.memref_slice %arg7[%dma_wait3A_223, %dma_wait3A_224] : memref<320000x64xf32, #tpu.memory_space<hbm>> -> memref<80x64xf32, #tpu.memory_space<hbm>>
      tpu.wait_dma2 semaphore(%arg16 : memref<!tpu.dma_semaphore, #tpu.memory_space<semaphore_mem>>) src(%arg12 : memref<80x64xf32, #tpu.memory_space<vmem>>) dst(%dma_wait3A_225 : memref<80x64xf32, #tpu.memory_space<hbm>>)
      %dma_start3A_226 = arith.constant 0 : i32
      %dma_start3A_227 = tpu.memref_slice %arg8[%mul3A_160, %dma_start3A_226] : memref<125x80xi32, #tpu.memory_space<vmem>> -> memref<1x80xi32, #tpu.memory_space<vmem>>
      %dma_start3A_228 = tpu.memref_squeeze %dma_start3A_227 : memref<1x80xi32, #tpu.memory_space<vmem>> -> memref<80xi32, #tpu.memory_space<vmem>>
      %dma_start3A_229 = arith.constant 0 : i32
      %dma_start3A_230 = arith.constant 0 : i32
      %dma_start3A_231 = tpu.memref_slice %arg4[%dma_start3A_229, %dma_start3A_230] : memref<10000x64xf32, #tpu.memory_space<hbm>> -> memref<10000x64xf32, #tpu.memory_space<hbm>>
      tpu.enqueue_indirect_dma source(%dma_start3A_231 : memref<10000x64xf32, #tpu.memory_space<hbm>>) target(%arg10 : memref<80x64xf32, #tpu.memory_space<vmem>>) offsets(%dma_start3A_228 : memref<80xi32, #tpu.memory_space<vmem>>) semaphore(%arg14 : memref<!tpu.dma_semaphore, #tpu.memory_space<semaphore_mem>>)
      %dma_start3A_232 = arith.constant 0 : i32
      %dma_start3A_233 = tpu.memref_slice %arg9[%mul3A_160, %dma_start3A_232] : memref<125x80xi32, #tpu.memory_space<vmem>> -> memref<1x80xi32, #tpu.memory_space<vmem>>
      %dma_start3A_234 = tpu.memref_squeeze %dma_start3A_233 : memref<1x80xi32, #tpu.memory_space<vmem>> -> memref<80xi32, #tpu.memory_space<vmem>>
      %dma_start3A_235 = arith.constant 0 : i32
      %dma_start3A_236 = arith.constant 0 : i32
      %dma_start3A_237 = tpu.memref_slice %arg5[%dma_start3A_235, %dma_start3A_236] : memref<10000x64xf32, #tpu.memory_space<hbm>> -> memref<10000x64xf32, #tpu.memory_space<hbm>>
      tpu.enqueue_indirect_dma source(%dma_start3A_237 : memref<10000x64xf32, #tpu.memory_space<hbm>>) target(%arg12 : memref<80x64xf32, #tpu.memory_space<vmem>>) offsets(%dma_start3A_234 : memref<80xi32, #tpu.memory_space<vmem>>) semaphore(%arg14 : memref<!tpu.dma_semaphore, #tpu.memory_space<semaphore_mem>>)
      %dma_wait3A_238 = arith.constant 0 : i32
      %dma_wait3A_239 = arith.constant 0 : i32
      %dma_wait3A_240 = tpu.memref_slice %arg6[%dma_wait3A_238, %dma_wait3A_239] : memref<320000x64xf32, #tpu.memory_space<hbm>> -> memref<80x64xf32, #tpu.memory_space<hbm>>
      %dma_wait3A_241 = arith.constant 0 : i32
      %dma_wait3A_242 = arith.constant 0 : i32
      %dma_wait3A_243 = tpu.memref_slice %arg6[%dma_wait3A_241, %dma_wait3A_242] : memref<320000x64xf32, #tpu.memory_space<hbm>> -> memref<80x64xf32, #tpu.memory_space<hbm>>
      tpu.wait_dma2 semaphore(%arg17 : memref<!tpu.dma_semaphore, #tpu.memory_space<semaphore_mem>>) src(%arg11 : memref<80x64xf32, #tpu.memory_space<vmem>>) dst(%dma_wait3A_243 : memref<80x64xf32, #tpu.memory_space<hbm>>)
      %dma_wait3A_244 = arith.constant 0 : i32
      %dma_wait3A_245 = arith.constant 0 : i32
      %dma_wait3A_246 = tpu.memref_slice %arg7[%dma_wait3A_244, %dma_wait3A_245] : memref<320000x64xf32, #tpu.memory_space<hbm>> -> memref<80x64xf32, #tpu.memory_space<hbm>>
      %dma_wait3A_247 = arith.constant 0 : i32
      %dma_wait3A_248 = arith.constant 0 : i32
      %dma_wait3A_249 = tpu.memref_slice %arg7[%dma_wait3A_247, %dma_wait3A_248] : memref<320000x64xf32, #tpu.memory_space<hbm>> -> memref<80x64xf32, #tpu.memory_space<hbm>>
      tpu.wait_dma2 semaphore(%arg17 : memref<!tpu.dma_semaphore, #tpu.memory_space<semaphore_mem>>) src(%arg13 : memref<80x64xf32, #tpu.memory_space<vmem>>) dst(%dma_wait3A_249 : memref<80x64xf32, #tpu.memory_space<hbm>>)
      %add3A_250 = arith.constant 1 : i32
      %add3A_251 = arith.addi %mul3A_160, %add3A_250 : i32
      %dma_start3A_252 = arith.constant 0 : i32
      %dma_start3A_253 = tpu.memref_slice %arg8[%add3A_251, %dma_start3A_252] : memref<125x80xi32, #tpu.memory_space<vmem>> -> memref<1x80xi32, #tpu.memory_space<vmem>>
      %dma_start3A_254 = tpu.memref_squeeze %dma_start3A_253 : memref<1x80xi32, #tpu.memory_space<vmem>> -> memref<80xi32, #tpu.memory_space<vmem>>
      %dma_start3A_255 = arith.constant 0 : i32
      %dma_start3A_256 = arith.constant 0 : i32
      %dma_start3A_257 = tpu.memref_slice %arg4[%dma_start3A_255, %dma_start3A_256] : memref<10000x64xf32, #tpu.memory_space<hbm>> -> memref<10000x64xf32, #tpu.memory_space<hbm>>
      tpu.enqueue_indirect_dma source(%dma_start3A_257 : memref<10000x64xf32, #tpu.memory_space<hbm>>) target(%arg11 : memref<80x64xf32, #tpu.memory_space<vmem>>) offsets(%dma_start3A_254 : memref<80xi32, #tpu.memory_space<vmem>>) semaphore(%arg15 : memref<!tpu.dma_semaphore, #tpu.memory_space<semaphore_mem>>)
      %dma_start3A_258 = arith.constant 0 : i32
      %dma_start3A_259 = tpu.memref_slice %arg9[%add3A_251, %dma_start3A_258] : memref<125x80xi32, #tpu.memory_space<vmem>> -> memref<1x80xi32, #tpu.memory_space<vmem>>
      %dma_start3A_260 = tpu.memref_squeeze %dma_start3A_259 : memref<1x80xi32, #tpu.memory_space<vmem>> -> memref<80xi32, #tpu.memory_space<vmem>>
      %dma_start3A_261 = arith.constant 0 : i32
      %dma_start3A_262 = arith.constant 0 : i32
      %dma_start3A_263 = tpu.memref_slice %arg5[%dma_start3A_261, %dma_start3A_262] : memref<10000x64xf32, #tpu.memory_space<hbm>> -> memref<10000x64xf32, #tpu.memory_space<hbm>>
      tpu.enqueue_indirect_dma source(%dma_start3A_263 : memref<10000x64xf32, #tpu.memory_space<hbm>>) target(%arg13 : memref<80x64xf32, #tpu.memory_space<vmem>>) offsets(%dma_start3A_260 : memref<80xi32, #tpu.memory_space<vmem>>) semaphore(%arg15 : memref<!tpu.dma_semaphore, #tpu.memory_space<semaphore_mem>>)
      %scan3A_264 = arith.constant 0 : i32
      scf.yield %scan3A_264 : i32
    }
    %scan3A_35 = arith.constant 61 : i32
    %dma_wait3A = arith.constant 0 : i32
    %dma_wait3A_36 = arith.constant 0 : i32
    %dma_wait3A_37 = tpu.memref_slice %arg8[%dma_wait3A, %dma_wait3A_36] : memref<125x80xi32, #tpu.memory_space<vmem>> -> memref<1x80xi32, #tpu.memory_space<vmem>>
    %dma_wait3A_38 = tpu.memref_squeeze %dma_wait3A_37 : memref<1x80xi32, #tpu.memory_space<vmem>> -> memref<80xi32, #tpu.memory_space<vmem>>
    %dma_wait3A_39 = arith.constant 0 : i32
    %dma_wait3A_40 = arith.constant 0 : i32
    %dma_wait3A_41 = tpu.memref_slice %arg4[%dma_wait3A_39, %dma_wait3A_40] : memref<10000x64xf32, #tpu.memory_space<hbm>> -> memref<10000x64xf32, #tpu.memory_space<hbm>>
    tpu.wait_indirect_dma semaphore(%arg14 : memref<!tpu.dma_semaphore, #tpu.memory_space<semaphore_mem>>) src(%dma_wait3A_41 : memref<10000x64xf32, #tpu.memory_space<hbm>>) dst(%arg10 : memref<80x64xf32, #tpu.memory_space<vmem>>)
    %dma_wait3A_42 = arith.constant 0 : i32
    %dma_wait3A_43 = arith.constant 0 : i32
    %dma_wait3A_44 = tpu.memref_slice %arg9[%dma_wait3A_42, %dma_wait3A_43] : memref<125x80xi32, #tpu.memory_space<vmem>> -> memref<1x80xi32, #tpu.memory_space<vmem>>
    %dma_wait3A_45 = tpu.memref_squeeze %dma_wait3A_44 : memref<1x80xi32, #tpu.memory_space<vmem>> -> memref<80xi32, #tpu.memory_space<vmem>>
    %dma_wait3A_46 = arith.constant 0 : i32
    %dma_wait3A_47 = arith.constant 0 : i32
    %dma_wait3A_48 = tpu.memref_slice %arg5[%dma_wait3A_46, %dma_wait3A_47] : memref<10000x64xf32, #tpu.memory_space<hbm>> -> memref<10000x64xf32, #tpu.memory_space<hbm>>
    tpu.wait_indirect_dma semaphore(%arg14 : memref<!tpu.dma_semaphore, #tpu.memory_space<semaphore_mem>>) src(%dma_wait3A_48 : memref<10000x64xf32, #tpu.memory_space<hbm>>) dst(%arg12 : memref<80x64xf32, #tpu.memory_space<vmem>>)
    %add3A_49 = arith.constant 9760 : i32
    %add3A_50 = arith.addi %mul3A_2, %add3A_49 : i32
    %dma_start3A_51 = arith.constant 0 : i32
    %dma_start3A_52 = tpu.memref_slice %arg6[%add3A_50, %dma_start3A_51] : memref<320000x64xf32, #tpu.memory_space<hbm>> -> memref<80x64xf32, #tpu.memory_space<hbm>>
    %dma_start3A_53 = arith.constant 0 : i32
    %dma_start3A_54 = tpu.memref_slice %arg6[%add3A_50, %dma_start3A_53] : memref<320000x64xf32, #tpu.memory_space<hbm>> -> memref<80x64xf32, #tpu.memory_space<hbm>>
    tpu.enqueue_dma source(%arg10 : memref<80x64xf32, #tpu.memory_space<vmem>>) target(%dma_start3A_54 : memref<80x64xf32, #tpu.memory_space<hbm>>) target_semaphore(%arg16 : memref<!tpu.dma_semaphore, #tpu.memory_space<semaphore_mem>>)
    %dma_start3A_55 = arith.constant 0 : i32
    %dma_start3A_56 = tpu.memref_slice %arg7[%add3A_50, %dma_start3A_55] : memref<320000x64xf32, #tpu.memory_space<hbm>> -> memref<80x64xf32, #tpu.memory_space<hbm>>
    %dma_start3A_57 = arith.constant 0 : i32
    %dma_start3A_58 = tpu.memref_slice %arg7[%add3A_50, %dma_start3A_57] : memref<320000x64xf32, #tpu.memory_space<hbm>> -> memref<80x64xf32, #tpu.memory_space<hbm>>
    tpu.enqueue_dma source(%arg12 : memref<80x64xf32, #tpu.memory_space<vmem>>) target(%dma_start3A_58 : memref<80x64xf32, #tpu.memory_space<hbm>>) target_semaphore(%arg16 : memref<!tpu.dma_semaphore, #tpu.memory_space<semaphore_mem>>)
    %dma_wait3A_59 = arith.constant 0 : i32
    %dma_wait3A_60 = arith.constant 0 : i32
    %dma_wait3A_61 = tpu.memref_slice %arg8[%dma_wait3A_59, %dma_wait3A_60] : memref<125x80xi32, #tpu.memory_space<vmem>> -> memref<1x80xi32, #tpu.memory_space<vmem>>
    %dma_wait3A_62 = tpu.memref_squeeze %dma_wait3A_61 : memref<1x80xi32, #tpu.memory_space<vmem>> -> memref<80xi32, #tpu.memory_space<vmem>>
    %dma_wait3A_63 = arith.constant 0 : i32
    %dma_wait3A_64 = arith.constant 0 : i32
    %dma_wait3A_65 = tpu.memref_slice %arg4[%dma_wait3A_63, %dma_wait3A_64] : memref<10000x64xf32, #tpu.memory_space<hbm>> -> memref<10000x64xf32, #tpu.memory_space<hbm>>
    tpu.wait_indirect_dma semaphore(%arg15 : memref<!tpu.dma_semaphore, #tpu.memory_space<semaphore_mem>>) src(%dma_wait3A_65 : memref<10000x64xf32, #tpu.memory_space<hbm>>) dst(%arg11 : memref<80x64xf32, #tpu.memory_space<vmem>>)
    %dma_wait3A_66 = arith.constant 0 : i32
    %dma_wait3A_67 = arith.constant 0 : i32
    %dma_wait3A_68 = tpu.memref_slice %arg9[%dma_wait3A_66, %dma_wait3A_67] : memref<125x80xi32, #tpu.memory_space<vmem>> -> memref<1x80xi32, #tpu.memory_space<vmem>>
    %dma_wait3A_69 = tpu.memref_squeeze %dma_wait3A_68 : memref<1x80xi32, #tpu.memory_space<vmem>> -> memref<80xi32, #tpu.memory_space<vmem>>
    %dma_wait3A_70 = arith.constant 0 : i32
    %dma_wait3A_71 = arith.constant 0 : i32
    %dma_wait3A_72 = tpu.memref_slice %arg5[%dma_wait3A_70, %dma_wait3A_71] : memref<10000x64xf32, #tpu.memory_space<hbm>> -> memref<10000x64xf32, #tpu.memory_space<hbm>>
    tpu.wait_indirect_dma semaphore(%arg15 : memref<!tpu.dma_semaphore, #tpu.memory_space<semaphore_mem>>) src(%dma_wait3A_72 : memref<10000x64xf32, #tpu.memory_space<hbm>>) dst(%arg13 : memref<80x64xf32, #tpu.memory_space<vmem>>)
    %add3A_73 = arith.constant 9840 : i32
    %add3A_74 = arith.addi %mul3A_2, %add3A_73 : i32
    %dma_start3A_75 = arith.constant 0 : i32
    %dma_start3A_76 = tpu.memref_slice %arg6[%add3A_74, %dma_start3A_75] : memref<320000x64xf32, #tpu.memory_space<hbm>> -> memref<80x64xf32, #tpu.memory_space<hbm>>
    %dma_start3A_77 = arith.constant 0 : i32
    %dma_start3A_78 = tpu.memref_slice %arg6[%add3A_74, %dma_start3A_77] : memref<320000x64xf32, #tpu.memory_space<hbm>> -> memref<80x64xf32, #tpu.memory_space<hbm>>
    tpu.enqueue_dma source(%arg11 : memref<80x64xf32, #tpu.memory_space<vmem>>) target(%dma_start3A_78 : memref<80x64xf32, #tpu.memory_space<hbm>>) target_semaphore(%arg17 : memref<!tpu.dma_semaphore, #tpu.memory_space<semaphore_mem>>)
    %dma_start3A_79 = arith.constant 0 : i32
    %dma_start3A_80 = tpu.memref_slice %arg7[%add3A_74, %dma_start3A_79] : memref<320000x64xf32, #tpu.memory_space<hbm>> -> memref<80x64xf32, #tpu.memory_space<hbm>>
    %dma_start3A_81 = arith.constant 0 : i32
    %dma_start3A_82 = tpu.memref_slice %arg7[%add3A_74, %dma_start3A_81] : memref<320000x64xf32, #tpu.memory_space<hbm>> -> memref<80x64xf32, #tpu.memory_space<hbm>>
    tpu.enqueue_dma source(%arg13 : memref<80x64xf32, #tpu.memory_space<vmem>>) target(%dma_start3A_82 : memref<80x64xf32, #tpu.memory_space<hbm>>) target_semaphore(%arg17 : memref<!tpu.dma_semaphore, #tpu.memory_space<semaphore_mem>>)
    %dma_wait3A_83 = arith.constant 0 : i32
    %dma_wait3A_84 = arith.constant 0 : i32
    %dma_wait3A_85 = tpu.memref_slice %arg6[%dma_wait3A_83, %dma_wait3A_84] : memref<320000x64xf32, #tpu.memory_space<hbm>> -> memref<80x64xf32, #tpu.memory_space<hbm>>
    %dma_wait3A_86 = arith.constant 0 : i32
    %dma_wait3A_87 = arith.constant 0 : i32
    %dma_wait3A_88 = tpu.memref_slice %arg6[%dma_wait3A_86, %dma_wait3A_87] : memref<320000x64xf32, #tpu.memory_space<hbm>> -> memref<80x64xf32, #tpu.memory_space<hbm>>
    tpu.wait_dma2 semaphore(%arg16 : memref<!tpu.dma_semaphore, #tpu.memory_space<semaphore_mem>>) src(%arg10 : memref<80x64xf32, #tpu.memory_space<vmem>>) dst(%dma_wait3A_88 : memref<80x64xf32, #tpu.memory_space<hbm>>)
    %dma_wait3A_89 = arith.constant 0 : i32
    %dma_wait3A_90 = arith.constant 0 : i32
    %dma_wait3A_91 = tpu.memref_slice %arg7[%dma_wait3A_89, %dma_wait3A_90] : memref<320000x64xf32, #tpu.memory_space<hbm>> -> memref<80x64xf32, #tpu.memory_space<hbm>>
    %dma_wait3A_92 = arith.constant 0 : i32
    %dma_wait3A_93 = arith.constant 0 : i32
    %dma_wait3A_94 = tpu.memref_slice %arg7[%dma_wait3A_92, %dma_wait3A_93] : memref<320000x64xf32, #tpu.memory_space<hbm>> -> memref<80x64xf32, #tpu.memory_space<hbm>>
    tpu.wait_dma2 semaphore(%arg16 : memref<!tpu.dma_semaphore, #tpu.memory_space<semaphore_mem>>) src(%arg12 : memref<80x64xf32, #tpu.memory_space<vmem>>) dst(%dma_wait3A_94 : memref<80x64xf32, #tpu.memory_space<hbm>>)
    %dma_start3A_95 = arith.constant 124 : i32
    %dma_start3A_96 = arith.constant 0 : i32
    %dma_start3A_97 = tpu.memref_slice %arg8[%dma_start3A_95, %dma_start3A_96] : memref<125x80xi32, #tpu.memory_space<vmem>> -> memref<1x80xi32, #tpu.memory_space<vmem>>
    %dma_start3A_98 = tpu.memref_squeeze %dma_start3A_97 : memref<1x80xi32, #tpu.memory_space<vmem>> -> memref<80xi32, #tpu.memory_space<vmem>>
    %dma_start3A_99 = arith.constant 0 : i32
    %dma_start3A_100 = arith.constant 0 : i32
    %dma_start3A_101 = tpu.memref_slice %arg4[%dma_start3A_99, %dma_start3A_100] : memref<10000x64xf32, #tpu.memory_space<hbm>> -> memref<10000x64xf32, #tpu.memory_space<hbm>>
    tpu.enqueue_indirect_dma source(%dma_start3A_101 : memref<10000x64xf32, #tpu.memory_space<hbm>>) target(%arg10 : memref<80x64xf32, #tpu.memory_space<vmem>>) offsets(%dma_start3A_98 : memref<80xi32, #tpu.memory_space<vmem>>) semaphore(%arg14 : memref<!tpu.dma_semaphore, #tpu.memory_space<semaphore_mem>>)
    %dma_start3A_102 = arith.constant 124 : i32
    %dma_start3A_103 = arith.constant 0 : i32
    %dma_start3A_104 = tpu.memref_slice %arg9[%dma_start3A_102, %dma_start3A_103] : memref<125x80xi32, #tpu.memory_space<vmem>> -> memref<1x80xi32, #tpu.memory_space<vmem>>
    %dma_start3A_105 = tpu.memref_squeeze %dma_start3A_104 : memref<1x80xi32, #tpu.memory_space<vmem>> -> memref<80xi32, #tpu.memory_space<vmem>>
    %dma_start3A_106 = arith.constant 0 : i32
    %dma_start3A_107 = arith.constant 0 : i32
    %dma_start3A_108 = tpu.memref_slice %arg5[%dma_start3A_106, %dma_start3A_107] : memref<10000x64xf32, #tpu.memory_space<hbm>> -> memref<10000x64xf32, #tpu.memory_space<hbm>>
    tpu.enqueue_indirect_dma source(%dma_start3A_108 : memref<10000x64xf32, #tpu.memory_space<hbm>>) target(%arg12 : memref<80x64xf32, #tpu.memory_space<vmem>>) offsets(%dma_start3A_105 : memref<80xi32, #tpu.memory_space<vmem>>) semaphore(%arg14 : memref<!tpu.dma_semaphore, #tpu.memory_space<semaphore_mem>>)
    %dma_wait3A_109 = arith.constant 0 : i32
    %dma_wait3A_110 = arith.constant 0 : i32
    %dma_wait3A_111 = tpu.memref_slice %arg8[%dma_wait3A_109, %dma_wait3A_110] : memref<125x80xi32, #tpu.memory_space<vmem>> -> memref<1x80xi32, #tpu.memory_space<vmem>>
    %dma_wait3A_112 = tpu.memref_squeeze %dma_wait3A_111 : memref<1x80xi32, #tpu.memory_space<vmem>> -> memref<80xi32, #tpu.memory_space<vmem>>
    %dma_wait3A_113 = arith.constant 0 : i32
    %dma_wait3A_114 = arith.constant 0 : i32
    %dma_wait3A_115 = tpu.memref_slice %arg4[%dma_wait3A_113, %dma_wait3A_114] : memref<10000x64xf32, #tpu.memory_space<hbm>> -> memref<10000x64xf32, #tpu.memory_space<hbm>>
    tpu.wait_indirect_dma semaphore(%arg14 : memref<!tpu.dma_semaphore, #tpu.memory_space<semaphore_mem>>) src(%dma_wait3A_115 : memref<10000x64xf32, #tpu.memory_space<hbm>>) dst(%arg10 : memref<80x64xf32, #tpu.memory_space<vmem>>)
    %dma_wait3A_116 = arith.constant 0 : i32
    %dma_wait3A_117 = arith.constant 0 : i32
    %dma_wait3A_118 = tpu.memref_slice %arg9[%dma_wait3A_116, %dma_wait3A_117] : memref<125x80xi32, #tpu.memory_space<vmem>> -> memref<1x80xi32, #tpu.memory_space<vmem>>
    %dma_wait3A_119 = tpu.memref_squeeze %dma_wait3A_118 : memref<1x80xi32, #tpu.memory_space<vmem>> -> memref<80xi32, #tpu.memory_space<vmem>>
    %dma_wait3A_120 = arith.constant 0 : i32
    %dma_wait3A_121 = arith.constant 0 : i32
    %dma_wait3A_122 = tpu.memref_slice %arg5[%dma_wait3A_120, %dma_wait3A_121] : memref<10000x64xf32, #tpu.memory_space<hbm>> -> memref<10000x64xf32, #tpu.memory_space<hbm>>
    tpu.wait_indirect_dma semaphore(%arg14 : memref<!tpu.dma_semaphore, #tpu.memory_space<semaphore_mem>>) src(%dma_wait3A_122 : memref<10000x64xf32, #tpu.memory_space<hbm>>) dst(%arg12 : memref<80x64xf32, #tpu.memory_space<vmem>>)
    %add3A_123 = arith.constant 9920 : i32
    %add3A_124 = arith.addi %mul3A_2, %add3A_123 : i32
    %dma_start3A_125 = arith.constant 0 : i32
    %dma_start3A_126 = tpu.memref_slice %arg6[%add3A_124, %dma_start3A_125] : memref<320000x64xf32, #tpu.memory_space<hbm>> -> memref<80x64xf32, #tpu.memory_space<hbm>>
    %dma_start3A_127 = arith.constant 0 : i32
    %dma_start3A_128 = tpu.memref_slice %arg6[%add3A_124, %dma_start3A_127] : memref<320000x64xf32, #tpu.memory_space<hbm>> -> memref<80x64xf32, #tpu.memory_space<hbm>>
    tpu.enqueue_dma source(%arg10 : memref<80x64xf32, #tpu.memory_space<vmem>>) target(%dma_start3A_128 : memref<80x64xf32, #tpu.memory_space<hbm>>) target_semaphore(%arg16 : memref<!tpu.dma_semaphore, #tpu.memory_space<semaphore_mem>>)
    %dma_start3A_129 = arith.constant 0 : i32
    %dma_start3A_130 = tpu.memref_slice %arg7[%add3A_124, %dma_start3A_129] : memref<320000x64xf32, #tpu.memory_space<hbm>> -> memref<80x64xf32, #tpu.memory_space<hbm>>
    %dma_start3A_131 = arith.constant 0 : i32
    %dma_start3A_132 = tpu.memref_slice %arg7[%add3A_124, %dma_start3A_131] : memref<320000x64xf32, #tpu.memory_space<hbm>> -> memref<80x64xf32, #tpu.memory_space<hbm>>
    tpu.enqueue_dma source(%arg12 : memref<80x64xf32, #tpu.memory_space<vmem>>) target(%dma_start3A_132 : memref<80x64xf32, #tpu.memory_space<hbm>>) target_semaphore(%arg16 : memref<!tpu.dma_semaphore, #tpu.memory_space<semaphore_mem>>)
    %dma_wait3A_133 = arith.constant 0 : i32
    %dma_wait3A_134 = arith.constant 0 : i32
    %dma_wait3A_135 = tpu.memref_slice %arg6[%dma_wait3A_133, %dma_wait3A_134] : memref<320000x64xf32, #tpu.memory_space<hbm>> -> memref<80x64xf32, #tpu.memory_space<hbm>>
    %dma_wait3A_136 = arith.constant 0 : i32
    %dma_wait3A_137 = arith.constant 0 : i32
    %dma_wait3A_138 = tpu.memref_slice %arg6[%dma_wait3A_136, %dma_wait3A_137] : memref<320000x64xf32, #tpu.memory_space<hbm>> -> memref<80x64xf32, #tpu.memory_space<hbm>>
    tpu.wait_dma2 semaphore(%arg16 : memref<!tpu.dma_semaphore, #tpu.memory_space<semaphore_mem>>) src(%arg10 : memref<80x64xf32, #tpu.memory_space<vmem>>) dst(%dma_wait3A_138 : memref<80x64xf32, #tpu.memory_space<hbm>>)
    %dma_wait3A_139 = arith.constant 0 : i32
    %dma_wait3A_140 = arith.constant 0 : i32
    %dma_wait3A_141 = tpu.memref_slice %arg7[%dma_wait3A_139, %dma_wait3A_140] : memref<320000x64xf32, #tpu.memory_space<hbm>> -> memref<80x64xf32, #tpu.memory_space<hbm>>
    %dma_wait3A_142 = arith.constant 0 : i32
    %dma_wait3A_143 = arith.constant 0 : i32
    %dma_wait3A_144 = tpu.memref_slice %arg7[%dma_wait3A_142, %dma_wait3A_143] : memref<320000x64xf32, #tpu.memory_space<hbm>> -> memref<80x64xf32, #tpu.memory_space<hbm>>
    tpu.wait_dma2 semaphore(%arg16 : memref<!tpu.dma_semaphore, #tpu.memory_space<semaphore_mem>>) src(%arg12 : memref<80x64xf32, #tpu.memory_space<vmem>>) dst(%dma_wait3A_144 : memref<80x64xf32, #tpu.memory_space<hbm>>)
    %dma_wait3A_145 = arith.constant 0 : i32
    %dma_wait3A_146 = arith.constant 0 : i32
    %dma_wait3A_147 = tpu.memref_slice %arg6[%dma_wait3A_145, %dma_wait3A_146] : memref<320000x64xf32, #tpu.memory_space<hbm>> -> memref<80x64xf32, #tpu.memory_space<hbm>>
    %dma_wait3A_148 = arith.constant 0 : i32
    %dma_wait3A_149 = arith.constant 0 : i32
    %dma_wait3A_150 = tpu.memref_slice %arg6[%dma_wait3A_148, %dma_wait3A_149] : memref<320000x64xf32, #tpu.memory_space<hbm>> -> memref<80x64xf32, #tpu.memory_space<hbm>>
    tpu.wait_dma2 semaphore(%arg17 : memref<!tpu.dma_semaphore, #tpu.memory_space<semaphore_mem>>) src(%arg11 : memref<80x64xf32, #tpu.memory_space<vmem>>) dst(%dma_wait3A_150 : memref<80x64xf32, #tpu.memory_space<hbm>>)
    %dma_wait3A_151 = arith.constant 0 : i32
    %dma_wait3A_152 = arith.constant 0 : i32
    %dma_wait3A_153 = tpu.memref_slice %arg7[%dma_wait3A_151, %dma_wait3A_152] : memref<320000x64xf32, #tpu.memory_space<hbm>> -> memref<80x64xf32, #tpu.memory_space<hbm>>
    %dma_wait3A_154 = arith.constant 0 : i32
    %dma_wait3A_155 = arith.constant 0 : i32
    %dma_wait3A_156 = tpu.memref_slice %arg7[%dma_wait3A_154, %dma_wait3A_155] : memref<320000x64xf32, #tpu.memory_space<hbm>> -> memref<80x64xf32, #tpu.memory_space<hbm>>
    tpu.wait_dma2 semaphore(%arg17 : memref<!tpu.dma_semaphore, #tpu.memory_space<semaphore_mem>>) src(%arg13 : memref<80x64xf32, #tpu.memory_space<vmem>>) dst(%dma_wait3A_156 : memref<80x64xf32, #tpu.memory_space<hbm>>)
    return
  }
}

#map = affine_map<(d0, d1) -> (0)>
#map1 = affine_map<(d0, d1) -> (0, 0, 0)>
module attributes {stable_mosaic.version = 14 : i64} {
  func.func @k(%arg0: i32, %arg1: i32, %arg2: memref<10000xi32, #tpu.memory_space<hbm>>, %arg3: memref<32x125x80xi32, #tpu.memory_space<hbm>>, %arg4: memref<320000xi32, #tpu.memory_space<hbm>>, %arg5: memref<125x80xi32, #tpu.memory_space<vmem>>, %arg6: memref<80xi32, #tpu.memory_space<vmem>>, %arg7: memref<80xi32, #tpu.memory_space<vmem>>, %arg8: memref<!tpu.dma_semaphore, #tpu.memory_space<semaphore_mem>>, %arg9: memref<!tpu.dma_semaphore, #tpu.memory_space<semaphore_mem>>, %arg10: memref<!tpu.dma_semaphore, #tpu.memory_space<semaphore_mem>>, %arg11: memref<!tpu.dma_semaphore, #tpu.memory_space<semaphore_mem>>) attributes {dimension_semantics = [#tpu.dimension_semantics<core_parallel>, #tpu.dimension_semantics<subcore_parallel>], iteration_bounds = array<i64: 2, 16>, scalar_prefetch = 0 : i64, scratch_operands = 7 : i64, tpu.core_type = #tpu.core_type<sc_vector_subcore>, window_params = [{transform_indices = #map}, {transform_indices = #map1}, {transform_indices = #map}]} {
    %mul3A = arith.constant 2 : i32
    %mul3A_0 = arith.muli %arg1, %mul3A : i32
    %add3A = arith.addi %mul3A_0, %arg0 : i32
    %mul3A_1 = arith.constant 10000 : i32
    %mul3A_2 = arith.muli %add3A, %mul3A_1 : i32
    "tpu.region"() ({
      %run_scoped3A = tpu.sem_alloc : memref<!tpu.dma_semaphore, #tpu.memory_space<semaphore_mem>>
      %dma_start3A_67 = arith.constant 0 : i32
      %dma_start3A_68 = arith.constant 0 : i32
      %dma_start3A_69 = tpu.memref_slice %arg3[%add3A, %dma_start3A_67, %dma_start3A_68] : memref<32x125x80xi32, #tpu.memory_space<hbm>> -> memref<1x125x80xi32, #tpu.memory_space<hbm>>
      %dma_start3A_70 = tpu.memref_squeeze %dma_start3A_69 : memref<1x125x80xi32, #tpu.memory_space<hbm>> -> memref<125x80xi32, #tpu.memory_space<hbm>>
      %dma_start3A_71 = arith.constant 0 : i32
      %dma_start3A_72 = arith.constant 0 : i32
      %dma_start3A_73 = tpu.memref_slice %arg3[%add3A, %dma_start3A_71, %dma_start3A_72] : memref<32x125x80xi32, #tpu.memory_space<hbm>> -> memref<1x125x80xi32, #tpu.memory_space<hbm>>
      %dma_start3A_74 = tpu.memref_squeeze %dma_start3A_73 : memref<1x125x80xi32, #tpu.memory_space<hbm>> -> memref<125x80xi32, #tpu.memory_space<hbm>>
      tpu.enqueue_dma source(%dma_start3A_74 : memref<125x80xi32, #tpu.memory_space<hbm>>) target(%arg5 : memref<125x80xi32, #tpu.memory_space<vmem>>) target_semaphore(%run_scoped3A : memref<!tpu.dma_semaphore, #tpu.memory_space<semaphore_mem>>)
      %dma_wait3A_75 = arith.constant 0 : i32
      %dma_wait3A_76 = arith.constant 0 : i32
      %dma_wait3A_77 = tpu.memref_slice %arg3[%add3A, %dma_wait3A_75, %dma_wait3A_76] : memref<32x125x80xi32, #tpu.memory_space<hbm>> -> memref<1x125x80xi32, #tpu.memory_space<hbm>>
      %dma_wait3A_78 = tpu.memref_squeeze %dma_wait3A_77 : memref<1x125x80xi32, #tpu.memory_space<hbm>> -> memref<125x80xi32, #tpu.memory_space<hbm>>
      %dma_wait3A_79 = arith.constant 0 : i32
      %dma_wait3A_80 = arith.constant 0 : i32
      %dma_wait3A_81 = tpu.memref_slice %arg3[%add3A, %dma_wait3A_79, %dma_wait3A_80] : memref<32x125x80xi32, #tpu.memory_space<hbm>> -> memref<1x125x80xi32, #tpu.memory_space<hbm>>
      %dma_wait3A_82 = tpu.memref_squeeze %dma_wait3A_81 : memref<1x125x80xi32, #tpu.memory_space<hbm>> -> memref<125x80xi32, #tpu.memory_space<hbm>>
      tpu.wait_dma2 semaphore(%run_scoped3A : memref<!tpu.dma_semaphore, #tpu.memory_space<semaphore_mem>>) src(%dma_wait3A_82 : memref<125x80xi32, #tpu.memory_space<hbm>>) dst(%arg5 : memref<125x80xi32, #tpu.memory_space<vmem>>)
      tpu.yield
    }) : () -> ()
    %dma_start3A = arith.constant 0 : i32
    %dma_start3A_3 = arith.constant 0 : i32
    %dma_start3A_4 = tpu.memref_slice %arg5[%dma_start3A, %dma_start3A_3] : memref<125x80xi32, #tpu.memory_space<vmem>> -> memref<1x80xi32, #tpu.memory_space<vmem>>
    %dma_start3A_5 = tpu.memref_squeeze %dma_start3A_4 : memref<1x80xi32, #tpu.memory_space<vmem>> -> memref<80xi32, #tpu.memory_space<vmem>>
    %dma_start3A_6 = arith.constant 0 : i32
    %dma_start3A_7 = tpu.memref_slice %arg2[%dma_start3A_6] : memref<10000xi32, #tpu.memory_space<hbm>> -> memref<10000xi32, #tpu.memory_space<hbm>>
    tpu.enqueue_indirect_dma source(%dma_start3A_7 : memref<10000xi32, #tpu.memory_space<hbm>>) target(%arg6 : memref<80xi32, #tpu.memory_space<vmem>>) offsets(%dma_start3A_5 : memref<80xi32, #tpu.memory_space<vmem>>) semaphore(%arg8 : memref<!tpu.dma_semaphore, #tpu.memory_space<semaphore_mem>>)
    %dma_start3A_8 = arith.constant 1 : i32
    %dma_start3A_9 = arith.constant 0 : i32
    %dma_start3A_10 = tpu.memref_slice %arg5[%dma_start3A_8, %dma_start3A_9] : memref<125x80xi32, #tpu.memory_space<vmem>> -> memref<1x80xi32, #tpu.memory_space<vmem>>
    %dma_start3A_11 = tpu.memref_squeeze %dma_start3A_10 : memref<1x80xi32, #tpu.memory_space<vmem>> -> memref<80xi32, #tpu.memory_space<vmem>>
    %dma_start3A_12 = arith.constant 0 : i32
    %dma_start3A_13 = tpu.memref_slice %arg2[%dma_start3A_12] : memref<10000xi32, #tpu.memory_space<hbm>> -> memref<10000xi32, #tpu.memory_space<hbm>>
    tpu.enqueue_indirect_dma source(%dma_start3A_13 : memref<10000xi32, #tpu.memory_space<hbm>>) target(%arg7 : memref<80xi32, #tpu.memory_space<vmem>>) offsets(%dma_start3A_11 : memref<80xi32, #tpu.memory_space<vmem>>) semaphore(%arg9 : memref<!tpu.dma_semaphore, #tpu.memory_space<semaphore_mem>>)
    %scan3A = arith.constant 0 : i32
    %scan3A_14 = arith.constant 1 : i32
    %scan3A_15 = arith.constant 61 : i32
    %scan3A_16 = arith.addi %scan3A_14, %scan3A_15 : i32
    %scan3A_17 = arith.constant 1 : i32
    %scan3A_18 = scf.for %scan3A_67 = %scan3A_14 to %scan3A_16 step %scan3A_17 iter_args(%scan3A_68 = %scan3A) -> (i32)  : i32 {
      %mul3A_69 = arith.constant 2 : i32
      %mul3A_70 = arith.muli %mul3A_69, %scan3A_67 : i32
      %dma_wait3A_71 = arith.constant 0 : i32
      %dma_wait3A_72 = arith.constant 0 : i32
      %dma_wait3A_73 = tpu.memref_slice %arg5[%dma_wait3A_71, %dma_wait3A_72] : memref<125x80xi32, #tpu.memory_space<vmem>> -> memref<1x80xi32, #tpu.memory_space<vmem>>
      %dma_wait3A_74 = tpu.memref_squeeze %dma_wait3A_73 : memref<1x80xi32, #tpu.memory_space<vmem>> -> memref<80xi32, #tpu.memory_space<vmem>>
      %dma_wait3A_75 = arith.constant 0 : i32
      %dma_wait3A_76 = tpu.memref_slice %arg2[%dma_wait3A_75] : memref<10000xi32, #tpu.memory_space<hbm>> -> memref<10000xi32, #tpu.memory_space<hbm>>
      tpu.wait_indirect_dma semaphore(%arg8 : memref<!tpu.dma_semaphore, #tpu.memory_space<semaphore_mem>>) src(%dma_wait3A_76 : memref<10000xi32, #tpu.memory_space<hbm>>) dst(%arg6 : memref<80xi32, #tpu.memory_space<vmem>>)
      %sub3A = arith.constant 2 : i32
      %sub3A_77 = arith.subi %mul3A_70, %sub3A : i32
      %mul3A_78 = arith.constant 80 : i32
      %mul3A_79 = arith.muli %sub3A_77, %mul3A_78 : i32
      %add3A_80 = arith.addi %mul3A_2, %mul3A_79 : i32
      %dma_start3A_81 = tpu.memref_slice %arg4[%add3A_80] : memref<320000xi32, #tpu.memory_space<hbm>> -> memref<80xi32, #tpu.memory_space<hbm>>
      %dma_start3A_82 = tpu.memref_slice %arg4[%add3A_80] : memref<320000xi32, #tpu.memory_space<hbm>> -> memref<80xi32, #tpu.memory_space<hbm>>
      tpu.enqueue_dma source(%arg6 : memref<80xi32, #tpu.memory_space<vmem>>) target(%dma_start3A_82 : memref<80xi32, #tpu.memory_space<hbm>>) target_semaphore(%arg10 : memref<!tpu.dma_semaphore, #tpu.memory_space<semaphore_mem>>)
      %dma_wait3A_83 = arith.constant 0 : i32
      %dma_wait3A_84 = arith.constant 0 : i32
      %dma_wait3A_85 = tpu.memref_slice %arg5[%dma_wait3A_83, %dma_wait3A_84] : memref<125x80xi32, #tpu.memory_space<vmem>> -> memref<1x80xi32, #tpu.memory_space<vmem>>
      %dma_wait3A_86 = tpu.memref_squeeze %dma_wait3A_85 : memref<1x80xi32, #tpu.memory_space<vmem>> -> memref<80xi32, #tpu.memory_space<vmem>>
      %dma_wait3A_87 = arith.constant 0 : i32
      %dma_wait3A_88 = tpu.memref_slice %arg2[%dma_wait3A_87] : memref<10000xi32, #tpu.memory_space<hbm>> -> memref<10000xi32, #tpu.memory_space<hbm>>
      tpu.wait_indirect_dma semaphore(%arg9 : memref<!tpu.dma_semaphore, #tpu.memory_space<semaphore_mem>>) src(%dma_wait3A_88 : memref<10000xi32, #tpu.memory_space<hbm>>) dst(%arg7 : memref<80xi32, #tpu.memory_space<vmem>>)
      %sub3A_89 = arith.constant 1 : i32
      %sub3A_90 = arith.subi %mul3A_70, %sub3A_89 : i32
      %mul3A_91 = arith.constant 80 : i32
      %mul3A_92 = arith.muli %sub3A_90, %mul3A_91 : i32
      %add3A_93 = arith.addi %mul3A_2, %mul3A_92 : i32
      %dma_start3A_94 = tpu.memref_slice %arg4[%add3A_93] : memref<320000xi32, #tpu.memory_space<hbm>> -> memref<80xi32, #tpu.memory_space<hbm>>
      %dma_start3A_95 = tpu.memref_slice %arg4[%add3A_93] : memref<320000xi32, #tpu.memory_space<hbm>> -> memref<80xi32, #tpu.memory_space<hbm>>
      tpu.enqueue_dma source(%arg7 : memref<80xi32, #tpu.memory_space<vmem>>) target(%dma_start3A_95 : memref<80xi32, #tpu.memory_space<hbm>>) target_semaphore(%arg11 : memref<!tpu.dma_semaphore, #tpu.memory_space<semaphore_mem>>)
      %dma_wait3A_96 = arith.constant 0 : i32
      %dma_wait3A_97 = tpu.memref_slice %arg4[%dma_wait3A_96] : memref<320000xi32, #tpu.memory_space<hbm>> -> memref<80xi32, #tpu.memory_space<hbm>>
      %dma_wait3A_98 = arith.constant 0 : i32
      %dma_wait3A_99 = tpu.memref_slice %arg4[%dma_wait3A_98] : memref<320000xi32, #tpu.memory_space<hbm>> -> memref<80xi32, #tpu.memory_space<hbm>>
      tpu.wait_dma2 semaphore(%arg10 : memref<!tpu.dma_semaphore, #tpu.memory_space<semaphore_mem>>) src(%arg6 : memref<80xi32, #tpu.memory_space<vmem>>) dst(%dma_wait3A_99 : memref<80xi32, #tpu.memory_space<hbm>>)
      %dma_start3A_100 = arith.constant 0 : i32
      %dma_start3A_101 = tpu.memref_slice %arg5[%mul3A_70, %dma_start3A_100] : memref<125x80xi32, #tpu.memory_space<vmem>> -> memref<1x80xi32, #tpu.memory_space<vmem>>
      %dma_start3A_102 = tpu.memref_squeeze %dma_start3A_101 : memref<1x80xi32, #tpu.memory_space<vmem>> -> memref<80xi32, #tpu.memory_space<vmem>>
      %dma_start3A_103 = arith.constant 0 : i32
      %dma_start3A_104 = tpu.memref_slice %arg2[%dma_start3A_103] : memref<10000xi32, #tpu.memory_space<hbm>> -> memref<10000xi32, #tpu.memory_space<hbm>>
      tpu.enqueue_indirect_dma source(%dma_start3A_104 : memref<10000xi32, #tpu.memory_space<hbm>>) target(%arg6 : memref<80xi32, #tpu.memory_space<vmem>>) offsets(%dma_start3A_102 : memref<80xi32, #tpu.memory_space<vmem>>) semaphore(%arg8 : memref<!tpu.dma_semaphore, #tpu.memory_space<semaphore_mem>>)
      %dma_wait3A_105 = arith.constant 0 : i32
      %dma_wait3A_106 = tpu.memref_slice %arg4[%dma_wait3A_105] : memref<320000xi32, #tpu.memory_space<hbm>> -> memref<80xi32, #tpu.memory_space<hbm>>
      %dma_wait3A_107 = arith.constant 0 : i32
      %dma_wait3A_108 = tpu.memref_slice %arg4[%dma_wait3A_107] : memref<320000xi32, #tpu.memory_space<hbm>> -> memref<80xi32, #tpu.memory_space<hbm>>
      tpu.wait_dma2 semaphore(%arg11 : memref<!tpu.dma_semaphore, #tpu.memory_space<semaphore_mem>>) src(%arg7 : memref<80xi32, #tpu.memory_space<vmem>>) dst(%dma_wait3A_108 : memref<80xi32, #tpu.memory_space<hbm>>)
      %add3A_109 = arith.constant 1 : i32
      %add3A_110 = arith.addi %mul3A_70, %add3A_109 : i32
      %dma_start3A_111 = arith.constant 0 : i32
      %dma_start3A_112 = tpu.memref_slice %arg5[%add3A_110, %dma_start3A_111] : memref<125x80xi32, #tpu.memory_space<vmem>> -> memref<1x80xi32, #tpu.memory_space<vmem>>
      %dma_start3A_113 = tpu.memref_squeeze %dma_start3A_112 : memref<1x80xi32, #tpu.memory_space<vmem>> -> memref<80xi32, #tpu.memory_space<vmem>>
      %dma_start3A_114 = arith.constant 0 : i32
      %dma_start3A_115 = tpu.memref_slice %arg2[%dma_start3A_114] : memref<10000xi32, #tpu.memory_space<hbm>> -> memref<10000xi32, #tpu.memory_space<hbm>>
      tpu.enqueue_indirect_dma source(%dma_start3A_115 : memref<10000xi32, #tpu.memory_space<hbm>>) target(%arg7 : memref<80xi32, #tpu.memory_space<vmem>>) offsets(%dma_start3A_113 : memref<80xi32, #tpu.memory_space<vmem>>) semaphore(%arg9 : memref<!tpu.dma_semaphore, #tpu.memory_space<semaphore_mem>>)
      %scan3A_116 = arith.constant 0 : i32
      scf.yield %scan3A_116 : i32
    }
    %scan3A_19 = arith.constant 61 : i32
    %dma_wait3A = arith.constant 0 : i32
    %dma_wait3A_20 = arith.constant 0 : i32
    %dma_wait3A_21 = tpu.memref_slice %arg5[%dma_wait3A, %dma_wait3A_20] : memref<125x80xi32, #tpu.memory_space<vmem>> -> memref<1x80xi32, #tpu.memory_space<vmem>>
    %dma_wait3A_22 = tpu.memref_squeeze %dma_wait3A_21 : memref<1x80xi32, #tpu.memory_space<vmem>> -> memref<80xi32, #tpu.memory_space<vmem>>
    %dma_wait3A_23 = arith.constant 0 : i32
    %dma_wait3A_24 = tpu.memref_slice %arg2[%dma_wait3A_23] : memref<10000xi32, #tpu.memory_space<hbm>> -> memref<10000xi32, #tpu.memory_space<hbm>>
    tpu.wait_indirect_dma semaphore(%arg8 : memref<!tpu.dma_semaphore, #tpu.memory_space<semaphore_mem>>) src(%dma_wait3A_24 : memref<10000xi32, #tpu.memory_space<hbm>>) dst(%arg6 : memref<80xi32, #tpu.memory_space<vmem>>)
    %add3A_25 = arith.constant 9760 : i32
    %add3A_26 = arith.addi %mul3A_2, %add3A_25 : i32
    %dma_start3A_27 = tpu.memref_slice %arg4[%add3A_26] : memref<320000xi32, #tpu.memory_space<hbm>> -> memref<80xi32, #tpu.memory_space<hbm>>
    %dma_start3A_28 = tpu.memref_slice %arg4[%add3A_26] : memref<320000xi32, #tpu.memory_space<hbm>> -> memref<80xi32, #tpu.memory_space<hbm>>
    tpu.enqueue_dma source(%arg6 : memref<80xi32, #tpu.memory_space<vmem>>) target(%dma_start3A_28 : memref<80xi32, #tpu.memory_space<hbm>>) target_semaphore(%arg10 : memref<!tpu.dma_semaphore, #tpu.memory_space<semaphore_mem>>)
    %dma_wait3A_29 = arith.constant 0 : i32
    %dma_wait3A_30 = arith.constant 0 : i32
    %dma_wait3A_31 = tpu.memref_slice %arg5[%dma_wait3A_29, %dma_wait3A_30] : memref<125x80xi32, #tpu.memory_space<vmem>> -> memref<1x80xi32, #tpu.memory_space<vmem>>
    %dma_wait3A_32 = tpu.memref_squeeze %dma_wait3A_31 : memref<1x80xi32, #tpu.memory_space<vmem>> -> memref<80xi32, #tpu.memory_space<vmem>>
    %dma_wait3A_33 = arith.constant 0 : i32
    %dma_wait3A_34 = tpu.memref_slice %arg2[%dma_wait3A_33] : memref<10000xi32, #tpu.memory_space<hbm>> -> memref<10000xi32, #tpu.memory_space<hbm>>
    tpu.wait_indirect_dma semaphore(%arg9 : memref<!tpu.dma_semaphore, #tpu.memory_space<semaphore_mem>>) src(%dma_wait3A_34 : memref<10000xi32, #tpu.memory_space<hbm>>) dst(%arg7 : memref<80xi32, #tpu.memory_space<vmem>>)
    %add3A_35 = arith.constant 9840 : i32
    %add3A_36 = arith.addi %mul3A_2, %add3A_35 : i32
    %dma_start3A_37 = tpu.memref_slice %arg4[%add3A_36] : memref<320000xi32, #tpu.memory_space<hbm>> -> memref<80xi32, #tpu.memory_space<hbm>>
    %dma_start3A_38 = tpu.memref_slice %arg4[%add3A_36] : memref<320000xi32, #tpu.memory_space<hbm>> -> memref<80xi32, #tpu.memory_space<hbm>>
    tpu.enqueue_dma source(%arg7 : memref<80xi32, #tpu.memory_space<vmem>>) target(%dma_start3A_38 : memref<80xi32, #tpu.memory_space<hbm>>) target_semaphore(%arg11 : memref<!tpu.dma_semaphore, #tpu.memory_space<semaphore_mem>>)
    %dma_wait3A_39 = arith.constant 0 : i32
    %dma_wait3A_40 = tpu.memref_slice %arg4[%dma_wait3A_39] : memref<320000xi32, #tpu.memory_space<hbm>> -> memref<80xi32, #tpu.memory_space<hbm>>
    %dma_wait3A_41 = arith.constant 0 : i32
    %dma_wait3A_42 = tpu.memref_slice %arg4[%dma_wait3A_41] : memref<320000xi32, #tpu.memory_space<hbm>> -> memref<80xi32, #tpu.memory_space<hbm>>
    tpu.wait_dma2 semaphore(%arg10 : memref<!tpu.dma_semaphore, #tpu.memory_space<semaphore_mem>>) src(%arg6 : memref<80xi32, #tpu.memory_space<vmem>>) dst(%dma_wait3A_42 : memref<80xi32, #tpu.memory_space<hbm>>)
    %dma_start3A_43 = arith.constant 124 : i32
    %dma_start3A_44 = arith.constant 0 : i32
    %dma_start3A_45 = tpu.memref_slice %arg5[%dma_start3A_43, %dma_start3A_44] : memref<125x80xi32, #tpu.memory_space<vmem>> -> memref<1x80xi32, #tpu.memory_space<vmem>>
    %dma_start3A_46 = tpu.memref_squeeze %dma_start3A_45 : memref<1x80xi32, #tpu.memory_space<vmem>> -> memref<80xi32, #tpu.memory_space<vmem>>
    %dma_start3A_47 = arith.constant 0 : i32
    %dma_start3A_48 = tpu.memref_slice %arg2[%dma_start3A_47] : memref<10000xi32, #tpu.memory_space<hbm>> -> memref<10000xi32, #tpu.memory_space<hbm>>
    tpu.enqueue_indirect_dma source(%dma_start3A_48 : memref<10000xi32, #tpu.memory_space<hbm>>) target(%arg6 : memref<80xi32, #tpu.memory_space<vmem>>) offsets(%dma_start3A_46 : memref<80xi32, #tpu.memory_space<vmem>>) semaphore(%arg8 : memref<!tpu.dma_semaphore, #tpu.memory_space<semaphore_mem>>)
    %dma_wait3A_49 = arith.constant 0 : i32
    %dma_wait3A_50 = arith.constant 0 : i32
    %dma_wait3A_51 = tpu.memref_slice %arg5[%dma_wait3A_49, %dma_wait3A_50] : memref<125x80xi32, #tpu.memory_space<vmem>> -> memref<1x80xi32, #tpu.memory_space<vmem>>
    %dma_wait3A_52 = tpu.memref_squeeze %dma_wait3A_51 : memref<1x80xi32, #tpu.memory_space<vmem>> -> memref<80xi32, #tpu.memory_space<vmem>>
    %dma_wait3A_53 = arith.constant 0 : i32
    %dma_wait3A_54 = tpu.memref_slice %arg2[%dma_wait3A_53] : memref<10000xi32, #tpu.memory_space<hbm>> -> memref<10000xi32, #tpu.memory_space<hbm>>
    tpu.wait_indirect_dma semaphore(%arg8 : memref<!tpu.dma_semaphore, #tpu.memory_space<semaphore_mem>>) src(%dma_wait3A_54 : memref<10000xi32, #tpu.memory_space<hbm>>) dst(%arg6 : memref<80xi32, #tpu.memory_space<vmem>>)
    %add3A_55 = arith.constant 9920 : i32
    %add3A_56 = arith.addi %mul3A_2, %add3A_55 : i32
    %dma_start3A_57 = tpu.memref_slice %arg4[%add3A_56] : memref<320000xi32, #tpu.memory_space<hbm>> -> memref<80xi32, #tpu.memory_space<hbm>>
    %dma_start3A_58 = tpu.memref_slice %arg4[%add3A_56] : memref<320000xi32, #tpu.memory_space<hbm>> -> memref<80xi32, #tpu.memory_space<hbm>>
    tpu.enqueue_dma source(%arg6 : memref<80xi32, #tpu.memory_space<vmem>>) target(%dma_start3A_58 : memref<80xi32, #tpu.memory_space<hbm>>) target_semaphore(%arg10 : memref<!tpu.dma_semaphore, #tpu.memory_space<semaphore_mem>>)
    %dma_wait3A_59 = arith.constant 0 : i32
    %dma_wait3A_60 = tpu.memref_slice %arg4[%dma_wait3A_59] : memref<320000xi32, #tpu.memory_space<hbm>> -> memref<80xi32, #tpu.memory_space<hbm>>
    %dma_wait3A_61 = arith.constant 0 : i32
    %dma_wait3A_62 = tpu.memref_slice %arg4[%dma_wait3A_61] : memref<320000xi32, #tpu.memory_space<hbm>> -> memref<80xi32, #tpu.memory_space<hbm>>
    tpu.wait_dma2 semaphore(%arg10 : memref<!tpu.dma_semaphore, #tpu.memory_space<semaphore_mem>>) src(%arg6 : memref<80xi32, #tpu.memory_space<vmem>>) dst(%dma_wait3A_62 : memref<80xi32, #tpu.memory_space<hbm>>)
    %dma_wait3A_63 = arith.constant 0 : i32
    %dma_wait3A_64 = tpu.memref_slice %arg4[%dma_wait3A_63] : memref<320000xi32, #tpu.memory_space<hbm>> -> memref<80xi32, #tpu.memory_space<hbm>>
    %dma_wait3A_65 = arith.constant 0 : i32
    %dma_wait3A_66 = tpu.memref_slice %arg4[%dma_wait3A_65] : memref<320000xi32, #tpu.memory_space<hbm>> -> memref<80xi32, #tpu.memory_space<hbm>>
    tpu.wait_dma2 semaphore(%arg11 : memref<!tpu.dma_semaphore, #tpu.memory_space<semaphore_mem>>) src(%arg7 : memref<80xi32, #tpu.memory_space<vmem>>) dst(%dma_wait3A_66 : memref<80xi32, #tpu.memory_space<hbm>>)
    return
  }
}

#map = affine_map<(d0, d1) -> (0, 0, 0)>
#map1 = affine_map<(d0, d1) -> (0, 0)>
module attributes {stable_mosaic.version = 14 : i64} {
  func.func @k(%arg0: i32, %arg1: i32, %arg2: memref<32x125x80xi32, #tpu.memory_space<hbm>>, %arg3: memref<32x125x80xi32, #tpu.memory_space<hbm>>, %arg4: memref<10000x64xf32, #tpu.memory_space<hbm>>, %arg5: memref<320000x64xf32, #tpu.memory_space<hbm>>, %arg6: memref<640x64xf32, #tpu.memory_space<hbm>>, %arg7: memref<2x10240x64xf32, #tpu.memory_space<hbm>>, %arg8: memref<2x10240x64xf32, #tpu.memory_space<hbm>>, %arg9: memref<125x80xi32, #tpu.memory_space<vmem>>, %arg10: memref<125x80xi32, #tpu.memory_space<vmem>>, %arg11: memref<80x64xf32, #tpu.memory_space<vmem>>, %arg12: memref<80x64xf32, #tpu.memory_space<vmem>>, %arg13: memref<80x64xf32, #tpu.memory_space<vmem>>, %arg14: memref<80x64xf32, #tpu.memory_space<vmem>>, %arg15: memref<10240x64xf32, #tpu.memory_space<vmem_shared>>, %arg16: memref<10240x64xf32, #tpu.memory_space<vmem_shared>>, %arg17: memref<!tpu.dma_semaphore, #tpu.memory_space<semaphore_mem>>, %arg18: memref<!tpu.dma_semaphore, #tpu.memory_space<semaphore_mem>>, %arg19: memref<!tpu.dma_semaphore, #tpu.memory_space<semaphore_mem>>, %arg20: memref<!tpu.dma_semaphore, #tpu.memory_space<semaphore_mem>>) attributes {dimension_semantics = [#tpu.dimension_semantics<core_parallel>, #tpu.dimension_semantics<subcore_parallel>], iteration_bounds = array<i64: 2, 16>, scalar_prefetch = 0 : i64, scratch_operands = 12 : i64, tpu.core_type = #tpu.core_type<sc_vector_subcore>, window_params = [{transform_indices = #map}, {transform_indices = #map}, {transform_indices = #map1}, {transform_indices = #map1}, {transform_indices = #map1}, {transform_indices = #map}, {transform_indices = #map}]} {
    %mul3A = arith.constant 2 : i32
    %mul3A_0 = arith.muli %arg1, %mul3A : i32
    %add3A = arith.addi %mul3A_0, %arg0 : i32
    %mul3A_1 = arith.constant 10000 : i32
    %mul3A_2 = arith.muli %add3A, %mul3A_1 : i32
    %mul3A_3 = arith.constant 640 : i32
    %mul3A_4 = arith.muli %arg1, %mul3A_3 : i32
    "tpu.region"() ({
      %run_scoped3A = tpu.sem_alloc : memref<!tpu.dma_semaphore, #tpu.memory_space<semaphore_mem>>
      %dma_start3A_182 = arith.constant 0 : i32
      %dma_start3A_183 = tpu.memref_slice %arg15[%mul3A_4, %dma_start3A_182] : memref<10240x64xf32, #tpu.memory_space<vmem_shared>> -> memref<640x64xf32, #tpu.memory_space<vmem_shared>>
      tpu.enqueue_dma source(%arg6 : memref<640x64xf32, #tpu.memory_space<hbm>>) target(%dma_start3A_183 : memref<640x64xf32, #tpu.memory_space<vmem_shared>>) target_semaphore(%run_scoped3A : memref<!tpu.dma_semaphore, #tpu.memory_space<semaphore_mem>>)
      %dma_wait3A_184 = arith.constant 0 : i32
      %dma_wait3A_185 = tpu.memref_slice %arg15[%mul3A_4, %dma_wait3A_184] : memref<10240x64xf32, #tpu.memory_space<vmem_shared>> -> memref<640x64xf32, #tpu.memory_space<vmem_shared>>
      tpu.wait_dma2 semaphore(%run_scoped3A : memref<!tpu.dma_semaphore, #tpu.memory_space<semaphore_mem>>) src(%arg6 : memref<640x64xf32, #tpu.memory_space<hbm>>) dst(%dma_wait3A_185 : memref<640x64xf32, #tpu.memory_space<vmem_shared>>)
      tpu.yield
    }) : () -> ()
    %mul3A_5 = arith.constant 640 : i32
    %mul3A_6 = arith.muli %arg1, %mul3A_5 : i32
    "tpu.region"() ({
      %run_scoped3A = tpu.sem_alloc : memref<!tpu.dma_semaphore, #tpu.memory_space<semaphore_mem>>
      %dma_start3A_182 = arith.constant 0 : i32
      %dma_start3A_183 = tpu.memref_slice %arg16[%mul3A_6, %dma_start3A_182] : memref<10240x64xf32, #tpu.memory_space<vmem_shared>> -> memref<640x64xf32, #tpu.memory_space<vmem_shared>>
      tpu.enqueue_dma source(%arg6 : memref<640x64xf32, #tpu.memory_space<hbm>>) target(%dma_start3A_183 : memref<640x64xf32, #tpu.memory_space<vmem_shared>>) target_semaphore(%run_scoped3A : memref<!tpu.dma_semaphore, #tpu.memory_space<semaphore_mem>>)
      %dma_wait3A_184 = arith.constant 0 : i32
      %dma_wait3A_185 = tpu.memref_slice %arg16[%mul3A_6, %dma_wait3A_184] : memref<10240x64xf32, #tpu.memory_space<vmem_shared>> -> memref<640x64xf32, #tpu.memory_space<vmem_shared>>
      tpu.wait_dma2 semaphore(%run_scoped3A : memref<!tpu.dma_semaphore, #tpu.memory_space<semaphore_mem>>) src(%arg6 : memref<640x64xf32, #tpu.memory_space<hbm>>) dst(%dma_wait3A_185 : memref<640x64xf32, #tpu.memory_space<vmem_shared>>)
      tpu.yield
    }) : () -> ()
    "tpu.region"() ({
      %run_scoped3A = tpu.sem_alloc : memref<!tpu.dma_semaphore, #tpu.memory_space<semaphore_mem>>
      %dma_start3A_182 = arith.constant 0 : i32
      %dma_start3A_183 = arith.constant 0 : i32
      %dma_start3A_184 = tpu.memref_slice %arg2[%add3A, %dma_start3A_182, %dma_start3A_183] : memref<32x125x80xi32, #tpu.memory_space<hbm>> -> memref<1x125x80xi32, #tpu.memory_space<hbm>>
      %dma_start3A_185 = tpu.memref_squeeze %dma_start3A_184 : memref<1x125x80xi32, #tpu.memory_space<hbm>> -> memref<125x80xi32, #tpu.memory_space<hbm>>
      %dma_start3A_186 = arith.constant 0 : i32
      %dma_start3A_187 = arith.constant 0 : i32
      %dma_start3A_188 = tpu.memref_slice %arg2[%add3A, %dma_start3A_186, %dma_start3A_187] : memref<32x125x80xi32, #tpu.memory_space<hbm>> -> memref<1x125x80xi32, #tpu.memory_space<hbm>>
      %dma_start3A_189 = tpu.memref_squeeze %dma_start3A_188 : memref<1x125x80xi32, #tpu.memory_space<hbm>> -> memref<125x80xi32, #tpu.memory_space<hbm>>
      tpu.enqueue_dma source(%dma_start3A_189 : memref<125x80xi32, #tpu.memory_space<hbm>>) target(%arg9 : memref<125x80xi32, #tpu.memory_space<vmem>>) target_semaphore(%run_scoped3A : memref<!tpu.dma_semaphore, #tpu.memory_space<semaphore_mem>>)
      %dma_wait3A_190 = arith.constant 0 : i32
      %dma_wait3A_191 = arith.constant 0 : i32
      %dma_wait3A_192 = tpu.memref_slice %arg2[%add3A, %dma_wait3A_190, %dma_wait3A_191] : memref<32x125x80xi32, #tpu.memory_space<hbm>> -> memref<1x125x80xi32, #tpu.memory_space<hbm>>
      %dma_wait3A_193 = tpu.memref_squeeze %dma_wait3A_192 : memref<1x125x80xi32, #tpu.memory_space<hbm>> -> memref<125x80xi32, #tpu.memory_space<hbm>>
      %dma_wait3A_194 = arith.constant 0 : i32
      %dma_wait3A_195 = arith.constant 0 : i32
      %dma_wait3A_196 = tpu.memref_slice %arg2[%add3A, %dma_wait3A_194, %dma_wait3A_195] : memref<32x125x80xi32, #tpu.memory_space<hbm>> -> memref<1x125x80xi32, #tpu.memory_space<hbm>>
      %dma_wait3A_197 = tpu.memref_squeeze %dma_wait3A_196 : memref<1x125x80xi32, #tpu.memory_space<hbm>> -> memref<125x80xi32, #tpu.memory_space<hbm>>
      tpu.wait_dma2 semaphore(%run_scoped3A : memref<!tpu.dma_semaphore, #tpu.memory_space<semaphore_mem>>) src(%dma_wait3A_197 : memref<125x80xi32, #tpu.memory_space<hbm>>) dst(%arg9 : memref<125x80xi32, #tpu.memory_space<vmem>>)
      tpu.yield
    }) : () -> ()
    "tpu.region"() ({
      %run_scoped3A = tpu.sem_alloc : memref<!tpu.dma_semaphore, #tpu.memory_space<semaphore_mem>>
      %dma_start3A_182 = arith.constant 0 : i32
      %dma_start3A_183 = arith.constant 0 : i32
      %dma_start3A_184 = tpu.memref_slice %arg3[%add3A, %dma_start3A_182, %dma_start3A_183] : memref<32x125x80xi32, #tpu.memory_space<hbm>> -> memref<1x125x80xi32, #tpu.memory_space<hbm>>
      %dma_start3A_185 = tpu.memref_squeeze %dma_start3A_184 : memref<1x125x80xi32, #tpu.memory_space<hbm>> -> memref<125x80xi32, #tpu.memory_space<hbm>>
      %dma_start3A_186 = arith.constant 0 : i32
      %dma_start3A_187 = arith.constant 0 : i32
      %dma_start3A_188 = tpu.memref_slice %arg3[%add3A, %dma_start3A_186, %dma_start3A_187] : memref<32x125x80xi32, #tpu.memory_space<hbm>> -> memref<1x125x80xi32, #tpu.memory_space<hbm>>
      %dma_start3A_189 = tpu.memref_squeeze %dma_start3A_188 : memref<1x125x80xi32, #tpu.memory_space<hbm>> -> memref<125x80xi32, #tpu.memory_space<hbm>>
      tpu.enqueue_dma source(%dma_start3A_189 : memref<125x80xi32, #tpu.memory_space<hbm>>) target(%arg10 : memref<125x80xi32, #tpu.memory_space<vmem>>) target_semaphore(%run_scoped3A : memref<!tpu.dma_semaphore, #tpu.memory_space<semaphore_mem>>)
      %dma_wait3A_190 = arith.constant 0 : i32
      %dma_wait3A_191 = arith.constant 0 : i32
      %dma_wait3A_192 = tpu.memref_slice %arg3[%add3A, %dma_wait3A_190, %dma_wait3A_191] : memref<32x125x80xi32, #tpu.memory_space<hbm>> -> memref<1x125x80xi32, #tpu.memory_space<hbm>>
      %dma_wait3A_193 = tpu.memref_squeeze %dma_wait3A_192 : memref<1x125x80xi32, #tpu.memory_space<hbm>> -> memref<125x80xi32, #tpu.memory_space<hbm>>
      %dma_wait3A_194 = arith.constant 0 : i32
      %dma_wait3A_195 = arith.constant 0 : i32
      %dma_wait3A_196 = tpu.memref_slice %arg3[%add3A, %dma_wait3A_194, %dma_wait3A_195] : memref<32x125x80xi32, #tpu.memory_space<hbm>> -> memref<1x125x80xi32, #tpu.memory_space<hbm>>
      %dma_wait3A_197 = tpu.memref_squeeze %dma_wait3A_196 : memref<1x125x80xi32, #tpu.memory_space<hbm>> -> memref<125x80xi32, #tpu.memory_space<hbm>>
      tpu.wait_dma2 semaphore(%run_scoped3A : memref<!tpu.dma_semaphore, #tpu.memory_space<semaphore_mem>>) src(%dma_wait3A_197 : memref<125x80xi32, #tpu.memory_space<hbm>>) dst(%arg10 : memref<125x80xi32, #tpu.memory_space<vmem>>)
      tpu.yield
    }) : () -> ()
    %barrier3A = arith.constant 0 : index
    tpu.barrier barrier_id(%barrier3A)
    %dma_start3A = arith.constant 0 : i32
    %dma_start3A_7 = arith.constant 0 : i32
    %dma_start3A_8 = tpu.memref_slice %arg9[%dma_start3A, %dma_start3A_7] : memref<125x80xi32, #tpu.memory_space<vmem>> -> memref<1x80xi32, #tpu.memory_space<vmem>>
    %dma_start3A_9 = tpu.memref_squeeze %dma_start3A_8 : memref<1x80xi32, #tpu.memory_space<vmem>> -> memref<80xi32, #tpu.memory_space<vmem>>
    %dma_start3A_10 = arith.constant 0 : i32
    %dma_start3A_11 = arith.constant 0 : i32
    %dma_start3A_12 = tpu.memref_slice %arg4[%dma_start3A_10, %dma_start3A_11] : memref<10000x64xf32, #tpu.memory_space<hbm>> -> memref<10000x64xf32, #tpu.memory_space<hbm>>
    tpu.enqueue_indirect_dma source(%dma_start3A_12 : memref<10000x64xf32, #tpu.memory_space<hbm>>) target(%arg11 : memref<80x64xf32, #tpu.memory_space<vmem>>) offsets(%dma_start3A_9 : memref<80xi32, #tpu.memory_space<vmem>>) semaphore(%arg17 : memref<!tpu.dma_semaphore, #tpu.memory_space<semaphore_mem>>)
    %add3A_13 = arith.constant 0 : i32
    %add3A_14 = arith.addi %mul3A_2, %add3A_13 : i32
    %dma_start3A_15 = arith.constant 0 : i32
    %dma_start3A_16 = tpu.memref_slice %arg5[%add3A_14, %dma_start3A_15] : memref<320000x64xf32, #tpu.memory_space<hbm>> -> memref<80x64xf32, #tpu.memory_space<hbm>>
    %dma_start3A_17 = arith.constant 0 : i32
    %dma_start3A_18 = tpu.memref_slice %arg5[%add3A_14, %dma_start3A_17] : memref<320000x64xf32, #tpu.memory_space<hbm>> -> memref<80x64xf32, #tpu.memory_space<hbm>>
    tpu.enqueue_dma source(%dma_start3A_18 : memref<80x64xf32, #tpu.memory_space<hbm>>) target(%arg13 : memref<80x64xf32, #tpu.memory_space<vmem>>) target_semaphore(%arg17 : memref<!tpu.dma_semaphore, #tpu.memory_space<semaphore_mem>>)
    %dma_start3A_19 = arith.constant 1 : i32
    %dma_start3A_20 = arith.constant 0 : i32
    %dma_start3A_21 = tpu.memref_slice %arg9[%dma_start3A_19, %dma_start3A_20] : memref<125x80xi32, #tpu.memory_space<vmem>> -> memref<1x80xi32, #tpu.memory_space<vmem>>
    %dma_start3A_22 = tpu.memref_squeeze %dma_start3A_21 : memref<1x80xi32, #tpu.memory_space<vmem>> -> memref<80xi32, #tpu.memory_space<vmem>>
    %dma_start3A_23 = arith.constant 0 : i32
    %dma_start3A_24 = arith.constant 0 : i32
    %dma_start3A_25 = tpu.memref_slice %arg4[%dma_start3A_23, %dma_start3A_24] : memref<10000x64xf32, #tpu.memory_space<hbm>> -> memref<10000x64xf32, #tpu.memory_space<hbm>>
    tpu.enqueue_indirect_dma source(%dma_start3A_25 : memref<10000x64xf32, #tpu.memory_space<hbm>>) target(%arg12 : memref<80x64xf32, #tpu.memory_space<vmem>>) offsets(%dma_start3A_22 : memref<80xi32, #tpu.memory_space<vmem>>) semaphore(%arg18 : memref<!tpu.dma_semaphore, #tpu.memory_space<semaphore_mem>>)
    %add3A_26 = arith.constant 80 : i32
    %add3A_27 = arith.addi %mul3A_2, %add3A_26 : i32
    %dma_start3A_28 = arith.constant 0 : i32
    %dma_start3A_29 = tpu.memref_slice %arg5[%add3A_27, %dma_start3A_28] : memref<320000x64xf32, #tpu.memory_space<hbm>> -> memref<80x64xf32, #tpu.memory_space<hbm>>
    %dma_start3A_30 = arith.constant 0 : i32
    %dma_start3A_31 = tpu.memref_slice %arg5[%add3A_27, %dma_start3A_30] : memref<320000x64xf32, #tpu.memory_space<hbm>> -> memref<80x64xf32, #tpu.memory_space<hbm>>
    tpu.enqueue_dma source(%dma_start3A_31 : memref<80x64xf32, #tpu.memory_space<hbm>>) target(%arg14 : memref<80x64xf32, #tpu.memory_space<vmem>>) target_semaphore(%arg18 : memref<!tpu.dma_semaphore, #tpu.memory_space<semaphore_mem>>)
    %scan3A = arith.constant 0 : i32
    %scan3A_32 = arith.constant 1 : i32
    %scan3A_33 = arith.constant 61 : i32
    %scan3A_34 = arith.addi %scan3A_32, %scan3A_33 : i32
    %scan3A_35 = arith.constant 1 : i32
    %scan3A_36 = scf.for %scan3A_182 = %scan3A_32 to %scan3A_34 step %scan3A_35 iter_args(%scan3A_183 = %scan3A) -> (i32)  : i32 {
      %mul3A_184 = arith.constant 2 : i32
      %mul3A_185 = arith.muli %mul3A_184, %scan3A_182 : i32
      %dma_wait3A_186 = arith.constant 0 : i32
      %dma_wait3A_187 = arith.constant 0 : i32
      %dma_wait3A_188 = tpu.memref_slice %arg9[%dma_wait3A_186, %dma_wait3A_187] : memref<125x80xi32, #tpu.memory_space<vmem>> -> memref<1x80xi32, #tpu.memory_space<vmem>>
      %dma_wait3A_189 = tpu.memref_squeeze %dma_wait3A_188 : memref<1x80xi32, #tpu.memory_space<vmem>> -> memref<80xi32, #tpu.memory_space<vmem>>
      %dma_wait3A_190 = arith.constant 0 : i32
      %dma_wait3A_191 = arith.constant 0 : i32
      %dma_wait3A_192 = tpu.memref_slice %arg4[%dma_wait3A_190, %dma_wait3A_191] : memref<10000x64xf32, #tpu.memory_space<hbm>> -> memref<10000x64xf32, #tpu.memory_space<hbm>>
      tpu.wait_indirect_dma semaphore(%arg17 : memref<!tpu.dma_semaphore, #tpu.memory_space<semaphore_mem>>) src(%dma_wait3A_192 : memref<10000x64xf32, #tpu.memory_space<hbm>>) dst(%arg11 : memref<80x64xf32, #tpu.memory_space<vmem>>)
      %dma_wait3A_193 = arith.constant 0 : i32
      %dma_wait3A_194 = arith.constant 0 : i32
      %dma_wait3A_195 = tpu.memref_slice %arg5[%dma_wait3A_193, %dma_wait3A_194] : memref<320000x64xf32, #tpu.memory_space<hbm>> -> memref<80x64xf32, #tpu.memory_space<hbm>>
      %dma_wait3A_196 = arith.constant 0 : i32
      %dma_wait3A_197 = arith.constant 0 : i32
      %dma_wait3A_198 = tpu.memref_slice %arg5[%dma_wait3A_196, %dma_wait3A_197] : memref<320000x64xf32, #tpu.memory_space<hbm>> -> memref<80x64xf32, #tpu.memory_space<hbm>>
      tpu.wait_dma2 semaphore(%arg17 : memref<!tpu.dma_semaphore, #tpu.memory_space<semaphore_mem>>) src(%dma_wait3A_198 : memref<80x64xf32, #tpu.memory_space<hbm>>) dst(%arg13 : memref<80x64xf32, #tpu.memory_space<vmem>>)
      %sub3A = arith.constant 2 : i32
      %sub3A_199 = arith.subi %mul3A_185, %sub3A : i32
      %dma_start3A_200 = arith.constant 0 : i32
      %dma_start3A_201 = tpu.memref_slice %arg10[%sub3A_199, %dma_start3A_200] : memref<125x80xi32, #tpu.memory_space<vmem>> -> memref<1x80xi32, #tpu.memory_space<vmem>>
      %dma_start3A_202 = tpu.memref_squeeze %dma_start3A_201 : memref<1x80xi32, #tpu.memory_space<vmem>> -> memref<80xi32, #tpu.memory_space<vmem>>
      %dma_start3A_203 = arith.constant 0 : i32
      %dma_start3A_204 = arith.constant 0 : i32
      %dma_start3A_205 = tpu.memref_slice %arg15[%dma_start3A_203, %dma_start3A_204] : memref<10240x64xf32, #tpu.memory_space<vmem_shared>> -> memref<10240x64xf32, #tpu.memory_space<vmem_shared>>
      tpu.enqueue_indirect_dma source(%arg11 : memref<80x64xf32, #tpu.memory_space<vmem>>) target(%dma_start3A_205 : memref<10240x64xf32, #tpu.memory_space<vmem_shared>>) offsets(%dma_start3A_202 : memref<80xi32, #tpu.memory_space<vmem>>) semaphore(%arg19 : memref<!tpu.dma_semaphore, #tpu.memory_space<semaphore_mem>>) {add = true}
      %dma_start3A_206 = arith.constant 0 : i32
      %dma_start3A_207 = tpu.memref_slice %arg10[%sub3A_199, %dma_start3A_206] : memref<125x80xi32, #tpu.memory_space<vmem>> -> memref<1x80xi32, #tpu.memory_space<vmem>>
      %dma_start3A_208 = tpu.memref_squeeze %dma_start3A_207 : memref<1x80xi32, #tpu.memory_space<vmem>> -> memref<80xi32, #tpu.memory_space<vmem>>
      %dma_start3A_209 = arith.constant 0 : i32
      %dma_start3A_210 = arith.constant 0 : i32
      %dma_start3A_211 = tpu.memref_slice %arg16[%dma_start3A_209, %dma_start3A_210] : memref<10240x64xf32, #tpu.memory_space<vmem_shared>> -> memref<10240x64xf32, #tpu.memory_space<vmem_shared>>
      tpu.enqueue_indirect_dma source(%arg13 : memref<80x64xf32, #tpu.memory_space<vmem>>) target(%dma_start3A_211 : memref<10240x64xf32, #tpu.memory_space<vmem_shared>>) offsets(%dma_start3A_208 : memref<80xi32, #tpu.memory_space<vmem>>) semaphore(%arg19 : memref<!tpu.dma_semaphore, #tpu.memory_space<semaphore_mem>>) {add = true}
      %dma_wait3A_212 = arith.constant 0 : i32
      %dma_wait3A_213 = arith.constant 0 : i32
      %dma_wait3A_214 = tpu.memref_slice %arg9[%dma_wait3A_212, %dma_wait3A_213] : memref<125x80xi32, #tpu.memory_space<vmem>> -> memref<1x80xi32, #tpu.memory_space<vmem>>
      %dma_wait3A_215 = tpu.memref_squeeze %dma_wait3A_214 : memref<1x80xi32, #tpu.memory_space<vmem>> -> memref<80xi32, #tpu.memory_space<vmem>>
      %dma_wait3A_216 = arith.constant 0 : i32
      %dma_wait3A_217 = arith.constant 0 : i32
      %dma_wait3A_218 = tpu.memref_slice %arg4[%dma_wait3A_216, %dma_wait3A_217] : memref<10000x64xf32, #tpu.memory_space<hbm>> -> memref<10000x64xf32, #tpu.memory_space<hbm>>
      tpu.wait_indirect_dma semaphore(%arg18 : memref<!tpu.dma_semaphore, #tpu.memory_space<semaphore_mem>>) src(%dma_wait3A_218 : memref<10000x64xf32, #tpu.memory_space<hbm>>) dst(%arg12 : memref<80x64xf32, #tpu.memory_space<vmem>>)
      %dma_wait3A_219 = arith.constant 0 : i32
      %dma_wait3A_220 = arith.constant 0 : i32
      %dma_wait3A_221 = tpu.memref_slice %arg5[%dma_wait3A_219, %dma_wait3A_220] : memref<320000x64xf32, #tpu.memory_space<hbm>> -> memref<80x64xf32, #tpu.memory_space<hbm>>
      %dma_wait3A_222 = arith.constant 0 : i32
      %dma_wait3A_223 = arith.constant 0 : i32
      %dma_wait3A_224 = tpu.memref_slice %arg5[%dma_wait3A_222, %dma_wait3A_223] : memref<320000x64xf32, #tpu.memory_space<hbm>> -> memref<80x64xf32, #tpu.memory_space<hbm>>
      tpu.wait_dma2 semaphore(%arg18 : memref<!tpu.dma_semaphore, #tpu.memory_space<semaphore_mem>>) src(%dma_wait3A_224 : memref<80x64xf32, #tpu.memory_space<hbm>>) dst(%arg14 : memref<80x64xf32, #tpu.memory_space<vmem>>)
      %sub3A_225 = arith.constant 1 : i32
      %sub3A_226 = arith.subi %mul3A_185, %sub3A_225 : i32
      %dma_start3A_227 = arith.constant 0 : i32
      %dma_start3A_228 = tpu.memref_slice %arg10[%sub3A_226, %dma_start3A_227] : memref<125x80xi32, #tpu.memory_space<vmem>> -> memref<1x80xi32, #tpu.memory_space<vmem>>
      %dma_start3A_229 = tpu.memref_squeeze %dma_start3A_228 : memref<1x80xi32, #tpu.memory_space<vmem>> -> memref<80xi32, #tpu.memory_space<vmem>>
      %dma_start3A_230 = arith.constant 0 : i32
      %dma_start3A_231 = arith.constant 0 : i32
      %dma_start3A_232 = tpu.memref_slice %arg15[%dma_start3A_230, %dma_start3A_231] : memref<10240x64xf32, #tpu.memory_space<vmem_shared>> -> memref<10240x64xf32, #tpu.memory_space<vmem_shared>>
      tpu.enqueue_indirect_dma source(%arg12 : memref<80x64xf32, #tpu.memory_space<vmem>>) target(%dma_start3A_232 : memref<10240x64xf32, #tpu.memory_space<vmem_shared>>) offsets(%dma_start3A_229 : memref<80xi32, #tpu.memory_space<vmem>>) semaphore(%arg20 : memref<!tpu.dma_semaphore, #tpu.memory_space<semaphore_mem>>) {add = true}
      %dma_start3A_233 = arith.constant 0 : i32
      %dma_start3A_234 = tpu.memref_slice %arg10[%sub3A_226, %dma_start3A_233] : memref<125x80xi32, #tpu.memory_space<vmem>> -> memref<1x80xi32, #tpu.memory_space<vmem>>
      %dma_start3A_235 = tpu.memref_squeeze %dma_start3A_234 : memref<1x80xi32, #tpu.memory_space<vmem>> -> memref<80xi32, #tpu.memory_space<vmem>>
      %dma_start3A_236 = arith.constant 0 : i32
      %dma_start3A_237 = arith.constant 0 : i32
      %dma_start3A_238 = tpu.memref_slice %arg16[%dma_start3A_236, %dma_start3A_237] : memref<10240x64xf32, #tpu.memory_space<vmem_shared>> -> memref<10240x64xf32, #tpu.memory_space<vmem_shared>>
      tpu.enqueue_indirect_dma source(%arg14 : memref<80x64xf32, #tpu.memory_space<vmem>>) target(%dma_start3A_238 : memref<10240x64xf32, #tpu.memory_space<vmem_shared>>) offsets(%dma_start3A_235 : memref<80xi32, #tpu.memory_space<vmem>>) semaphore(%arg20 : memref<!tpu.dma_semaphore, #tpu.memory_space<semaphore_mem>>) {add = true}
      %dma_wait3A_239 = arith.constant 0 : i32
      %dma_wait3A_240 = arith.constant 0 : i32
      %dma_wait3A_241 = tpu.memref_slice %arg10[%dma_wait3A_239, %dma_wait3A_240] : memref<125x80xi32, #tpu.memory_space<vmem>> -> memref<1x80xi32, #tpu.memory_space<vmem>>
      %dma_wait3A_242 = tpu.memref_squeeze %dma_wait3A_241 : memref<1x80xi32, #tpu.memory_space<vmem>> -> memref<80xi32, #tpu.memory_space<vmem>>
      %dma_wait3A_243 = arith.constant 0 : i32
      %dma_wait3A_244 = arith.constant 0 : i32
      %dma_wait3A_245 = tpu.memref_slice %arg15[%dma_wait3A_243, %dma_wait3A_244] : memref<10240x64xf32, #tpu.memory_space<vmem_shared>> -> memref<10240x64xf32, #tpu.memory_space<vmem_shared>>
      tpu.wait_indirect_dma semaphore(%arg19 : memref<!tpu.dma_semaphore, #tpu.memory_space<semaphore_mem>>) src(%arg11 : memref<80x64xf32, #tpu.memory_space<vmem>>) dst(%dma_wait3A_245 : memref<10240x64xf32, #tpu.memory_space<vmem_shared>>)
      %dma_wait3A_246 = arith.constant 0 : i32
      %dma_wait3A_247 = arith.constant 0 : i32
      %dma_wait3A_248 = tpu.memref_slice %arg10[%dma_wait3A_246, %dma_wait3A_247] : memref<125x80xi32, #tpu.memory_space<vmem>> -> memref<1x80xi32, #tpu.memory_space<vmem>>
      %dma_wait3A_249 = tpu.memref_squeeze %dma_wait3A_248 : memref<1x80xi32, #tpu.memory_space<vmem>> -> memref<80xi32, #tpu.memory_space<vmem>>
      %dma_wait3A_250 = arith.constant 0 : i32
      %dma_wait3A_251 = arith.constant 0 : i32
      %dma_wait3A_252 = tpu.memref_slice %arg16[%dma_wait3A_250, %dma_wait3A_251] : memref<10240x64xf32, #tpu.memory_space<vmem_shared>> -> memref<10240x64xf32, #tpu.memory_space<vmem_shared>>
      tpu.wait_indirect_dma semaphore(%arg19 : memref<!tpu.dma_semaphore, #tpu.memory_space<semaphore_mem>>) src(%arg13 : memref<80x64xf32, #tpu.memory_space<vmem>>) dst(%dma_wait3A_252 : memref<10240x64xf32, #tpu.memory_space<vmem_shared>>)
      %dma_start3A_253 = arith.constant 0 : i32
      %dma_start3A_254 = tpu.memref_slice %arg9[%mul3A_185, %dma_start3A_253] : memref<125x80xi32, #tpu.memory_space<vmem>> -> memref<1x80xi32, #tpu.memory_space<vmem>>
      %dma_start3A_255 = tpu.memref_squeeze %dma_start3A_254 : memref<1x80xi32, #tpu.memory_space<vmem>> -> memref<80xi32, #tpu.memory_space<vmem>>
      %dma_start3A_256 = arith.constant 0 : i32
      %dma_start3A_257 = arith.constant 0 : i32
      %dma_start3A_258 = tpu.memref_slice %arg4[%dma_start3A_256, %dma_start3A_257] : memref<10000x64xf32, #tpu.memory_space<hbm>> -> memref<10000x64xf32, #tpu.memory_space<hbm>>
      tpu.enqueue_indirect_dma source(%dma_start3A_258 : memref<10000x64xf32, #tpu.memory_space<hbm>>) target(%arg11 : memref<80x64xf32, #tpu.memory_space<vmem>>) offsets(%dma_start3A_255 : memref<80xi32, #tpu.memory_space<vmem>>) semaphore(%arg17 : memref<!tpu.dma_semaphore, #tpu.memory_space<semaphore_mem>>)
      %mul3A_259 = arith.constant 80 : i32
      %mul3A_260 = arith.muli %mul3A_185, %mul3A_259 : i32
      %add3A_261 = arith.addi %mul3A_2, %mul3A_260 : i32
      %dma_start3A_262 = arith.constant 0 : i32
      %dma_start3A_263 = tpu.memref_slice %arg5[%add3A_261, %dma_start3A_262] : memref<320000x64xf32, #tpu.memory_space<hbm>> -> memref<80x64xf32, #tpu.memory_space<hbm>>
      %dma_start3A_264 = arith.constant 0 : i32
      %dma_start3A_265 = tpu.memref_slice %arg5[%add3A_261, %dma_start3A_264] : memref<320000x64xf32, #tpu.memory_space<hbm>> -> memref<80x64xf32, #tpu.memory_space<hbm>>
      tpu.enqueue_dma source(%dma_start3A_265 : memref<80x64xf32, #tpu.memory_space<hbm>>) target(%arg13 : memref<80x64xf32, #tpu.memory_space<vmem>>) target_semaphore(%arg17 : memref<!tpu.dma_semaphore, #tpu.memory_space<semaphore_mem>>)
      %dma_wait3A_266 = arith.constant 0 : i32
      %dma_wait3A_267 = arith.constant 0 : i32
      %dma_wait3A_268 = tpu.memref_slice %arg10[%dma_wait3A_266, %dma_wait3A_267] : memref<125x80xi32, #tpu.memory_space<vmem>> -> memref<1x80xi32, #tpu.memory_space<vmem>>
      %dma_wait3A_269 = tpu.memref_squeeze %dma_wait3A_268 : memref<1x80xi32, #tpu.memory_space<vmem>> -> memref<80xi32, #tpu.memory_space<vmem>>
      %dma_wait3A_270 = arith.constant 0 : i32
      %dma_wait3A_271 = arith.constant 0 : i32
      %dma_wait3A_272 = tpu.memref_slice %arg15[%dma_wait3A_270, %dma_wait3A_271] : memref<10240x64xf32, #tpu.memory_space<vmem_shared>> -> memref<10240x64xf32, #tpu.memory_space<vmem_shared>>
      tpu.wait_indirect_dma semaphore(%arg20 : memref<!tpu.dma_semaphore, #tpu.memory_space<semaphore_mem>>) src(%arg12 : memref<80x64xf32, #tpu.memory_space<vmem>>) dst(%dma_wait3A_272 : memref<10240x64xf32, #tpu.memory_space<vmem_shared>>)
      %dma_wait3A_273 = arith.constant 0 : i32
      %dma_wait3A_274 = arith.constant 0 : i32
      %dma_wait3A_275 = tpu.memref_slice %arg10[%dma_wait3A_273, %dma_wait3A_274] : memref<125x80xi32, #tpu.memory_space<vmem>> -> memref<1x80xi32, #tpu.memory_space<vmem>>
      %dma_wait3A_276 = tpu.memref_squeeze %dma_wait3A_275 : memref<1x80xi32, #tpu.memory_space<vmem>> -> memref<80xi32, #tpu.memory_space<vmem>>
      %dma_wait3A_277 = arith.constant 0 : i32
      %dma_wait3A_278 = arith.constant 0 : i32
      %dma_wait3A_279 = tpu.memref_slice %arg16[%dma_wait3A_277, %dma_wait3A_278] : memref<10240x64xf32, #tpu.memory_space<vmem_shared>> -> memref<10240x64xf32, #tpu.memory_space<vmem_shared>>
      tpu.wait_indirect_dma semaphore(%arg20 : memref<!tpu.dma_semaphore, #tpu.memory_space<semaphore_mem>>) src(%arg14 : memref<80x64xf32, #tpu.memory_space<vmem>>) dst(%dma_wait3A_279 : memref<10240x64xf32, #tpu.memory_space<vmem_shared>>)
      %add3A_280 = arith.constant 1 : i32
      %add3A_281 = arith.addi %mul3A_185, %add3A_280 : i32
      %dma_start3A_282 = arith.constant 0 : i32
      %dma_start3A_283 = tpu.memref_slice %arg9[%add3A_281, %dma_start3A_282] : memref<125x80xi32, #tpu.memory_space<vmem>> -> memref<1x80xi32, #tpu.memory_space<vmem>>
      %dma_start3A_284 = tpu.memref_squeeze %dma_start3A_283 : memref<1x80xi32, #tpu.memory_space<vmem>> -> memref<80xi32, #tpu.memory_space<vmem>>
      %dma_start3A_285 = arith.constant 0 : i32
      %dma_start3A_286 = arith.constant 0 : i32
      %dma_start3A_287 = tpu.memref_slice %arg4[%dma_start3A_285, %dma_start3A_286] : memref<10000x64xf32, #tpu.memory_space<hbm>> -> memref<10000x64xf32, #tpu.memory_space<hbm>>
      tpu.enqueue_indirect_dma source(%dma_start3A_287 : memref<10000x64xf32, #tpu.memory_space<hbm>>) target(%arg12 : memref<80x64xf32, #tpu.memory_space<vmem>>) offsets(%dma_start3A_284 : memref<80xi32, #tpu.memory_space<vmem>>) semaphore(%arg18 : memref<!tpu.dma_semaphore, #tpu.memory_space<semaphore_mem>>)
      %mul3A_288 = arith.constant 80 : i32
      %mul3A_289 = arith.muli %add3A_281, %mul3A_288 : i32
      %add3A_290 = arith.addi %mul3A_2, %mul3A_289 : i32
      %dma_start3A_291 = arith.constant 0 : i32
      %dma_start3A_292 = tpu.memref_slice %arg5[%add3A_290, %dma_start3A_291] : memref<320000x64xf32, #tpu.memory_space<hbm>> -> memref<80x64xf32, #tpu.memory_space<hbm>>
      %dma_start3A_293 = arith.constant 0 : i32
      %dma_start3A_294 = tpu.memref_slice %arg5[%add3A_290, %dma_start3A_293] : memref<320000x64xf32, #tpu.memory_space<hbm>> -> memref<80x64xf32, #tpu.memory_space<hbm>>
      tpu.enqueue_dma source(%dma_start3A_294 : memref<80x64xf32, #tpu.memory_space<hbm>>) target(%arg14 : memref<80x64xf32, #tpu.memory_space<vmem>>) target_semaphore(%arg18 : memref<!tpu.dma_semaphore, #tpu.memory_space<semaphore_mem>>)
      %scan3A_295 = arith.constant 0 : i32
      scf.yield %scan3A_295 : i32
    }
    %scan3A_37 = arith.constant 61 : i32
    %dma_wait3A = arith.constant 0 : i32
    %dma_wait3A_38 = arith.constant 0 : i32
    %dma_wait3A_39 = tpu.memref_slice %arg9[%dma_wait3A, %dma_wait3A_38] : memref<125x80xi32, #tpu.memory_space<vmem>> -> memref<1x80xi32, #tpu.memory_space<vmem>>
    %dma_wait3A_40 = tpu.memref_squeeze %dma_wait3A_39 : memref<1x80xi32, #tpu.memory_space<vmem>> -> memref<80xi32, #tpu.memory_space<vmem>>
    %dma_wait3A_41 = arith.constant 0 : i32
    %dma_wait3A_42 = arith.constant 0 : i32
    %dma_wait3A_43 = tpu.memref_slice %arg4[%dma_wait3A_41, %dma_wait3A_42] : memref<10000x64xf32, #tpu.memory_space<hbm>> -> memref<10000x64xf32, #tpu.memory_space<hbm>>
    tpu.wait_indirect_dma semaphore(%arg17 : memref<!tpu.dma_semaphore, #tpu.memory_space<semaphore_mem>>) src(%dma_wait3A_43 : memref<10000x64xf32, #tpu.memory_space<hbm>>) dst(%arg11 : memref<80x64xf32, #tpu.memory_space<vmem>>)
    %dma_wait3A_44 = arith.constant 0 : i32
    %dma_wait3A_45 = arith.constant 0 : i32
    %dma_wait3A_46 = tpu.memref_slice %arg5[%dma_wait3A_44, %dma_wait3A_45] : memref<320000x64xf32, #tpu.memory_space<hbm>> -> memref<80x64xf32, #tpu.memory_space<hbm>>
    %dma_wait3A_47 = arith.constant 0 : i32
    %dma_wait3A_48 = arith.constant 0 : i32
    %dma_wait3A_49 = tpu.memref_slice %arg5[%dma_wait3A_47, %dma_wait3A_48] : memref<320000x64xf32, #tpu.memory_space<hbm>> -> memref<80x64xf32, #tpu.memory_space<hbm>>
    tpu.wait_dma2 semaphore(%arg17 : memref<!tpu.dma_semaphore, #tpu.memory_space<semaphore_mem>>) src(%dma_wait3A_49 : memref<80x64xf32, #tpu.memory_space<hbm>>) dst(%arg13 : memref<80x64xf32, #tpu.memory_space<vmem>>)
    %dma_start3A_50 = arith.constant 122 : i32
    %dma_start3A_51 = arith.constant 0 : i32
    %dma_start3A_52 = tpu.memref_slice %arg10[%dma_start3A_50, %dma_start3A_51] : memref<125x80xi32, #tpu.memory_space<vmem>> -> memref<1x80xi32, #tpu.memory_space<vmem>>
    %dma_start3A_53 = tpu.memref_squeeze %dma_start3A_52 : memref<1x80xi32, #tpu.memory_space<vmem>> -> memref<80xi32, #tpu.memory_space<vmem>>
    %dma_start3A_54 = arith.constant 0 : i32
    %dma_start3A_55 = arith.constant 0 : i32
    %dma_start3A_56 = tpu.memref_slice %arg15[%dma_start3A_54, %dma_start3A_55] : memref<10240x64xf32, #tpu.memory_space<vmem_shared>> -> memref<10240x64xf32, #tpu.memory_space<vmem_shared>>
    tpu.enqueue_indirect_dma source(%arg11 : memref<80x64xf32, #tpu.memory_space<vmem>>) target(%dma_start3A_56 : memref<10240x64xf32, #tpu.memory_space<vmem_shared>>) offsets(%dma_start3A_53 : memref<80xi32, #tpu.memory_space<vmem>>) semaphore(%arg19 : memref<!tpu.dma_semaphore, #tpu.memory_space<semaphore_mem>>) {add = true}
    %dma_start3A_57 = arith.constant 122 : i32
    %dma_start3A_58 = arith.constant 0 : i32
    %dma_start3A_59 = tpu.memref_slice %arg10[%dma_start3A_57, %dma_start3A_58] : memref<125x80xi32, #tpu.memory_space<vmem>> -> memref<1x80xi32, #tpu.memory_space<vmem>>
    %dma_start3A_60 = tpu.memref_squeeze %dma_start3A_59 : memref<1x80xi32, #tpu.memory_space<vmem>> -> memref<80xi32, #tpu.memory_space<vmem>>
    %dma_start3A_61 = arith.constant 0 : i32
    %dma_start3A_62 = arith.constant 0 : i32
    %dma_start3A_63 = tpu.memref_slice %arg16[%dma_start3A_61, %dma_start3A_62] : memref<10240x64xf32, #tpu.memory_space<vmem_shared>> -> memref<10240x64xf32, #tpu.memory_space<vmem_shared>>
    tpu.enqueue_indirect_dma source(%arg13 : memref<80x64xf32, #tpu.memory_space<vmem>>) target(%dma_start3A_63 : memref<10240x64xf32, #tpu.memory_space<vmem_shared>>) offsets(%dma_start3A_60 : memref<80xi32, #tpu.memory_space<vmem>>) semaphore(%arg19 : memref<!tpu.dma_semaphore, #tpu.memory_space<semaphore_mem>>) {add = true}
    %dma_wait3A_64 = arith.constant 0 : i32
    %dma_wait3A_65 = arith.constant 0 : i32
    %dma_wait3A_66 = tpu.memref_slice %arg9[%dma_wait3A_64, %dma_wait3A_65] : memref<125x80xi32, #tpu.memory_space<vmem>> -> memref<1x80xi32, #tpu.memory_space<vmem>>
    %dma_wait3A_67 = tpu.memref_squeeze %dma_wait3A_66 : memref<1x80xi32, #tpu.memory_space<vmem>> -> memref<80xi32, #tpu.memory_space<vmem>>
    %dma_wait3A_68 = arith.constant 0 : i32
    %dma_wait3A_69 = arith.constant 0 : i32
    %dma_wait3A_70 = tpu.memref_slice %arg4[%dma_wait3A_68, %dma_wait3A_69] : memref<10000x64xf32, #tpu.memory_space<hbm>> -> memref<10000x64xf32, #tpu.memory_space<hbm>>
    tpu.wait_indirect_dma semaphore(%arg18 : memref<!tpu.dma_semaphore, #tpu.memory_space<semaphore_mem>>) src(%dma_wait3A_70 : memref<10000x64xf32, #tpu.memory_space<hbm>>) dst(%arg12 : memref<80x64xf32, #tpu.memory_space<vmem>>)
    %dma_wait3A_71 = arith.constant 0 : i32
    %dma_wait3A_72 = arith.constant 0 : i32
    %dma_wait3A_73 = tpu.memref_slice %arg5[%dma_wait3A_71, %dma_wait3A_72] : memref<320000x64xf32, #tpu.memory_space<hbm>> -> memref<80x64xf32, #tpu.memory_space<hbm>>
    %dma_wait3A_74 = arith.constant 0 : i32
    %dma_wait3A_75 = arith.constant 0 : i32
    %dma_wait3A_76 = tpu.memref_slice %arg5[%dma_wait3A_74, %dma_wait3A_75] : memref<320000x64xf32, #tpu.memory_space<hbm>> -> memref<80x64xf32, #tpu.memory_space<hbm>>
    tpu.wait_dma2 semaphore(%arg18 : memref<!tpu.dma_semaphore, #tpu.memory_space<semaphore_mem>>) src(%dma_wait3A_76 : memref<80x64xf32, #tpu.memory_space<hbm>>) dst(%arg14 : memref<80x64xf32, #tpu.memory_space<vmem>>)
    %dma_start3A_77 = arith.constant 123 : i32
    %dma_start3A_78 = arith.constant 0 : i32
    %dma_start3A_79 = tpu.memref_slice %arg10[%dma_start3A_77, %dma_start3A_78] : memref<125x80xi32, #tpu.memory_space<vmem>> -> memref<1x80xi32, #tpu.memory_space<vmem>>
    %dma_start3A_80 = tpu.memref_squeeze %dma_start3A_79 : memref<1x80xi32, #tpu.memory_space<vmem>> -> memref<80xi32, #tpu.memory_space<vmem>>
    %dma_start3A_81 = arith.constant 0 : i32
    %dma_start3A_82 = arith.constant 0 : i32
    %dma_start3A_83 = tpu.memref_slice %arg15[%dma_start3A_81, %dma_start3A_82] : memref<10240x64xf32, #tpu.memory_space<vmem_shared>> -> memref<10240x64xf32, #tpu.memory_space<vmem_shared>>
    tpu.enqueue_indirect_dma source(%arg12 : memref<80x64xf32, #tpu.memory_space<vmem>>) target(%dma_start3A_83 : memref<10240x64xf32, #tpu.memory_space<vmem_shared>>) offsets(%dma_start3A_80 : memref<80xi32, #tpu.memory_space<vmem>>) semaphore(%arg20 : memref<!tpu.dma_semaphore, #tpu.memory_space<semaphore_mem>>) {add = true}
    %dma_start3A_84 = arith.constant 123 : i32
    %dma_start3A_85 = arith.constant 0 : i32
    %dma_start3A_86 = tpu.memref_slice %arg10[%dma_start3A_84, %dma_start3A_85] : memref<125x80xi32, #tpu.memory_space<vmem>> -> memref<1x80xi32, #tpu.memory_space<vmem>>
    %dma_start3A_87 = tpu.memref_squeeze %dma_start3A_86 : memref<1x80xi32, #tpu.memory_space<vmem>> -> memref<80xi32, #tpu.memory_space<vmem>>
    %dma_start3A_88 = arith.constant 0 : i32
    %dma_start3A_89 = arith.constant 0 : i32
    %dma_start3A_90 = tpu.memref_slice %arg16[%dma_start3A_88, %dma_start3A_89] : memref<10240x64xf32, #tpu.memory_space<vmem_shared>> -> memref<10240x64xf32, #tpu.memory_space<vmem_shared>>
    tpu.enqueue_indirect_dma source(%arg14 : memref<80x64xf32, #tpu.memory_space<vmem>>) target(%dma_start3A_90 : memref<10240x64xf32, #tpu.memory_space<vmem_shared>>) offsets(%dma_start3A_87 : memref<80xi32, #tpu.memory_space<vmem>>) semaphore(%arg20 : memref<!tpu.dma_semaphore, #tpu.memory_space<semaphore_mem>>) {add = true}
    %dma_wait3A_91 = arith.constant 0 : i32
    %dma_wait3A_92 = arith.constant 0 : i32
    %dma_wait3A_93 = tpu.memref_slice %arg10[%dma_wait3A_91, %dma_wait3A_92] : memref<125x80xi32, #tpu.memory_space<vmem>> -> memref<1x80xi32, #tpu.memory_space<vmem>>
    %dma_wait3A_94 = tpu.memref_squeeze %dma_wait3A_93 : memref<1x80xi32, #tpu.memory_space<vmem>> -> memref<80xi32, #tpu.memory_space<vmem>>
    %dma_wait3A_95 = arith.constant 0 : i32
    %dma_wait3A_96 = arith.constant 0 : i32
    %dma_wait3A_97 = tpu.memref_slice %arg15[%dma_wait3A_95, %dma_wait3A_96] : memref<10240x64xf32, #tpu.memory_space<vmem_shared>> -> memref<10240x64xf32, #tpu.memory_space<vmem_shared>>
    tpu.wait_indirect_dma semaphore(%arg19 : memref<!tpu.dma_semaphore, #tpu.memory_space<semaphore_mem>>) src(%arg11 : memref<80x64xf32, #tpu.memory_space<vmem>>) dst(%dma_wait3A_97 : memref<10240x64xf32, #tpu.memory_space<vmem_shared>>)
    %dma_wait3A_98 = arith.constant 0 : i32
    %dma_wait3A_99 = arith.constant 0 : i32
    %dma_wait3A_100 = tpu.memref_slice %arg10[%dma_wait3A_98, %dma_wait3A_99] : memref<125x80xi32, #tpu.memory_space<vmem>> -> memref<1x80xi32, #tpu.memory_space<vmem>>
    %dma_wait3A_101 = tpu.memref_squeeze %dma_wait3A_100 : memref<1x80xi32, #tpu.memory_space<vmem>> -> memref<80xi32, #tpu.memory_space<vmem>>
    %dma_wait3A_102 = arith.constant 0 : i32
    %dma_wait3A_103 = arith.constant 0 : i32
    %dma_wait3A_104 = tpu.memref_slice %arg16[%dma_wait3A_102, %dma_wait3A_103] : memref<10240x64xf32, #tpu.memory_space<vmem_shared>> -> memref<10240x64xf32, #tpu.memory_space<vmem_shared>>
    tpu.wait_indirect_dma semaphore(%arg19 : memref<!tpu.dma_semaphore, #tpu.memory_space<semaphore_mem>>) src(%arg13 : memref<80x64xf32, #tpu.memory_space<vmem>>) dst(%dma_wait3A_104 : memref<10240x64xf32, #tpu.memory_space<vmem_shared>>)
    %dma_start3A_105 = arith.constant 124 : i32
    %dma_start3A_106 = arith.constant 0 : i32
    %dma_start3A_107 = tpu.memref_slice %arg9[%dma_start3A_105, %dma_start3A_106] : memref<125x80xi32, #tpu.memory_space<vmem>> -> memref<1x80xi32, #tpu.memory_space<vmem>>
    %dma_start3A_108 = tpu.memref_squeeze %dma_start3A_107 : memref<1x80xi32, #tpu.memory_space<vmem>> -> memref<80xi32, #tpu.memory_space<vmem>>
    %dma_start3A_109 = arith.constant 0 : i32
    %dma_start3A_110 = arith.constant 0 : i32
    %dma_start3A_111 = tpu.memref_slice %arg4[%dma_start3A_109, %dma_start3A_110] : memref<10000x64xf32, #tpu.memory_space<hbm>> -> memref<10000x64xf32, #tpu.memory_space<hbm>>
    tpu.enqueue_indirect_dma source(%dma_start3A_111 : memref<10000x64xf32, #tpu.memory_space<hbm>>) target(%arg11 : memref<80x64xf32, #tpu.memory_space<vmem>>) offsets(%dma_start3A_108 : memref<80xi32, #tpu.memory_space<vmem>>) semaphore(%arg17 : memref<!tpu.dma_semaphore, #tpu.memory_space<semaphore_mem>>)
    %add3A_112 = arith.constant 9920 : i32
    %add3A_113 = arith.addi %mul3A_2, %add3A_112 : i32
    %dma_start3A_114 = arith.constant 0 : i32
    %dma_start3A_115 = tpu.memref_slice %arg5[%add3A_113, %dma_start3A_114] : memref<320000x64xf32, #tpu.memory_space<hbm>> -> memref<80x64xf32, #tpu.memory_space<hbm>>
    %dma_start3A_116 = arith.constant 0 : i32
    %dma_start3A_117 = tpu.memref_slice %arg5[%add3A_113, %dma_start3A_116] : memref<320000x64xf32, #tpu.memory_space<hbm>> -> memref<80x64xf32, #tpu.memory_space<hbm>>
    tpu.enqueue_dma source(%dma_start3A_117 : memref<80x64xf32, #tpu.memory_space<hbm>>) target(%arg13 : memref<80x64xf32, #tpu.memory_space<vmem>>) target_semaphore(%arg17 : memref<!tpu.dma_semaphore, #tpu.memory_space<semaphore_mem>>)
    %dma_wait3A_118 = arith.constant 0 : i32
    %dma_wait3A_119 = arith.constant 0 : i32
    %dma_wait3A_120 = tpu.memref_slice %arg9[%dma_wait3A_118, %dma_wait3A_119] : memref<125x80xi32, #tpu.memory_space<vmem>> -> memref<1x80xi32, #tpu.memory_space<vmem>>
    %dma_wait3A_121 = tpu.memref_squeeze %dma_wait3A_120 : memref<1x80xi32, #tpu.memory_space<vmem>> -> memref<80xi32, #tpu.memory_space<vmem>>
    %dma_wait3A_122 = arith.constant 0 : i32
    %dma_wait3A_123 = arith.constant 0 : i32
    %dma_wait3A_124 = tpu.memref_slice %arg4[%dma_wait3A_122, %dma_wait3A_123] : memref<10000x64xf32, #tpu.memory_space<hbm>> -> memref<10000x64xf32, #tpu.memory_space<hbm>>
    tpu.wait_indirect_dma semaphore(%arg17 : memref<!tpu.dma_semaphore, #tpu.memory_space<semaphore_mem>>) src(%dma_wait3A_124 : memref<10000x64xf32, #tpu.memory_space<hbm>>) dst(%arg11 : memref<80x64xf32, #tpu.memory_space<vmem>>)
    %dma_wait3A_125 = arith.constant 0 : i32
    %dma_wait3A_126 = arith.constant 0 : i32
    %dma_wait3A_127 = tpu.memref_slice %arg5[%dma_wait3A_125, %dma_wait3A_126] : memref<320000x64xf32, #tpu.memory_space<hbm>> -> memref<80x64xf32, #tpu.memory_space<hbm>>
    %dma_wait3A_128 = arith.constant 0 : i32
    %dma_wait3A_129 = arith.constant 0 : i32
    %dma_wait3A_130 = tpu.memref_slice %arg5[%dma_wait3A_128, %dma_wait3A_129] : memref<320000x64xf32, #tpu.memory_space<hbm>> -> memref<80x64xf32, #tpu.memory_space<hbm>>
    tpu.wait_dma2 semaphore(%arg17 : memref<!tpu.dma_semaphore, #tpu.memory_space<semaphore_mem>>) src(%dma_wait3A_130 : memref<80x64xf32, #tpu.memory_space<hbm>>) dst(%arg13 : memref<80x64xf32, #tpu.memory_space<vmem>>)
    %dma_start3A_131 = arith.constant 124 : i32
    %dma_start3A_132 = arith.constant 0 : i32
    %dma_start3A_133 = tpu.memref_slice %arg10[%dma_start3A_131, %dma_start3A_132] : memref<125x80xi32, #tpu.memory_space<vmem>> -> memref<1x80xi32, #tpu.memory_space<vmem>>
    %dma_start3A_134 = tpu.memref_squeeze %dma_start3A_133 : memref<1x80xi32, #tpu.memory_space<vmem>> -> memref<80xi32, #tpu.memory_space<vmem>>
    %dma_start3A_135 = arith.constant 0 : i32
    %dma_start3A_136 = arith.constant 0 : i32
    %dma_start3A_137 = tpu.memref_slice %arg15[%dma_start3A_135, %dma_start3A_136] : memref<10240x64xf32, #tpu.memory_space<vmem_shared>> -> memref<10240x64xf32, #tpu.memory_space<vmem_shared>>
    tpu.enqueue_indirect_dma source(%arg11 : memref<80x64xf32, #tpu.memory_space<vmem>>) target(%dma_start3A_137 : memref<10240x64xf32, #tpu.memory_space<vmem_shared>>) offsets(%dma_start3A_134 : memref<80xi32, #tpu.memory_space<vmem>>) semaphore(%arg19 : memref<!tpu.dma_semaphore, #tpu.memory_space<semaphore_mem>>) {add = true}
    %dma_start3A_138 = arith.constant 124 : i32
    %dma_start3A_139 = arith.constant 0 : i32
    %dma_start3A_140 = tpu.memref_slice %arg10[%dma_start3A_138, %dma_start3A_139] : memref<125x80xi32, #tpu.memory_space<vmem>> -> memref<1x80xi32, #tpu.memory_space<vmem>>
    %dma_start3A_141 = tpu.memref_squeeze %dma_start3A_140 : memref<1x80xi32, #tpu.memory_space<vmem>> -> memref<80xi32, #tpu.memory_space<vmem>>
    %dma_start3A_142 = arith.constant 0 : i32
    %dma_start3A_143 = arith.constant 0 : i32
    %dma_start3A_144 = tpu.memref_slice %arg16[%dma_start3A_142, %dma_start3A_143] : memref<10240x64xf32, #tpu.memory_space<vmem_shared>> -> memref<10240x64xf32, #tpu.memory_space<vmem_shared>>
    tpu.enqueue_indirect_dma source(%arg13 : memref<80x64xf32, #tpu.memory_space<vmem>>) target(%dma_start3A_144 : memref<10240x64xf32, #tpu.memory_space<vmem_shared>>) offsets(%dma_start3A_141 : memref<80xi32, #tpu.memory_space<vmem>>) semaphore(%arg19 : memref<!tpu.dma_semaphore, #tpu.memory_space<semaphore_mem>>) {add = true}
    %dma_wait3A_145 = arith.constant 0 : i32
    %dma_wait3A_146 = arith.constant 0 : i32
    %dma_wait3A_147 = tpu.memref_slice %arg10[%dma_wait3A_145, %dma_wait3A_146] : memref<125x80xi32, #tpu.memory_space<vmem>> -> memref<1x80xi32, #tpu.memory_space<vmem>>
    %dma_wait3A_148 = tpu.memref_squeeze %dma_wait3A_147 : memref<1x80xi32, #tpu.memory_space<vmem>> -> memref<80xi32, #tpu.memory_space<vmem>>
    %dma_wait3A_149 = arith.constant 0 : i32
    %dma_wait3A_150 = arith.constant 0 : i32
    %dma_wait3A_151 = tpu.memref_slice %arg15[%dma_wait3A_149, %dma_wait3A_150] : memref<10240x64xf32, #tpu.memory_space<vmem_shared>> -> memref<10240x64xf32, #tpu.memory_space<vmem_shared>>
    tpu.wait_indirect_dma semaphore(%arg19 : memref<!tpu.dma_semaphore, #tpu.memory_space<semaphore_mem>>) src(%arg11 : memref<80x64xf32, #tpu.memory_space<vmem>>) dst(%dma_wait3A_151 : memref<10240x64xf32, #tpu.memory_space<vmem_shared>>)
    %dma_wait3A_152 = arith.constant 0 : i32
    %dma_wait3A_153 = arith.constant 0 : i32
    %dma_wait3A_154 = tpu.memref_slice %arg10[%dma_wait3A_152, %dma_wait3A_153] : memref<125x80xi32, #tpu.memory_space<vmem>> -> memref<1x80xi32, #tpu.memory_space<vmem>>
    %dma_wait3A_155 = tpu.memref_squeeze %dma_wait3A_154 : memref<1x80xi32, #tpu.memory_space<vmem>> -> memref<80xi32, #tpu.memory_space<vmem>>
    %dma_wait3A_156 = arith.constant 0 : i32
    %dma_wait3A_157 = arith.constant 0 : i32
    %dma_wait3A_158 = tpu.memref_slice %arg16[%dma_wait3A_156, %dma_wait3A_157] : memref<10240x64xf32, #tpu.memory_space<vmem_shared>> -> memref<10240x64xf32, #tpu.memory_space<vmem_shared>>
    tpu.wait_indirect_dma semaphore(%arg19 : memref<!tpu.dma_semaphore, #tpu.memory_space<semaphore_mem>>) src(%arg13 : memref<80x64xf32, #tpu.memory_space<vmem>>) dst(%dma_wait3A_158 : memref<10240x64xf32, #tpu.memory_space<vmem_shared>>)
    %dma_wait3A_159 = arith.constant 0 : i32
    %dma_wait3A_160 = arith.constant 0 : i32
    %dma_wait3A_161 = tpu.memref_slice %arg10[%dma_wait3A_159, %dma_wait3A_160] : memref<125x80xi32, #tpu.memory_space<vmem>> -> memref<1x80xi32, #tpu.memory_space<vmem>>
    %dma_wait3A_162 = tpu.memref_squeeze %dma_wait3A_161 : memref<1x80xi32, #tpu.memory_space<vmem>> -> memref<80xi32, #tpu.memory_space<vmem>>
    %dma_wait3A_163 = arith.constant 0 : i32
    %dma_wait3A_164 = arith.constant 0 : i32
    %dma_wait3A_165 = tpu.memref_slice %arg15[%dma_wait3A_163, %dma_wait3A_164] : memref<10240x64xf32, #tpu.memory_space<vmem_shared>> -> memref<10240x64xf32, #tpu.memory_space<vmem_shared>>
    tpu.wait_indirect_dma semaphore(%arg20 : memref<!tpu.dma_semaphore, #tpu.memory_space<semaphore_mem>>) src(%arg12 : memref<80x64xf32, #tpu.memory_space<vmem>>) dst(%dma_wait3A_165 : memref<10240x64xf32, #tpu.memory_space<vmem_shared>>)
    %dma_wait3A_166 = arith.constant 0 : i32
    %dma_wait3A_167 = arith.constant 0 : i32
    %dma_wait3A_168 = tpu.memref_slice %arg10[%dma_wait3A_166, %dma_wait3A_167] : memref<125x80xi32, #tpu.memory_space<vmem>> -> memref<1x80xi32, #tpu.memory_space<vmem>>
    %dma_wait3A_169 = tpu.memref_squeeze %dma_wait3A_168 : memref<1x80xi32, #tpu.memory_space<vmem>> -> memref<80xi32, #tpu.memory_space<vmem>>
    %dma_wait3A_170 = arith.constant 0 : i32
    %dma_wait3A_171 = arith.constant 0 : i32
    %dma_wait3A_172 = tpu.memref_slice %arg16[%dma_wait3A_170, %dma_wait3A_171] : memref<10240x64xf32, #tpu.memory_space<vmem_shared>> -> memref<10240x64xf32, #tpu.memory_space<vmem_shared>>
    tpu.wait_indirect_dma semaphore(%arg20 : memref<!tpu.dma_semaphore, #tpu.memory_space<semaphore_mem>>) src(%arg14 : memref<80x64xf32, #tpu.memory_space<vmem>>) dst(%dma_wait3A_172 : memref<10240x64xf32, #tpu.memory_space<vmem_shared>>)
    %barrier3A_173 = arith.constant 0 : index
    tpu.barrier barrier_id(%barrier3A_173)
    %mul3A_174 = arith.constant 640 : i32
    %mul3A_175 = arith.muli %arg1, %mul3A_174 : i32
    %mul3A_176 = arith.constant 640 : i32
    %mul3A_177 = arith.muli %arg1, %mul3A_176 : i32
    "tpu.region"() ({
      %run_scoped3A = tpu.sem_alloc : memref<!tpu.dma_semaphore, #tpu.memory_space<semaphore_mem>>
      %dma_start3A_182 = arith.constant 0 : i32
      %dma_start3A_183 = tpu.memref_slice %arg7[%arg0, %mul3A_177, %dma_start3A_182] : memref<2x10240x64xf32, #tpu.memory_space<hbm>> -> memref<1x640x64xf32, #tpu.memory_space<hbm>>
      %dma_start3A_184 = tpu.memref_squeeze %dma_start3A_183 : memref<1x640x64xf32, #tpu.memory_space<hbm>> -> memref<640x64xf32, #tpu.memory_space<hbm>>
      %dma_start3A_185 = arith.constant 0 : i32
      %dma_start3A_186 = tpu.memref_slice %arg15[%mul3A_175, %dma_start3A_185] : memref<10240x64xf32, #tpu.memory_space<vmem_shared>> -> memref<640x64xf32, #tpu.memory_space<vmem_shared>>
      tpu.enqueue_dma source(%dma_start3A_186 : memref<640x64xf32, #tpu.memory_space<vmem_shared>>) target(%dma_start3A_184 : memref<640x64xf32, #tpu.memory_space<hbm>>) target_semaphore(%run_scoped3A : memref<!tpu.dma_semaphore, #tpu.memory_space<semaphore_mem>>)
      %dma_wait3A_187 = arith.constant 0 : i32
      %dma_wait3A_188 = tpu.memref_slice %arg7[%arg0, %mul3A_177, %dma_wait3A_187] : memref<2x10240x64xf32, #tpu.memory_space<hbm>> -> memref<1x640x64xf32, #tpu.memory_space<hbm>>
      %dma_wait3A_189 = tpu.memref_squeeze %dma_wait3A_188 : memref<1x640x64xf32, #tpu.memory_space<hbm>> -> memref<640x64xf32, #tpu.memory_space<hbm>>
      %dma_wait3A_190 = arith.constant 0 : i32
      %dma_wait3A_191 = tpu.memref_slice %arg15[%mul3A_175, %dma_wait3A_190] : memref<10240x64xf32, #tpu.memory_space<vmem_shared>> -> memref<640x64xf32, #tpu.memory_space<vmem_shared>>
      tpu.wait_dma2 semaphore(%run_scoped3A : memref<!tpu.dma_semaphore, #tpu.memory_space<semaphore_mem>>) src(%dma_wait3A_191 : memref<640x64xf32, #tpu.memory_space<vmem_shared>>) dst(%dma_wait3A_189 : memref<640x64xf32, #tpu.memory_space<hbm>>)
      tpu.yield
    }) : () -> ()
    %mul3A_178 = arith.constant 640 : i32
    %mul3A_179 = arith.muli %arg1, %mul3A_178 : i32
    %mul3A_180 = arith.constant 640 : i32
    %mul3A_181 = arith.muli %arg1, %mul3A_180 : i32
    "tpu.region"() ({
      %run_scoped3A = tpu.sem_alloc : memref<!tpu.dma_semaphore, #tpu.memory_space<semaphore_mem>>
      %dma_start3A_182 = arith.constant 0 : i32
      %dma_start3A_183 = tpu.memref_slice %arg8[%arg0, %mul3A_181, %dma_start3A_182] : memref<2x10240x64xf32, #tpu.memory_space<hbm>> -> memref<1x640x64xf32, #tpu.memory_space<hbm>>
      %dma_start3A_184 = tpu.memref_squeeze %dma_start3A_183 : memref<1x640x64xf32, #tpu.memory_space<hbm>> -> memref<640x64xf32, #tpu.memory_space<hbm>>
      %dma_start3A_185 = arith.constant 0 : i32
      %dma_start3A_186 = tpu.memref_slice %arg16[%mul3A_179, %dma_start3A_185] : memref<10240x64xf32, #tpu.memory_space<vmem_shared>> -> memref<640x64xf32, #tpu.memory_space<vmem_shared>>
      tpu.enqueue_dma source(%dma_start3A_186 : memref<640x64xf32, #tpu.memory_space<vmem_shared>>) target(%dma_start3A_184 : memref<640x64xf32, #tpu.memory_space<hbm>>) target_semaphore(%run_scoped3A : memref<!tpu.dma_semaphore, #tpu.memory_space<semaphore_mem>>)
      %dma_wait3A_187 = arith.constant 0 : i32
      %dma_wait3A_188 = tpu.memref_slice %arg8[%arg0, %mul3A_181, %dma_wait3A_187] : memref<2x10240x64xf32, #tpu.memory_space<hbm>> -> memref<1x640x64xf32, #tpu.memory_space<hbm>>
      %dma_wait3A_189 = tpu.memref_squeeze %dma_wait3A_188 : memref<1x640x64xf32, #tpu.memory_space<hbm>> -> memref<640x64xf32, #tpu.memory_space<hbm>>
      %dma_wait3A_190 = arith.constant 0 : i32
      %dma_wait3A_191 = tpu.memref_slice %arg16[%mul3A_179, %dma_wait3A_190] : memref<10240x64xf32, #tpu.memory_space<vmem_shared>> -> memref<640x64xf32, #tpu.memory_space<vmem_shared>>
      tpu.wait_dma2 semaphore(%run_scoped3A : memref<!tpu.dma_semaphore, #tpu.memory_space<semaphore_mem>>) src(%dma_wait3A_191 : memref<640x64xf32, #tpu.memory_space<vmem_shared>>) dst(%dma_wait3A_189 : memref<640x64xf32, #tpu.memory_space<hbm>>)
      tpu.yield
    }) : () -> ()
    return
  }
}

module attributes {stable_mosaic.version = 14 : i64} {
  func.func @body(%arg0: i32, %arg1: memref<2000x128xf32, #tpu.memory_space<vmem>>, %arg2: memref<1x1x2000xi32, #tpu.memory_space<vmem>>, %arg3: memref<128x64xf32, #tpu.memory_space<vmem>>, %arg4: memref<1x64xf32, #tpu.memory_space<vmem>>, %arg5: memref<64x64xf32, #tpu.memory_space<vmem>>, %arg6: memref<1x64xf32, #tpu.memory_space<vmem>>, %arg7: memref<2000x64xf32, #tpu.memory_space<vmem>>, %arg8: memref<128x64xf32, #tpu.memory_space<vmem>>, %arg9: memref<128x64xf32, #tpu.memory_space<vmem>>, %arg10: memref<128x64xf32, #tpu.memory_space<vmem>>) attributes {dimension_semantics = [#tpu.dimension_semantics<arbitrary>], iteration_bounds = array<i64: 5>, scalar_prefetch = 0 : i64, scratch_operands = 0 : i64, tpu.core_type = #tpu.core_type<tc>, window_params = [{transform_indices = @transform_0, window_bounds = array<i64: 2000, 128>}, {transform_indices = @transform_1, window_bounds = array<i64: 1, 1, 2000>}, {pipeline_mode = #tpu.pipeline_mode<synchronous>, transform_indices = @transform_2, window_bounds = array<i64: 128, 64>}, {pipeline_mode = #tpu.pipeline_mode<synchronous>, transform_indices = @transform_3, window_bounds = array<i64: 1, 64>}, {pipeline_mode = #tpu.pipeline_mode<synchronous>, transform_indices = @transform_4, window_bounds = array<i64: 64, 64>}, {pipeline_mode = #tpu.pipeline_mode<synchronous>, transform_indices = @transform_5, window_bounds = array<i64: 1, 64>}, {transform_indices = @transform_6, window_bounds = array<i64: 2000, 64>}, {pipeline_mode = #tpu.pipeline_mode<synchronous>, transform_indices = @transform_7, window_bounds = array<i64: 128, 64>}, {pipeline_mode = #tpu.pipeline_mode<synchronous>, transform_indices = @transform_8, window_bounds = array<i64: 128, 64>}, {pipeline_mode = #tpu.pipeline_mode<synchronous>, transform_indices = @transform_9, window_bounds = array<i64: 128, 64>}]} {
    %get3A = arith.constant 0 : index
    %get3A_0 = arith.constant 0 : index
    %get3A_1 = vector.load %arg1[%get3A, %get3A_0] : memref<2000x128xf32, #tpu.memory_space<vmem>>, vector<2000x128xf32>
    %get3A_2 = arith.constant 0 : index
    %get3A_3 = arith.constant 0 : index
    %get3A_4 = vector.load %arg3[%get3A_2, %get3A_3] : memref<128x64xf32, #tpu.memory_space<vmem>>, vector<128x64xf32>
    %dot_general3A = arith.constant dense<0.000000e+00> : vector<2000x64xf32>
    %dot_general3A_5 = tpu.matmul %get3A_1, %get3A_4, %dot_general3A {dimension_numbers = #tpu.dot_dimension_numbers<[1], [0], [0], [1], [0, 0, 1, 1], [], []>, transpose_lhs_hint = false} : vector<2000x128xf32>, vector<128x64xf32>, vector<2000x64xf32> -> vector<2000x64xf32>
    %get3A_6 = arith.constant 0 : index
    %get3A_7 = arith.constant 0 : index
    %get3A_8 = vector.load %arg4[%get3A_6, %get3A_7] : memref<1x64xf32, #tpu.memory_space<vmem>>, vector<1x64xf32>
    %add3A = vector.broadcast %get3A_8 : vector<1x64xf32> to vector<2000x64xf32>
    %add3A_9 = arith.addf %dot_general3A_5, %add3A : vector<2000x64xf32>
    %max3A = arith.constant 0.000000e+00 : f32
    %max3A_10 = vector.broadcast %max3A : f32 to vector<2000x64xf32>
    %max3A_11 = arith.maximumf %add3A_9, %max3A_10 : vector<2000x64xf32>
    %get3A_12 = arith.constant 0 : index
    %get3A_13 = arith.constant 0 : index
    %get3A_14 = vector.load %arg5[%get3A_12, %get3A_13] : memref<64x64xf32, #tpu.memory_space<vmem>>, vector<64x64xf32>
    %dot_general3A_15 = arith.constant dense<0.000000e+00> : vector<2000x64xf32>
    %dot_general3A_16 = tpu.matmul %max3A_11, %get3A_14, %dot_general3A_15 {dimension_numbers = #tpu.dot_dimension_numbers<[1], [0], [0], [1], [0, 0, 1, 1], [], []>, transpose_lhs_hint = false} : vector<2000x64xf32>, vector<64x64xf32>, vector<2000x64xf32> -> vector<2000x64xf32>
    %get3A_17 = arith.constant 0 : index
    %get3A_18 = arith.constant 0 : index
    %get3A_19 = vector.load %arg6[%get3A_17, %get3A_18] : memref<1x64xf32, #tpu.memory_space<vmem>>, vector<1x64xf32>
    %add3A_20 = vector.broadcast %get3A_19 : vector<1x64xf32> to vector<2000x64xf32>
    %add3A_21 = arith.addf %dot_general3A_16, %add3A_20 : vector<2000x64xf32>
    %swap3A = arith.constant 0 : index
    %swap3A_22 = arith.constant 0 : index
    %swap3A_23 = vector.load %arg7[%swap3A, %swap3A_22] : memref<2000x64xf32, #tpu.memory_space<vmem>>, vector<2000x64xf32>
    tpu.vector_store %arg7[%swap3A, %swap3A_22], %add3A_21 {strides = array<i32>} : memref<2000x64xf32, #tpu.memory_space<vmem>>, vector<2000x64xf32>,
    %get3A_24 = arith.constant 0 : index
    %get3A_25 = arith.constant 0 : index
    %get3A_26 = arith.constant 0 : index
    %get3A_27 = vector.load %arg2[%get3A_24, %get3A_25, %get3A_26] : memref<1x1x2000xi32, #tpu.memory_space<vmem>>, vector<1x1x2000xi32>
    %get3A_28 = vector.shape_cast %get3A_27 : vector<1x1x2000xi32> to vector<2000xi32>
    %broadcast_in_dim3A = vector.shape_cast %get3A_28 : vector<2000xi32> to vector<1x2000xi32>
    %iota3A = tpu.iota {dimensions = array<i32: 0>} : vector<128x2000xi32>
    %eq3A = vector.broadcast %broadcast_in_dim3A : vector<1x2000xi32> to vector<128x2000xi32>
    %eq3A_29 = arith.cmpi eq, %iota3A, %eq3A : vector<128x2000xi32>
    %convert_element_type3A = arith.extui %eq3A_29 : vector<128x2000xi1> to vector<128x2000xi32>
    %convert_element_type3A_30 = arith.sitofp %convert_element_type3A : vector<128x2000xi32> to vector<128x2000xf32>
    %eq3A_31 = arith.constant 0 : i32
    %eq3A_32 = arith.cmpi eq, %arg0, %eq3A_31 : i32
    %convert_element_type3A_33 = arith.extui %eq3A_32 : i1 to i32
    %cond3A = arith.constant 0 : i32
    %cond3A_34 = arith.cmpi ne, %convert_element_type3A_33, %cond3A : i32
    scf.if %cond3A_34 {
      %broadcast_in_dim3A_87 = arith.constant 0.000000e+00 : f32
      %broadcast_in_dim3A_88 = vector.broadcast %broadcast_in_dim3A_87 : f32 to vector<128x64xf32>
      %swap3A_89 = arith.constant 0 : index
      %swap3A_90 = arith.constant 0 : index
      %swap3A_91 = vector.load %arg8[%swap3A_89, %swap3A_90] : memref<128x64xf32, #tpu.memory_space<vmem>>, vector<128x64xf32>
      tpu.vector_store %arg8[%swap3A_89, %swap3A_90], %broadcast_in_dim3A_88 {strides = array<i32>} : memref<128x64xf32, #tpu.memory_space<vmem>>, vector<128x64xf32>,
      %broadcast_in_dim3A_92 = arith.constant 0.000000e+00 : f32
      %broadcast_in_dim3A_93 = vector.broadcast %broadcast_in_dim3A_92 : f32 to vector<128x64xf32>
      %swap3A_94 = arith.constant 0 : index
      %swap3A_95 = arith.constant 0 : index
      %swap3A_96 = vector.load %arg9[%swap3A_94, %swap3A_95] : memref<128x64xf32, #tpu.memory_space<vmem>>, vector<128x64xf32>
      tpu.vector_store %arg9[%swap3A_94, %swap3A_95], %broadcast_in_dim3A_93 {strides = array<i32>} : memref<128x64xf32, #tpu.memory_space<vmem>>, vector<128x64xf32>,
      %broadcast_in_dim3A_97 = arith.constant 0.000000e+00 : f32
      %broadcast_in_dim3A_98 = vector.broadcast %broadcast_in_dim3A_97 : f32 to vector<128x64xf32>
      %swap3A_99 = arith.constant 0 : index
      %swap3A_100 = arith.constant 0 : index
      %swap3A_101 = vector.load %arg10[%swap3A_99, %swap3A_100] : memref<128x64xf32, #tpu.memory_space<vmem>>, vector<128x64xf32>
      tpu.vector_store %arg10[%swap3A_99, %swap3A_100], %broadcast_in_dim3A_98 {strides = array<i32>} : memref<128x64xf32, #tpu.memory_space<vmem>>, vector<128x64xf32>,
    } else {
    }
    %get3A_35 = arith.constant 0 : index
    %get3A_36 = arith.constant 0 : index
    %get3A_37 = vector.load %arg8[%get3A_35, %get3A_36] : memref<128x64xf32, #tpu.memory_space<vmem>>, vector<128x64xf32>
    %convert_element_type3A_38 = arith.truncf %add3A_21 : vector<2000x64xf32> to vector<2000x64xbf16>
    %convert_element_type3A_39 = arith.extf %convert_element_type3A_38 : vector<2000x64xbf16> to vector<2000x64xf32>
    %sub3A = arith.subf %add3A_21, %convert_element_type3A_39 : vector<2000x64xf32>
    %convert_element_type3A_40 = arith.truncf %sub3A : vector<2000x64xf32> to vector<2000x64xbf16>
    %convert_element_type3A_41 = arith.extf %convert_element_type3A_40 : vector<2000x64xbf16> to vector<2000x64xf32>
    %dot_general3A_42 = arith.constant dense<0.000000e+00> : vector<128x64xf32>
    %dot_general3A_43 = tpu.matmul %convert_element_type3A_30, %convert_element_type3A_39, %dot_general3A_42 {dimension_numbers = #tpu.dot_dimension_numbers<[1], [0], [0], [1], [0, 0, 1, 1], [], []>, transpose_lhs_hint = false} : vector<128x2000xf32>, vector<2000x64xf32>, vector<128x64xf32> -> vector<128x64xf32>
    %dot_general3A_44 = arith.constant dense<0.000000e+00> : vector<128x64xf32>
    %dot_general3A_45 = tpu.matmul %convert_element_type3A_30, %convert_element_type3A_41, %dot_general3A_44 {dimension_numbers = #tpu.dot_dimension_numbers<[1], [0], [0], [1], [0, 0, 1, 1], [], []>, transpose_lhs_hint = false} : vector<128x2000xf32>, vector<2000x64xf32>, vector<128x64xf32> -> vector<128x64xf32>
    %sub3A_46 = arith.subf %sub3A, %convert_element_type3A_41 : vector<2000x64xf32>
    %dot_general3A_47 = arith.constant dense<0.000000e+00> : vector<128x64xf32>
    %dot_general3A_48 = tpu.matmul %convert_element_type3A_30, %sub3A_46, %dot_general3A_47 {dimension_numbers = #tpu.dot_dimension_numbers<[1], [0], [0], [1], [0, 0, 1, 1], [], []>, transpose_lhs_hint = false} : vector<128x2000xf32>, vector<2000x64xf32>, vector<128x64xf32> -> vector<128x64xf32>
    %add3A_49 = arith.addf %dot_general3A_45, %dot_general3A_48 : vector<128x64xf32>
    %add3A_50 = arith.addf %dot_general3A_43, %add3A_49 : vector<128x64xf32>
    %add3A_51 = arith.addf %get3A_37, %add3A_50 : vector<128x64xf32>
    %swap3A_52 = arith.constant 0 : index
    %swap3A_53 = arith.constant 0 : index
    %swap3A_54 = vector.load %arg8[%swap3A_52, %swap3A_53] : memref<128x64xf32, #tpu.memory_space<vmem>>, vector<128x64xf32>
    tpu.vector_store %arg8[%swap3A_52, %swap3A_53], %add3A_51 {strides = array<i32>} : memref<128x64xf32, #tpu.memory_space<vmem>>, vector<128x64xf32>,
    %get3A_55 = arith.constant 0 : index
    %get3A_56 = arith.constant 0 : index
    %get3A_57 = vector.load %arg9[%get3A_55, %get3A_56] : memref<128x64xf32, #tpu.memory_space<vmem>>, vector<128x64xf32>
    %mul3A = arith.mulf %add3A_21, %add3A_21 : vector<2000x64xf32>
    %convert_element_type3A_58 = arith.truncf %mul3A : vector<2000x64xf32> to vector<2000x64xbf16>
    %convert_element_type3A_59 = arith.extf %convert_element_type3A_58 : vector<2000x64xbf16> to vector<2000x64xf32>
    %sub3A_60 = arith.subf %mul3A, %convert_element_type3A_59 : vector<2000x64xf32>
    %convert_element_type3A_61 = arith.truncf %sub3A_60 : vector<2000x64xf32> to vector<2000x64xbf16>
    %convert_element_type3A_62 = arith.extf %convert_element_type3A_61 : vector<2000x64xbf16> to vector<2000x64xf32>
    %dot_general3A_63 = arith.constant dense<0.000000e+00> : vector<128x64xf32>
    %dot_general3A_64 = tpu.matmul %convert_element_type3A_30, %convert_element_type3A_59, %dot_general3A_63 {dimension_numbers = #tpu.dot_dimension_numbers<[1], [0], [0], [1], [0, 0, 1, 1], [], []>, transpose_lhs_hint = false} : vector<128x2000xf32>, vector<2000x64xf32>, vector<128x64xf32> -> vector<128x64xf32>
    %dot_general3A_65 = arith.constant dense<0.000000e+00> : vector<128x64xf32>
    %dot_general3A_66 = tpu.matmul %convert_element_type3A_30, %convert_element_type3A_62, %dot_general3A_65 {dimension_numbers = #tpu.dot_dimension_numbers<[1], [0], [0], [1], [0, 0, 1, 1], [], []>, transpose_lhs_hint = false} : vector<128x2000xf32>, vector<2000x64xf32>, vector<128x64xf32> -> vector<128x64xf32>
    %sub3A_67 = arith.subf %sub3A_60, %convert_element_type3A_62 : vector<2000x64xf32>
    %dot_general3A_68 = arith.constant dense<0.000000e+00> : vector<128x64xf32>
    %dot_general3A_69 = tpu.matmul %convert_element_type3A_30, %sub3A_67, %dot_general3A_68 {dimension_numbers = #tpu.dot_dimension_numbers<[1], [0], [0], [1], [0, 0, 1, 1], [], []>, transpose_lhs_hint = false} : vector<128x2000xf32>, vector<2000x64xf32>, vector<128x64xf32> -> vector<128x64xf32>
    %add3A_70 = arith.addf %dot_general3A_66, %dot_general3A_69 : vector<128x64xf32>
    %add3A_71 = arith.addf %dot_general3A_64, %add3A_70 : vector<128x64xf32>
    %add3A_72 = arith.addf %get3A_57, %add3A_71 : vector<128x64xf32>
    %swap3A_73 = arith.constant 0 : index
    %swap3A_74 = arith.constant 0 : index
    %swap3A_75 = vector.load %arg9[%swap3A_73, %swap3A_74] : memref<128x64xf32, #tpu.memory_space<vmem>>, vector<128x64xf32>
    tpu.vector_store %arg9[%swap3A_73, %swap3A_74], %add3A_72 {strides = array<i32>} : memref<128x64xf32, #tpu.memory_space<vmem>>, vector<128x64xf32>,
    %get3A_76 = arith.constant 0 : index
    %get3A_77 = arith.constant 0 : index
    %get3A_78 = vector.load %arg10[%get3A_76, %get3A_77] : memref<128x64xf32, #tpu.memory_space<vmem>>, vector<128x64xf32>
    %broadcast_in_dim3A_79 = arith.constant 1.000000e+00 : f32
    %broadcast_in_dim3A_80 = vector.broadcast %broadcast_in_dim3A_79 : f32 to vector<2000x64xf32>
    %dot_general3A_81 = arith.constant dense<0.000000e+00> : vector<128x64xf32>
    %dot_general3A_82 = tpu.matmul %convert_element_type3A_30, %broadcast_in_dim3A_80, %dot_general3A_81 {dimension_numbers = #tpu.dot_dimension_numbers<[1], [0], [0], [1], [0, 0, 1, 1], [], []>, transpose_lhs_hint = false} : vector<128x2000xf32>, vector<2000x64xf32>, vector<128x64xf32> -> vector<128x64xf32>
    %add3A_83 = arith.addf %get3A_78, %dot_general3A_82 : vector<128x64xf32>
    %swap3A_84 = arith.constant 0 : index
    %swap3A_85 = arith.constant 0 : index
    %swap3A_86 = vector.load %arg10[%swap3A_84, %swap3A_85] : memref<128x64xf32, #tpu.memory_space<vmem>>, vector<128x64xf32>
    tpu.vector_store %arg10[%swap3A_84, %swap3A_85], %add3A_83 {strides = array<i32>} : memref<128x64xf32, #tpu.memory_space<vmem>>, vector<128x64xf32>,
    return
  }
  func.func @transform_0(%arg0: i32) -> (i32, i32) {
    %c0_i32 = arith.constant 0 : i32
    %c0_i32_0 = arith.constant 0 : i32
    return %arg0, %c0_i32 : i32, i32
  }
  func.func @transform_1(%arg0: i32) -> (i32, i32, i32) {
    %c0_i32 = arith.constant 0 : i32
    %c0_i32_0 = arith.constant 0 : i32
    %c0_i32_1 = arith.constant 0 : i32
    return %arg0, %c0_i32, %c0_i32_0 : i32, i32, i32
  }
  func.func @transform_2(%arg0: i32) -> (i32, i32) {
    %c0_i32 = arith.constant 0 : i32
    %c0_i32_0 = arith.constant 0 : i32
    %c0_i32_1 = arith.constant 0 : i32
    return %c0_i32, %c0_i32_0 : i32, i32
  }
  func.func @transform_3(%arg0: i32) -> (i32, i32) {
    %c0_i32 = arith.constant 0 : i32
    %c0_i32_0 = arith.constant 0 : i32
    %c0_i32_1 = arith.constant 0 : i32
    return %c0_i32, %c0_i32_0 : i32, i32
  }
  func.func @transform_4(%arg0: i32) -> (i32, i32) {
    %c0_i32 = arith.constant 0 : i32
    %c0_i32_0 = arith.constant 0 : i32
    %c0_i32_1 = arith.constant 0 : i32
    return %c0_i32, %c0_i32_0 : i32, i32
  }
  func.func @transform_5(%arg0: i32) -> (i32, i32) {
    %c0_i32 = arith.constant 0 : i32
    %c0_i32_0 = arith.constant 0 : i32
    %c0_i32_1 = arith.constant 0 : i32
    return %c0_i32, %c0_i32_0 : i32, i32
  }
  func.func @transform_6(%arg0: i32) -> (i32, i32) {
    %c0_i32 = arith.constant 0 : i32
    %c0_i32_0 = arith.constant 0 : i32
    return %arg0, %c0_i32 : i32, i32
  }
  func.func @transform_7(%arg0: i32) -> (i32, i32) {
    %c0_i32 = arith.constant 0 : i32
    %c0_i32_0 = arith.constant 0 : i32
    %c0_i32_1 = arith.constant 0 : i32
    return %c0_i32, %c0_i32_0 : i32, i32
  }
  func.func @transform_8(%arg0: i32) -> (i32, i32) {
    %c0_i32 = arith.constant 0 : i32
    %c0_i32_0 = arith.constant 0 : i32
    %c0_i32_1 = arith.constant 0 : i32
    return %c0_i32, %c0_i32_0 : i32, i32
  }
  func.func @transform_9(%arg0: i32) -> (i32, i32) {
    %c0_i32 = arith.constant 0 : i32
    %c0_i32_0 = arith.constant 0 : i32
    %c0_i32_1 = arith.constant 0 : i32
    return %c0_i32, %c0_i32_0 : i32, i32
  }
}

module attributes {stable_mosaic.version = 14 : i64} {
  func.func @body(%arg0: i32, %arg1: memref<4000x16xf32, #tpu.memory_space<vmem>>, %arg2: memref<1x1x4000xi32, #tpu.memory_space<vmem>>, %arg3: memref<16x64xf32, #tpu.memory_space<vmem>>, %arg4: memref<1x64xf32, #tpu.memory_space<vmem>>, %arg5: memref<64x64xf32, #tpu.memory_space<vmem>>, %arg6: memref<1x64xf32, #tpu.memory_space<vmem>>, %arg7: memref<4000x64xf32, #tpu.memory_space<vmem>>, %arg8: memref<128x16xf32, #tpu.memory_space<vmem>>, %arg9: memref<128x64xf32, #tpu.memory_space<vmem>>, %arg10: memref<128x64xf32, #tpu.memory_space<vmem>>, %arg11: memref<128x64xf32, #tpu.memory_space<vmem>>) attributes {dimension_semantics = [#tpu.dimension_semantics<arbitrary>], iteration_bounds = array<i64: 80>, scalar_prefetch = 0 : i64, scratch_operands = 0 : i64, tpu.core_type = #tpu.core_type<tc>, window_params = [{transform_indices = @transform_0, window_bounds = array<i64: 4000, 16>}, {transform_indices = @transform_1, window_bounds = array<i64: 1, 1, 4000>}, {pipeline_mode = #tpu.pipeline_mode<synchronous>, transform_indices = @transform_2, window_bounds = array<i64: 16, 64>}, {pipeline_mode = #tpu.pipeline_mode<synchronous>, transform_indices = @transform_3, window_bounds = array<i64: 1, 64>}, {pipeline_mode = #tpu.pipeline_mode<synchronous>, transform_indices = @transform_4, window_bounds = array<i64: 64, 64>}, {pipeline_mode = #tpu.pipeline_mode<synchronous>, transform_indices = @transform_5, window_bounds = array<i64: 1, 64>}, {transform_indices = @transform_6, window_bounds = array<i64: 4000, 64>}, {pipeline_mode = #tpu.pipeline_mode<synchronous>, transform_indices = @transform_7, window_bounds = array<i64: 128, 16>}, {pipeline_mode = #tpu.pipeline_mode<synchronous>, transform_indices = @transform_8, window_bounds = array<i64: 128, 64>}, {pipeline_mode = #tpu.pipeline_mode<synchronous>, transform_indices = @transform_9, window_bounds = array<i64: 128, 64>}, {pipeline_mode = #tpu.pipeline_mode<synchronous>, transform_indices = @transform_10, window_bounds = array<i64: 128, 64>}]} {
    %get3A = arith.constant 0 : index
    %get3A_0 = arith.constant 0 : index
    %get3A_1 = vector.load %arg1[%get3A, %get3A_0] : memref<4000x16xf32, #tpu.memory_space<vmem>>, vector<4000x16xf32>
    %get3A_2 = arith.constant 0 : index
    %get3A_3 = arith.constant 0 : index
    %get3A_4 = vector.load %arg3[%get3A_2, %get3A_3] : memref<16x64xf32, #tpu.memory_space<vmem>>, vector<16x64xf32>
    %dot_general3A = arith.constant dense<0.000000e+00> : vector<4000x64xf32>
    %dot_general3A_5 = tpu.matmul %get3A_1, %get3A_4, %dot_general3A {dimension_numbers = #tpu.dot_dimension_numbers<[1], [0], [0], [1], [0, 0, 1, 1], [], []>, transpose_lhs_hint = false} : vector<4000x16xf32>, vector<16x64xf32>, vector<4000x64xf32> -> vector<4000x64xf32>
    %get3A_6 = arith.constant 0 : index
    %get3A_7 = arith.constant 0 : index
    %get3A_8 = vector.load %arg4[%get3A_6, %get3A_7] : memref<1x64xf32, #tpu.memory_space<vmem>>, vector<1x64xf32>
    %add3A = vector.broadcast %get3A_8 : vector<1x64xf32> to vector<4000x64xf32>
    %add3A_9 = arith.addf %dot_general3A_5, %add3A : vector<4000x64xf32>
    %max3A = arith.constant 0.000000e+00 : f32
    %max3A_10 = vector.broadcast %max3A : f32 to vector<4000x64xf32>
    %max3A_11 = arith.maximumf %add3A_9, %max3A_10 : vector<4000x64xf32>
    %get3A_12 = arith.constant 0 : index
    %get3A_13 = arith.constant 0 : index
    %get3A_14 = vector.load %arg5[%get3A_12, %get3A_13] : memref<64x64xf32, #tpu.memory_space<vmem>>, vector<64x64xf32>
    %dot_general3A_15 = arith.constant dense<0.000000e+00> : vector<4000x64xf32>
    %dot_general3A_16 = tpu.matmul %max3A_11, %get3A_14, %dot_general3A_15 {dimension_numbers = #tpu.dot_dimension_numbers<[1], [0], [0], [1], [0, 0, 1, 1], [], []>, transpose_lhs_hint = false} : vector<4000x64xf32>, vector<64x64xf32>, vector<4000x64xf32> -> vector<4000x64xf32>
    %get3A_17 = arith.constant 0 : index
    %get3A_18 = arith.constant 0 : index
    %get3A_19 = vector.load %arg6[%get3A_17, %get3A_18] : memref<1x64xf32, #tpu.memory_space<vmem>>, vector<1x64xf32>
    %add3A_20 = vector.broadcast %get3A_19 : vector<1x64xf32> to vector<4000x64xf32>
    %add3A_21 = arith.addf %dot_general3A_16, %add3A_20 : vector<4000x64xf32>
    %swap3A = arith.constant 0 : index
    %swap3A_22 = arith.constant 0 : index
    %swap3A_23 = vector.load %arg7[%swap3A, %swap3A_22] : memref<4000x64xf32, #tpu.memory_space<vmem>>, vector<4000x64xf32>
    tpu.vector_store %arg7[%swap3A, %swap3A_22], %add3A_21 {strides = array<i32>} : memref<4000x64xf32, #tpu.memory_space<vmem>>, vector<4000x64xf32>,
    %get3A_24 = arith.constant 0 : index
    %get3A_25 = arith.constant 0 : index
    %get3A_26 = arith.constant 0 : index
    %get3A_27 = vector.load %arg2[%get3A_24, %get3A_25, %get3A_26] : memref<1x1x4000xi32, #tpu.memory_space<vmem>>, vector<1x1x4000xi32>
    %get3A_28 = vector.shape_cast %get3A_27 : vector<1x1x4000xi32> to vector<4000xi32>
    %broadcast_in_dim3A = vector.shape_cast %get3A_28 : vector<4000xi32> to vector<1x4000xi32>
    %iota3A = tpu.iota {dimensions = array<i32: 0>} : vector<128x4000xi32>
    %eq3A = vector.broadcast %broadcast_in_dim3A : vector<1x4000xi32> to vector<128x4000xi32>
    %eq3A_29 = arith.cmpi eq, %iota3A, %eq3A : vector<128x4000xi32>
    %convert_element_type3A = arith.extui %eq3A_29 : vector<128x4000xi1> to vector<128x4000xi32>
    %convert_element_type3A_30 = arith.sitofp %convert_element_type3A : vector<128x4000xi32> to vector<128x4000xf32>
    %eq3A_31 = arith.constant 0 : i32
    %eq3A_32 = arith.cmpi eq, %arg0, %eq3A_31 : i32
    %convert_element_type3A_33 = arith.extui %eq3A_32 : i1 to i32
    %cond3A = arith.constant 0 : i32
    %cond3A_34 = arith.cmpi ne, %convert_element_type3A_33, %cond3A : i32
    scf.if %cond3A_34 {
      %broadcast_in_dim3A_108 = arith.constant 0.000000e+00 : f32
      %broadcast_in_dim3A_109 = vector.broadcast %broadcast_in_dim3A_108 : f32 to vector<128x16xf32>
      %swap3A_110 = arith.constant 0 : index
      %swap3A_111 = arith.constant 0 : index
      %swap3A_112 = vector.load %arg8[%swap3A_110, %swap3A_111] : memref<128x16xf32, #tpu.memory_space<vmem>>, vector<128x16xf32>
      tpu.vector_store %arg8[%swap3A_110, %swap3A_111], %broadcast_in_dim3A_109 {strides = array<i32>} : memref<128x16xf32, #tpu.memory_space<vmem>>, vector<128x16xf32>,
      %broadcast_in_dim3A_113 = arith.constant 0.000000e+00 : f32
      %broadcast_in_dim3A_114 = vector.broadcast %broadcast_in_dim3A_113 : f32 to vector<128x64xf32>
      %swap3A_115 = arith.constant 0 : index
      %swap3A_116 = arith.constant 0 : index
      %swap3A_117 = vector.load %arg9[%swap3A_115, %swap3A_116] : memref<128x64xf32, #tpu.memory_space<vmem>>, vector<128x64xf32>
      tpu.vector_store %arg9[%swap3A_115, %swap3A_116], %broadcast_in_dim3A_114 {strides = array<i32>} : memref<128x64xf32, #tpu.memory_space<vmem>>, vector<128x64xf32>,
      %broadcast_in_dim3A_118 = arith.constant 0.000000e+00 : f32
      %broadcast_in_dim3A_119 = vector.broadcast %broadcast_in_dim3A_118 : f32 to vector<128x64xf32>
      %swap3A_120 = arith.constant 0 : index
      %swap3A_121 = arith.constant 0 : index
      %swap3A_122 = vector.load %arg10[%swap3A_120, %swap3A_121] : memref<128x64xf32, #tpu.memory_space<vmem>>, vector<128x64xf32>
      tpu.vector_store %arg10[%swap3A_120, %swap3A_121], %broadcast_in_dim3A_119 {strides = array<i32>} : memref<128x64xf32, #tpu.memory_space<vmem>>, vector<128x64xf32>,
      %broadcast_in_dim3A_123 = arith.constant 0.000000e+00 : f32
      %broadcast_in_dim3A_124 = vector.broadcast %broadcast_in_dim3A_123 : f32 to vector<128x64xf32>
      %swap3A_125 = arith.constant 0 : index
      %swap3A_126 = arith.constant 0 : index
      %swap3A_127 = vector.load %arg11[%swap3A_125, %swap3A_126] : memref<128x64xf32, #tpu.memory_space<vmem>>, vector<128x64xf32>
      tpu.vector_store %arg11[%swap3A_125, %swap3A_126], %broadcast_in_dim3A_124 {strides = array<i32>} : memref<128x64xf32, #tpu.memory_space<vmem>>, vector<128x64xf32>,
    } else {
    }
    %get3A_35 = arith.constant 0 : index
    %get3A_36 = arith.constant 0 : index
    %get3A_37 = vector.load %arg8[%get3A_35, %get3A_36] : memref<128x16xf32, #tpu.memory_space<vmem>>, vector<128x16xf32>
    %convert_element_type3A_38 = arith.truncf %get3A_1 : vector<4000x16xf32> to vector<4000x16xbf16>
    %convert_element_type3A_39 = arith.extf %convert_element_type3A_38 : vector<4000x16xbf16> to vector<4000x16xf32>
    %sub3A = arith.subf %get3A_1, %convert_element_type3A_39 : vector<4000x16xf32>
    %convert_element_type3A_40 = arith.truncf %sub3A : vector<4000x16xf32> to vector<4000x16xbf16>
    %convert_element_type3A_41 = arith.extf %convert_element_type3A_40 : vector<4000x16xbf16> to vector<4000x16xf32>
    %dot_general3A_42 = arith.constant dense<0.000000e+00> : vector<128x16xf32>
    %dot_general3A_43 = tpu.matmul %convert_element_type3A_30, %convert_element_type3A_39, %dot_general3A_42 {dimension_numbers = #tpu.dot_dimension_numbers<[1], [0], [0], [1], [0, 0, 1, 1], [], []>, transpose_lhs_hint = false} : vector<128x4000xf32>, vector<4000x16xf32>, vector<128x16xf32> -> vector<128x16xf32>
    %dot_general3A_44 = arith.constant dense<0.000000e+00> : vector<128x16xf32>
    %dot_general3A_45 = tpu.matmul %convert_element_type3A_30, %convert_element_type3A_41, %dot_general3A_44 {dimension_numbers = #tpu.dot_dimension_numbers<[1], [0], [0], [1], [0, 0, 1, 1], [], []>, transpose_lhs_hint = false} : vector<128x4000xf32>, vector<4000x16xf32>, vector<128x16xf32> -> vector<128x16xf32>
    %sub3A_46 = arith.subf %sub3A, %convert_element_type3A_41 : vector<4000x16xf32>
    %dot_general3A_47 = arith.constant dense<0.000000e+00> : vector<128x16xf32>
    %dot_general3A_48 = tpu.matmul %convert_element_type3A_30, %sub3A_46, %dot_general3A_47 {dimension_numbers = #tpu.dot_dimension_numbers<[1], [0], [0], [1], [0, 0, 1, 1], [], []>, transpose_lhs_hint = false} : vector<128x4000xf32>, vector<4000x16xf32>, vector<128x16xf32> -> vector<128x16xf32>
    %add3A_49 = arith.addf %dot_general3A_45, %dot_general3A_48 : vector<128x16xf32>
    %add3A_50 = arith.addf %dot_general3A_43, %add3A_49 : vector<128x16xf32>
    %add3A_51 = arith.addf %get3A_37, %add3A_50 : vector<128x16xf32>
    %swap3A_52 = arith.constant 0 : index
    %swap3A_53 = arith.constant 0 : index
    %swap3A_54 = vector.load %arg8[%swap3A_52, %swap3A_53] : memref<128x16xf32, #tpu.memory_space<vmem>>, vector<128x16xf32>
    tpu.vector_store %arg8[%swap3A_52, %swap3A_53], %add3A_51 {strides = array<i32>} : memref<128x16xf32, #tpu.memory_space<vmem>>, vector<128x16xf32>,
    %get3A_55 = arith.constant 0 : index
    %get3A_56 = arith.constant 0 : index
    %get3A_57 = vector.load %arg9[%get3A_55, %get3A_56] : memref<128x64xf32, #tpu.memory_space<vmem>>, vector<128x64xf32>
    %convert_element_type3A_58 = arith.truncf %add3A_21 : vector<4000x64xf32> to vector<4000x64xbf16>
    %convert_element_type3A_59 = arith.extf %convert_element_type3A_58 : vector<4000x64xbf16> to vector<4000x64xf32>
    %sub3A_60 = arith.subf %add3A_21, %convert_element_type3A_59 : vector<4000x64xf32>
    %convert_element_type3A_61 = arith.truncf %sub3A_60 : vector<4000x64xf32> to vector<4000x64xbf16>
    %convert_element_type3A_62 = arith.extf %convert_element_type3A_61 : vector<4000x64xbf16> to vector<4000x64xf32>
    %dot_general3A_63 = arith.constant dense<0.000000e+00> : vector<128x64xf32>
    %dot_general3A_64 = tpu.matmul %convert_element_type3A_30, %convert_element_type3A_59, %dot_general3A_63 {dimension_numbers = #tpu.dot_dimension_numbers<[1], [0], [0], [1], [0, 0, 1, 1], [], []>, transpose_lhs_hint = false} : vector<128x4000xf32>, vector<4000x64xf32>, vector<128x64xf32> -> vector<128x64xf32>
    %dot_general3A_65 = arith.constant dense<0.000000e+00> : vector<128x64xf32>
    %dot_general3A_66 = tpu.matmul %convert_element_type3A_30, %convert_element_type3A_62, %dot_general3A_65 {dimension_numbers = #tpu.dot_dimension_numbers<[1], [0], [0], [1], [0, 0, 1, 1], [], []>, transpose_lhs_hint = false} : vector<128x4000xf32>, vector<4000x64xf32>, vector<128x64xf32> -> vector<128x64xf32>
    %sub3A_67 = arith.subf %sub3A_60, %convert_element_type3A_62 : vector<4000x64xf32>
    %dot_general3A_68 = arith.constant dense<0.000000e+00> : vector<128x64xf32>
    %dot_general3A_69 = tpu.matmul %convert_element_type3A_30, %sub3A_67, %dot_general3A_68 {dimension_numbers = #tpu.dot_dimension_numbers<[1], [0], [0], [1], [0, 0, 1, 1], [], []>, transpose_lhs_hint = false} : vector<128x4000xf32>, vector<4000x64xf32>, vector<128x64xf32> -> vector<128x64xf32>
    %add3A_70 = arith.addf %dot_general3A_66, %dot_general3A_69 : vector<128x64xf32>
    %add3A_71 = arith.addf %dot_general3A_64, %add3A_70 : vector<128x64xf32>
    %add3A_72 = arith.addf %get3A_57, %add3A_71 : vector<128x64xf32>
    %swap3A_73 = arith.constant 0 : index
    %swap3A_74 = arith.constant 0 : index
    %swap3A_75 = vector.load %arg9[%swap3A_73, %swap3A_74] : memref<128x64xf32, #tpu.memory_space<vmem>>, vector<128x64xf32>
    tpu.vector_store %arg9[%swap3A_73, %swap3A_74], %add3A_72 {strides = array<i32>} : memref<128x64xf32, #tpu.memory_space<vmem>>, vector<128x64xf32>,
    %get3A_76 = arith.constant 0 : index
    %get3A_77 = arith.constant 0 : index
    %get3A_78 = vector.load %arg10[%get3A_76, %get3A_77] : memref<128x64xf32, #tpu.memory_space<vmem>>, vector<128x64xf32>
    %mul3A = arith.mulf %add3A_21, %add3A_21 : vector<4000x64xf32>
    %convert_element_type3A_79 = arith.truncf %mul3A : vector<4000x64xf32> to vector<4000x64xbf16>
    %convert_element_type3A_80 = arith.extf %convert_element_type3A_79 : vector<4000x64xbf16> to vector<4000x64xf32>
    %sub3A_81 = arith.subf %mul3A, %convert_element_type3A_80 : vector<4000x64xf32>
    %convert_element_type3A_82 = arith.truncf %sub3A_81 : vector<4000x64xf32> to vector<4000x64xbf16>
    %convert_element_type3A_83 = arith.extf %convert_element_type3A_82 : vector<4000x64xbf16> to vector<4000x64xf32>
    %dot_general3A_84 = arith.constant dense<0.000000e+00> : vector<128x64xf32>
    %dot_general3A_85 = tpu.matmul %convert_element_type3A_30, %convert_element_type3A_80, %dot_general3A_84 {dimension_numbers = #tpu.dot_dimension_numbers<[1], [0], [0], [1], [0, 0, 1, 1], [], []>, transpose_lhs_hint = false} : vector<128x4000xf32>, vector<4000x64xf32>, vector<128x64xf32> -> vector<128x64xf32>
    %dot_general3A_86 = arith.constant dense<0.000000e+00> : vector<128x64xf32>
    %dot_general3A_87 = tpu.matmul %convert_element_type3A_30, %convert_element_type3A_83, %dot_general3A_86 {dimension_numbers = #tpu.dot_dimension_numbers<[1], [0], [0], [1], [0, 0, 1, 1], [], []>, transpose_lhs_hint = false} : vector<128x4000xf32>, vector<4000x64xf32>, vector<128x64xf32> -> vector<128x64xf32>
    %sub3A_88 = arith.subf %sub3A_81, %convert_element_type3A_83 : vector<4000x64xf32>
    %dot_general3A_89 = arith.constant dense<0.000000e+00> : vector<128x64xf32>
    %dot_general3A_90 = tpu.matmul %convert_element_type3A_30, %sub3A_88, %dot_general3A_89 {dimension_numbers = #tpu.dot_dimension_numbers<[1], [0], [0], [1], [0, 0, 1, 1], [], []>, transpose_lhs_hint = false} : vector<128x4000xf32>, vector<4000x64xf32>, vector<128x64xf32> -> vector<128x64xf32>
    %add3A_91 = arith.addf %dot_general3A_87, %dot_general3A_90 : vector<128x64xf32>
    %add3A_92 = arith.addf %dot_general3A_85, %add3A_91 : vector<128x64xf32>
    %add3A_93 = arith.addf %get3A_78, %add3A_92 : vector<128x64xf32>
    %swap3A_94 = arith.constant 0 : index
    %swap3A_95 = arith.constant 0 : index
    %swap3A_96 = vector.load %arg10[%swap3A_94, %swap3A_95] : memref<128x64xf32, #tpu.memory_space<vmem>>, vector<128x64xf32>
    tpu.vector_store %arg10[%swap3A_94, %swap3A_95], %add3A_93 {strides = array<i32>} : memref<128x64xf32, #tpu.memory_space<vmem>>, vector<128x64xf32>,
    %get3A_97 = arith.constant 0 : index
    %get3A_98 = arith.constant 0 : index
    %get3A_99 = vector.load %arg11[%get3A_97, %get3A_98] : memref<128x64xf32, #tpu.memory_space<vmem>>, vector<128x64xf32>
    %broadcast_in_dim3A_100 = arith.constant 1.000000e+00 : f32
    %broadcast_in_dim3A_101 = vector.broadcast %broadcast_in_dim3A_100 : f32 to vector<4000x64xf32>
    %dot_general3A_102 = arith.constant dense<0.000000e+00> : vector<128x64xf32>
    %dot_general3A_103 = tpu.matmul %convert_element_type3A_30, %broadcast_in_dim3A_101, %dot_general3A_102 {dimension_numbers = #tpu.dot_dimension_numbers<[1], [0], [0], [1], [0, 0, 1, 1], [], []>, transpose_lhs_hint = false} : vector<128x4000xf32>, vector<4000x64xf32>, vector<128x64xf32> -> vector<128x64xf32>
    %add3A_104 = arith.addf %get3A_99, %dot_general3A_103 : vector<128x64xf32>
    %swap3A_105 = arith.constant 0 : index
    %swap3A_106 = arith.constant 0 : index
    %swap3A_107 = vector.load %arg11[%swap3A_105, %swap3A_106] : memref<128x64xf32, #tpu.memory_space<vmem>>, vector<128x64xf32>
    tpu.vector_store %arg11[%swap3A_105, %swap3A_106], %add3A_104 {strides = array<i32>} : memref<128x64xf32, #tpu.memory_space<vmem>>, vector<128x64xf32>,
    return
  }
  func.func @transform_0(%arg0: i32) -> (i32, i32) {
    %c0_i32 = arith.constant 0 : i32
    %c0_i32_0 = arith.constant 0 : i32
    return %arg0, %c0_i32 : i32, i32
  }
  func.func @transform_1(%arg0: i32) -> (i32, i32, i32) {
    %c0_i32 = arith.constant 0 : i32
    %c0_i32_0 = arith.constant 0 : i32
    %c0_i32_1 = arith.constant 0 : i32
    return %arg0, %c0_i32, %c0_i32_0 : i32, i32, i32
  }
  func.func @transform_2(%arg0: i32) -> (i32, i32) {
    %c0_i32 = arith.constant 0 : i32
    %c0_i32_0 = arith.constant 0 : i32
    %c0_i32_1 = arith.constant 0 : i32
    return %c0_i32, %c0_i32_0 : i32, i32
  }
  func.func @transform_3(%arg0: i32) -> (i32, i32) {
    %c0_i32 = arith.constant 0 : i32
    %c0_i32_0 = arith.constant 0 : i32
    %c0_i32_1 = arith.constant 0 : i32
    return %c0_i32, %c0_i32_0 : i32, i32
  }
  func.func @transform_4(%arg0: i32) -> (i32, i32) {
    %c0_i32 = arith.constant 0 : i32
    %c0_i32_0 = arith.constant 0 : i32
    %c0_i32_1 = arith.constant 0 : i32
    return %c0_i32, %c0_i32_0 : i32, i32
  }
  func.func @transform_5(%arg0: i32) -> (i32, i32) {
    %c0_i32 = arith.constant 0 : i32
    %c0_i32_0 = arith.constant 0 : i32
    %c0_i32_1 = arith.constant 0 : i32
    return %c0_i32, %c0_i32_0 : i32, i32
  }
  func.func @transform_6(%arg0: i32) -> (i32, i32) {
    %c0_i32 = arith.constant 0 : i32
    %c0_i32_0 = arith.constant 0 : i32
    return %arg0, %c0_i32 : i32, i32
  }
  func.func @transform_7(%arg0: i32) -> (i32, i32) {
    %c0_i32 = arith.constant 0 : i32
    %c0_i32_0 = arith.constant 0 : i32
    %c0_i32_1 = arith.constant 0 : i32
    return %c0_i32, %c0_i32_0 : i32, i32
  }
  func.func @transform_8(%arg0: i32) -> (i32, i32) {
    %c0_i32 = arith.constant 0 : i32
    %c0_i32_0 = arith.constant 0 : i32
    %c0_i32_1 = arith.constant 0 : i32
    return %c0_i32, %c0_i32_0 : i32, i32
  }
  func.func @transform_9(%arg0: i32) -> (i32, i32) {
    %c0_i32 = arith.constant 0 : i32
    %c0_i32_0 = arith.constant 0 : i32
    %c0_i32_1 = arith.constant 0 : i32
    return %c0_i32, %c0_i32_0 : i32, i32
  }
  func.func @transform_10(%arg0: i32) -> (i32, i32) {
    %c0_i32 = arith.constant 0 : i32
    %c0_i32_0 = arith.constant 0 : i32
    %c0_i32_1 = arith.constant 0 : i32
    return %c0_i32, %c0_i32_0 : i32, i32
  }
}

module attributes {stable_mosaic.version = 14 : i64} {
  func.func @body(%arg0: memref<128x16xf32, #tpu.memory_space<vmem>>, %arg1: memref<128x64xf32, #tpu.memory_space<vmem>>, %arg2: memref<128x64xf32, #tpu.memory_space<vmem>>, %arg3: memref<128x64xf32, #tpu.memory_space<vmem>>, %arg4: memref<128x64xf32, #tpu.memory_space<vmem>>, %arg5: memref<128x64xf32, #tpu.memory_space<vmem>>, %arg6: memref<128x64xf32, #tpu.memory_space<vmem>>, %arg7: memref<1x64xf32, #tpu.memory_space<vmem>>, %arg8: memref<1x64xf32, #tpu.memory_space<vmem>>, %arg9: memref<1x64xf32, #tpu.memory_space<vmem>>, %arg10: memref<1x64xf32, #tpu.memory_space<vmem>>, %arg11: memref<1x64xf32, #tpu.memory_space<vmem>>, %arg12: memref<1x64xf32, #tpu.memory_space<vmem>>, %arg13: memref<16x64xf32, #tpu.memory_space<vmem>>, %arg14: memref<1x64xf32, #tpu.memory_space<vmem>>, %arg15: memref<64x64xf32, #tpu.memory_space<vmem>>, %arg16: memref<1x64xf32, #tpu.memory_space<vmem>>, %arg17: memref<128x64xf32, #tpu.memory_space<vmem>>, %arg18: memref<8x64xf32, #tpu.memory_space<vmem>>, %arg19: memref<8x128xf32, #tpu.memory_space<vmem>>) attributes {dimension_semantics = [], scalar_prefetch = 0 : i64, scratch_operands = 0 : i64, tpu.core_type = #tpu.core_type<tc>} {
    %get3A = arith.constant 0 : index
    %get3A_0 = arith.constant 0 : index
    %get3A_1 = vector.load %arg1[%get3A, %get3A_0] : memref<128x64xf32, #tpu.memory_space<vmem>>, vector<128x64xf32>
    %slice3A = vector.extract_strided_slice %get3A_1 {offsets = [0, 0], sizes = [128, 1], strides = [1, 1]} : vector<128x64xf32> to vector<128x1xf32>
    %get3A_2 = arith.constant 0 : index
    %get3A_3 = arith.constant 0 : index
    %get3A_4 = vector.load %arg2[%get3A_2, %get3A_3] : memref<128x64xf32, #tpu.memory_space<vmem>>, vector<128x64xf32>
    %slice3A_5 = vector.extract_strided_slice %get3A_4 {offsets = [0, 0], sizes = [128, 1], strides = [1, 1]} : vector<128x64xf32> to vector<128x1xf32>
    %max3A = arith.constant 1.000000e+00 : f32
    %max3A_6 = vector.broadcast %max3A : f32 to vector<128x1xf32>
    %max3A_7 = arith.maximumf %slice3A, %max3A_6 : vector<128x1xf32>
    %max3A_8 = arith.constant 1.000000e+00 : f32
    %max3A_9 = vector.broadcast %max3A_8 : f32 to vector<128x1xf32>
    %max3A_10 = arith.maximumf %slice3A_5, %max3A_9 : vector<128x1xf32>
    %get3A_11 = arith.constant 0 : index
    %get3A_12 = arith.constant 0 : index
    %get3A_13 = vector.load %arg0[%get3A_11, %get3A_12] : memref<128x16xf32, #tpu.memory_space<vmem>>, vector<128x16xf32>
    %div3A = vector.broadcast %max3A_7 : vector<128x1xf32> to vector<128x16xf32>
    %div3A_14 = arith.divf %get3A_13, %div3A : vector<128x16xf32>
    %get3A_15 = arith.constant 0 : index
    %get3A_16 = arith.constant 0 : index
    %get3A_17 = vector.load %arg13[%get3A_15, %get3A_16] : memref<16x64xf32, #tpu.memory_space<vmem>>, vector<16x64xf32>
    %dot_general3A = arith.constant dense<0.000000e+00> : vector<128x64xf32>
    %dot_general3A_18 = tpu.matmul %div3A_14, %get3A_17, %dot_general3A {dimension_numbers = #tpu.dot_dimension_numbers<[1], [0], [0], [1], [0, 0, 1, 1], [], []>, transpose_lhs_hint = false} : vector<128x16xf32>, vector<16x64xf32>, vector<128x64xf32> -> vector<128x64xf32>
    %get3A_19 = arith.constant 0 : index
    %get3A_20 = arith.constant 0 : index
    %get3A_21 = vector.load %arg14[%get3A_19, %get3A_20] : memref<1x64xf32, #tpu.memory_space<vmem>>, vector<1x64xf32>
    %add3A = vector.broadcast %get3A_21 : vector<1x64xf32> to vector<128x64xf32>
    %add3A_22 = arith.addf %dot_general3A_18, %add3A : vector<128x64xf32>
    %max3A_23 = arith.constant 0.000000e+00 : f32
    %max3A_24 = vector.broadcast %max3A_23 : f32 to vector<128x64xf32>
    %max3A_25 = arith.maximumf %add3A_22, %max3A_24 : vector<128x64xf32>
    %get3A_26 = arith.constant 0 : index
    %get3A_27 = arith.constant 0 : index
    %get3A_28 = vector.load %arg15[%get3A_26, %get3A_27] : memref<64x64xf32, #tpu.memory_space<vmem>>, vector<64x64xf32>
    %dot_general3A_29 = arith.constant dense<0.000000e+00> : vector<128x64xf32>
    %dot_general3A_30 = tpu.matmul %max3A_25, %get3A_28, %dot_general3A_29 {dimension_numbers = #tpu.dot_dimension_numbers<[1], [0], [0], [1], [0, 0, 1, 1], [], []>, transpose_lhs_hint = false} : vector<128x64xf32>, vector<64x64xf32>, vector<128x64xf32> -> vector<128x64xf32>
    %get3A_31 = arith.constant 0 : index
    %get3A_32 = arith.constant 0 : index
    %get3A_33 = vector.load %arg16[%get3A_31, %get3A_32] : memref<1x64xf32, #tpu.memory_space<vmem>>, vector<1x64xf32>
    %add3A_34 = vector.broadcast %get3A_33 : vector<1x64xf32> to vector<128x64xf32>
    %add3A_35 = arith.addf %dot_general3A_30, %add3A_34 : vector<128x64xf32>
    %reduce_sum3A = arith.constant dense<0.000000e+00> : vector<64xf32>
    %reduce_sum3A_36 = vector.multi_reduction <add>, %add3A_35, %reduce_sum3A [0] : vector<128x64xf32> to vector<64xf32>
    %broadcast_in_dim3A = vector.shape_cast %reduce_sum3A_36 : vector<64xf32> to vector<1x64xf32>
    %div3A_37 = arith.constant 1.280000e+02 : f32
    %div3A_38 = vector.broadcast %div3A_37 : f32 to vector<1x64xf32>
    %div3A_39 = arith.divf %broadcast_in_dim3A, %div3A_38 : vector<1x64xf32>
    %mul3A = arith.mulf %add3A_35, %add3A_35 : vector<128x64xf32>
    %reduce_sum3A_40 = arith.constant dense<0.000000e+00> : vector<64xf32>
    %reduce_sum3A_41 = vector.multi_reduction <add>, %mul3A, %reduce_sum3A_40 [0] : vector<128x64xf32> to vector<64xf32>
    %broadcast_in_dim3A_42 = vector.shape_cast %reduce_sum3A_41 : vector<64xf32> to vector<1x64xf32>
    %div3A_43 = arith.constant 1.280000e+02 : f32
    %div3A_44 = vector.broadcast %div3A_43 : f32 to vector<1x64xf32>
    %div3A_45 = arith.divf %broadcast_in_dim3A_42, %div3A_44 : vector<1x64xf32>
    %mul3A_46 = arith.mulf %div3A_39, %div3A_39 : vector<1x64xf32>
    %sub3A = arith.subf %div3A_45, %mul3A_46 : vector<1x64xf32>
    %sub3A_47 = vector.broadcast %div3A_39 : vector<1x64xf32> to vector<128x64xf32>
    %sub3A_48 = arith.subf %add3A_35, %sub3A_47 : vector<128x64xf32>
    %add3A_49 = arith.constant 9.99999974E-6 : f32
    %add3A_50 = vector.broadcast %add3A_49 : f32 to vector<1x64xf32>
    %add3A_51 = arith.addf %sub3A, %add3A_50 : vector<1x64xf32>
    %rsqrt3A = math.rsqrt %add3A_51 : vector<1x64xf32>
    %mul3A_52 = vector.broadcast %rsqrt3A : vector<1x64xf32> to vector<128x64xf32>
    %mul3A_53 = arith.mulf %sub3A_48, %mul3A_52 : vector<128x64xf32>
    %get3A_54 = arith.constant 0 : index
    %get3A_55 = arith.constant 0 : index
    %get3A_56 = vector.load %arg11[%get3A_54, %get3A_55] : memref<1x64xf32, #tpu.memory_space<vmem>>, vector<1x64xf32>
    %mul3A_57 = vector.broadcast %get3A_56 : vector<1x64xf32> to vector<128x64xf32>
    %mul3A_58 = arith.mulf %mul3A_53, %mul3A_57 : vector<128x64xf32>
    %get3A_59 = arith.constant 0 : index
    %get3A_60 = arith.constant 0 : index
    %get3A_61 = vector.load %arg12[%get3A_59, %get3A_60] : memref<1x64xf32, #tpu.memory_space<vmem>>, vector<1x64xf32>
    %add3A_62 = vector.broadcast %get3A_61 : vector<1x64xf32> to vector<128x64xf32>
    %add3A_63 = arith.addf %mul3A_58, %add3A_62 : vector<128x64xf32>
    %swap3A = arith.constant 0 : index
    %swap3A_64 = arith.constant 0 : index
    %swap3A_65 = vector.load %arg17[%swap3A, %swap3A_64] : memref<128x64xf32, #tpu.memory_space<vmem>>, vector<128x64xf32>
    tpu.vector_store %arg17[%swap3A, %swap3A_64], %add3A_63 {strides = array<i32>} : memref<128x64xf32, #tpu.memory_space<vmem>>, vector<128x64xf32>,
    %gt3A = arith.constant 0.000000e+00 : f32
    %gt3A_66 = vector.broadcast %gt3A : f32 to vector<128x1xf32>
    %gt3A_67 = arith.cmpf ogt, %slice3A_5, %gt3A_66 : vector<128x1xf32>
    %max3A_68 = arith.constant 1.000000e-30 : f32
    %max3A_69 = vector.broadcast %max3A_68 : f32 to vector<128x1xf32>
    %max3A_70 = arith.maximumf %slice3A_5, %max3A_69 : vector<128x1xf32>
    %rsqrt3A_71 = math.rsqrt %max3A_70 : vector<128x1xf32>
    %jit3A = arith.constant 0.000000e+00 : f32
    %broadcast_in_dim3A_72 = vector.broadcast %jit3A : f32 to vector<128x1xf32>
    %select_n3A = arith.select %gt3A_67, %rsqrt3A_71, %broadcast_in_dim3A_72 : vector<128x1xi1>, vector<128x1xf32>
    %gt3A_73 = arith.constant 0.000000e+00 : f32
    %gt3A_74 = vector.broadcast %gt3A_73 : f32 to vector<128x1xf32>
    %gt3A_75 = arith.cmpf ogt, %slice3A, %gt3A_74 : vector<128x1xf32>
    %max3A_76 = arith.constant 1.000000e-30 : f32
    %max3A_77 = vector.broadcast %max3A_76 : f32 to vector<128x1xf32>
    %max3A_78 = arith.maximumf %slice3A, %max3A_77 : vector<128x1xf32>
    %rsqrt3A_79 = math.rsqrt %max3A_78 : vector<128x1xf32>
    %jit3A_80 = arith.constant 0.000000e+00 : f32
    %broadcast_in_dim3A_81 = vector.broadcast %jit3A_80 : f32 to vector<128x1xf32>
    %select_n3A_82 = arith.select %gt3A_75, %rsqrt3A_79, %broadcast_in_dim3A_81 : vector<128x1xi1>, vector<128x1xf32>
    %get3A_83 = arith.constant 0 : index
    %get3A_84 = arith.constant 0 : index
    %get3A_85 = vector.load %arg7[%get3A_83, %get3A_84] : memref<1x64xf32, #tpu.memory_space<vmem>>, vector<1x64xf32>
    %get3A_86 = arith.constant 0 : index
    %get3A_87 = arith.constant 0 : index
    %get3A_88 = vector.load %arg8[%get3A_86, %get3A_87] : memref<1x64xf32, #tpu.memory_space<vmem>>, vector<1x64xf32>
    %get3A_89 = arith.constant 0 : index
    %get3A_90 = arith.constant 0 : index
    %get3A_91 = vector.load %arg3[%get3A_89, %get3A_90] : memref<128x64xf32, #tpu.memory_space<vmem>>, vector<128x64xf32>
    %get3A_92 = arith.constant 0 : index
    %get3A_93 = arith.constant 0 : index
    %get3A_94 = vector.load %arg4[%get3A_92, %get3A_93] : memref<128x64xf32, #tpu.memory_space<vmem>>, vector<128x64xf32>
    %transpose3A = tpu.transpose %select_n3A, [1, 0] : vector<128x1xf32> -> vector<1x128xf32>
    %dot_general3A_95 = arith.constant dense<0.000000e+00> : vector<1x64xf32>
    %dot_general3A_96 = tpu.matmul %transpose3A, %get3A_91, %dot_general3A_95 {dimension_numbers = #tpu.dot_dimension_numbers<[1], [0], [0], [1], [0, 0, 1, 1], [], []>, precision = #tpu.contract_precision<fp32>, transpose_lhs_hint = false} : vector<1x128xf32>, vector<128x64xf32>, vector<1x64xf32> -> vector<1x64xf32>
    %div3A_97 = arith.constant 1.000000e+04 : f32
    %div3A_98 = vector.broadcast %div3A_97 : f32 to vector<1x64xf32>
    %div3A_99 = arith.divf %dot_general3A_96, %div3A_98 : vector<1x64xf32>
    %mul3A_100 = arith.mulf %select_n3A, %select_n3A : vector<128x1xf32>
    %transpose3A_101 = tpu.transpose %mul3A_100, [1, 0] : vector<128x1xf32> -> vector<1x128xf32>
    %dot_general3A_102 = arith.constant dense<0.000000e+00> : vector<1x64xf32>
    %dot_general3A_103 = tpu.matmul %transpose3A_101, %get3A_94, %dot_general3A_102 {dimension_numbers = #tpu.dot_dimension_numbers<[1], [0], [0], [1], [0, 0, 1, 1], [], []>, precision = #tpu.contract_precision<fp32>, transpose_lhs_hint = false} : vector<1x128xf32>, vector<128x64xf32>, vector<1x64xf32> -> vector<1x64xf32>
    %div3A_104 = arith.constant 1.000000e+04 : f32
    %div3A_105 = vector.broadcast %div3A_104 : f32 to vector<1x64xf32>
    %div3A_106 = arith.divf %dot_general3A_103, %div3A_105 : vector<1x64xf32>
    %mul3A_107 = arith.mulf %div3A_99, %div3A_99 : vector<1x64xf32>
    %sub3A_108 = arith.subf %div3A_106, %mul3A_107 : vector<1x64xf32>
    %add3A_109 = arith.constant 9.99999974E-6 : f32
    %add3A_110 = vector.broadcast %add3A_109 : f32 to vector<1x64xf32>
    %add3A_111 = arith.addf %sub3A_108, %add3A_110 : vector<1x64xf32>
    %rsqrt3A_112 = math.rsqrt %add3A_111 : vector<1x64xf32>
    %mul3A_113 = arith.mulf %get3A_85, %rsqrt3A_112 : vector<1x64xf32>
    %mul3A_114 = arith.mulf %div3A_99, %mul3A_113 : vector<1x64xf32>
    %sub3A_115 = arith.subf %get3A_88, %mul3A_114 : vector<1x64xf32>
    %get3A_116 = arith.constant 0 : index
    %get3A_117 = arith.constant 0 : index
    %get3A_118 = vector.load %arg9[%get3A_116, %get3A_117] : memref<1x64xf32, #tpu.memory_space<vmem>>, vector<1x64xf32>
    %get3A_119 = arith.constant 0 : index
    %get3A_120 = arith.constant 0 : index
    %get3A_121 = vector.load %arg10[%get3A_119, %get3A_120] : memref<1x64xf32, #tpu.memory_space<vmem>>, vector<1x64xf32>
    %get3A_122 = arith.constant 0 : index
    %get3A_123 = arith.constant 0 : index
    %get3A_124 = vector.load %arg5[%get3A_122, %get3A_123] : memref<128x64xf32, #tpu.memory_space<vmem>>, vector<128x64xf32>
    %get3A_125 = arith.constant 0 : index
    %get3A_126 = arith.constant 0 : index
    %get3A_127 = vector.load %arg6[%get3A_125, %get3A_126] : memref<128x64xf32, #tpu.memory_space<vmem>>, vector<128x64xf32>
    %transpose3A_128 = tpu.transpose %select_n3A_82, [1, 0] : vector<128x1xf32> -> vector<1x128xf32>
    %dot_general3A_129 = arith.constant dense<0.000000e+00> : vector<1x64xf32>
    %dot_general3A_130 = tpu.matmul %transpose3A_128, %get3A_124, %dot_general3A_129 {dimension_numbers = #tpu.dot_dimension_numbers<[1], [0], [0], [1], [0, 0, 1, 1], [], []>, precision = #tpu.contract_precision<fp32>, transpose_lhs_hint = false} : vector<1x128xf32>, vector<128x64xf32>, vector<1x64xf32> -> vector<1x64xf32>
    %div3A_131 = arith.constant 3.200000e+05 : f32
    %div3A_132 = vector.broadcast %div3A_131 : f32 to vector<1x64xf32>
    %div3A_133 = arith.divf %dot_general3A_130, %div3A_132 : vector<1x64xf32>
    %mul3A_134 = arith.mulf %select_n3A_82, %select_n3A_82 : vector<128x1xf32>
    %transpose3A_135 = tpu.transpose %mul3A_134, [1, 0] : vector<128x1xf32> -> vector<1x128xf32>
    %dot_general3A_136 = arith.constant dense<0.000000e+00> : vector<1x64xf32>
    %dot_general3A_137 = tpu.matmul %transpose3A_135, %get3A_127, %dot_general3A_136 {dimension_numbers = #tpu.dot_dimension_numbers<[1], [0], [0], [1], [0, 0, 1, 1], [], []>, precision = #tpu.contract_precision<fp32>, transpose_lhs_hint = false} : vector<1x128xf32>, vector<128x64xf32>, vector<1x64xf32> -> vector<1x64xf32>
    %div3A_138 = arith.constant 3.200000e+05 : f32
    %div3A_139 = vector.broadcast %div3A_138 : f32 to vector<1x64xf32>
    %div3A_140 = arith.divf %dot_general3A_137, %div3A_139 : vector<1x64xf32>
    %mul3A_141 = arith.mulf %div3A_133, %div3A_133 : vector<1x64xf32>
    %sub3A_142 = arith.subf %div3A_140, %mul3A_141 : vector<1x64xf32>
    %add3A_143 = arith.constant 9.99999974E-6 : f32
    %add3A_144 = vector.broadcast %add3A_143 : f32 to vector<1x64xf32>
    %add3A_145 = arith.addf %sub3A_142, %add3A_144 : vector<1x64xf32>
    %rsqrt3A_146 = math.rsqrt %add3A_145 : vector<1x64xf32>
    %mul3A_147 = arith.mulf %get3A_118, %rsqrt3A_146 : vector<1x64xf32>
    %mul3A_148 = arith.mulf %div3A_133, %mul3A_147 : vector<1x64xf32>
    %sub3A_149 = arith.subf %get3A_121, %mul3A_148 : vector<1x64xf32>
    %broadcast_in_dim3A_150 = arith.constant 0.000000e+00 : f32
    %broadcast_in_dim3A_151 = vector.broadcast %broadcast_in_dim3A_150 : f32 to vector<4x64xf32>
    %concatenate3A = tpu.concatenate %mul3A_113, %sub3A_115, %mul3A_147, %sub3A_149, %broadcast_in_dim3A_151 in 0 : vector<1x64xf32>, vector<1x64xf32>, vector<1x64xf32>, vector<1x64xf32>, vector<4x64xf32> -> vector<8x64xf32>
    %swap3A_152 = arith.constant 0 : index
    %swap3A_153 = arith.constant 0 : index
    %swap3A_154 = vector.load %arg18[%swap3A_152, %swap3A_153] : memref<8x64xf32, #tpu.memory_space<vmem>>, vector<8x64xf32>
    tpu.vector_store %arg18[%swap3A_152, %swap3A_153], %concatenate3A {strides = array<i32>} : memref<8x64xf32, #tpu.memory_space<vmem>>, vector<8x64xf32>,
    %reshape3A = vector.shape_cast %select_n3A : vector<128x1xf32> to vector<1x128xf32>
    %reshape3A_155 = vector.shape_cast %select_n3A_82 : vector<128x1xf32> to vector<1x128xf32>
    %div3A_156 = arith.constant 1.000000e+00 : f32
    %div3A_157 = vector.broadcast %div3A_156 : f32 to vector<128x1xf32>
    %div3A_158 = arith.divf %div3A_157, %max3A_7 : vector<128x1xf32>
    %reshape3A_159 = vector.shape_cast %div3A_158 : vector<128x1xf32> to vector<1x128xf32>
    %div3A_160 = arith.constant 1.000000e+00 : f32
    %div3A_161 = vector.broadcast %div3A_160 : f32 to vector<128x1xf32>
    %div3A_162 = arith.divf %div3A_161, %max3A_10 : vector<128x1xf32>
    %reshape3A_163 = vector.shape_cast %div3A_162 : vector<128x1xf32> to vector<1x128xf32>
    %broadcast_in_dim3A_164 = arith.constant 0.000000e+00 : f32
    %broadcast_in_dim3A_165 = vector.broadcast %broadcast_in_dim3A_164 : f32 to vector<4x128xf32>
    %concatenate3A_166 = tpu.concatenate %reshape3A, %reshape3A_155, %reshape3A_159, %reshape3A_163, %broadcast_in_dim3A_165 in 0 : vector<1x128xf32>, vector<1x128xf32>, vector<1x128xf32>, vector<1x128xf32>, vector<4x128xf32> -> vector<8x128xf32>
    %swap3A_167 = arith.constant 0 : index
    %swap3A_168 = arith.constant 0 : index
    %swap3A_169 = vector.load %arg19[%swap3A_167, %swap3A_168] : memref<8x128xf32, #tpu.memory_space<vmem>>, vector<8x128xf32>
    tpu.vector_store %arg19[%swap3A_167, %swap3A_168], %concatenate3A_166 {strides = array<i32>} : memref<8x128xf32, #tpu.memory_space<vmem>>, vector<8x128xf32>,
    return
  }
}

module attributes {stable_mosaic.version = 14 : i64} {
  func.func @body(%arg0: i32, %arg1: memref<2000x64xf32, #tpu.memory_space<vmem>>, %arg2: memref<1x1x2000xi32, #tpu.memory_space<vmem>>, %arg3: memref<8x64xf32, #tpu.memory_space<vmem>>, %arg4: memref<8x128xf32, #tpu.memory_space<vmem>>, %arg5: memref<128x64xf32, #tpu.memory_space<vmem>>, %arg6: memref<64x64xf32, #tpu.memory_space<vmem>>, %arg7: memref<64x64xf32, #tpu.memory_space<vmem>>, %arg8: memref<64x64xf32, #tpu.memory_space<vmem>>, %arg9: memref<1x64xf32, #tpu.memory_space<vmem>>, %arg10: memref<2000x64xf32, #tpu.memory_space<vmem>>, %arg11: memref<2000x64xf32, #tpu.memory_space<vmem>>, %arg12: memref<2000x64xf32, #tpu.memory_space<vmem>>) attributes {dimension_semantics = [#tpu.dimension_semantics<arbitrary>], iteration_bounds = array<i64: 5>, scalar_prefetch = 0 : i64, scratch_operands = 0 : i64, tpu.core_type = #tpu.core_type<tc>, window_params = [{transform_indices = @transform_0, window_bounds = array<i64: 2000, 64>}, {transform_indices = @transform_1, window_bounds = array<i64: 1, 1, 2000>}, {pipeline_mode = #tpu.pipeline_mode<synchronous>, transform_indices = @transform_2, window_bounds = array<i64: 8, 64>}, {pipeline_mode = #tpu.pipeline_mode<synchronous>, transform_indices = @transform_3, window_bounds = array<i64: 8, 128>}, {pipeline_mode = #tpu.pipeline_mode<synchronous>, transform_indices = @transform_4, window_bounds = array<i64: 128, 64>}, {pipeline_mode = #tpu.pipeline_mode<synchronous>, transform_indices = @transform_5, window_bounds = array<i64: 64, 64>}, {pipeline_mode = #tpu.pipeline_mode<synchronous>, transform_indices = @transform_6, window_bounds = array<i64: 64, 64>}, {pipeline_mode = #tpu.pipeline_mode<synchronous>, transform_indices = @transform_7, window_bounds = array<i64: 64, 64>}, {pipeline_mode = #tpu.pipeline_mode<synchronous>, transform_indices = @transform_8, window_bounds = array<i64: 1, 64>}, {transform_indices = @transform_9, window_bounds = array<i64: 2000, 64>}, {transform_indices = @transform_10, window_bounds = array<i64: 2000, 64>}, {transform_indices = @transform_11, window_bounds = array<i64: 2000, 64>}]} {
    %get3A = arith.constant 0 : index
    %get3A_0 = arith.constant 0 : index
    %get3A_1 = arith.constant 0 : index
    %get3A_2 = vector.load %arg2[%get3A, %get3A_0, %get3A_1] : memref<1x1x2000xi32, #tpu.memory_space<vmem>>, vector<1x1x2000xi32>
    %get3A_3 = vector.shape_cast %get3A_2 : vector<1x1x2000xi32> to vector<2000xi32>
    %broadcast_in_dim3A = vector.shape_cast %get3A_3 : vector<2000xi32> to vector<2000x1xi32>
    %iota3A = tpu.iota {dimensions = array<i32: 1>} : vector<2000x128xi32>
    %eq3A = vector.broadcast %broadcast_in_dim3A : vector<2000x1xi32> to vector<2000x128xi32>
    %eq3A_4 = arith.cmpi eq, %iota3A, %eq3A : vector<2000x128xi32>
    %convert_element_type3A = arith.extui %eq3A_4 : vector<2000x128xi1> to vector<2000x128xi32>
    %convert_element_type3A_5 = arith.sitofp %convert_element_type3A : vector<2000x128xi32> to vector<2000x128xf32>
    %get3A_6 = arith.constant 0 : index
    %get3A_7 = arith.constant 0 : index
    %get3A_8 = vector.load %arg4[%get3A_6, %get3A_7] : memref<8x128xf32, #tpu.memory_space<vmem>>, vector<1x128xf32>
    %mul3A = vector.broadcast %get3A_8 : vector<1x128xf32> to vector<2000x128xf32>
    %mul3A_9 = arith.mulf %convert_element_type3A_5, %mul3A : vector<2000x128xf32>
    %reduce_sum3A = arith.constant dense<0.000000e+00> : vector<2000xf32>
    %reduce_sum3A_10 = vector.multi_reduction <add>, %mul3A_9, %reduce_sum3A [1] : vector<2000x128xf32> to vector<2000xf32>
    %broadcast_in_dim3A_11 = vector.shape_cast %reduce_sum3A_10 : vector<2000xf32> to vector<2000x1xf32>
    %get3A_12 = arith.constant 0 : index
    %get3A_13 = arith.constant 0 : index
    %get3A_14 = vector.load %arg1[%get3A_12, %get3A_13] : memref<2000x64xf32, #tpu.memory_space<vmem>>, vector<2000x64xf32>
    %mul3A_15 = vector.broadcast %broadcast_in_dim3A_11 : vector<2000x1xf32> to vector<2000x64xf32>
    %mul3A_16 = arith.mulf %get3A_14, %mul3A_15 : vector<2000x64xf32>
    %get3A_17 = arith.constant 0 : index
    %get3A_18 = arith.constant 0 : index
    %get3A_19 = vector.load %arg3[%get3A_17, %get3A_18] : memref<8x64xf32, #tpu.memory_space<vmem>>, vector<1x64xf32>
    %mul3A_20 = vector.broadcast %get3A_19 : vector<1x64xf32> to vector<2000x64xf32>
    %mul3A_21 = arith.mulf %mul3A_16, %mul3A_20 : vector<2000x64xf32>
    %get3A_22 = arith.constant 1 : index
    %get3A_23 = arith.constant 0 : index
    %get3A_24 = vector.load %arg3[%get3A_22, %get3A_23] : memref<8x64xf32, #tpu.memory_space<vmem>>, vector<1x64xf32>
    %add3A = vector.broadcast %get3A_24 : vector<1x64xf32> to vector<2000x64xf32>
    %add3A_25 = arith.addf %mul3A_21, %add3A : vector<2000x64xf32>
    %swap3A = arith.constant 0 : index
    %swap3A_26 = arith.constant 0 : index
    %swap3A_27 = vector.load %arg10[%swap3A, %swap3A_26] : memref<2000x64xf32, #tpu.memory_space<vmem>>, vector<2000x64xf32>
    tpu.vector_store %arg10[%swap3A, %swap3A_26], %add3A_25 {strides = array<i32>} : memref<2000x64xf32, #tpu.memory_space<vmem>>, vector<2000x64xf32>,
    %get3A_28 = arith.constant 0 : index
    %get3A_29 = arith.constant 0 : index
    %get3A_30 = vector.load %arg5[%get3A_28, %get3A_29] : memref<128x64xf32, #tpu.memory_space<vmem>>, vector<128x64xf32>
    %get3A_31 = arith.constant 0 : index
    %get3A_32 = arith.constant 0 : index
    %get3A_33 = vector.load %arg8[%get3A_31, %get3A_32] : memref<64x64xf32, #tpu.memory_space<vmem>>, vector<64x64xf32>
    %dot_general3A = arith.constant dense<0.000000e+00> : vector<128x64xf32>
    %dot_general3A_34 = tpu.matmul %get3A_30, %get3A_33, %dot_general3A {dimension_numbers = #tpu.dot_dimension_numbers<[1], [0], [0], [1], [0, 0, 1, 1], [], []>, transpose_lhs_hint = false} : vector<128x64xf32>, vector<64x64xf32>, vector<128x64xf32> -> vector<128x64xf32>
    %get3A_35 = arith.constant 0 : index
    %get3A_36 = arith.constant 0 : index
    %get3A_37 = vector.load %arg6[%get3A_35, %get3A_36] : memref<64x64xf32, #tpu.memory_space<vmem>>, vector<64x64xf32>
    %dot_general3A_38 = arith.constant dense<0.000000e+00> : vector<2000x64xf32>
    %dot_general3A_39 = tpu.matmul %add3A_25, %get3A_37, %dot_general3A_38 {dimension_numbers = #tpu.dot_dimension_numbers<[1], [0], [0], [1], [0, 0, 1, 1], [], []>, transpose_lhs_hint = false} : vector<2000x64xf32>, vector<64x64xf32>, vector<2000x64xf32> -> vector<2000x64xf32>
    %dot_general3A_40 = arith.constant dense<0.000000e+00> : vector<2000x64xf32>
    %dot_general3A_41 = tpu.matmul %convert_element_type3A_5, %dot_general3A_34, %dot_general3A_40 {dimension_numbers = #tpu.dot_dimension_numbers<[1], [0], [0], [1], [0, 0, 1, 1], [], []>, precision = #tpu.contract_precision<fp32>, transpose_lhs_hint = false} : vector<2000x128xf32>, vector<128x64xf32>, vector<2000x64xf32> -> vector<2000x64xf32>
    %add3A_42 = arith.addf %dot_general3A_39, %dot_general3A_41 : vector<2000x64xf32>
    %get3A_43 = arith.constant 0 : index
    %get3A_44 = arith.constant 0 : index
    %get3A_45 = vector.load %arg9[%get3A_43, %get3A_44] : memref<1x64xf32, #tpu.memory_space<vmem>>, vector<1x64xf32>
    %add3A_46 = vector.broadcast %get3A_45 : vector<1x64xf32> to vector<2000x64xf32>
    %add3A_47 = arith.addf %add3A_42, %add3A_46 : vector<2000x64xf32>
    %swap3A_48 = arith.constant 0 : index
    %swap3A_49 = arith.constant 0 : index
    %swap3A_50 = vector.load %arg11[%swap3A_48, %swap3A_49] : memref<2000x64xf32, #tpu.memory_space<vmem>>, vector<2000x64xf32>
    tpu.vector_store %arg11[%swap3A_48, %swap3A_49], %add3A_47 {strides = array<i32>} : memref<2000x64xf32, #tpu.memory_space<vmem>>, vector<2000x64xf32>,
    %get3A_51 = arith.constant 0 : index
    %get3A_52 = arith.constant 0 : index
    %get3A_53 = vector.load %arg7[%get3A_51, %get3A_52] : memref<64x64xf32, #tpu.memory_space<vmem>>, vector<64x64xf32>
    %dot_general3A_54 = arith.constant dense<0.000000e+00> : vector<2000x64xf32>
    %dot_general3A_55 = tpu.matmul %add3A_25, %get3A_53, %dot_general3A_54 {dimension_numbers = #tpu.dot_dimension_numbers<[1], [0], [0], [1], [0, 0, 1, 1], [], []>, transpose_lhs_hint = false} : vector<2000x64xf32>, vector<64x64xf32>, vector<2000x64xf32> -> vector<2000x64xf32>
    %swap3A_56 = arith.constant 0 : index
    %swap3A_57 = arith.constant 0 : index
    %swap3A_58 = vector.load %arg12[%swap3A_56, %swap3A_57] : memref<2000x64xf32, #tpu.memory_space<vmem>>, vector<2000x64xf32>
    tpu.vector_store %arg12[%swap3A_56, %swap3A_57], %dot_general3A_55 {strides = array<i32>} : memref<2000x64xf32, #tpu.memory_space<vmem>>, vector<2000x64xf32>,
    return
  }
  func.func @transform_0(%arg0: i32) -> (i32, i32) {
    %c0_i32 = arith.constant 0 : i32
    %c0_i32_0 = arith.constant 0 : i32
    return %arg0, %c0_i32 : i32, i32
  }
  func.func @transform_1(%arg0: i32) -> (i32, i32, i32) {
    %c0_i32 = arith.constant 0 : i32
    %c0_i32_0 = arith.constant 0 : i32
    %c0_i32_1 = arith.constant 0 : i32
    return %arg0, %c0_i32, %c0_i32_0 : i32, i32, i32
  }
  func.func @transform_2(%arg0: i32) -> (i32, i32) {
    %c0_i32 = arith.constant 0 : i32
    %c0_i32_0 = arith.constant 0 : i32
    %c0_i32_1 = arith.constant 0 : i32
    return %c0_i32, %c0_i32_0 : i32, i32
  }
  func.func @transform_3(%arg0: i32) -> (i32, i32) {
    %c0_i32 = arith.constant 0 : i32
    %c0_i32_0 = arith.constant 0 : i32
    %c0_i32_1 = arith.constant 0 : i32
    return %c0_i32, %c0_i32_0 : i32, i32
  }
  func.func @transform_4(%arg0: i32) -> (i32, i32) {
    %c0_i32 = arith.constant 0 : i32
    %c0_i32_0 = arith.constant 0 : i32
    %c0_i32_1 = arith.constant 0 : i32
    return %c0_i32, %c0_i32_0 : i32, i32
  }
  func.func @transform_5(%arg0: i32) -> (i32, i32) {
    %c0_i32 = arith.constant 0 : i32
    %c0_i32_0 = arith.constant 0 : i32
    %c0_i32_1 = arith.constant 0 : i32
    return %c0_i32, %c0_i32_0 : i32, i32
  }
  func.func @transform_6(%arg0: i32) -> (i32, i32) {
    %c0_i32 = arith.constant 0 : i32
    %c0_i32_0 = arith.constant 0 : i32
    %c0_i32_1 = arith.constant 0 : i32
    return %c0_i32, %c0_i32_0 : i32, i32
  }
  func.func @transform_7(%arg0: i32) -> (i32, i32) {
    %c0_i32 = arith.constant 0 : i32
    %c0_i32_0 = arith.constant 0 : i32
    %c0_i32_1 = arith.constant 0 : i32
    return %c0_i32, %c0_i32_0 : i32, i32
  }
  func.func @transform_8(%arg0: i32) -> (i32, i32) {
    %c0_i32 = arith.constant 0 : i32
    %c0_i32_0 = arith.constant 0 : i32
    %c0_i32_1 = arith.constant 0 : i32
    return %c0_i32, %c0_i32_0 : i32, i32
  }
  func.func @transform_9(%arg0: i32) -> (i32, i32) {
    %c0_i32 = arith.constant 0 : i32
    %c0_i32_0 = arith.constant 0 : i32
    return %arg0, %c0_i32 : i32, i32
  }
  func.func @transform_10(%arg0: i32) -> (i32, i32) {
    %c0_i32 = arith.constant 0 : i32
    %c0_i32_0 = arith.constant 0 : i32
    return %arg0, %c0_i32 : i32, i32
  }
  func.func @transform_11(%arg0: i32) -> (i32, i32) {
    %c0_i32 = arith.constant 0 : i32
    %c0_i32_0 = arith.constant 0 : i32
    return %arg0, %c0_i32 : i32, i32
  }
}

module attributes {stable_mosaic.version = 14 : i64} {
  func.func @body(%arg0: i32, %arg1: memref<4000x64xf32, #tpu.memory_space<vmem>>, %arg2: memref<4000x64xf32, #tpu.memory_space<vmem>>, %arg3: memref<4000x64xf32, #tpu.memory_space<vmem>>, %arg4: memref<1x1x4000xi32, #tpu.memory_space<vmem>>, %arg5: memref<8x128xf32, #tpu.memory_space<vmem>>, %arg6: memref<8x64xf32, #tpu.memory_space<vmem>>, %arg7: memref<64x64xf32, #tpu.memory_space<vmem>>, %arg8: memref<64x64xf32, #tpu.memory_space<vmem>>, %arg9: memref<1x64xf32, #tpu.memory_space<vmem>>, %arg10: memref<4000x64xf32, #tpu.memory_space<vmem>>, %arg11: memref<128x64xf32, #tpu.memory_space<vmem>>, %arg12: memref<128x64xf32, #tpu.memory_space<vmem>>) attributes {dimension_semantics = [#tpu.dimension_semantics<arbitrary>], iteration_bounds = array<i64: 80>, scalar_prefetch = 0 : i64, scratch_operands = 0 : i64, tpu.core_type = #tpu.core_type<tc>, window_params = [{transform_indices = @transform_0, window_bounds = array<i64: 4000, 64>}, {transform_indices = @transform_1, window_bounds = array<i64: 4000, 64>}, {transform_indices = @transform_2, window_bounds = array<i64: 4000, 64>}, {transform_indices = @transform_3, window_bounds = array<i64: 1, 1, 4000>}, {pipeline_mode = #tpu.pipeline_mode<synchronous>, transform_indices = @transform_4, window_bounds = array<i64: 8, 128>}, {pipeline_mode = #tpu.pipeline_mode<synchronous>, transform_indices = @transform_5, window_bounds = array<i64: 8, 64>}, {pipeline_mode = #tpu.pipeline_mode<synchronous>, transform_indices = @transform_6, window_bounds = array<i64: 64, 64>}, {pipeline_mode = #tpu.pipeline_mode<synchronous>, transform_indices = @transform_7, window_bounds = array<i64: 64, 64>}, {pipeline_mode = #tpu.pipeline_mode<synchronous>, transform_indices = @transform_8, window_bounds = array<i64: 1, 64>}, {transform_indices = @transform_9, window_bounds = array<i64: 4000, 64>}, {pipeline_mode = #tpu.pipeline_mode<synchronous>, transform_indices = @transform_10, window_bounds = array<i64: 128, 64>}, {pipeline_mode = #tpu.pipeline_mode<synchronous>, transform_indices = @transform_11, window_bounds = array<i64: 128, 64>}]} {
    %get3A = arith.constant 0 : index
    %get3A_0 = arith.constant 0 : index
    %get3A_1 = arith.constant 0 : index
    %get3A_2 = vector.load %arg4[%get3A, %get3A_0, %get3A_1] : memref<1x1x4000xi32, #tpu.memory_space<vmem>>, vector<1x1x4000xi32>
    %get3A_3 = vector.shape_cast %get3A_2 : vector<1x1x4000xi32> to vector<4000xi32>
    %broadcast_in_dim3A = vector.shape_cast %get3A_3 : vector<4000xi32> to vector<4000x1xi32>
    %iota3A = tpu.iota {dimensions = array<i32: 1>} : vector<4000x128xi32>
    %eq3A = vector.broadcast %broadcast_in_dim3A : vector<4000x1xi32> to vector<4000x128xi32>
    %eq3A_4 = arith.cmpi eq, %iota3A, %eq3A : vector<4000x128xi32>
    %convert_element_type3A = arith.extui %eq3A_4 : vector<4000x128xi1> to vector<4000x128xi32>
    %convert_element_type3A_5 = arith.sitofp %convert_element_type3A : vector<4000x128xi32> to vector<4000x128xf32>
    %get3A_6 = arith.constant 1 : index
    %get3A_7 = arith.constant 0 : index
    %get3A_8 = vector.load %arg5[%get3A_6, %get3A_7] : memref<8x128xf32, #tpu.memory_space<vmem>>, vector<1x128xf32>
    %mul3A = vector.broadcast %get3A_8 : vector<1x128xf32> to vector<4000x128xf32>
    %mul3A_9 = arith.mulf %convert_element_type3A_5, %mul3A : vector<4000x128xf32>
    %reduce_sum3A = arith.constant dense<0.000000e+00> : vector<4000xf32>
    %reduce_sum3A_10 = vector.multi_reduction <add>, %mul3A_9, %reduce_sum3A [1] : vector<4000x128xf32> to vector<4000xf32>
    %broadcast_in_dim3A_11 = vector.shape_cast %reduce_sum3A_10 : vector<4000xf32> to vector<4000x1xf32>
    %get3A_12 = arith.constant 2 : index
    %get3A_13 = arith.constant 0 : index
    %get3A_14 = vector.load %arg6[%get3A_12, %get3A_13] : memref<8x64xf32, #tpu.memory_space<vmem>>, vector<1x64xf32>
    %get3A_15 = arith.constant 3 : index
    %get3A_16 = arith.constant 0 : index
    %get3A_17 = vector.load %arg6[%get3A_15, %get3A_16] : memref<8x64xf32, #tpu.memory_space<vmem>>, vector<1x64xf32>
    %get3A_18 = arith.constant 0 : index
    %get3A_19 = arith.constant 0 : index
    %get3A_20 = vector.load %arg3[%get3A_18, %get3A_19] : memref<4000x64xf32, #tpu.memory_space<vmem>>, vector<4000x64xf32>
    %mul3A_21 = vector.broadcast %broadcast_in_dim3A_11 : vector<4000x1xf32> to vector<4000x64xf32>
    %mul3A_22 = arith.mulf %get3A_20, %mul3A_21 : vector<4000x64xf32>
    %mul3A_23 = vector.broadcast %get3A_14 : vector<1x64xf32> to vector<4000x64xf32>
    %mul3A_24 = arith.mulf %mul3A_22, %mul3A_23 : vector<4000x64xf32>
    %add3A = vector.broadcast %get3A_17 : vector<1x64xf32> to vector<4000x64xf32>
    %add3A_25 = arith.addf %mul3A_24, %add3A : vector<4000x64xf32>
    %get3A_26 = arith.constant 0 : index
    %get3A_27 = arith.constant 0 : index
    %get3A_28 = vector.load %arg7[%get3A_26, %get3A_27] : memref<64x64xf32, #tpu.memory_space<vmem>>, vector<64x64xf32>
    %dot_general3A = arith.constant dense<0.000000e+00> : vector<4000x64xf32>
    %dot_general3A_29 = tpu.matmul %add3A_25, %get3A_28, %dot_general3A {dimension_numbers = #tpu.dot_dimension_numbers<[1], [0], [0], [1], [0, 0, 1, 1], [], []>, transpose_lhs_hint = false} : vector<4000x64xf32>, vector<64x64xf32>, vector<4000x64xf32> -> vector<4000x64xf32>
    %get3A_30 = arith.constant 0 : index
    %get3A_31 = arith.constant 0 : index
    %get3A_32 = vector.load %arg1[%get3A_30, %get3A_31] : memref<4000x64xf32, #tpu.memory_space<vmem>>, vector<4000x64xf32>
    %get3A_33 = arith.constant 0 : index
    %get3A_34 = arith.constant 0 : index
    %get3A_35 = vector.load %arg2[%get3A_33, %get3A_34] : memref<4000x64xf32, #tpu.memory_space<vmem>>, vector<4000x64xf32>
    %add3A_36 = arith.addf %get3A_32, %get3A_35 : vector<4000x64xf32>
    %add3A_37 = arith.addf %add3A_36, %dot_general3A_29 : vector<4000x64xf32>
    %max3A = arith.constant 0.000000e+00 : f32
    %max3A_38 = vector.broadcast %max3A : f32 to vector<4000x64xf32>
    %max3A_39 = arith.maximumf %add3A_37, %max3A_38 : vector<4000x64xf32>
    %get3A_40 = arith.constant 0 : index
    %get3A_41 = arith.constant 0 : index
    %get3A_42 = vector.load %arg8[%get3A_40, %get3A_41] : memref<64x64xf32, #tpu.memory_space<vmem>>, vector<64x64xf32>
    %dot_general3A_43 = arith.constant dense<0.000000e+00> : vector<4000x64xf32>
    %dot_general3A_44 = tpu.matmul %max3A_39, %get3A_42, %dot_general3A_43 {dimension_numbers = #tpu.dot_dimension_numbers<[1], [0], [0], [1], [0, 0, 1, 1], [], []>, transpose_lhs_hint = false} : vector<4000x64xf32>, vector<64x64xf32>, vector<4000x64xf32> -> vector<4000x64xf32>
    %get3A_45 = arith.constant 0 : index
    %get3A_46 = arith.constant 0 : index
    %get3A_47 = vector.load %arg9[%get3A_45, %get3A_46] : memref<1x64xf32, #tpu.memory_space<vmem>>, vector<1x64xf32>
    %add3A_48 = vector.broadcast %get3A_47 : vector<1x64xf32> to vector<4000x64xf32>
    %add3A_49 = arith.addf %dot_general3A_44, %add3A_48 : vector<4000x64xf32>
    %swap3A = arith.constant 0 : index
    %swap3A_50 = arith.constant 0 : index
    %swap3A_51 = vector.load %arg10[%swap3A, %swap3A_50] : memref<4000x64xf32, #tpu.memory_space<vmem>>, vector<4000x64xf32>
    tpu.vector_store %arg10[%swap3A, %swap3A_50], %add3A_49 {strides = array<i32>} : memref<4000x64xf32, #tpu.memory_space<vmem>>, vector<4000x64xf32>,
    %broadcast_in_dim3A_52 = vector.shape_cast %get3A_3 : vector<4000xi32> to vector<1x4000xi32>
    %iota3A_53 = tpu.iota {dimensions = array<i32: 0>} : vector<128x4000xi32>
    %eq3A_54 = vector.broadcast %broadcast_in_dim3A_52 : vector<1x4000xi32> to vector<128x4000xi32>
    %eq3A_55 = arith.cmpi eq, %iota3A_53, %eq3A_54 : vector<128x4000xi32>
    %convert_element_type3A_56 = arith.extui %eq3A_55 : vector<128x4000xi1> to vector<128x4000xi32>
    %convert_element_type3A_57 = arith.sitofp %convert_element_type3A_56 : vector<128x4000xi32> to vector<128x4000xf32>
    %eq3A_58 = arith.constant 0 : i32
    %eq3A_59 = arith.cmpi eq, %arg0, %eq3A_58 : i32
    %convert_element_type3A_60 = arith.extui %eq3A_59 : i1 to i32
    %cond3A = arith.constant 0 : i32
    %cond3A_61 = arith.cmpi ne, %convert_element_type3A_60, %cond3A : i32
    scf.if %cond3A_61 {
      %broadcast_in_dim3A_104 = arith.constant 0.000000e+00 : f32
      %broadcast_in_dim3A_105 = vector.broadcast %broadcast_in_dim3A_104 : f32 to vector<128x64xf32>
      %swap3A_106 = arith.constant 0 : index
      %swap3A_107 = arith.constant 0 : index
      %swap3A_108 = vector.load %arg11[%swap3A_106, %swap3A_107] : memref<128x64xf32, #tpu.memory_space<vmem>>, vector<128x64xf32>
      tpu.vector_store %arg11[%swap3A_106, %swap3A_107], %broadcast_in_dim3A_105 {strides = array<i32>} : memref<128x64xf32, #tpu.memory_space<vmem>>, vector<128x64xf32>,
      %broadcast_in_dim3A_109 = arith.constant 0.000000e+00 : f32
      %broadcast_in_dim3A_110 = vector.broadcast %broadcast_in_dim3A_109 : f32 to vector<128x64xf32>
      %swap3A_111 = arith.constant 0 : index
      %swap3A_112 = arith.constant 0 : index
      %swap3A_113 = vector.load %arg12[%swap3A_111, %swap3A_112] : memref<128x64xf32, #tpu.memory_space<vmem>>, vector<128x64xf32>
      tpu.vector_store %arg12[%swap3A_111, %swap3A_112], %broadcast_in_dim3A_110 {strides = array<i32>} : memref<128x64xf32, #tpu.memory_space<vmem>>, vector<128x64xf32>,
    } else {
    }
    %get3A_62 = arith.constant 0 : index
    %get3A_63 = arith.constant 0 : index
    %get3A_64 = vector.load %arg11[%get3A_62, %get3A_63] : memref<128x64xf32, #tpu.memory_space<vmem>>, vector<128x64xf32>
    %convert_element_type3A_65 = arith.truncf %add3A_49 : vector<4000x64xf32> to vector<4000x64xbf16>
    %convert_element_type3A_66 = arith.extf %convert_element_type3A_65 : vector<4000x64xbf16> to vector<4000x64xf32>
    %sub3A = arith.subf %add3A_49, %convert_element_type3A_66 : vector<4000x64xf32>
    %convert_element_type3A_67 = arith.truncf %sub3A : vector<4000x64xf32> to vector<4000x64xbf16>
    %convert_element_type3A_68 = arith.extf %convert_element_type3A_67 : vector<4000x64xbf16> to vector<4000x64xf32>
    %dot_general3A_69 = arith.constant dense<0.000000e+00> : vector<128x64xf32>
    %dot_general3A_70 = tpu.matmul %convert_element_type3A_57, %convert_element_type3A_66, %dot_general3A_69 {dimension_numbers = #tpu.dot_dimension_numbers<[1], [0], [0], [1], [0, 0, 1, 1], [], []>, transpose_lhs_hint = false} : vector<128x4000xf32>, vector<4000x64xf32>, vector<128x64xf32> -> vector<128x64xf32>
    %dot_general3A_71 = arith.constant dense<0.000000e+00> : vector<128x64xf32>
    %dot_general3A_72 = tpu.matmul %convert_element_type3A_57, %convert_element_type3A_68, %dot_general3A_71 {dimension_numbers = #tpu.dot_dimension_numbers<[1], [0], [0], [1], [0, 0, 1, 1], [], []>, transpose_lhs_hint = false} : vector<128x4000xf32>, vector<4000x64xf32>, vector<128x64xf32> -> vector<128x64xf32>
    %sub3A_73 = arith.subf %sub3A, %convert_element_type3A_68 : vector<4000x64xf32>
    %dot_general3A_74 = arith.constant dense<0.000000e+00> : vector<128x64xf32>
    %dot_general3A_75 = tpu.matmul %convert_element_type3A_57, %sub3A_73, %dot_general3A_74 {dimension_numbers = #tpu.dot_dimension_numbers<[1], [0], [0], [1], [0, 0, 1, 1], [], []>, transpose_lhs_hint = false} : vector<128x4000xf32>, vector<4000x64xf32>, vector<128x64xf32> -> vector<128x64xf32>
    %add3A_76 = arith.addf %dot_general3A_72, %dot_general3A_75 : vector<128x64xf32>
    %add3A_77 = arith.addf %dot_general3A_70, %add3A_76 : vector<128x64xf32>
    %add3A_78 = arith.addf %get3A_64, %add3A_77 : vector<128x64xf32>
    %swap3A_79 = arith.constant 0 : index
    %swap3A_80 = arith.constant 0 : index
    %swap3A_81 = vector.load %arg11[%swap3A_79, %swap3A_80] : memref<128x64xf32, #tpu.memory_space<vmem>>, vector<128x64xf32>
    tpu.vector_store %arg11[%swap3A_79, %swap3A_80], %add3A_78 {strides = array<i32>} : memref<128x64xf32, #tpu.memory_space<vmem>>, vector<128x64xf32>,
    %get3A_82 = arith.constant 0 : index
    %get3A_83 = arith.constant 0 : index
    %get3A_84 = vector.load %arg12[%get3A_82, %get3A_83] : memref<128x64xf32, #tpu.memory_space<vmem>>, vector<128x64xf32>
    %mul3A_85 = arith.mulf %add3A_49, %add3A_49 : vector<4000x64xf32>
    %convert_element_type3A_86 = arith.truncf %mul3A_85 : vector<4000x64xf32> to vector<4000x64xbf16>
    %convert_element_type3A_87 = arith.extf %convert_element_type3A_86 : vector<4000x64xbf16> to vector<4000x64xf32>
    %sub3A_88 = arith.subf %mul3A_85, %convert_element_type3A_87 : vector<4000x64xf32>
    %convert_element_type3A_89 = arith.truncf %sub3A_88 : vector<4000x64xf32> to vector<4000x64xbf16>
    %convert_element_type3A_90 = arith.extf %convert_element_type3A_89 : vector<4000x64xbf16> to vector<4000x64xf32>
    %dot_general3A_91 = arith.constant dense<0.000000e+00> : vector<128x64xf32>
    %dot_general3A_92 = tpu.matmul %convert_element_type3A_57, %convert_element_type3A_87, %dot_general3A_91 {dimension_numbers = #tpu.dot_dimension_numbers<[1], [0], [0], [1], [0, 0, 1, 1], [], []>, transpose_lhs_hint = false} : vector<128x4000xf32>, vector<4000x64xf32>, vector<128x64xf32> -> vector<128x64xf32>
    %dot_general3A_93 = arith.constant dense<0.000000e+00> : vector<128x64xf32>
    %dot_general3A_94 = tpu.matmul %convert_element_type3A_57, %convert_element_type3A_90, %dot_general3A_93 {dimension_numbers = #tpu.dot_dimension_numbers<[1], [0], [0], [1], [0, 0, 1, 1], [], []>, transpose_lhs_hint = false} : vector<128x4000xf32>, vector<4000x64xf32>, vector<128x64xf32> -> vector<128x64xf32>
    %sub3A_95 = arith.subf %sub3A_88, %convert_element_type3A_90 : vector<4000x64xf32>
    %dot_general3A_96 = arith.constant dense<0.000000e+00> : vector<128x64xf32>
    %dot_general3A_97 = tpu.matmul %convert_element_type3A_57, %sub3A_95, %dot_general3A_96 {dimension_numbers = #tpu.dot_dimension_numbers<[1], [0], [0], [1], [0, 0, 1, 1], [], []>, transpose_lhs_hint = false} : vector<128x4000xf32>, vector<4000x64xf32>, vector<128x64xf32> -> vector<128x64xf32>
    %add3A_98 = arith.addf %dot_general3A_94, %dot_general3A_97 : vector<128x64xf32>
    %add3A_99 = arith.addf %dot_general3A_92, %add3A_98 : vector<128x64xf32>
    %add3A_100 = arith.addf %get3A_84, %add3A_99 : vector<128x64xf32>
    %swap3A_101 = arith.constant 0 : index
    %swap3A_102 = arith.constant 0 : index
    %swap3A_103 = vector.load %arg12[%swap3A_101, %swap3A_102] : memref<128x64xf32, #tpu.memory_space<vmem>>, vector<128x64xf32>
    tpu.vector_store %arg12[%swap3A_101, %swap3A_102], %add3A_100 {strides = array<i32>} : memref<128x64xf32, #tpu.memory_space<vmem>>, vector<128x64xf32>,
    return
  }
  func.func @transform_0(%arg0: i32) -> (i32, i32) {
    %c0_i32 = arith.constant 0 : i32
    %c0_i32_0 = arith.constant 0 : i32
    return %arg0, %c0_i32 : i32, i32
  }
  func.func @transform_1(%arg0: i32) -> (i32, i32) {
    %c0_i32 = arith.constant 0 : i32
    %c0_i32_0 = arith.constant 0 : i32
    return %arg0, %c0_i32 : i32, i32
  }
  func.func @transform_2(%arg0: i32) -> (i32, i32) {
    %c0_i32 = arith.constant 0 : i32
    %c0_i32_0 = arith.constant 0 : i32
    return %arg0, %c0_i32 : i32, i32
  }
  func.func @transform_3(%arg0: i32) -> (i32, i32, i32) {
    %c0_i32 = arith.constant 0 : i32
    %c0_i32_0 = arith.constant 0 : i32
    %c0_i32_1 = arith.constant 0 : i32
    return %arg0, %c0_i32, %c0_i32_0 : i32, i32, i32
  }
  func.func @transform_4(%arg0: i32) -> (i32, i32) {
    %c0_i32 = arith.constant 0 : i32
    %c0_i32_0 = arith.constant 0 : i32
    %c0_i32_1 = arith.constant 0 : i32
    return %c0_i32, %c0_i32_0 : i32, i32
  }
  func.func @transform_5(%arg0: i32) -> (i32, i32) {
    %c0_i32 = arith.constant 0 : i32
    %c0_i32_0 = arith.constant 0 : i32
    %c0_i32_1 = arith.constant 0 : i32
    return %c0_i32, %c0_i32_0 : i32, i32
  }
  func.func @transform_6(%arg0: i32) -> (i32, i32) {
    %c0_i32 = arith.constant 0 : i32
    %c0_i32_0 = arith.constant 0 : i32
    %c0_i32_1 = arith.constant 0 : i32
    return %c0_i32, %c0_i32_0 : i32, i32
  }
  func.func @transform_7(%arg0: i32) -> (i32, i32) {
    %c0_i32 = arith.constant 0 : i32
    %c0_i32_0 = arith.constant 0 : i32
    %c0_i32_1 = arith.constant 0 : i32
    return %c0_i32, %c0_i32_0 : i32, i32
  }
  func.func @transform_8(%arg0: i32) -> (i32, i32) {
    %c0_i32 = arith.constant 0 : i32
    %c0_i32_0 = arith.constant 0 : i32
    %c0_i32_1 = arith.constant 0 : i32
    return %c0_i32, %c0_i32_0 : i32, i32
  }
  func.func @transform_9(%arg0: i32) -> (i32, i32) {
    %c0_i32 = arith.constant 0 : i32
    %c0_i32_0 = arith.constant 0 : i32
    return %arg0, %c0_i32 : i32, i32
  }
  func.func @transform_10(%arg0: i32) -> (i32, i32) {
    %c0_i32 = arith.constant 0 : i32
    %c0_i32_0 = arith.constant 0 : i32
    %c0_i32_1 = arith.constant 0 : i32
    return %c0_i32, %c0_i32_0 : i32, i32
  }
  func.func @transform_11(%arg0: i32) -> (i32, i32) {
    %c0_i32 = arith.constant 0 : i32
    %c0_i32_0 = arith.constant 0 : i32
    %c0_i32_1 = arith.constant 0 : i32
    return %c0_i32, %c0_i32_0 : i32, i32
  }
}

module attributes {stable_mosaic.version = 14 : i64} {
  func.func @body(%arg0: i32, %arg1: memref<2x2000x64xf32, #tpu.memory_space<vmem>>, %arg2: memref<2x2000x64xf32, #tpu.memory_space<vmem>>, %arg3: memref<2000x64xf32, #tpu.memory_space<vmem>>, %arg4: memref<1x1x2000xi32, #tpu.memory_space<vmem>>, %arg5: memref<128x64xf32, #tpu.memory_space<vmem>>, %arg6: memref<128x64xf32, #tpu.memory_space<vmem>>, %arg7: memref<1x64xf32, #tpu.memory_space<vmem>>, %arg8: memref<64x64xf32, #tpu.memory_space<vmem>>, %arg9: memref<1x64xf32, #tpu.memory_space<vmem>>, %arg10: memref<192x64xf32, #tpu.memory_space<vmem>>, %arg11: memref<1x64xf32, #tpu.memory_space<vmem>>, %arg12: memref<64x64xf32, #tpu.memory_space<vmem>>, %arg13: memref<1x64xf32, #tpu.memory_space<vmem>>, %arg14: memref<2000x64xf32, #tpu.memory_space<vmem>>, %arg15: memref<128x64xf32, #tpu.memory_space<vmem>>, %arg16: memref<128x64xf32, #tpu.memory_space<vmem>>) attributes {dimension_semantics = [#tpu.dimension_semantics<arbitrary>], iteration_bounds = array<i64: 5>, scalar_prefetch = 0 : i64, scratch_operands = 0 : i64, tpu.core_type = #tpu.core_type<tc>, window_params = [{transform_indices = @transform_0, window_bounds = array<i64: 2, 2000, 64>}, {transform_indices = @transform_1, window_bounds = array<i64: 2, 2000, 64>}, {transform_indices = @transform_2, window_bounds = array<i64: 2000, 64>}, {transform_indices = @transform_3, window_bounds = array<i64: 1, 1, 2000>}, {pipeline_mode = #tpu.pipeline_mode<synchronous>, transform_indices = @transform_4, window_bounds = array<i64: 128, 64>}, {pipeline_mode = #tpu.pipeline_mode<synchronous>, transform_indices = @transform_5, window_bounds = array<i64: 128, 64>}, {pipeline_mode = #tpu.pipeline_mode<synchronous>, transform_indices = @transform_6, window_bounds = array<i64: 1, 64>}, {pipeline_mode = #tpu.pipeline_mode<synchronous>, transform_indices = @transform_7, window_bounds = array<i64: 64, 64>}, {pipeline_mode = #tpu.pipeline_mode<synchronous>, transform_indices = @transform_8, window_bounds = array<i64: 1, 64>}, {pipeline_mode = #tpu.pipeline_mode<synchronous>, transform_indices = @transform_9, window_bounds = array<i64: 192, 64>}, {pipeline_mode = #tpu.pipeline_mode<synchronous>, transform_indices = @transform_10, window_bounds = array<i64: 1, 64>}, {pipeline_mode = #tpu.pipeline_mode<synchronous>, transform_indices = @transform_11, window_bounds = array<i64: 64, 64>}, {pipeline_mode = #tpu.pipeline_mode<synchronous>, transform_indices = @transform_12, window_bounds = array<i64: 1, 64>}, {transform_indices = @transform_13, window_bounds = array<i64: 2000, 64>}, {pipeline_mode = #tpu.pipeline_mode<synchronous>, transform_indices = @transform_14, window_bounds = array<i64: 128, 64>}, {pipeline_mode = #tpu.pipeline_mode<synchronous>, transform_indices = @transform_15, window_bounds = array<i64: 128, 64>}]} {
    %get3A = arith.constant 0 : index
    %get3A_0 = arith.constant 0 : index
    %get3A_1 = arith.constant 0 : index
    %get3A_2 = vector.load %arg1[%get3A, %get3A_0, %get3A_1] : memref<2x2000x64xf32, #tpu.memory_space<vmem>>, vector<1x2000x64xf32>
    %get3A_3 = vector.shape_cast %get3A_2 : vector<1x2000x64xf32> to vector<2000x64xf32>
    %get3A_4 = arith.constant 1 : index
    %get3A_5 = arith.constant 0 : index
    %get3A_6 = arith.constant 0 : index
    %get3A_7 = vector.load %arg1[%get3A_4, %get3A_5, %get3A_6] : memref<2x2000x64xf32, #tpu.memory_space<vmem>>, vector<1x2000x64xf32>
    %get3A_8 = vector.shape_cast %get3A_7 : vector<1x2000x64xf32> to vector<2000x64xf32>
    %add3A = arith.addf %get3A_3, %get3A_8 : vector<2000x64xf32>
    %get3A_9 = arith.constant 0 : index
    %get3A_10 = arith.constant 0 : index
    %get3A_11 = arith.constant 0 : index
    %get3A_12 = vector.load %arg2[%get3A_9, %get3A_10, %get3A_11] : memref<2x2000x64xf32, #tpu.memory_space<vmem>>, vector<1x2000x64xf32>
    %get3A_13 = vector.shape_cast %get3A_12 : vector<1x2000x64xf32> to vector<2000x64xf32>
    %get3A_14 = arith.constant 1 : index
    %get3A_15 = arith.constant 0 : index
    %get3A_16 = arith.constant 0 : index
    %get3A_17 = vector.load %arg2[%get3A_14, %get3A_15, %get3A_16] : memref<2x2000x64xf32, #tpu.memory_space<vmem>>, vector<1x2000x64xf32>
    %get3A_18 = vector.shape_cast %get3A_17 : vector<1x2000x64xf32> to vector<2000x64xf32>
    %add3A_19 = arith.addf %get3A_13, %get3A_18 : vector<2000x64xf32>
    %get3A_20 = arith.constant 0 : index
    %get3A_21 = arith.constant 0 : index
    %get3A_22 = vector.load %arg6[%get3A_20, %get3A_21] : memref<128x64xf32, #tpu.memory_space<vmem>>, vector<128x64xf32>
    %slice3A = vector.extract_strided_slice %get3A_22 {offsets = [0, 0], sizes = [64, 64], strides = [1, 1]} : vector<128x64xf32> to vector<64x64xf32>
    %dot_general3A = arith.constant dense<0.000000e+00> : vector<2000x64xf32>
    %dot_general3A_23 = tpu.matmul %add3A, %slice3A, %dot_general3A {dimension_numbers = #tpu.dot_dimension_numbers<[1], [0], [0], [1], [0, 0, 1, 1], [], []>, transpose_lhs_hint = false} : vector<2000x64xf32>, vector<64x64xf32>, vector<2000x64xf32> -> vector<2000x64xf32>
    %slice3A_24 = vector.extract_strided_slice %get3A_22 {offsets = [64, 0], sizes = [64, 64], strides = [1, 1]} : vector<128x64xf32> to vector<64x64xf32>
    %dot_general3A_25 = arith.constant dense<0.000000e+00> : vector<2000x64xf32>
    %dot_general3A_26 = tpu.matmul %add3A_19, %slice3A_24, %dot_general3A_25 {dimension_numbers = #tpu.dot_dimension_numbers<[1], [0], [0], [1], [0, 0, 1, 1], [], []>, transpose_lhs_hint = false} : vector<2000x64xf32>, vector<64x64xf32>, vector<2000x64xf32> -> vector<2000x64xf32>
    %add3A_27 = arith.addf %dot_general3A_23, %dot_general3A_26 : vector<2000x64xf32>
    %get3A_28 = arith.constant 0 : index
    %get3A_29 = arith.constant 0 : index
    %get3A_30 = vector.load %arg7[%get3A_28, %get3A_29] : memref<1x64xf32, #tpu.memory_space<vmem>>, vector<1x64xf32>
    %add3A_31 = vector.broadcast %get3A_30 : vector<1x64xf32> to vector<2000x64xf32>
    %add3A_32 = arith.addf %add3A_27, %add3A_31 : vector<2000x64xf32>
    %max3A = arith.constant 0.000000e+00 : f32
    %max3A_33 = vector.broadcast %max3A : f32 to vector<2000x64xf32>
    %max3A_34 = arith.maximumf %add3A_32, %max3A_33 : vector<2000x64xf32>
    %get3A_35 = arith.constant 0 : index
    %get3A_36 = arith.constant 0 : index
    %get3A_37 = vector.load %arg8[%get3A_35, %get3A_36] : memref<64x64xf32, #tpu.memory_space<vmem>>, vector<64x64xf32>
    %dot_general3A_38 = arith.constant dense<0.000000e+00> : vector<2000x64xf32>
    %dot_general3A_39 = tpu.matmul %max3A_34, %get3A_37, %dot_general3A_38 {dimension_numbers = #tpu.dot_dimension_numbers<[1], [0], [0], [1], [0, 0, 1, 1], [], []>, transpose_lhs_hint = false} : vector<2000x64xf32>, vector<64x64xf32>, vector<2000x64xf32> -> vector<2000x64xf32>
    %get3A_40 = arith.constant 0 : index
    %get3A_41 = arith.constant 0 : index
    %get3A_42 = vector.load %arg9[%get3A_40, %get3A_41] : memref<1x64xf32, #tpu.memory_space<vmem>>, vector<1x64xf32>
    %add3A_43 = vector.broadcast %get3A_42 : vector<1x64xf32> to vector<2000x64xf32>
    %add3A_44 = arith.addf %dot_general3A_39, %add3A_43 : vector<2000x64xf32>
    %get3A_45 = arith.constant 0 : index
    %get3A_46 = arith.constant 0 : index
    %get3A_47 = arith.constant 0 : index
    %get3A_48 = vector.load %arg4[%get3A_45, %get3A_46, %get3A_47] : memref<1x1x2000xi32, #tpu.memory_space<vmem>>, vector<1x1x2000xi32>
    %get3A_49 = vector.shape_cast %get3A_48 : vector<1x1x2000xi32> to vector<2000xi32>
    %broadcast_in_dim3A = vector.shape_cast %get3A_49 : vector<2000xi32> to vector<2000x1xi32>
    %iota3A = tpu.iota {dimensions = array<i32: 1>} : vector<2000x128xi32>
    %eq3A = vector.broadcast %broadcast_in_dim3A : vector<2000x1xi32> to vector<2000x128xi32>
    %eq3A_50 = arith.cmpi eq, %iota3A, %eq3A : vector<2000x128xi32>
    %convert_element_type3A = arith.extui %eq3A_50 : vector<2000x128xi1> to vector<2000x128xi32>
    %convert_element_type3A_51 = arith.sitofp %convert_element_type3A : vector<2000x128xi32> to vector<2000x128xf32>
    %get3A_52 = arith.constant 0 : index
    %get3A_53 = arith.constant 0 : index
    %get3A_54 = vector.load %arg5[%get3A_52, %get3A_53] : memref<128x64xf32, #tpu.memory_space<vmem>>, vector<128x64xf32>
    %dot_general3A_55 = arith.constant dense<0.000000e+00> : vector<2000x64xf32>
    %dot_general3A_56 = tpu.matmul %convert_element_type3A_51, %get3A_54, %dot_general3A_55 {dimension_numbers = #tpu.dot_dimension_numbers<[1], [0], [0], [1], [0, 0, 1, 1], [], []>, precision = #tpu.contract_precision<fp32>, transpose_lhs_hint = false} : vector<2000x128xf32>, vector<128x64xf32>, vector<2000x64xf32> -> vector<2000x64xf32>
    %get3A_57 = arith.constant 0 : index
    %get3A_58 = arith.constant 0 : index
    %get3A_59 = vector.load %arg10[%get3A_57, %get3A_58] : memref<192x64xf32, #tpu.memory_space<vmem>>, vector<192x64xf32>
    %get3A_60 = arith.constant 0 : index
    %get3A_61 = arith.constant 0 : index
    %get3A_62 = vector.load %arg3[%get3A_60, %get3A_61] : memref<2000x64xf32, #tpu.memory_space<vmem>>, vector<2000x64xf32>
    %slice3A_63 = vector.extract_strided_slice %get3A_59 {offsets = [0, 0], sizes = [64, 64], strides = [1, 1]} : vector<192x64xf32> to vector<64x64xf32>
    %dot_general3A_64 = arith.constant dense<0.000000e+00> : vector<2000x64xf32>
    %dot_general3A_65 = tpu.matmul %get3A_62, %slice3A_63, %dot_general3A_64 {dimension_numbers = #tpu.dot_dimension_numbers<[1], [0], [0], [1], [0, 0, 1, 1], [], []>, transpose_lhs_hint = false} : vector<2000x64xf32>, vector<64x64xf32>, vector<2000x64xf32> -> vector<2000x64xf32>
    %slice3A_66 = vector.extract_strided_slice %get3A_59 {offsets = [64, 0], sizes = [64, 64], strides = [1, 1]} : vector<192x64xf32> to vector<64x64xf32>
    %dot_general3A_67 = arith.constant dense<0.000000e+00> : vector<2000x64xf32>
    %dot_general3A_68 = tpu.matmul %add3A_44, %slice3A_66, %dot_general3A_67 {dimension_numbers = #tpu.dot_dimension_numbers<[1], [0], [0], [1], [0, 0, 1, 1], [], []>, transpose_lhs_hint = false} : vector<2000x64xf32>, vector<64x64xf32>, vector<2000x64xf32> -> vector<2000x64xf32>
    %add3A_69 = arith.addf %dot_general3A_65, %dot_general3A_68 : vector<2000x64xf32>
    %slice3A_70 = vector.extract_strided_slice %get3A_59 {offsets = [128, 0], sizes = [64, 64], strides = [1, 1]} : vector<192x64xf32> to vector<64x64xf32>
    %dot_general3A_71 = arith.constant dense<0.000000e+00> : vector<2000x64xf32>
    %dot_general3A_72 = tpu.matmul %dot_general3A_56, %slice3A_70, %dot_general3A_71 {dimension_numbers = #tpu.dot_dimension_numbers<[1], [0], [0], [1], [0, 0, 1, 1], [], []>, transpose_lhs_hint = false} : vector<2000x64xf32>, vector<64x64xf32>, vector<2000x64xf32> -> vector<2000x64xf32>
    %add3A_73 = arith.addf %add3A_69, %dot_general3A_72 : vector<2000x64xf32>
    %get3A_74 = arith.constant 0 : index
    %get3A_75 = arith.constant 0 : index
    %get3A_76 = vector.load %arg11[%get3A_74, %get3A_75] : memref<1x64xf32, #tpu.memory_space<vmem>>, vector<1x64xf32>
    %add3A_77 = vector.broadcast %get3A_76 : vector<1x64xf32> to vector<2000x64xf32>
    %add3A_78 = arith.addf %add3A_73, %add3A_77 : vector<2000x64xf32>
    %max3A_79 = arith.constant 0.000000e+00 : f32
    %max3A_80 = vector.broadcast %max3A_79 : f32 to vector<2000x64xf32>
    %max3A_81 = arith.maximumf %add3A_78, %max3A_80 : vector<2000x64xf32>
    %get3A_82 = arith.constant 0 : index
    %get3A_83 = arith.constant 0 : index
    %get3A_84 = vector.load %arg12[%get3A_82, %get3A_83] : memref<64x64xf32, #tpu.memory_space<vmem>>, vector<64x64xf32>
    %dot_general3A_85 = arith.constant dense<0.000000e+00> : vector<2000x64xf32>
    %dot_general3A_86 = tpu.matmul %max3A_81, %get3A_84, %dot_general3A_85 {dimension_numbers = #tpu.dot_dimension_numbers<[1], [0], [0], [1], [0, 0, 1, 1], [], []>, transpose_lhs_hint = false} : vector<2000x64xf32>, vector<64x64xf32>, vector<2000x64xf32> -> vector<2000x64xf32>
    %get3A_87 = arith.constant 0 : index
    %get3A_88 = arith.constant 0 : index
    %get3A_89 = vector.load %arg13[%get3A_87, %get3A_88] : memref<1x64xf32, #tpu.memory_space<vmem>>, vector<1x64xf32>
    %add3A_90 = vector.broadcast %get3A_89 : vector<1x64xf32> to vector<2000x64xf32>
    %add3A_91 = arith.addf %dot_general3A_86, %add3A_90 : vector<2000x64xf32>
    %swap3A = arith.constant 0 : index
    %swap3A_92 = arith.constant 0 : index
    %swap3A_93 = vector.load %arg14[%swap3A, %swap3A_92] : memref<2000x64xf32, #tpu.memory_space<vmem>>, vector<2000x64xf32>
    tpu.vector_store %arg14[%swap3A, %swap3A_92], %add3A_91 {strides = array<i32>} : memref<2000x64xf32, #tpu.memory_space<vmem>>, vector<2000x64xf32>,
    %broadcast_in_dim3A_94 = vector.shape_cast %get3A_49 : vector<2000xi32> to vector<1x2000xi32>
    %iota3A_95 = tpu.iota {dimensions = array<i32: 0>} : vector<128x2000xi32>
    %eq3A_96 = vector.broadcast %broadcast_in_dim3A_94 : vector<1x2000xi32> to vector<128x2000xi32>
    %eq3A_97 = arith.cmpi eq, %iota3A_95, %eq3A_96 : vector<128x2000xi32>
    %convert_element_type3A_98 = arith.extui %eq3A_97 : vector<128x2000xi1> to vector<128x2000xi32>
    %convert_element_type3A_99 = arith.sitofp %convert_element_type3A_98 : vector<128x2000xi32> to vector<128x2000xf32>
    %eq3A_100 = arith.constant 0 : i32
    %eq3A_101 = arith.cmpi eq, %arg0, %eq3A_100 : i32
    %convert_element_type3A_102 = arith.extui %eq3A_101 : i1 to i32
    %cond3A = arith.constant 0 : i32
    %cond3A_103 = arith.cmpi ne, %convert_element_type3A_102, %cond3A : i32
    scf.if %cond3A_103 {
      %broadcast_in_dim3A_145 = arith.constant 0.000000e+00 : f32
      %broadcast_in_dim3A_146 = vector.broadcast %broadcast_in_dim3A_145 : f32 to vector<128x64xf32>
      %swap3A_147 = arith.constant 0 : index
      %swap3A_148 = arith.constant 0 : index
      %swap3A_149 = vector.load %arg15[%swap3A_147, %swap3A_148] : memref<128x64xf32, #tpu.memory_space<vmem>>, vector<128x64xf32>
      tpu.vector_store %arg15[%swap3A_147, %swap3A_148], %broadcast_in_dim3A_146 {strides = array<i32>} : memref<128x64xf32, #tpu.memory_space<vmem>>, vector<128x64xf32>,
      %broadcast_in_dim3A_150 = arith.constant 0.000000e+00 : f32
      %broadcast_in_dim3A_151 = vector.broadcast %broadcast_in_dim3A_150 : f32 to vector<128x64xf32>
      %swap3A_152 = arith.constant 0 : index
      %swap3A_153 = arith.constant 0 : index
      %swap3A_154 = vector.load %arg16[%swap3A_152, %swap3A_153] : memref<128x64xf32, #tpu.memory_space<vmem>>, vector<128x64xf32>
      tpu.vector_store %arg16[%swap3A_152, %swap3A_153], %broadcast_in_dim3A_151 {strides = array<i32>} : memref<128x64xf32, #tpu.memory_space<vmem>>, vector<128x64xf32>,
    } else {
    }
    %get3A_104 = arith.constant 0 : index
    %get3A_105 = arith.constant 0 : index
    %get3A_106 = vector.load %arg15[%get3A_104, %get3A_105] : memref<128x64xf32, #tpu.memory_space<vmem>>, vector<128x64xf32>
    %convert_element_type3A_107 = arith.truncf %add3A_91 : vector<2000x64xf32> to vector<2000x64xbf16>
    %convert_element_type3A_108 = arith.extf %convert_element_type3A_107 : vector<2000x64xbf16> to vector<2000x64xf32>
    %sub3A = arith.subf %add3A_91, %convert_element_type3A_108 : vector<2000x64xf32>
    %convert_element_type3A_109 = arith.truncf %sub3A : vector<2000x64xf32> to vector<2000x64xbf16>
    %convert_element_type3A_110 = arith.extf %convert_element_type3A_109 : vector<2000x64xbf16> to vector<2000x64xf32>
    %dot_general3A_111 = arith.constant dense<0.000000e+00> : vector<128x64xf32>
    %dot_general3A_112 = tpu.matmul %convert_element_type3A_99, %convert_element_type3A_108, %dot_general3A_111 {dimension_numbers = #tpu.dot_dimension_numbers<[1], [0], [0], [1], [0, 0, 1, 1], [], []>, transpose_lhs_hint = false} : vector<128x2000xf32>, vector<2000x64xf32>, vector<128x64xf32> -> vector<128x64xf32>
    %dot_general3A_113 = arith.constant dense<0.000000e+00> : vector<128x64xf32>
    %dot_general3A_114 = tpu.matmul %convert_element_type3A_99, %convert_element_type3A_110, %dot_general3A_113 {dimension_numbers = #tpu.dot_dimension_numbers<[1], [0], [0], [1], [0, 0, 1, 1], [], []>, transpose_lhs_hint = false} : vector<128x2000xf32>, vector<2000x64xf32>, vector<128x64xf32> -> vector<128x64xf32>
    %sub3A_115 = arith.subf %sub3A, %convert_element_type3A_110 : vector<2000x64xf32>
    %dot_general3A_116 = arith.constant dense<0.000000e+00> : vector<128x64xf32>
    %dot_general3A_117 = tpu.matmul %convert_element_type3A_99, %sub3A_115, %dot_general3A_116 {dimension_numbers = #tpu.dot_dimension_numbers<[1], [0], [0], [1], [0, 0, 1, 1], [], []>, transpose_lhs_hint = false} : vector<128x2000xf32>, vector<2000x64xf32>, vector<128x64xf32> -> vector<128x64xf32>
    %add3A_118 = arith.addf %dot_general3A_114, %dot_general3A_117 : vector<128x64xf32>
    %add3A_119 = arith.addf %dot_general3A_112, %add3A_118 : vector<128x64xf32>
    %add3A_120 = arith.addf %get3A_106, %add3A_119 : vector<128x64xf32>
    %swap3A_121 = arith.constant 0 : index
    %swap3A_122 = arith.constant 0 : index
    %swap3A_123 = vector.load %arg15[%swap3A_121, %swap3A_122] : memref<128x64xf32, #tpu.memory_space<vmem>>, vector<128x64xf32>
    tpu.vector_store %arg15[%swap3A_121, %swap3A_122], %add3A_120 {strides = array<i32>} : memref<128x64xf32, #tpu.memory_space<vmem>>, vector<128x64xf32>,
    %get3A_124 = arith.constant 0 : index
    %get3A_125 = arith.constant 0 : index
    %get3A_126 = vector.load %arg16[%get3A_124, %get3A_125] : memref<128x64xf32, #tpu.memory_space<vmem>>, vector<128x64xf32>
    %mul3A = arith.mulf %add3A_91, %add3A_91 : vector<2000x64xf32>
    %convert_element_type3A_127 = arith.truncf %mul3A : vector<2000x64xf32> to vector<2000x64xbf16>
    %convert_element_type3A_128 = arith.extf %convert_element_type3A_127 : vector<2000x64xbf16> to vector<2000x64xf32>
    %sub3A_129 = arith.subf %mul3A, %convert_element_type3A_128 : vector<2000x64xf32>
    %convert_element_type3A_130 = arith.truncf %sub3A_129 : vector<2000x64xf32> to vector<2000x64xbf16>
    %convert_element_type3A_131 = arith.extf %convert_element_type3A_130 : vector<2000x64xbf16> to vector<2000x64xf32>
    %dot_general3A_132 = arith.constant dense<0.000000e+00> : vector<128x64xf32>
    %dot_general3A_133 = tpu.matmul %convert_element_type3A_99, %convert_element_type3A_128, %dot_general3A_132 {dimension_numbers = #tpu.dot_dimension_numbers<[1], [0], [0], [1], [0, 0, 1, 1], [], []>, transpose_lhs_hint = false} : vector<128x2000xf32>, vector<2000x64xf32>, vector<128x64xf32> -> vector<128x64xf32>
    %dot_general3A_134 = arith.constant dense<0.000000e+00> : vector<128x64xf32>
    %dot_general3A_135 = tpu.matmul %convert_element_type3A_99, %convert_element_type3A_131, %dot_general3A_134 {dimension_numbers = #tpu.dot_dimension_numbers<[1], [0], [0], [1], [0, 0, 1, 1], [], []>, transpose_lhs_hint = false} : vector<128x2000xf32>, vector<2000x64xf32>, vector<128x64xf32> -> vector<128x64xf32>
    %sub3A_136 = arith.subf %sub3A_129, %convert_element_type3A_131 : vector<2000x64xf32>
    %dot_general3A_137 = arith.constant dense<0.000000e+00> : vector<128x64xf32>
    %dot_general3A_138 = tpu.matmul %convert_element_type3A_99, %sub3A_136, %dot_general3A_137 {dimension_numbers = #tpu.dot_dimension_numbers<[1], [0], [0], [1], [0, 0, 1, 1], [], []>, transpose_lhs_hint = false} : vector<128x2000xf32>, vector<2000x64xf32>, vector<128x64xf32> -> vector<128x64xf32>
    %add3A_139 = arith.addf %dot_general3A_135, %dot_general3A_138 : vector<128x64xf32>
    %add3A_140 = arith.addf %dot_general3A_133, %add3A_139 : vector<128x64xf32>
    %add3A_141 = arith.addf %get3A_126, %add3A_140 : vector<128x64xf32>
    %swap3A_142 = arith.constant 0 : index
    %swap3A_143 = arith.constant 0 : index
    %swap3A_144 = vector.load %arg16[%swap3A_142, %swap3A_143] : memref<128x64xf32, #tpu.memory_space<vmem>>, vector<128x64xf32>
    tpu.vector_store %arg16[%swap3A_142, %swap3A_143], %add3A_141 {strides = array<i32>} : memref<128x64xf32, #tpu.memory_space<vmem>>, vector<128x64xf32>,
    return
  }
  func.func @transform_0(%arg0: i32) -> (i32, i32, i32) {
    %c0_i32 = arith.constant 0 : i32
    %c0_i32_0 = arith.constant 0 : i32
    %c0_i32_1 = arith.constant 0 : i32
    return %c0_i32, %arg0, %c0_i32_0 : i32, i32, i32
  }
  func.func @transform_1(%arg0: i32) -> (i32, i32, i32) {
    %c0_i32 = arith.constant 0 : i32
    %c0_i32_0 = arith.constant 0 : i32
    %c0_i32_1 = arith.constant 0 : i32
    return %c0_i32, %arg0, %c0_i32_0 : i32, i32, i32
  }
  func.func @transform_2(%arg0: i32) -> (i32, i32) {
    %c0_i32 = arith.constant 0 : i32
    %c0_i32_0 = arith.constant 0 : i32
    return %arg0, %c0_i32 : i32, i32
  }
  func.func @transform_3(%arg0: i32) -> (i32, i32, i32) {
    %c0_i32 = arith.constant 0 : i32
    %c0_i32_0 = arith.constant 0 : i32
    %c0_i32_1 = arith.constant 0 : i32
    return %arg0, %c0_i32, %c0_i32_0 : i32, i32, i32
  }
  func.func @transform_4(%arg0: i32) -> (i32, i32) {
    %c0_i32 = arith.constant 0 : i32
    %c0_i32_0 = arith.constant 0 : i32
    %c0_i32_1 = arith.constant 0 : i32
    return %c0_i32, %c0_i32_0 : i32, i32
  }
  func.func @transform_5(%arg0: i32) -> (i32, i32) {
    %c0_i32 = arith.constant 0 : i32
    %c0_i32_0 = arith.constant 0 : i32
    %c0_i32_1 = arith.constant 0 : i32
    return %c0_i32, %c0_i32_0 : i32, i32
  }
  func.func @transform_6(%arg0: i32) -> (i32, i32) {
    %c0_i32 = arith.constant 0 : i32
    %c0_i32_0 = arith.constant 0 : i32
    %c0_i32_1 = arith.constant 0 : i32
    return %c0_i32, %c0_i32_0 : i32, i32
  }
  func.func @transform_7(%arg0: i32) -> (i32, i32) {
    %c0_i32 = arith.constant 0 : i32
    %c0_i32_0 = arith.constant 0 : i32
    %c0_i32_1 = arith.constant 0 : i32
    return %c0_i32, %c0_i32_0 : i32, i32
  }
  func.func @transform_8(%arg0: i32) -> (i32, i32) {
    %c0_i32 = arith.constant 0 : i32
    %c0_i32_0 = arith.constant 0 : i32
    %c0_i32_1 = arith.constant 0 : i32
    return %c0_i32, %c0_i32_0 : i32, i32
  }
  func.func @transform_9(%arg0: i32) -> (i32, i32) {
    %c0_i32 = arith.constant 0 : i32
    %c0_i32_0 = arith.constant 0 : i32
    %c0_i32_1 = arith.constant 0 : i32
    return %c0_i32, %c0_i32_0 : i32, i32
  }
  func.func @transform_10(%arg0: i32) -> (i32, i32) {
    %c0_i32 = arith.constant 0 : i32
    %c0_i32_0 = arith.constant 0 : i32
    %c0_i32_1 = arith.constant 0 : i32
    return %c0_i32, %c0_i32_0 : i32, i32
  }
  func.func @transform_11(%arg0: i32) -> (i32, i32) {
    %c0_i32 = arith.constant 0 : i32
    %c0_i32_0 = arith.constant 0 : i32
    %c0_i32_1 = arith.constant 0 : i32
    return %c0_i32, %c0_i32_0 : i32, i32
  }
  func.func @transform_12(%arg0: i32) -> (i32, i32) {
    %c0_i32 = arith.constant 0 : i32
    %c0_i32_0 = arith.constant 0 : i32
    %c0_i32_1 = arith.constant 0 : i32
    return %c0_i32, %c0_i32_0 : i32, i32
  }
  func.func @transform_13(%arg0: i32) -> (i32, i32) {
    %c0_i32 = arith.constant 0 : i32
    %c0_i32_0 = arith.constant 0 : i32
    return %arg0, %c0_i32 : i32, i32
  }
  func.func @transform_14(%arg0: i32) -> (i32, i32) {
    %c0_i32 = arith.constant 0 : i32
    %c0_i32_0 = arith.constant 0 : i32
    %c0_i32_1 = arith.constant 0 : i32
    return %c0_i32, %c0_i32_0 : i32, i32
  }
  func.func @transform_15(%arg0: i32) -> (i32, i32) {
    %c0_i32 = arith.constant 0 : i32
    %c0_i32_0 = arith.constant 0 : i32
    %c0_i32_1 = arith.constant 0 : i32
    return %c0_i32, %c0_i32_0 : i32, i32
  }
}

module attributes {stable_mosaic.version = 14 : i64} {
  func.func @body(%arg0: memref<128x64xf32, #tpu.memory_space<vmem>>, %arg1: memref<128x64xf32, #tpu.memory_space<vmem>>, %arg2: memref<128x64xf32, #tpu.memory_space<vmem>>, %arg3: memref<128x64xf32, #tpu.memory_space<vmem>>, %arg4: memref<128x64xf32, #tpu.memory_space<vmem>>, %arg5: memref<8x128xf32, #tpu.memory_space<vmem>>, %arg6: memref<1x64xf32, #tpu.memory_space<vmem>>, %arg7: memref<1x64xf32, #tpu.memory_space<vmem>>, %arg8: memref<1x64xf32, #tpu.memory_space<vmem>>, %arg9: memref<1x64xf32, #tpu.memory_space<vmem>>, %arg10: memref<1x64xf32, #tpu.memory_space<vmem>>, %arg11: memref<1x64xf32, #tpu.memory_space<vmem>>, %arg12: memref<192x64xf32, #tpu.memory_space<vmem>>, %arg13: memref<1x64xf32, #tpu.memory_space<vmem>>, %arg14: memref<64x64xf32, #tpu.memory_space<vmem>>, %arg15: memref<1x64xf32, #tpu.memory_space<vmem>>, %arg16: memref<128x64xf32, #tpu.memory_space<vmem>>, %arg17: memref<8x64xf32, #tpu.memory_space<vmem>>) attributes {dimension_semantics = [], scalar_prefetch = 0 : i64, scratch_operands = 0 : i64, tpu.core_type = #tpu.core_type<tc>} {
    %get3A = arith.constant 0 : index
    %get3A_0 = arith.constant 0 : index
    %get3A_1 = vector.load %arg5[%get3A, %get3A_0] : memref<8x128xf32, #tpu.memory_space<vmem>>, vector<1x128xf32>
    %reshape3A = vector.shape_cast %get3A_1 : vector<1x128xf32> to vector<128x1xf32>
    %get3A_2 = arith.constant 1 : index
    %get3A_3 = arith.constant 0 : index
    %get3A_4 = vector.load %arg5[%get3A_2, %get3A_3] : memref<8x128xf32, #tpu.memory_space<vmem>>, vector<1x128xf32>
    %reshape3A_5 = vector.shape_cast %get3A_4 : vector<1x128xf32> to vector<128x1xf32>
    %get3A_6 = arith.constant 2 : index
    %get3A_7 = arith.constant 0 : index
    %get3A_8 = vector.load %arg5[%get3A_6, %get3A_7] : memref<8x128xf32, #tpu.memory_space<vmem>>, vector<1x128xf32>
    %reshape3A_9 = vector.shape_cast %get3A_8 : vector<1x128xf32> to vector<128x1xf32>
    %get3A_10 = arith.constant 3 : index
    %get3A_11 = arith.constant 0 : index
    %get3A_12 = vector.load %arg5[%get3A_10, %get3A_11] : memref<8x128xf32, #tpu.memory_space<vmem>>, vector<1x128xf32>
    %reshape3A_13 = vector.shape_cast %get3A_12 : vector<1x128xf32> to vector<128x1xf32>
    %get3A_14 = arith.constant 0 : index
    %get3A_15 = arith.constant 0 : index
    %get3A_16 = vector.load %arg1[%get3A_14, %get3A_15] : memref<128x64xf32, #tpu.memory_space<vmem>>, vector<128x64xf32>
    %mul3A = vector.broadcast %reshape3A_9 : vector<128x1xf32> to vector<128x64xf32>
    %mul3A_17 = arith.mulf %get3A_16, %mul3A : vector<128x64xf32>
    %get3A_18 = arith.constant 0 : index
    %get3A_19 = arith.constant 0 : index
    %get3A_20 = vector.load %arg3[%get3A_18, %get3A_19] : memref<128x64xf32, #tpu.memory_space<vmem>>, vector<128x64xf32>
    %mul3A_21 = vector.broadcast %reshape3A_13 : vector<128x1xf32> to vector<128x64xf32>
    %mul3A_22 = arith.mulf %get3A_20, %mul3A_21 : vector<128x64xf32>
    %get3A_23 = arith.constant 0 : index
    %get3A_24 = arith.constant 0 : index
    %get3A_25 = vector.load %arg12[%get3A_23, %get3A_24] : memref<192x64xf32, #tpu.memory_space<vmem>>, vector<192x64xf32>
    %get3A_26 = arith.constant 0 : index
    %get3A_27 = arith.constant 0 : index
    %get3A_28 = vector.load %arg0[%get3A_26, %get3A_27] : memref<128x64xf32, #tpu.memory_space<vmem>>, vector<128x64xf32>
    %slice3A = vector.extract_strided_slice %get3A_25 {offsets = [0, 0], sizes = [64, 64], strides = [1, 1]} : vector<192x64xf32> to vector<64x64xf32>
    %dot_general3A = arith.constant dense<0.000000e+00> : vector<128x64xf32>
    %dot_general3A_29 = tpu.matmul %get3A_28, %slice3A, %dot_general3A {dimension_numbers = #tpu.dot_dimension_numbers<[1], [0], [0], [1], [0, 0, 1, 1], [], []>, transpose_lhs_hint = false} : vector<128x64xf32>, vector<64x64xf32>, vector<128x64xf32> -> vector<128x64xf32>
    %slice3A_30 = vector.extract_strided_slice %get3A_25 {offsets = [64, 0], sizes = [64, 64], strides = [1, 1]} : vector<192x64xf32> to vector<64x64xf32>
    %dot_general3A_31 = arith.constant dense<0.000000e+00> : vector<128x64xf32>
    %dot_general3A_32 = tpu.matmul %mul3A_22, %slice3A_30, %dot_general3A_31 {dimension_numbers = #tpu.dot_dimension_numbers<[1], [0], [0], [1], [0, 0, 1, 1], [], []>, transpose_lhs_hint = false} : vector<128x64xf32>, vector<64x64xf32>, vector<128x64xf32> -> vector<128x64xf32>
    %add3A = arith.addf %dot_general3A_29, %dot_general3A_32 : vector<128x64xf32>
    %slice3A_33 = vector.extract_strided_slice %get3A_25 {offsets = [128, 0], sizes = [64, 64], strides = [1, 1]} : vector<192x64xf32> to vector<64x64xf32>
    %dot_general3A_34 = arith.constant dense<0.000000e+00> : vector<128x64xf32>
    %dot_general3A_35 = tpu.matmul %mul3A_17, %slice3A_33, %dot_general3A_34 {dimension_numbers = #tpu.dot_dimension_numbers<[1], [0], [0], [1], [0, 0, 1, 1], [], []>, transpose_lhs_hint = false} : vector<128x64xf32>, vector<64x64xf32>, vector<128x64xf32> -> vector<128x64xf32>
    %add3A_36 = arith.addf %add3A, %dot_general3A_35 : vector<128x64xf32>
    %get3A_37 = arith.constant 0 : index
    %get3A_38 = arith.constant 0 : index
    %get3A_39 = vector.load %arg13[%get3A_37, %get3A_38] : memref<1x64xf32, #tpu.memory_space<vmem>>, vector<1x64xf32>
    %add3A_40 = vector.broadcast %get3A_39 : vector<1x64xf32> to vector<128x64xf32>
    %add3A_41 = arith.addf %add3A_36, %add3A_40 : vector<128x64xf32>
    %max3A = arith.constant 0.000000e+00 : f32
    %max3A_42 = vector.broadcast %max3A : f32 to vector<128x64xf32>
    %max3A_43 = arith.maximumf %add3A_41, %max3A_42 : vector<128x64xf32>
    %get3A_44 = arith.constant 0 : index
    %get3A_45 = arith.constant 0 : index
    %get3A_46 = vector.load %arg14[%get3A_44, %get3A_45] : memref<64x64xf32, #tpu.memory_space<vmem>>, vector<64x64xf32>
    %dot_general3A_47 = arith.constant dense<0.000000e+00> : vector<128x64xf32>
    %dot_general3A_48 = tpu.matmul %max3A_43, %get3A_46, %dot_general3A_47 {dimension_numbers = #tpu.dot_dimension_numbers<[1], [0], [0], [1], [0, 0, 1, 1], [], []>, transpose_lhs_hint = false} : vector<128x64xf32>, vector<64x64xf32>, vector<128x64xf32> -> vector<128x64xf32>
    %get3A_49 = arith.constant 0 : index
    %get3A_50 = arith.constant 0 : index
    %get3A_51 = vector.load %arg15[%get3A_49, %get3A_50] : memref<1x64xf32, #tpu.memory_space<vmem>>, vector<1x64xf32>
    %add3A_52 = vector.broadcast %get3A_51 : vector<1x64xf32> to vector<128x64xf32>
    %add3A_53 = arith.addf %dot_general3A_48, %add3A_52 : vector<128x64xf32>
    %reduce_sum3A = arith.constant dense<0.000000e+00> : vector<64xf32>
    %reduce_sum3A_54 = vector.multi_reduction <add>, %add3A_53, %reduce_sum3A [0] : vector<128x64xf32> to vector<64xf32>
    %broadcast_in_dim3A = vector.shape_cast %reduce_sum3A_54 : vector<64xf32> to vector<1x64xf32>
    %div3A = arith.constant 1.280000e+02 : f32
    %div3A_55 = vector.broadcast %div3A : f32 to vector<1x64xf32>
    %div3A_56 = arith.divf %broadcast_in_dim3A, %div3A_55 : vector<1x64xf32>
    %mul3A_57 = arith.mulf %add3A_53, %add3A_53 : vector<128x64xf32>
    %reduce_sum3A_58 = arith.constant dense<0.000000e+00> : vector<64xf32>
    %reduce_sum3A_59 = vector.multi_reduction <add>, %mul3A_57, %reduce_sum3A_58 [0] : vector<128x64xf32> to vector<64xf32>
    %broadcast_in_dim3A_60 = vector.shape_cast %reduce_sum3A_59 : vector<64xf32> to vector<1x64xf32>
    %div3A_61 = arith.constant 1.280000e+02 : f32
    %div3A_62 = vector.broadcast %div3A_61 : f32 to vector<1x64xf32>
    %div3A_63 = arith.divf %broadcast_in_dim3A_60, %div3A_62 : vector<1x64xf32>
    %mul3A_64 = arith.mulf %div3A_56, %div3A_56 : vector<1x64xf32>
    %sub3A = arith.subf %div3A_63, %mul3A_64 : vector<1x64xf32>
    %sub3A_65 = vector.broadcast %div3A_56 : vector<1x64xf32> to vector<128x64xf32>
    %sub3A_66 = arith.subf %add3A_53, %sub3A_65 : vector<128x64xf32>
    %add3A_67 = arith.constant 9.99999974E-6 : f32
    %add3A_68 = vector.broadcast %add3A_67 : f32 to vector<1x64xf32>
    %add3A_69 = arith.addf %sub3A, %add3A_68 : vector<1x64xf32>
    %rsqrt3A = math.rsqrt %add3A_69 : vector<1x64xf32>
    %mul3A_70 = vector.broadcast %rsqrt3A : vector<1x64xf32> to vector<128x64xf32>
    %mul3A_71 = arith.mulf %sub3A_66, %mul3A_70 : vector<128x64xf32>
    %get3A_72 = arith.constant 0 : index
    %get3A_73 = arith.constant 0 : index
    %get3A_74 = vector.load %arg10[%get3A_72, %get3A_73] : memref<1x64xf32, #tpu.memory_space<vmem>>, vector<1x64xf32>
    %mul3A_75 = vector.broadcast %get3A_74 : vector<1x64xf32> to vector<128x64xf32>
    %mul3A_76 = arith.mulf %mul3A_71, %mul3A_75 : vector<128x64xf32>
    %get3A_77 = arith.constant 0 : index
    %get3A_78 = arith.constant 0 : index
    %get3A_79 = vector.load %arg11[%get3A_77, %get3A_78] : memref<1x64xf32, #tpu.memory_space<vmem>>, vector<1x64xf32>
    %add3A_80 = vector.broadcast %get3A_79 : vector<1x64xf32> to vector<128x64xf32>
    %add3A_81 = arith.addf %mul3A_76, %add3A_80 : vector<128x64xf32>
    %swap3A = arith.constant 0 : index
    %swap3A_82 = arith.constant 0 : index
    %swap3A_83 = vector.load %arg16[%swap3A, %swap3A_82] : memref<128x64xf32, #tpu.memory_space<vmem>>, vector<128x64xf32>
    tpu.vector_store %arg16[%swap3A, %swap3A_82], %add3A_81 {strides = array<i32>} : memref<128x64xf32, #tpu.memory_space<vmem>>, vector<128x64xf32>,
    %get3A_84 = arith.constant 0 : index
    %get3A_85 = arith.constant 0 : index
    %get3A_86 = vector.load %arg6[%get3A_84, %get3A_85] : memref<1x64xf32, #tpu.memory_space<vmem>>, vector<1x64xf32>
    %get3A_87 = arith.constant 0 : index
    %get3A_88 = arith.constant 0 : index
    %get3A_89 = vector.load %arg7[%get3A_87, %get3A_88] : memref<1x64xf32, #tpu.memory_space<vmem>>, vector<1x64xf32>
    %get3A_90 = arith.constant 0 : index
    %get3A_91 = arith.constant 0 : index
    %get3A_92 = vector.load %arg3[%get3A_90, %get3A_91] : memref<128x64xf32, #tpu.memory_space<vmem>>, vector<128x64xf32>
    %get3A_93 = arith.constant 0 : index
    %get3A_94 = arith.constant 0 : index
    %get3A_95 = vector.load %arg4[%get3A_93, %get3A_94] : memref<128x64xf32, #tpu.memory_space<vmem>>, vector<128x64xf32>
    %transpose3A = tpu.transpose %reshape3A, [1, 0] : vector<128x1xf32> -> vector<1x128xf32>
    %dot_general3A_96 = arith.constant dense<0.000000e+00> : vector<1x64xf32>
    %dot_general3A_97 = tpu.matmul %transpose3A, %get3A_92, %dot_general3A_96 {dimension_numbers = #tpu.dot_dimension_numbers<[1], [0], [0], [1], [0, 0, 1, 1], [], []>, precision = #tpu.contract_precision<fp32>, transpose_lhs_hint = false} : vector<1x128xf32>, vector<128x64xf32>, vector<1x64xf32> -> vector<1x64xf32>
    %div3A_98 = arith.constant 1.000000e+04 : f32
    %div3A_99 = vector.broadcast %div3A_98 : f32 to vector<1x64xf32>
    %div3A_100 = arith.divf %dot_general3A_97, %div3A_99 : vector<1x64xf32>
    %mul3A_101 = arith.mulf %reshape3A, %reshape3A : vector<128x1xf32>
    %transpose3A_102 = tpu.transpose %mul3A_101, [1, 0] : vector<128x1xf32> -> vector<1x128xf32>
    %dot_general3A_103 = arith.constant dense<0.000000e+00> : vector<1x64xf32>
    %dot_general3A_104 = tpu.matmul %transpose3A_102, %get3A_95, %dot_general3A_103 {dimension_numbers = #tpu.dot_dimension_numbers<[1], [0], [0], [1], [0, 0, 1, 1], [], []>, precision = #tpu.contract_precision<fp32>, transpose_lhs_hint = false} : vector<1x128xf32>, vector<128x64xf32>, vector<1x64xf32> -> vector<1x64xf32>
    %div3A_105 = arith.constant 1.000000e+04 : f32
    %div3A_106 = vector.broadcast %div3A_105 : f32 to vector<1x64xf32>
    %div3A_107 = arith.divf %dot_general3A_104, %div3A_106 : vector<1x64xf32>
    %mul3A_108 = arith.mulf %div3A_100, %div3A_100 : vector<1x64xf32>
    %sub3A_109 = arith.subf %div3A_107, %mul3A_108 : vector<1x64xf32>
    %add3A_110 = arith.constant 9.99999974E-6 : f32
    %add3A_111 = vector.broadcast %add3A_110 : f32 to vector<1x64xf32>
    %add3A_112 = arith.addf %sub3A_109, %add3A_111 : vector<1x64xf32>
    %rsqrt3A_113 = math.rsqrt %add3A_112 : vector<1x64xf32>
    %mul3A_114 = arith.mulf %get3A_86, %rsqrt3A_113 : vector<1x64xf32>
    %mul3A_115 = arith.mulf %div3A_100, %mul3A_114 : vector<1x64xf32>
    %sub3A_116 = arith.subf %get3A_89, %mul3A_115 : vector<1x64xf32>
    %get3A_117 = arith.constant 0 : index
    %get3A_118 = arith.constant 0 : index
    %get3A_119 = vector.load %arg8[%get3A_117, %get3A_118] : memref<1x64xf32, #tpu.memory_space<vmem>>, vector<1x64xf32>
    %get3A_120 = arith.constant 0 : index
    %get3A_121 = arith.constant 0 : index
    %get3A_122 = vector.load %arg9[%get3A_120, %get3A_121] : memref<1x64xf32, #tpu.memory_space<vmem>>, vector<1x64xf32>
    %get3A_123 = arith.constant 0 : index
    %get3A_124 = arith.constant 0 : index
    %get3A_125 = vector.load %arg1[%get3A_123, %get3A_124] : memref<128x64xf32, #tpu.memory_space<vmem>>, vector<128x64xf32>
    %get3A_126 = arith.constant 0 : index
    %get3A_127 = arith.constant 0 : index
    %get3A_128 = vector.load %arg2[%get3A_126, %get3A_127] : memref<128x64xf32, #tpu.memory_space<vmem>>, vector<128x64xf32>
    %transpose3A_129 = tpu.transpose %reshape3A_5, [1, 0] : vector<128x1xf32> -> vector<1x128xf32>
    %dot_general3A_130 = arith.constant dense<0.000000e+00> : vector<1x64xf32>
    %dot_general3A_131 = tpu.matmul %transpose3A_129, %get3A_125, %dot_general3A_130 {dimension_numbers = #tpu.dot_dimension_numbers<[1], [0], [0], [1], [0, 0, 1, 1], [], []>, precision = #tpu.contract_precision<fp32>, transpose_lhs_hint = false} : vector<1x128xf32>, vector<128x64xf32>, vector<1x64xf32> -> vector<1x64xf32>
    %div3A_132 = arith.constant 3.200000e+05 : f32
    %div3A_133 = vector.broadcast %div3A_132 : f32 to vector<1x64xf32>
    %div3A_134 = arith.divf %dot_general3A_131, %div3A_133 : vector<1x64xf32>
    %mul3A_135 = arith.mulf %reshape3A_5, %reshape3A_5 : vector<128x1xf32>
    %transpose3A_136 = tpu.transpose %mul3A_135, [1, 0] : vector<128x1xf32> -> vector<1x128xf32>
    %dot_general3A_137 = arith.constant dense<0.000000e+00> : vector<1x64xf32>
    %dot_general3A_138 = tpu.matmul %transpose3A_136, %get3A_128, %dot_general3A_137 {dimension_numbers = #tpu.dot_dimension_numbers<[1], [0], [0], [1], [0, 0, 1, 1], [], []>, precision = #tpu.contract_precision<fp32>, transpose_lhs_hint = false} : vector<1x128xf32>, vector<128x64xf32>, vector<1x64xf32> -> vector<1x64xf32>
    %div3A_139 = arith.constant 3.200000e+05 : f32
    %div3A_140 = vector.broadcast %div3A_139 : f32 to vector<1x64xf32>
    %div3A_141 = arith.divf %dot_general3A_138, %div3A_140 : vector<1x64xf32>
    %mul3A_142 = arith.mulf %div3A_134, %div3A_134 : vector<1x64xf32>
    %sub3A_143 = arith.subf %div3A_141, %mul3A_142 : vector<1x64xf32>
    %add3A_144 = arith.constant 9.99999974E-6 : f32
    %add3A_145 = vector.broadcast %add3A_144 : f32 to vector<1x64xf32>
    %add3A_146 = arith.addf %sub3A_143, %add3A_145 : vector<1x64xf32>
    %rsqrt3A_147 = math.rsqrt %add3A_146 : vector<1x64xf32>
    %mul3A_148 = arith.mulf %get3A_119, %rsqrt3A_147 : vector<1x64xf32>
    %mul3A_149 = arith.mulf %div3A_134, %mul3A_148 : vector<1x64xf32>
    %sub3A_150 = arith.subf %get3A_122, %mul3A_149 : vector<1x64xf32>
    %broadcast_in_dim3A_151 = arith.constant 0.000000e+00 : f32
    %broadcast_in_dim3A_152 = vector.broadcast %broadcast_in_dim3A_151 : f32 to vector<4x64xf32>
    %concatenate3A = tpu.concatenate %mul3A_114, %sub3A_116, %mul3A_148, %sub3A_150, %broadcast_in_dim3A_152 in 0 : vector<1x64xf32>, vector<1x64xf32>, vector<1x64xf32>, vector<1x64xf32>, vector<4x64xf32> -> vector<8x64xf32>
    %swap3A_153 = arith.constant 0 : index
    %swap3A_154 = arith.constant 0 : index
    %swap3A_155 = vector.load %arg17[%swap3A_153, %swap3A_154] : memref<8x64xf32, #tpu.memory_space<vmem>>, vector<8x64xf32>
    tpu.vector_store %arg17[%swap3A_153, %swap3A_154], %concatenate3A {strides = array<i32>} : memref<8x64xf32, #tpu.memory_space<vmem>>, vector<8x64xf32>,
    return
  }
}

module attributes {stable_mosaic.version = 14 : i64} {
  func.func @body(%arg0: i32, %arg1: memref<2x2000x64xf32, #tpu.memory_space<vmem>>, %arg2: memref<2x2000x64xf32, #tpu.memory_space<vmem>>, %arg3: memref<2000x64xf32, #tpu.memory_space<vmem>>, %arg4: memref<1x1x2000xi32, #tpu.memory_space<vmem>>, %arg5: memref<128x64xf32, #tpu.memory_space<vmem>>, %arg6: memref<128x64xf32, #tpu.memory_space<vmem>>, %arg7: memref<1x64xf32, #tpu.memory_space<vmem>>, %arg8: memref<64x64xf32, #tpu.memory_space<vmem>>, %arg9: memref<1x64xf32, #tpu.memory_space<vmem>>, %arg10: memref<192x64xf32, #tpu.memory_space<vmem>>, %arg11: memref<1x64xf32, #tpu.memory_space<vmem>>, %arg12: memref<64x64xf32, #tpu.memory_space<vmem>>, %arg13: memref<1x64xf32, #tpu.memory_space<vmem>>, %arg14: memref<2000x64xf32, #tpu.memory_space<vmem>>, %arg15: memref<128x64xf32, #tpu.memory_space<vmem>>, %arg16: memref<128x64xf32, #tpu.memory_space<vmem>>) attributes {dimension_semantics = [#tpu.dimension_semantics<arbitrary>], iteration_bounds = array<i64: 5>, scalar_prefetch = 0 : i64, scratch_operands = 0 : i64, tpu.core_type = #tpu.core_type<tc>, window_params = [{transform_indices = @transform_0, window_bounds = array<i64: 2, 2000, 64>}, {transform_indices = @transform_1, window_bounds = array<i64: 2, 2000, 64>}, {transform_indices = @transform_2, window_bounds = array<i64: 2000, 64>}, {transform_indices = @transform_3, window_bounds = array<i64: 1, 1, 2000>}, {pipeline_mode = #tpu.pipeline_mode<synchronous>, transform_indices = @transform_4, window_bounds = array<i64: 128, 64>}, {pipeline_mode = #tpu.pipeline_mode<synchronous>, transform_indices = @transform_5, window_bounds = array<i64: 128, 64>}, {pipeline_mode = #tpu.pipeline_mode<synchronous>, transform_indices = @transform_6, window_bounds = array<i64: 1, 64>}, {pipeline_mode = #tpu.pipeline_mode<synchronous>, transform_indices = @transform_7, window_bounds = array<i64: 64, 64>}, {pipeline_mode = #tpu.pipeline_mode<synchronous>, transform_indices = @transform_8, window_bounds = array<i64: 1, 64>}, {pipeline_mode = #tpu.pipeline_mode<synchronous>, transform_indices = @transform_9, window_bounds = array<i64: 192, 64>}, {pipeline_mode = #tpu.pipeline_mode<synchronous>, transform_indices = @transform_10, window_bounds = array<i64: 1, 64>}, {pipeline_mode = #tpu.pipeline_mode<synchronous>, transform_indices = @transform_11, window_bounds = array<i64: 64, 64>}, {pipeline_mode = #tpu.pipeline_mode<synchronous>, transform_indices = @transform_12, window_bounds = array<i64: 1, 64>}, {transform_indices = @transform_13, window_bounds = array<i64: 2000, 64>}, {pipeline_mode = #tpu.pipeline_mode<synchronous>, transform_indices = @transform_14, window_bounds = array<i64: 128, 64>}, {pipeline_mode = #tpu.pipeline_mode<synchronous>, transform_indices = @transform_15, window_bounds = array<i64: 128, 64>}]} {
    %get3A = arith.constant 0 : index
    %get3A_0 = arith.constant 0 : index
    %get3A_1 = arith.constant 0 : index
    %get3A_2 = vector.load %arg1[%get3A, %get3A_0, %get3A_1] : memref<2x2000x64xf32, #tpu.memory_space<vmem>>, vector<1x2000x64xf32>
    %get3A_3 = vector.shape_cast %get3A_2 : vector<1x2000x64xf32> to vector<2000x64xf32>
    %get3A_4 = arith.constant 1 : index
    %get3A_5 = arith.constant 0 : index
    %get3A_6 = arith.constant 0 : index
    %get3A_7 = vector.load %arg1[%get3A_4, %get3A_5, %get3A_6] : memref<2x2000x64xf32, #tpu.memory_space<vmem>>, vector<1x2000x64xf32>
    %get3A_8 = vector.shape_cast %get3A_7 : vector<1x2000x64xf32> to vector<2000x64xf32>
    %add3A = arith.addf %get3A_3, %get3A_8 : vector<2000x64xf32>
    %get3A_9 = arith.constant 0 : index
    %get3A_10 = arith.constant 0 : index
    %get3A_11 = arith.constant 0 : index
    %get3A_12 = vector.load %arg2[%get3A_9, %get3A_10, %get3A_11] : memref<2x2000x64xf32, #tpu.memory_space<vmem>>, vector<1x2000x64xf32>
    %get3A_13 = vector.shape_cast %get3A_12 : vector<1x2000x64xf32> to vector<2000x64xf32>
    %get3A_14 = arith.constant 1 : index
    %get3A_15 = arith.constant 0 : index
    %get3A_16 = arith.constant 0 : index
    %get3A_17 = vector.load %arg2[%get3A_14, %get3A_15, %get3A_16] : memref<2x2000x64xf32, #tpu.memory_space<vmem>>, vector<1x2000x64xf32>
    %get3A_18 = vector.shape_cast %get3A_17 : vector<1x2000x64xf32> to vector<2000x64xf32>
    %add3A_19 = arith.addf %get3A_13, %get3A_18 : vector<2000x64xf32>
    %get3A_20 = arith.constant 0 : index
    %get3A_21 = arith.constant 0 : index
    %get3A_22 = vector.load %arg6[%get3A_20, %get3A_21] : memref<128x64xf32, #tpu.memory_space<vmem>>, vector<128x64xf32>
    %slice3A = vector.extract_strided_slice %get3A_22 {offsets = [0, 0], sizes = [64, 64], strides = [1, 1]} : vector<128x64xf32> to vector<64x64xf32>
    %dot_general3A = arith.constant dense<0.000000e+00> : vector<2000x64xf32>
    %dot_general3A_23 = tpu.matmul %add3A, %slice3A, %dot_general3A {dimension_numbers = #tpu.dot_dimension_numbers<[1], [0], [0], [1], [0, 0, 1, 1], [], []>, transpose_lhs_hint = false} : vector<2000x64xf32>, vector<64x64xf32>, vector<2000x64xf32> -> vector<2000x64xf32>
    %slice3A_24 = vector.extract_strided_slice %get3A_22 {offsets = [64, 0], sizes = [64, 64], strides = [1, 1]} : vector<128x64xf32> to vector<64x64xf32>
    %dot_general3A_25 = arith.constant dense<0.000000e+00> : vector<2000x64xf32>
    %dot_general3A_26 = tpu.matmul %add3A_19, %slice3A_24, %dot_general3A_25 {dimension_numbers = #tpu.dot_dimension_numbers<[1], [0], [0], [1], [0, 0, 1, 1], [], []>, transpose_lhs_hint = false} : vector<2000x64xf32>, vector<64x64xf32>, vector<2000x64xf32> -> vector<2000x64xf32>
    %add3A_27 = arith.addf %dot_general3A_23, %dot_general3A_26 : vector<2000x64xf32>
    %get3A_28 = arith.constant 0 : index
    %get3A_29 = arith.constant 0 : index
    %get3A_30 = vector.load %arg7[%get3A_28, %get3A_29] : memref<1x64xf32, #tpu.memory_space<vmem>>, vector<1x64xf32>
    %add3A_31 = vector.broadcast %get3A_30 : vector<1x64xf32> to vector<2000x64xf32>
    %add3A_32 = arith.addf %add3A_27, %add3A_31 : vector<2000x64xf32>
    %max3A = arith.constant 0.000000e+00 : f32
    %max3A_33 = vector.broadcast %max3A : f32 to vector<2000x64xf32>
    %max3A_34 = arith.maximumf %add3A_32, %max3A_33 : vector<2000x64xf32>
    %get3A_35 = arith.constant 0 : index
    %get3A_36 = arith.constant 0 : index
    %get3A_37 = vector.load %arg8[%get3A_35, %get3A_36] : memref<64x64xf32, #tpu.memory_space<vmem>>, vector<64x64xf32>
    %dot_general3A_38 = arith.constant dense<0.000000e+00> : vector<2000x64xf32>
    %dot_general3A_39 = tpu.matmul %max3A_34, %get3A_37, %dot_general3A_38 {dimension_numbers = #tpu.dot_dimension_numbers<[1], [0], [0], [1], [0, 0, 1, 1], [], []>, transpose_lhs_hint = false} : vector<2000x64xf32>, vector<64x64xf32>, vector<2000x64xf32> -> vector<2000x64xf32>
    %get3A_40 = arith.constant 0 : index
    %get3A_41 = arith.constant 0 : index
    %get3A_42 = vector.load %arg9[%get3A_40, %get3A_41] : memref<1x64xf32, #tpu.memory_space<vmem>>, vector<1x64xf32>
    %add3A_43 = vector.broadcast %get3A_42 : vector<1x64xf32> to vector<2000x64xf32>
    %add3A_44 = arith.addf %dot_general3A_39, %add3A_43 : vector<2000x64xf32>
    %get3A_45 = arith.constant 0 : index
    %get3A_46 = arith.constant 0 : index
    %get3A_47 = arith.constant 0 : index
    %get3A_48 = vector.load %arg4[%get3A_45, %get3A_46, %get3A_47] : memref<1x1x2000xi32, #tpu.memory_space<vmem>>, vector<1x1x2000xi32>
    %get3A_49 = vector.shape_cast %get3A_48 : vector<1x1x2000xi32> to vector<2000xi32>
    %broadcast_in_dim3A = vector.shape_cast %get3A_49 : vector<2000xi32> to vector<2000x1xi32>
    %iota3A = tpu.iota {dimensions = array<i32: 1>} : vector<2000x128xi32>
    %eq3A = vector.broadcast %broadcast_in_dim3A : vector<2000x1xi32> to vector<2000x128xi32>
    %eq3A_50 = arith.cmpi eq, %iota3A, %eq3A : vector<2000x128xi32>
    %convert_element_type3A = arith.extui %eq3A_50 : vector<2000x128xi1> to vector<2000x128xi32>
    %convert_element_type3A_51 = arith.sitofp %convert_element_type3A : vector<2000x128xi32> to vector<2000x128xf32>
    %get3A_52 = arith.constant 0 : index
    %get3A_53 = arith.constant 0 : index
    %get3A_54 = vector.load %arg5[%get3A_52, %get3A_53] : memref<128x64xf32, #tpu.memory_space<vmem>>, vector<128x64xf32>
    %dot_general3A_55 = arith.constant dense<0.000000e+00> : vector<2000x64xf32>
    %dot_general3A_56 = tpu.matmul %convert_element_type3A_51, %get3A_54, %dot_general3A_55 {dimension_numbers = #tpu.dot_dimension_numbers<[1], [0], [0], [1], [0, 0, 1, 1], [], []>, precision = #tpu.contract_precision<fp32>, transpose_lhs_hint = false} : vector<2000x128xf32>, vector<128x64xf32>, vector<2000x64xf32> -> vector<2000x64xf32>
    %get3A_57 = arith.constant 0 : index
    %get3A_58 = arith.constant 0 : index
    %get3A_59 = vector.load %arg10[%get3A_57, %get3A_58] : memref<192x64xf32, #tpu.memory_space<vmem>>, vector<192x64xf32>
    %get3A_60 = arith.constant 0 : index
    %get3A_61 = arith.constant 0 : index
    %get3A_62 = vector.load %arg3[%get3A_60, %get3A_61] : memref<2000x64xf32, #tpu.memory_space<vmem>>, vector<2000x64xf32>
    %slice3A_63 = vector.extract_strided_slice %get3A_59 {offsets = [0, 0], sizes = [64, 64], strides = [1, 1]} : vector<192x64xf32> to vector<64x64xf32>
    %dot_general3A_64 = arith.constant dense<0.000000e+00> : vector<2000x64xf32>
    %dot_general3A_65 = tpu.matmul %get3A_62, %slice3A_63, %dot_general3A_64 {dimension_numbers = #tpu.dot_dimension_numbers<[1], [0], [0], [1], [0, 0, 1, 1], [], []>, transpose_lhs_hint = false} : vector<2000x64xf32>, vector<64x64xf32>, vector<2000x64xf32> -> vector<2000x64xf32>
    %slice3A_66 = vector.extract_strided_slice %get3A_59 {offsets = [64, 0], sizes = [64, 64], strides = [1, 1]} : vector<192x64xf32> to vector<64x64xf32>
    %dot_general3A_67 = arith.constant dense<0.000000e+00> : vector<2000x64xf32>
    %dot_general3A_68 = tpu.matmul %add3A_44, %slice3A_66, %dot_general3A_67 {dimension_numbers = #tpu.dot_dimension_numbers<[1], [0], [0], [1], [0, 0, 1, 1], [], []>, transpose_lhs_hint = false} : vector<2000x64xf32>, vector<64x64xf32>, vector<2000x64xf32> -> vector<2000x64xf32>
    %add3A_69 = arith.addf %dot_general3A_65, %dot_general3A_68 : vector<2000x64xf32>
    %slice3A_70 = vector.extract_strided_slice %get3A_59 {offsets = [128, 0], sizes = [64, 64], strides = [1, 1]} : vector<192x64xf32> to vector<64x64xf32>
    %dot_general3A_71 = arith.constant dense<0.000000e+00> : vector<2000x64xf32>
    %dot_general3A_72 = tpu.matmul %dot_general3A_56, %slice3A_70, %dot_general3A_71 {dimension_numbers = #tpu.dot_dimension_numbers<[1], [0], [0], [1], [0, 0, 1, 1], [], []>, transpose_lhs_hint = false} : vector<2000x64xf32>, vector<64x64xf32>, vector<2000x64xf32> -> vector<2000x64xf32>
    %add3A_73 = arith.addf %add3A_69, %dot_general3A_72 : vector<2000x64xf32>
    %get3A_74 = arith.constant 0 : index
    %get3A_75 = arith.constant 0 : index
    %get3A_76 = vector.load %arg11[%get3A_74, %get3A_75] : memref<1x64xf32, #tpu.memory_space<vmem>>, vector<1x64xf32>
    %add3A_77 = vector.broadcast %get3A_76 : vector<1x64xf32> to vector<2000x64xf32>
    %add3A_78 = arith.addf %add3A_73, %add3A_77 : vector<2000x64xf32>
    %max3A_79 = arith.constant 0.000000e+00 : f32
    %max3A_80 = vector.broadcast %max3A_79 : f32 to vector<2000x64xf32>
    %max3A_81 = arith.maximumf %add3A_78, %max3A_80 : vector<2000x64xf32>
    %get3A_82 = arith.constant 0 : index
    %get3A_83 = arith.constant 0 : index
    %get3A_84 = vector.load %arg12[%get3A_82, %get3A_83] : memref<64x64xf32, #tpu.memory_space<vmem>>, vector<64x64xf32>
    %dot_general3A_85 = arith.constant dense<0.000000e+00> : vector<2000x64xf32>
    %dot_general3A_86 = tpu.matmul %max3A_81, %get3A_84, %dot_general3A_85 {dimension_numbers = #tpu.dot_dimension_numbers<[1], [0], [0], [1], [0, 0, 1, 1], [], []>, transpose_lhs_hint = false} : vector<2000x64xf32>, vector<64x64xf32>, vector<2000x64xf32> -> vector<2000x64xf32>
    %get3A_87 = arith.constant 0 : index
    %get3A_88 = arith.constant 0 : index
    %get3A_89 = vector.load %arg13[%get3A_87, %get3A_88] : memref<1x64xf32, #tpu.memory_space<vmem>>, vector<1x64xf32>
    %add3A_90 = vector.broadcast %get3A_89 : vector<1x64xf32> to vector<2000x64xf32>
    %add3A_91 = arith.addf %dot_general3A_86, %add3A_90 : vector<2000x64xf32>
    %swap3A = arith.constant 0 : index
    %swap3A_92 = arith.constant 0 : index
    %swap3A_93 = vector.load %arg14[%swap3A, %swap3A_92] : memref<2000x64xf32, #tpu.memory_space<vmem>>, vector<2000x64xf32>
    tpu.vector_store %arg14[%swap3A, %swap3A_92], %add3A_91 {strides = array<i32>} : memref<2000x64xf32, #tpu.memory_space<vmem>>, vector<2000x64xf32>,
    %broadcast_in_dim3A_94 = vector.shape_cast %get3A_49 : vector<2000xi32> to vector<1x2000xi32>
    %iota3A_95 = tpu.iota {dimensions = array<i32: 0>} : vector<128x2000xi32>
    %eq3A_96 = vector.broadcast %broadcast_in_dim3A_94 : vector<1x2000xi32> to vector<128x2000xi32>
    %eq3A_97 = arith.cmpi eq, %iota3A_95, %eq3A_96 : vector<128x2000xi32>
    %convert_element_type3A_98 = arith.extui %eq3A_97 : vector<128x2000xi1> to vector<128x2000xi32>
    %convert_element_type3A_99 = arith.sitofp %convert_element_type3A_98 : vector<128x2000xi32> to vector<128x2000xf32>
    %eq3A_100 = arith.constant 0 : i32
    %eq3A_101 = arith.cmpi eq, %arg0, %eq3A_100 : i32
    %convert_element_type3A_102 = arith.extui %eq3A_101 : i1 to i32
    %cond3A = arith.constant 0 : i32
    %cond3A_103 = arith.cmpi ne, %convert_element_type3A_102, %cond3A : i32
    scf.if %cond3A_103 {
      %broadcast_in_dim3A_145 = arith.constant 0.000000e+00 : f32
      %broadcast_in_dim3A_146 = vector.broadcast %broadcast_in_dim3A_145 : f32 to vector<128x64xf32>
      %swap3A_147 = arith.constant 0 : index
      %swap3A_148 = arith.constant 0 : index
      %swap3A_149 = vector.load %arg15[%swap3A_147, %swap3A_148] : memref<128x64xf32, #tpu.memory_space<vmem>>, vector<128x64xf32>
      tpu.vector_store %arg15[%swap3A_147, %swap3A_148], %broadcast_in_dim3A_146 {strides = array<i32>} : memref<128x64xf32, #tpu.memory_space<vmem>>, vector<128x64xf32>,
      %broadcast_in_dim3A_150 = arith.constant 0.000000e+00 : f32
      %broadcast_in_dim3A_151 = vector.broadcast %broadcast_in_dim3A_150 : f32 to vector<128x64xf32>
      %swap3A_152 = arith.constant 0 : index
      %swap3A_153 = arith.constant 0 : index
      %swap3A_154 = vector.load %arg16[%swap3A_152, %swap3A_153] : memref<128x64xf32, #tpu.memory_space<vmem>>, vector<128x64xf32>
      tpu.vector_store %arg16[%swap3A_152, %swap3A_153], %broadcast_in_dim3A_151 {strides = array<i32>} : memref<128x64xf32, #tpu.memory_space<vmem>>, vector<128x64xf32>,
    } else {
    }
    %get3A_104 = arith.constant 0 : index
    %get3A_105 = arith.constant 0 : index
    %get3A_106 = vector.load %arg15[%get3A_104, %get3A_105] : memref<128x64xf32, #tpu.memory_space<vmem>>, vector<128x64xf32>
    %convert_element_type3A_107 = arith.truncf %add3A_91 : vector<2000x64xf32> to vector<2000x64xbf16>
    %convert_element_type3A_108 = arith.extf %convert_element_type3A_107 : vector<2000x64xbf16> to vector<2000x64xf32>
    %sub3A = arith.subf %add3A_91, %convert_element_type3A_108 : vector<2000x64xf32>
    %convert_element_type3A_109 = arith.truncf %sub3A : vector<2000x64xf32> to vector<2000x64xbf16>
    %convert_element_type3A_110 = arith.extf %convert_element_type3A_109 : vector<2000x64xbf16> to vector<2000x64xf32>
    %dot_general3A_111 = arith.constant dense<0.000000e+00> : vector<128x64xf32>
    %dot_general3A_112 = tpu.matmul %convert_element_type3A_99, %convert_element_type3A_108, %dot_general3A_111 {dimension_numbers = #tpu.dot_dimension_numbers<[1], [0], [0], [1], [0, 0, 1, 1], [], []>, transpose_lhs_hint = false} : vector<128x2000xf32>, vector<2000x64xf32>, vector<128x64xf32> -> vector<128x64xf32>
    %dot_general3A_113 = arith.constant dense<0.000000e+00> : vector<128x64xf32>
    %dot_general3A_114 = tpu.matmul %convert_element_type3A_99, %convert_element_type3A_110, %dot_general3A_113 {dimension_numbers = #tpu.dot_dimension_numbers<[1], [0], [0], [1], [0, 0, 1, 1], [], []>, transpose_lhs_hint = false} : vector<128x2000xf32>, vector<2000x64xf32>, vector<128x64xf32> -> vector<128x64xf32>
    %sub3A_115 = arith.subf %sub3A, %convert_element_type3A_110 : vector<2000x64xf32>
    %dot_general3A_116 = arith.constant dense<0.000000e+00> : vector<128x64xf32>
    %dot_general3A_117 = tpu.matmul %convert_element_type3A_99, %sub3A_115, %dot_general3A_116 {dimension_numbers = #tpu.dot_dimension_numbers<[1], [0], [0], [1], [0, 0, 1, 1], [], []>, transpose_lhs_hint = false} : vector<128x2000xf32>, vector<2000x64xf32>, vector<128x64xf32> -> vector<128x64xf32>
    %add3A_118 = arith.addf %dot_general3A_114, %dot_general3A_117 : vector<128x64xf32>
    %add3A_119 = arith.addf %dot_general3A_112, %add3A_118 : vector<128x64xf32>
    %add3A_120 = arith.addf %get3A_106, %add3A_119 : vector<128x64xf32>
    %swap3A_121 = arith.constant 0 : index
    %swap3A_122 = arith.constant 0 : index
    %swap3A_123 = vector.load %arg15[%swap3A_121, %swap3A_122] : memref<128x64xf32, #tpu.memory_space<vmem>>, vector<128x64xf32>
    tpu.vector_store %arg15[%swap3A_121, %swap3A_122], %add3A_120 {strides = array<i32>} : memref<128x64xf32, #tpu.memory_space<vmem>>, vector<128x64xf32>,
    %get3A_124 = arith.constant 0 : index
    %get3A_125 = arith.constant 0 : index
    %get3A_126 = vector.load %arg16[%get3A_124, %get3A_125] : memref<128x64xf32, #tpu.memory_space<vmem>>, vector<128x64xf32>
    %mul3A = arith.mulf %add3A_91, %add3A_91 : vector<2000x64xf32>
    %convert_element_type3A_127 = arith.truncf %mul3A : vector<2000x64xf32> to vector<2000x64xbf16>
    %convert_element_type3A_128 = arith.extf %convert_element_type3A_127 : vector<2000x64xbf16> to vector<2000x64xf32>
    %sub3A_129 = arith.subf %mul3A, %convert_element_type3A_128 : vector<2000x64xf32>
    %convert_element_type3A_130 = arith.truncf %sub3A_129 : vector<2000x64xf32> to vector<2000x64xbf16>
    %convert_element_type3A_131 = arith.extf %convert_element_type3A_130 : vector<2000x64xbf16> to vector<2000x64xf32>
    %dot_general3A_132 = arith.constant dense<0.000000e+00> : vector<128x64xf32>
    %dot_general3A_133 = tpu.matmul %convert_element_type3A_99, %convert_element_type3A_128, %dot_general3A_132 {dimension_numbers = #tpu.dot_dimension_numbers<[1], [0], [0], [1], [0, 0, 1, 1], [], []>, transpose_lhs_hint = false} : vector<128x2000xf32>, vector<2000x64xf32>, vector<128x64xf32> -> vector<128x64xf32>
    %dot_general3A_134 = arith.constant dense<0.000000e+00> : vector<128x64xf32>
    %dot_general3A_135 = tpu.matmul %convert_element_type3A_99, %convert_element_type3A_131, %dot_general3A_134 {dimension_numbers = #tpu.dot_dimension_numbers<[1], [0], [0], [1], [0, 0, 1, 1], [], []>, transpose_lhs_hint = false} : vector<128x2000xf32>, vector<2000x64xf32>, vector<128x64xf32> -> vector<128x64xf32>
    %sub3A_136 = arith.subf %sub3A_129, %convert_element_type3A_131 : vector<2000x64xf32>
    %dot_general3A_137 = arith.constant dense<0.000000e+00> : vector<128x64xf32>
    %dot_general3A_138 = tpu.matmul %convert_element_type3A_99, %sub3A_136, %dot_general3A_137 {dimension_numbers = #tpu.dot_dimension_numbers<[1], [0], [0], [1], [0, 0, 1, 1], [], []>, transpose_lhs_hint = false} : vector<128x2000xf32>, vector<2000x64xf32>, vector<128x64xf32> -> vector<128x64xf32>
    %add3A_139 = arith.addf %dot_general3A_135, %dot_general3A_138 : vector<128x64xf32>
    %add3A_140 = arith.addf %dot_general3A_133, %add3A_139 : vector<128x64xf32>
    %add3A_141 = arith.addf %get3A_126, %add3A_140 : vector<128x64xf32>
    %swap3A_142 = arith.constant 0 : index
    %swap3A_143 = arith.constant 0 : index
    %swap3A_144 = vector.load %arg16[%swap3A_142, %swap3A_143] : memref<128x64xf32, #tpu.memory_space<vmem>>, vector<128x64xf32>
    tpu.vector_store %arg16[%swap3A_142, %swap3A_143], %add3A_141 {strides = array<i32>} : memref<128x64xf32, #tpu.memory_space<vmem>>, vector<128x64xf32>,
    return
  }
  func.func @transform_0(%arg0: i32) -> (i32, i32, i32) {
    %c0_i32 = arith.constant 0 : i32
    %c0_i32_0 = arith.constant 0 : i32
    %c0_i32_1 = arith.constant 0 : i32
    return %c0_i32, %arg0, %c0_i32_0 : i32, i32, i32
  }
  func.func @transform_1(%arg0: i32) -> (i32, i32, i32) {
    %c0_i32 = arith.constant 0 : i32
    %c0_i32_0 = arith.constant 0 : i32
    %c0_i32_1 = arith.constant 0 : i32
    return %c0_i32, %arg0, %c0_i32_0 : i32, i32, i32
  }
  func.func @transform_2(%arg0: i32) -> (i32, i32) {
    %c0_i32 = arith.constant 0 : i32
    %c0_i32_0 = arith.constant 0 : i32
    return %arg0, %c0_i32 : i32, i32
  }
  func.func @transform_3(%arg0: i32) -> (i32, i32, i32) {
    %c0_i32 = arith.constant 0 : i32
    %c0_i32_0 = arith.constant 0 : i32
    %c0_i32_1 = arith.constant 0 : i32
    return %arg0, %c0_i32, %c0_i32_0 : i32, i32, i32
  }
  func.func @transform_4(%arg0: i32) -> (i32, i32) {
    %c0_i32 = arith.constant 0 : i32
    %c0_i32_0 = arith.constant 0 : i32
    %c0_i32_1 = arith.constant 0 : i32
    return %c0_i32, %c0_i32_0 : i32, i32
  }
  func.func @transform_5(%arg0: i32) -> (i32, i32) {
    %c0_i32 = arith.constant 0 : i32
    %c0_i32_0 = arith.constant 0 : i32
    %c0_i32_1 = arith.constant 0 : i32
    return %c0_i32, %c0_i32_0 : i32, i32
  }
  func.func @transform_6(%arg0: i32) -> (i32, i32) {
    %c0_i32 = arith.constant 0 : i32
    %c0_i32_0 = arith.constant 0 : i32
    %c0_i32_1 = arith.constant 0 : i32
    return %c0_i32, %c0_i32_0 : i32, i32
  }
  func.func @transform_7(%arg0: i32) -> (i32, i32) {
    %c0_i32 = arith.constant 0 : i32
    %c0_i32_0 = arith.constant 0 : i32
    %c0_i32_1 = arith.constant 0 : i32
    return %c0_i32, %c0_i32_0 : i32, i32
  }
  func.func @transform_8(%arg0: i32) -> (i32, i32) {
    %c0_i32 = arith.constant 0 : i32
    %c0_i32_0 = arith.constant 0 : i32
    %c0_i32_1 = arith.constant 0 : i32
    return %c0_i32, %c0_i32_0 : i32, i32
  }
  func.func @transform_9(%arg0: i32) -> (i32, i32) {
    %c0_i32 = arith.constant 0 : i32
    %c0_i32_0 = arith.constant 0 : i32
    %c0_i32_1 = arith.constant 0 : i32
    return %c0_i32, %c0_i32_0 : i32, i32
  }
  func.func @transform_10(%arg0: i32) -> (i32, i32) {
    %c0_i32 = arith.constant 0 : i32
    %c0_i32_0 = arith.constant 0 : i32
    %c0_i32_1 = arith.constant 0 : i32
    return %c0_i32, %c0_i32_0 : i32, i32
  }
  func.func @transform_11(%arg0: i32) -> (i32, i32) {
    %c0_i32 = arith.constant 0 : i32
    %c0_i32_0 = arith.constant 0 : i32
    %c0_i32_1 = arith.constant 0 : i32
    return %c0_i32, %c0_i32_0 : i32, i32
  }
  func.func @transform_12(%arg0: i32) -> (i32, i32) {
    %c0_i32 = arith.constant 0 : i32
    %c0_i32_0 = arith.constant 0 : i32
    %c0_i32_1 = arith.constant 0 : i32
    return %c0_i32, %c0_i32_0 : i32, i32
  }
  func.func @transform_13(%arg0: i32) -> (i32, i32) {
    %c0_i32 = arith.constant 0 : i32
    %c0_i32_0 = arith.constant 0 : i32
    return %arg0, %c0_i32 : i32, i32
  }
  func.func @transform_14(%arg0: i32) -> (i32, i32) {
    %c0_i32 = arith.constant 0 : i32
    %c0_i32_0 = arith.constant 0 : i32
    %c0_i32_1 = arith.constant 0 : i32
    return %c0_i32, %c0_i32_0 : i32, i32
  }
  func.func @transform_15(%arg0: i32) -> (i32, i32) {
    %c0_i32 = arith.constant 0 : i32
    %c0_i32_0 = arith.constant 0 : i32
    %c0_i32_1 = arith.constant 0 : i32
    return %c0_i32, %c0_i32_0 : i32, i32
  }
}

module attributes {stable_mosaic.version = 14 : i64} {
  func.func @body(%arg0: memref<128x64xf32, #tpu.memory_space<vmem>>, %arg1: memref<128x64xf32, #tpu.memory_space<vmem>>, %arg2: memref<128x64xf32, #tpu.memory_space<vmem>>, %arg3: memref<128x64xf32, #tpu.memory_space<vmem>>, %arg4: memref<128x64xf32, #tpu.memory_space<vmem>>, %arg5: memref<8x128xf32, #tpu.memory_space<vmem>>, %arg6: memref<1x64xf32, #tpu.memory_space<vmem>>, %arg7: memref<1x64xf32, #tpu.memory_space<vmem>>, %arg8: memref<1x64xf32, #tpu.memory_space<vmem>>, %arg9: memref<1x64xf32, #tpu.memory_space<vmem>>, %arg10: memref<1x64xf32, #tpu.memory_space<vmem>>, %arg11: memref<1x64xf32, #tpu.memory_space<vmem>>, %arg12: memref<192x64xf32, #tpu.memory_space<vmem>>, %arg13: memref<1x64xf32, #tpu.memory_space<vmem>>, %arg14: memref<64x64xf32, #tpu.memory_space<vmem>>, %arg15: memref<1x64xf32, #tpu.memory_space<vmem>>, %arg16: memref<128x64xf32, #tpu.memory_space<vmem>>, %arg17: memref<8x64xf32, #tpu.memory_space<vmem>>) attributes {dimension_semantics = [], scalar_prefetch = 0 : i64, scratch_operands = 0 : i64, tpu.core_type = #tpu.core_type<tc>} {
    %get3A = arith.constant 0 : index
    %get3A_0 = arith.constant 0 : index
    %get3A_1 = vector.load %arg5[%get3A, %get3A_0] : memref<8x128xf32, #tpu.memory_space<vmem>>, vector<1x128xf32>
    %reshape3A = vector.shape_cast %get3A_1 : vector<1x128xf32> to vector<128x1xf32>
    %get3A_2 = arith.constant 1 : index
    %get3A_3 = arith.constant 0 : index
    %get3A_4 = vector.load %arg5[%get3A_2, %get3A_3] : memref<8x128xf32, #tpu.memory_space<vmem>>, vector<1x128xf32>
    %reshape3A_5 = vector.shape_cast %get3A_4 : vector<1x128xf32> to vector<128x1xf32>
    %get3A_6 = arith.constant 2 : index
    %get3A_7 = arith.constant 0 : index
    %get3A_8 = vector.load %arg5[%get3A_6, %get3A_7] : memref<8x128xf32, #tpu.memory_space<vmem>>, vector<1x128xf32>
    %reshape3A_9 = vector.shape_cast %get3A_8 : vector<1x128xf32> to vector<128x1xf32>
    %get3A_10 = arith.constant 3 : index
    %get3A_11 = arith.constant 0 : index
    %get3A_12 = vector.load %arg5[%get3A_10, %get3A_11] : memref<8x128xf32, #tpu.memory_space<vmem>>, vector<1x128xf32>
    %reshape3A_13 = vector.shape_cast %get3A_12 : vector<1x128xf32> to vector<128x1xf32>
    %get3A_14 = arith.constant 0 : index
    %get3A_15 = arith.constant 0 : index
    %get3A_16 = vector.load %arg1[%get3A_14, %get3A_15] : memref<128x64xf32, #tpu.memory_space<vmem>>, vector<128x64xf32>
    %mul3A = vector.broadcast %reshape3A_9 : vector<128x1xf32> to vector<128x64xf32>
    %mul3A_17 = arith.mulf %get3A_16, %mul3A : vector<128x64xf32>
    %get3A_18 = arith.constant 0 : index
    %get3A_19 = arith.constant 0 : index
    %get3A_20 = vector.load %arg3[%get3A_18, %get3A_19] : memref<128x64xf32, #tpu.memory_space<vmem>>, vector<128x64xf32>
    %mul3A_21 = vector.broadcast %reshape3A_13 : vector<128x1xf32> to vector<128x64xf32>
    %mul3A_22 = arith.mulf %get3A_20, %mul3A_21 : vector<128x64xf32>
    %get3A_23 = arith.constant 0 : index
    %get3A_24 = arith.constant 0 : index
    %get3A_25 = vector.load %arg12[%get3A_23, %get3A_24] : memref<192x64xf32, #tpu.memory_space<vmem>>, vector<192x64xf32>
    %get3A_26 = arith.constant 0 : index
    %get3A_27 = arith.constant 0 : index
    %get3A_28 = vector.load %arg0[%get3A_26, %get3A_27] : memref<128x64xf32, #tpu.memory_space<vmem>>, vector<128x64xf32>
    %slice3A = vector.extract_strided_slice %get3A_25 {offsets = [0, 0], sizes = [64, 64], strides = [1, 1]} : vector<192x64xf32> to vector<64x64xf32>
    %dot_general3A = arith.constant dense<0.000000e+00> : vector<128x64xf32>
    %dot_general3A_29 = tpu.matmul %get3A_28, %slice3A, %dot_general3A {dimension_numbers = #tpu.dot_dimension_numbers<[1], [0], [0], [1], [0, 0, 1, 1], [], []>, transpose_lhs_hint = false} : vector<128x64xf32>, vector<64x64xf32>, vector<128x64xf32> -> vector<128x64xf32>
    %slice3A_30 = vector.extract_strided_slice %get3A_25 {offsets = [64, 0], sizes = [64, 64], strides = [1, 1]} : vector<192x64xf32> to vector<64x64xf32>
    %dot_general3A_31 = arith.constant dense<0.000000e+00> : vector<128x64xf32>
    %dot_general3A_32 = tpu.matmul %mul3A_22, %slice3A_30, %dot_general3A_31 {dimension_numbers = #tpu.dot_dimension_numbers<[1], [0], [0], [1], [0, 0, 1, 1], [], []>, transpose_lhs_hint = false} : vector<128x64xf32>, vector<64x64xf32>, vector<128x64xf32> -> vector<128x64xf32>
    %add3A = arith.addf %dot_general3A_29, %dot_general3A_32 : vector<128x64xf32>
    %slice3A_33 = vector.extract_strided_slice %get3A_25 {offsets = [128, 0], sizes = [64, 64], strides = [1, 1]} : vector<192x64xf32> to vector<64x64xf32>
    %dot_general3A_34 = arith.constant dense<0.000000e+00> : vector<128x64xf32>
    %dot_general3A_35 = tpu.matmul %mul3A_17, %slice3A_33, %dot_general3A_34 {dimension_numbers = #tpu.dot_dimension_numbers<[1], [0], [0], [1], [0, 0, 1, 1], [], []>, transpose_lhs_hint = false} : vector<128x64xf32>, vector<64x64xf32>, vector<128x64xf32> -> vector<128x64xf32>
    %add3A_36 = arith.addf %add3A, %dot_general3A_35 : vector<128x64xf32>
    %get3A_37 = arith.constant 0 : index
    %get3A_38 = arith.constant 0 : index
    %get3A_39 = vector.load %arg13[%get3A_37, %get3A_38] : memref<1x64xf32, #tpu.memory_space<vmem>>, vector<1x64xf32>
    %add3A_40 = vector.broadcast %get3A_39 : vector<1x64xf32> to vector<128x64xf32>
    %add3A_41 = arith.addf %add3A_36, %add3A_40 : vector<128x64xf32>
    %max3A = arith.constant 0.000000e+00 : f32
    %max3A_42 = vector.broadcast %max3A : f32 to vector<128x64xf32>
    %max3A_43 = arith.maximumf %add3A_41, %max3A_42 : vector<128x64xf32>
    %get3A_44 = arith.constant 0 : index
    %get3A_45 = arith.constant 0 : index
    %get3A_46 = vector.load %arg14[%get3A_44, %get3A_45] : memref<64x64xf32, #tpu.memory_space<vmem>>, vector<64x64xf32>
    %dot_general3A_47 = arith.constant dense<0.000000e+00> : vector<128x64xf32>
    %dot_general3A_48 = tpu.matmul %max3A_43, %get3A_46, %dot_general3A_47 {dimension_numbers = #tpu.dot_dimension_numbers<[1], [0], [0], [1], [0, 0, 1, 1], [], []>, transpose_lhs_hint = false} : vector<128x64xf32>, vector<64x64xf32>, vector<128x64xf32> -> vector<128x64xf32>
    %get3A_49 = arith.constant 0 : index
    %get3A_50 = arith.constant 0 : index
    %get3A_51 = vector.load %arg15[%get3A_49, %get3A_50] : memref<1x64xf32, #tpu.memory_space<vmem>>, vector<1x64xf32>
    %add3A_52 = vector.broadcast %get3A_51 : vector<1x64xf32> to vector<128x64xf32>
    %add3A_53 = arith.addf %dot_general3A_48, %add3A_52 : vector<128x64xf32>
    %reduce_sum3A = arith.constant dense<0.000000e+00> : vector<64xf32>
    %reduce_sum3A_54 = vector.multi_reduction <add>, %add3A_53, %reduce_sum3A [0] : vector<128x64xf32> to vector<64xf32>
    %broadcast_in_dim3A = vector.shape_cast %reduce_sum3A_54 : vector<64xf32> to vector<1x64xf32>
    %div3A = arith.constant 1.280000e+02 : f32
    %div3A_55 = vector.broadcast %div3A : f32 to vector<1x64xf32>
    %div3A_56 = arith.divf %broadcast_in_dim3A, %div3A_55 : vector<1x64xf32>
    %mul3A_57 = arith.mulf %add3A_53, %add3A_53 : vector<128x64xf32>
    %reduce_sum3A_58 = arith.constant dense<0.000000e+00> : vector<64xf32>
    %reduce_sum3A_59 = vector.multi_reduction <add>, %mul3A_57, %reduce_sum3A_58 [0] : vector<128x64xf32> to vector<64xf32>
    %broadcast_in_dim3A_60 = vector.shape_cast %reduce_sum3A_59 : vector<64xf32> to vector<1x64xf32>
    %div3A_61 = arith.constant 1.280000e+02 : f32
    %div3A_62 = vector.broadcast %div3A_61 : f32 to vector<1x64xf32>
    %div3A_63 = arith.divf %broadcast_in_dim3A_60, %div3A_62 : vector<1x64xf32>
    %mul3A_64 = arith.mulf %div3A_56, %div3A_56 : vector<1x64xf32>
    %sub3A = arith.subf %div3A_63, %mul3A_64 : vector<1x64xf32>
    %sub3A_65 = vector.broadcast %div3A_56 : vector<1x64xf32> to vector<128x64xf32>
    %sub3A_66 = arith.subf %add3A_53, %sub3A_65 : vector<128x64xf32>
    %add3A_67 = arith.constant 9.99999974E-6 : f32
    %add3A_68 = vector.broadcast %add3A_67 : f32 to vector<1x64xf32>
    %add3A_69 = arith.addf %sub3A, %add3A_68 : vector<1x64xf32>
    %rsqrt3A = math.rsqrt %add3A_69 : vector<1x64xf32>
    %mul3A_70 = vector.broadcast %rsqrt3A : vector<1x64xf32> to vector<128x64xf32>
    %mul3A_71 = arith.mulf %sub3A_66, %mul3A_70 : vector<128x64xf32>
    %get3A_72 = arith.constant 0 : index
    %get3A_73 = arith.constant 0 : index
    %get3A_74 = vector.load %arg10[%get3A_72, %get3A_73] : memref<1x64xf32, #tpu.memory_space<vmem>>, vector<1x64xf32>
    %mul3A_75 = vector.broadcast %get3A_74 : vector<1x64xf32> to vector<128x64xf32>
    %mul3A_76 = arith.mulf %mul3A_71, %mul3A_75 : vector<128x64xf32>
    %get3A_77 = arith.constant 0 : index
    %get3A_78 = arith.constant 0 : index
    %get3A_79 = vector.load %arg11[%get3A_77, %get3A_78] : memref<1x64xf32, #tpu.memory_space<vmem>>, vector<1x64xf32>
    %add3A_80 = vector.broadcast %get3A_79 : vector<1x64xf32> to vector<128x64xf32>
    %add3A_81 = arith.addf %mul3A_76, %add3A_80 : vector<128x64xf32>
    %swap3A = arith.constant 0 : index
    %swap3A_82 = arith.constant 0 : index
    %swap3A_83 = vector.load %arg16[%swap3A, %swap3A_82] : memref<128x64xf32, #tpu.memory_space<vmem>>, vector<128x64xf32>
    tpu.vector_store %arg16[%swap3A, %swap3A_82], %add3A_81 {strides = array<i32>} : memref<128x64xf32, #tpu.memory_space<vmem>>, vector<128x64xf32>,
    %get3A_84 = arith.constant 0 : index
    %get3A_85 = arith.constant 0 : index
    %get3A_86 = vector.load %arg6[%get3A_84, %get3A_85] : memref<1x64xf32, #tpu.memory_space<vmem>>, vector<1x64xf32>
    %get3A_87 = arith.constant 0 : index
    %get3A_88 = arith.constant 0 : index
    %get3A_89 = vector.load %arg7[%get3A_87, %get3A_88] : memref<1x64xf32, #tpu.memory_space<vmem>>, vector<1x64xf32>
    %get3A_90 = arith.constant 0 : index
    %get3A_91 = arith.constant 0 : index
    %get3A_92 = vector.load %arg3[%get3A_90, %get3A_91] : memref<128x64xf32, #tpu.memory_space<vmem>>, vector<128x64xf32>
    %get3A_93 = arith.constant 0 : index
    %get3A_94 = arith.constant 0 : index
    %get3A_95 = vector.load %arg4[%get3A_93, %get3A_94] : memref<128x64xf32, #tpu.memory_space<vmem>>, vector<128x64xf32>
    %transpose3A = tpu.transpose %reshape3A, [1, 0] : vector<128x1xf32> -> vector<1x128xf32>
    %dot_general3A_96 = arith.constant dense<0.000000e+00> : vector<1x64xf32>
    %dot_general3A_97 = tpu.matmul %transpose3A, %get3A_92, %dot_general3A_96 {dimension_numbers = #tpu.dot_dimension_numbers<[1], [0], [0], [1], [0, 0, 1, 1], [], []>, precision = #tpu.contract_precision<fp32>, transpose_lhs_hint = false} : vector<1x128xf32>, vector<128x64xf32>, vector<1x64xf32> -> vector<1x64xf32>
    %div3A_98 = arith.constant 1.000000e+04 : f32
    %div3A_99 = vector.broadcast %div3A_98 : f32 to vector<1x64xf32>
    %div3A_100 = arith.divf %dot_general3A_97, %div3A_99 : vector<1x64xf32>
    %mul3A_101 = arith.mulf %reshape3A, %reshape3A : vector<128x1xf32>
    %transpose3A_102 = tpu.transpose %mul3A_101, [1, 0] : vector<128x1xf32> -> vector<1x128xf32>
    %dot_general3A_103 = arith.constant dense<0.000000e+00> : vector<1x64xf32>
    %dot_general3A_104 = tpu.matmul %transpose3A_102, %get3A_95, %dot_general3A_103 {dimension_numbers = #tpu.dot_dimension_numbers<[1], [0], [0], [1], [0, 0, 1, 1], [], []>, precision = #tpu.contract_precision<fp32>, transpose_lhs_hint = false} : vector<1x128xf32>, vector<128x64xf32>, vector<1x64xf32> -> vector<1x64xf32>
    %div3A_105 = arith.constant 1.000000e+04 : f32
    %div3A_106 = vector.broadcast %div3A_105 : f32 to vector<1x64xf32>
    %div3A_107 = arith.divf %dot_general3A_104, %div3A_106 : vector<1x64xf32>
    %mul3A_108 = arith.mulf %div3A_100, %div3A_100 : vector<1x64xf32>
    %sub3A_109 = arith.subf %div3A_107, %mul3A_108 : vector<1x64xf32>
    %add3A_110 = arith.constant 9.99999974E-6 : f32
    %add3A_111 = vector.broadcast %add3A_110 : f32 to vector<1x64xf32>
    %add3A_112 = arith.addf %sub3A_109, %add3A_111 : vector<1x64xf32>
    %rsqrt3A_113 = math.rsqrt %add3A_112 : vector<1x64xf32>
    %mul3A_114 = arith.mulf %get3A_86, %rsqrt3A_113 : vector<1x64xf32>
    %mul3A_115 = arith.mulf %div3A_100, %mul3A_114 : vector<1x64xf32>
    %sub3A_116 = arith.subf %get3A_89, %mul3A_115 : vector<1x64xf32>
    %get3A_117 = arith.constant 0 : index
    %get3A_118 = arith.constant 0 : index
    %get3A_119 = vector.load %arg8[%get3A_117, %get3A_118] : memref<1x64xf32, #tpu.memory_space<vmem>>, vector<1x64xf32>
    %get3A_120 = arith.constant 0 : index
    %get3A_121 = arith.constant 0 : index
    %get3A_122 = vector.load %arg9[%get3A_120, %get3A_121] : memref<1x64xf32, #tpu.memory_space<vmem>>, vector<1x64xf32>
    %get3A_123 = arith.constant 0 : index
    %get3A_124 = arith.constant 0 : index
    %get3A_125 = vector.load %arg1[%get3A_123, %get3A_124] : memref<128x64xf32, #tpu.memory_space<vmem>>, vector<128x64xf32>
    %get3A_126 = arith.constant 0 : index
    %get3A_127 = arith.constant 0 : index
    %get3A_128 = vector.load %arg2[%get3A_126, %get3A_127] : memref<128x64xf32, #tpu.memory_space<vmem>>, vector<128x64xf32>
    %transpose3A_129 = tpu.transpose %reshape3A_5, [1, 0] : vector<128x1xf32> -> vector<1x128xf32>
    %dot_general3A_130 = arith.constant dense<0.000000e+00> : vector<1x64xf32>
    %dot_general3A_131 = tpu.matmul %transpose3A_129, %get3A_125, %dot_general3A_130 {dimension_numbers = #tpu.dot_dimension_numbers<[1], [0], [0], [1], [0, 0, 1, 1], [], []>, precision = #tpu.contract_precision<fp32>, transpose_lhs_hint = false} : vector<1x128xf32>, vector<128x64xf32>, vector<1x64xf32> -> vector<1x64xf32>
    %div3A_132 = arith.constant 3.200000e+05 : f32
    %div3A_133 = vector.broadcast %div3A_132 : f32 to vector<1x64xf32>
    %div3A_134 = arith.divf %dot_general3A_131, %div3A_133 : vector<1x64xf32>
    %mul3A_135 = arith.mulf %reshape3A_5, %reshape3A_5 : vector<128x1xf32>
    %transpose3A_136 = tpu.transpose %mul3A_135, [1, 0] : vector<128x1xf32> -> vector<1x128xf32>
    %dot_general3A_137 = arith.constant dense<0.000000e+00> : vector<1x64xf32>
    %dot_general3A_138 = tpu.matmul %transpose3A_136, %get3A_128, %dot_general3A_137 {dimension_numbers = #tpu.dot_dimension_numbers<[1], [0], [0], [1], [0, 0, 1, 1], [], []>, precision = #tpu.contract_precision<fp32>, transpose_lhs_hint = false} : vector<1x128xf32>, vector<128x64xf32>, vector<1x64xf32> -> vector<1x64xf32>
    %div3A_139 = arith.constant 3.200000e+05 : f32
    %div3A_140 = vector.broadcast %div3A_139 : f32 to vector<1x64xf32>
    %div3A_141 = arith.divf %dot_general3A_138, %div3A_140 : vector<1x64xf32>
    %mul3A_142 = arith.mulf %div3A_134, %div3A_134 : vector<1x64xf32>
    %sub3A_143 = arith.subf %div3A_141, %mul3A_142 : vector<1x64xf32>
    %add3A_144 = arith.constant 9.99999974E-6 : f32
    %add3A_145 = vector.broadcast %add3A_144 : f32 to vector<1x64xf32>
    %add3A_146 = arith.addf %sub3A_143, %add3A_145 : vector<1x64xf32>
    %rsqrt3A_147 = math.rsqrt %add3A_146 : vector<1x64xf32>
    %mul3A_148 = arith.mulf %get3A_119, %rsqrt3A_147 : vector<1x64xf32>
    %mul3A_149 = arith.mulf %div3A_134, %mul3A_148 : vector<1x64xf32>
    %sub3A_150 = arith.subf %get3A_122, %mul3A_149 : vector<1x64xf32>
    %broadcast_in_dim3A_151 = arith.constant 0.000000e+00 : f32
    %broadcast_in_dim3A_152 = vector.broadcast %broadcast_in_dim3A_151 : f32 to vector<4x64xf32>
    %concatenate3A = tpu.concatenate %mul3A_114, %sub3A_116, %mul3A_148, %sub3A_150, %broadcast_in_dim3A_152 in 0 : vector<1x64xf32>, vector<1x64xf32>, vector<1x64xf32>, vector<1x64xf32>, vector<4x64xf32> -> vector<8x64xf32>
    %swap3A_153 = arith.constant 0 : index
    %swap3A_154 = arith.constant 0 : index
    %swap3A_155 = vector.load %arg17[%swap3A_153, %swap3A_154] : memref<8x64xf32, #tpu.memory_space<vmem>>, vector<8x64xf32>
    tpu.vector_store %arg17[%swap3A_153, %swap3A_154], %concatenate3A {strides = array<i32>} : memref<8x64xf32, #tpu.memory_space<vmem>>, vector<8x64xf32>,
    return
  }
}

module attributes {stable_mosaic.version = 14 : i64} {
  func.func @body(%arg0: memref<128x64xf32, #tpu.memory_space<vmem>>, %arg1: memref<64x64xf32, #tpu.memory_space<vmem>>, %arg2: memref<1x64xf32, #tpu.memory_space<vmem>>, %arg3: memref<64x1xf32, #tpu.memory_space<vmem>>, %arg4: memref<1x1xf32, #tpu.memory_space<vmem>>, %arg5: memref<128x1xf32, #tpu.memory_space<vmem>>) attributes {dimension_semantics = [], scalar_prefetch = 0 : i64, scratch_operands = 0 : i64, tpu.core_type = #tpu.core_type<tc>} {
    %get3A = arith.constant 0 : index
    %get3A_0 = arith.constant 0 : index
    %get3A_1 = vector.load %arg0[%get3A, %get3A_0] : memref<128x64xf32, #tpu.memory_space<vmem>>, vector<128x64xf32>
    %get3A_2 = arith.constant 0 : index
    %get3A_3 = arith.constant 0 : index
    %get3A_4 = vector.load %arg1[%get3A_2, %get3A_3] : memref<64x64xf32, #tpu.memory_space<vmem>>, vector<64x64xf32>
    %dot_general3A = arith.constant dense<0.000000e+00> : vector<128x64xf32>
    %dot_general3A_5 = tpu.matmul %get3A_1, %get3A_4, %dot_general3A {dimension_numbers = #tpu.dot_dimension_numbers<[1], [0], [0], [1], [0, 0, 1, 1], [], []>, transpose_lhs_hint = false} : vector<128x64xf32>, vector<64x64xf32>, vector<128x64xf32> -> vector<128x64xf32>
    %get3A_6 = arith.constant 0 : index
    %get3A_7 = arith.constant 0 : index
    %get3A_8 = vector.load %arg2[%get3A_6, %get3A_7] : memref<1x64xf32, #tpu.memory_space<vmem>>, vector<1x64xf32>
    %add3A = vector.broadcast %get3A_8 : vector<1x64xf32> to vector<128x64xf32>
    %add3A_9 = arith.addf %dot_general3A_5, %add3A : vector<128x64xf32>
    %max3A = arith.constant 0.000000e+00 : f32
    %max3A_10 = vector.broadcast %max3A : f32 to vector<128x64xf32>
    %max3A_11 = arith.maximumf %add3A_9, %max3A_10 : vector<128x64xf32>
    %get3A_12 = arith.constant 0 : index
    %get3A_13 = arith.constant 0 : index
    %get3A_14 = vector.load %arg3[%get3A_12, %get3A_13] : memref<64x1xf32, #tpu.memory_space<vmem>>, vector<64x1xf32>
    %dot_general3A_15 = arith.constant dense<0.000000e+00> : vector<128x1xf32>
    %dot_general3A_16 = tpu.matmul %max3A_11, %get3A_14, %dot_general3A_15 {dimension_numbers = #tpu.dot_dimension_numbers<[1], [0], [0], [1], [0, 0, 1, 1], [], []>, transpose_lhs_hint = false} : vector<128x64xf32>, vector<64x1xf32>, vector<128x1xf32> -> vector<128x1xf32>
    %get3A_17 = arith.constant 0 : index
    %get3A_18 = arith.constant 0 : index
    %get3A_19 = vector.load %arg4[%get3A_17, %get3A_18] : memref<1x1xf32, #tpu.memory_space<vmem>>, vector<1x1xf32>
    %add3A_20 = vector.broadcast %get3A_19 : vector<1x1xf32> to vector<128x1xf32>
    %add3A_21 = arith.addf %dot_general3A_16, %add3A_20 : vector<128x1xf32>
    %swap3A = arith.constant 0 : index
    %swap3A_22 = arith.constant 0 : index
    %swap3A_23 = vector.load %arg5[%swap3A, %swap3A_22] : memref<128x1xf32, #tpu.memory_space<vmem>>, vector<128x1xf32>
    tpu.vector_store %arg5[%swap3A, %swap3A_22], %add3A_21 {strides = array<i32>} : memref<128x1xf32, #tpu.memory_space<vmem>>, vector<128x1xf32>,
    return
  }
}

</mosaic_0001>

<sc_bundles>
// kernel: kernel.19.cloned.1.call-start
scs
__scs_entry_jumppad:
0x0: {  	(pc) =	sbr.rel $0x88, $3  }
0x1: {  	(tag) =	ssettag $0x0;
	lr =	simm.s32 $0x1  }
0x2: {  	[smem:$0x3F5B] =	sst lr;
	_ =	strace $0xD0000000  }
0x3: {  	_ = 	snop  }
0x4: {  	_ = 	snop  }
0x5: {  	_ = 	snop  }
0x6: {  	_ = 	snop  }
0x7: {  	_ = 	snop  }
__scs_overlays_trampoline_lowered:
0x8: {  	[smem:$0x3F6A] =	sst s0  }
0x9: {  	[smem:$0x3F6B] =	sst s1  }
0xa: {  	[smem:$0x3F6C] =	sst s2  }
0xb: {  	[smem:$0x3F6D] =	sst s3  }
0xc: {  	[smem:$0x3F6E] =	sst s4  }
0xd: {  	[smem:$0x3F6F] =	sst s5  }
0xe: {  	[smem:$0x3F70] =	sst s6  }
0xf: {  	[smem:$0x3F71] =	sst s7  }
0x10: {  	[smem:$0x3F72] =	sst s8  }
0x11: {  	[smem:$0x3F73] =	sst s9;
	s0 =	simm.s32 @!p0 $0x0  }
0x12: {  	s1 =	sld [smem:$0x3F59];
	s0 =	simm.s32 @p0 $0x1  }
0x13: {  	[smem:$0x3F74] =	sst s0;
	s0 =	simm.s32 @!p1 $0x0  }
0x14: {  	s2 =	sld [smem:$0x3F58];
	s0 =	simm.s32 @p1 $0x1  }
0x15: {  	[smem:$0x3F75] =	sst s0;
	s0 =	simm.s32 @!p2 $0x0  }
0x16: {  	s3 =	sld [smem:$0x3FDB];
	s0 =	simm.s32 @p2 $0x1  }
0x17: {  	s4 =	simm.s32 $0x1BF5;
	[smem:$0x3F77] =	sst s0  }
0x18: {  	s0 =	sld [smem:$0x3F5A];
	_ =	swait.ge [sflag:s4], $0x0  }
0x19: {  	s7 =	sld [smem:$0x3F5B]  }
0x1a: {  	s8 =	sadd.s32 $0xFFFFE003, lr  }
0x1b: {  	s9 =	sadd.s32 $0xFFFFFEF7, lr;
	s5 =	simm.s32 $0xFFFFFFFF;
	p2 =	slt.u32 s8, $0xFFFFF086  }
0x1c: {  	p1 =	slt.u32 s9, $0xF7A;
	s5 =	simm.s32 @!p2 $0x0  }
0x1d: {  	s5 =	simm.s32 @p1 $0x1;
	p0 =	seq.s32 s7, s2  }
0x1e: {  	s7 =	smul.u32 @!p0 $0xF7A, s2;
	p2 =	seq.s32 @!p0 s5, $0x0  }
0x1f: {  	s9 =	smul.u32 $0xF7A, s1;
	s8 =	simm.s32 @!p0 $0x1BF5;
	p2 =	por !p2, p0  }
0x20: {  	[sflag:s8] =	ssyncset.s32 @!p0 $0xFFFFF086;
	s6 =	sadd.s32 @!p0 s3, s7;
	s7 =	simm.s32 @!p0 $0x108  }
0x21: {  	s3 =	sadd.s32 s3, s9;
	s6 =	sadd.s32 @!p0 $0x88, s6;
	s7 =	simm.s32 @p2 $0x1082  }
0x22: {  	[simem:s7], [sflag:s8] =	dma.local @!p0 [hbm:s6], $0xF7A  }
0x23: {  	s9 =	sor.u32 $0xD0000000, s2;
	s6 =	simm.s32 $0x108;
	_ =	swait.ge @!p0 [sflag:s8], $0x0  }
0x24: {  	s3 =	sadd.s32 $0x88, s3;
	s6 =	simm.s32 @!p1 $0x1082;
	[sflag:s4] =	ssyncset.s32 $0xFFFFF086  }
0x25: {  	[simem:s6], [sflag:s4] =	dma.local [hbm:s3], $0xF7A  }
0x26: {  	[smem:$0x3F5B] =	sst s1;
	(tag) =	ssettag s2;
	_ =	strace s9  }
0x27: {  	s1 =	sld [smem:$0x3F6B]  }
0x28: {  	s2 =	sld [smem:$0x3F6C]  }
0x29: {  	s4 =	sld [smem:$0x3F6E]  }
0x2a: {  	p0 =	seq.s32 s5, $0x0;
	s5 =	sld [smem:$0x3F6F]  }
0x2b: {  	s6 =	sld [smem:$0x3F70]  }
0x2c: {  	s7 =	sld [smem:$0x3F71]  }
0x2d: {  	s3 =	simm.s32 $0x108;
	s8 =	sld [smem:$0x3F72]  }
0x2e: {  	s3 =	simm.s32 @!p0 $0x1082;
	s9 =	sld [smem:$0x3F73]  }
0x2f: {  	lr =	sadd.s32 s0, s3;
	s0 =	sld [smem:$0x3F6A]  }
0x30: {  	s3 =	sld [smem:$0x3F6D]  }
0x31: {  	[smem:$0x3F76] =	sst s10  }
0x32: {  	s10 =	sld [smem:$0x3F74];
	_ =	sdelay $0x3  }
0x33: {  	p0 =	seq.s32 s10, $0x1;
	s10 =	sld [smem:$0x3F76];
	_ =	sdelay $0x3  }
0x34: {  	[smem:$0x3F76] =	sst s10  }
0x35: {  	s10 =	sld [smem:$0x3F75];
	_ =	sdelay $0x3  }
0x36: {  	p1 =	seq.s32 s10, $0x1;
	s10 =	sld [smem:$0x3F76];
	_ =	sdelay $0x3  }
0x37: {  	[smem:$0x3F76] =	sst s10  }
0x38: {  	s10 =	sld [smem:$0x3F77]  }
0x39: {  	_ = 	snop;
	(pc) =	sbr.ind lr, $3  }
0x3a: {  	_ = 	snop  }
0x3b: {  	_ = 	snop  }
0x3c: {  	p2 =	seq.s32 s10, $0x1;
	s10 =	sld [smem:$0x3F76]  }
0x3d: {  	_ =	shalt  }
0x3e: {  	_ =	shalt  }
0x3f: {  	_ =	shalt  }
0x40: {  	_ =	shalt  }
0x41: {  	_ =	shalt  }
0x42: {  	_ =	shalt  }
0x43: {  	_ =	shalt  }
0x44: {  	_ =	shalt  }
0x45: {  	_ =	shalt  }
0x46: {  	_ =	shalt  }
0x47: {  	_ =	shalt  }
0x48: {  	_ =	shalt  }
0x49: {  	_ =	shalt  }
0x4a: {  	_ =	shalt  }
0x4b: {  	_ =	shalt  }
0x4c: {  	_ =	shalt  }
0x4d: {  	_ =	shalt  }
0x4e: {  	_ =	shalt  }
0x4f: {  	_ =	shalt  }
0x50: {  	_ =	shalt  }
0x51: {  	_ =	shalt  }
0x52: {  	_ =	shalt  }
0x53: {  	_ =	shalt  }
0x54: {  	_ =	shalt  }
0x55: {  	_ =	shalt  }
0x56: {  	_ =	shalt  }
0x57: {  	_ =	shalt  }
0x58: {  	_ =	shalt  }
0x59: {  	_ =	shalt  }
0x5a: {  	_ =	shalt  }
0x5b: {  	_ =	shalt  }
0x5c: {  	_ =	shalt  }
0x5d: {  	_ =	shalt  }
0x5e: {  	_ =	shalt  }
0x5f: {  	_ =	shalt  }
0x60: {  	_ =	shalt  }
0x61: {  	_ =	shalt  }
0x62: {  	_ =	shalt  }
0x63: {  	_ =	shalt  }
0x64: {  	_ =	shalt  }
0x65: {  	_ =	shalt  }
0x66: {  	_ =	shalt  }
0x67: {  	_ =	shalt  }
0x68: {  	_ =	shalt  }
0x69: {  	_ =	shalt  }
0x6a: {  	_ =	shalt  }
0x6b: {  	_ =	shalt  }
0x6c: {  	_ =	shalt  }
0x6d: {  	_ =	shalt  }
0x6e: {  	_ =	shalt  }
0x6f: {  	_ =	shalt  }
0x70: {  	_ =	shalt  }
0x71: {  	_ =	shalt  }
0x72: {  	_ =	shalt  }
0x73: {  	_ =	shalt  }
0x74: {  	_ =	shalt  }
0x75: {  	_ =	shalt  }
0x76: {  	_ =	shalt  }
0x77: {  	_ =	shalt  }
0x78: {  	_ =	shalt  }
0x79: {  	_ =	shalt  }
0x7a: {  	_ =	shalt  }
0x7b: {  	_ =	shalt  }
0x7c: {  	_ =	shalt  }
0x7d: {  	_ =	shalt  }
0x7e: {  	_ =	shalt  }
0x7f: {  	_ =	shalt  }
0x80: {  	_ =	shalt  }
0x81: {  	_ =	shalt  }
0x82: {  	_ =	shalt  }
0x83: {  	_ =	shalt  }
0x84: {  	_ =	shalt  }
0x85: {  	_ =	shalt  }
0x86: {  	_ =	shalt  }
0x87: {  	_ =	shalt  }
.Lfunc_end0:
.L_simem_size_0:
called_computation_lowered:
.L_overlay_start_0:
0x88: {  	s2 =	sld [smem:$0x3FD9]  }
0x89: {  	s3 =	sld [smem:$0x3FFE];
	_ =	sdelay $0x1  }
0x8a: {  	s1 =	srdreg.scid  }
0x8b: {  	s0 =	sand.u32 $0x1, s1  }
0x8c: {  	s17 =	sshll.u32 s0, $0xA;
	s2 =	sadd.s32 s3, s2  }
0x8d: {  	s2 =	sadd.s32 s2, s17  }
0x8e: {  	[smem:$0x3F82] =	sst s2  }
0x8f: {  	_ = 	snop  }
0x90: {  	s2 =	sld [smem:$0x3F84];
	(tm) =	ssettm $0x1  }
0x91: {  	s18 =	sld [smem:$0x3FFB];
	_ =	sdelay $0x3  }
0x92: {  	_ =	strace s18  }
0x93: {  	s3 =	sld [smem:$0x3FFC];
	_ =	sdelay $0x3  }
0x94: {  	_ =	strace s3  }
0x95: {  	s3 =	sld [smem:$0x3FFD];
	_ =	sdelay $0x3  }
0x96: {  	_ =	strace s3  }
0x97: {  	_ =	strace $0x8FFFFFFF  }
0x98: {  	s19 =	sld [smem:$0x3FDB];
	_ =	sdelay $0x1  }
0x99: {  	s4 =	simm.s32 $_scs_section_size  }
0x9a: {  	s5 =	simm.s32 $_size__tile_overlayer_lowered;
	s6 =	simm.s32 $_tile_overlayer_lowered  }
0x9b: {  	s22 =	simm.s32 $0x1BFF;
	s21 =	sshll.u32 s6, $0x1;
	s3 =	sadd.s32 s4, s19  }
0x9c: {  	s7 =	simm.s32 $0x0;
	s20 =	sshll.u32 s5, $0x1;
	s5 =	sadd.s32 s21, s3  }
0x9d: {  	[timem:s7], [sflag:s22] =	dma.local [hbm:s5], s20  }
0x9e: {  	_ =	swait.ge [sflag:s22], s20  }
0x9f: {  	s4 =	ssub.s32 $0x0, s20;
	[sflag:s22] =	ssyncset.done $0x0  }
0xa0: {  	[sflag:s22] =	ssyncadd.s32 s4;
	_ =	sdelay $0x1  }
0xa1: {  	s23 =	simm.s32 $0x1B8B  }
0xa2: {  	_ =	swait.ge [sflag:s23], $0x1  }
0xa3: {  	[sflag:s23] =	ssyncset.done $0x0  }
0xa4: {  	s25 =	simm.s32 $0x1B8E;
	s24 =	sld [smem:$0x3FFE];
	[sflag:s23] =	ssyncadd.s32 $0xFFFFFFFF  }
0xa5: {  	s26 =	simm.s32 $execute0_lowered;
	[smem:$0x3FD2] =	sst s25  }
0xa6: {  	s5 =	sshll.u32 s26, $0x1;
	_ =	strace $0x80000046;
	[dreg:$0x1] =	wrdreg $0xFFFFFFFF  }
0xa7: {  	s28 =	simm.s32 $_size_execute0_lowered;
	s3 =	sadd.s32 s3, s5;
	[dreg:$0x0] =	wrdreg $0x0  }
0xa8: {  	s5 =	sshll.u32 s28, $0x1;
	[dreg:$0x2] =	wrdreg s3  }
0xa9: {  	[dreg:$0x3] =	wrdreg s5  }
0xaa: {  	[dreg:$0x4] =	wrdreg $0xC0  }
0xab: {  	_ =	task [dreg:s7], $0x5FFFF  }
0xac: {  	[dreg:$0x1] =	wrdreg $0xFFFFFFFF  }
0xad: {  	[dreg:$0x0] =	wrdreg $0x60  }
0xae: {  	[dreg:$0x2] =	wrdreg s2  }
0xaf: {  	[dreg:$0x3] =	wrdreg s24  }
0xb0: {  	[dreg:$0x4] =	wrdreg $0x9  }
0xb1: {  	_ =	task.clear_ibuf [dreg:s7], $0x5FFFF;
	_ =	strace $0x90000046  }
0xb2: {  	s29 =	simm.s32 $0x9;
	_ =	strace $0x80000048  }
0xb3: {  	_ =	swait.ge [sflag:s29], $0x1  }
0xb4: {  	[sflag:s29] =	ssyncadd.s32 $0xFFFFFFFF  }
0xb5: {  	_ =	strace $0x90000048  }
0xb6: {  	_ =	sfence  }
0xb7: {  	s30 =	sld [smem:$0x0];
	_ =	sdelay $0x2  }
0xb8: {  	s31 =	sshll.u32 s1, $0xD;
	s1 =	sshrl.u32 s1, $0x2  }
0xb9: {  	s3 =	sand.u32 $0x4000, s31;
	s1 =	sadd.s32 s1, s30  }
0xba: {  	s0 =	sor.u32 s3, s0;
	s1 =	sshll.u32 s1, $0x11  }
0xbb: {  	s0 =	sor.u32 s1, s0  }
0xbc: {  	s0 =	sadd.s32 $0x8F2B, s0  }
0xbd: {  	[sflag:s0] =	ssyncadd.remote.s32 $0x1  }
0xbe: {  	_ =	sfence.sel $0xFFFF  }
0xbf: {  	[dreg:$0x0] =	wrdreg $0xFFFFFFFF;
	(pc) =	sbr.abs _section_cstart, $3  }
0xc0: {  	[dreg:$0x1] =	wrdreg $0xFFFFFFFF  }
0xc1: {  	_ =	task.clear_ibuf [dreg:s7], $0x2FFFF;
	_ =	strace $0x9FFFFFFF  }
0xc2: {  	(tm) =	ssettm $0x7FFFFFFF  }
0xc3: {  	_ =	shalt  }
tec
execute0_lowered:
.L_overlay_start_1:
0x0: {  	(tag) =	ssettag $0x1  }
0x1: {  	s2 =	rddreg [dreg:$0x0]  }
0x2: {  	s1 =	srdreg.scid;
	s0 =	stileid.u32  }
0x3: {  	s4 =	rddreg [dreg:$0x1];
	s3 =	simm.s32 $0x0;
	s13 =	simm.s32 $0x2710  }
0x4: {  	s14 =	simm.s32 $0x2760;
	s15 =	simm.s32 $0x1;
	s16 =	simm.s32 $0x2  }
0x5: {  	s17 =	simm.s32 $0x3;
	s18 =	simm.s32 $0x4;
	s19 =	simm.s32 $0x26C0  }
0x6: {  	s20 =	simm.s32 $0x0;
	s5 =	sand.u32 $0x1, s1;
	s1 =	rddreg [dreg:$0x2]  }
0x7: {  	s6 =	sshll.u32 s0, $0x1;
	[smem:$0x7FF] =	sst s3;
	s8 =	smul.u32 $0x4E20, s0  }
0x8: {  	s6 =	sor.u32 s5, s6;
	s7 =	ssub.s32 $0x2, s5;
	s11 =	smul.u32 $0x2710, s5  }
0x9: {  	s10 =	sadd.s32 $0x24C00, s4;
	s6 =	smul.u32 $0x2710, s6;
	s9 =	sshrl.u32 s7, $0x1  }
0xa: {  	_ =	strace $0x80000047;
	s9 =	ssub.s32 s7, s9;
	s11 =	sadd.s32 s11, s8  }
0xb: {  	s6 =	sshrl.u32 s6, $0x3;
	s12 =	sadd.s32 $0x50, s11;
	s8 =	smax.u32 s9, $0x1  }
0xc: {  	s11 =	sshrl.u32 s11, $0x3;
	s4 =	sadd.s32 s6, s4;
	s30 =	sadd.s32 s10, s6  }
0xd: {  	s31 =	sshrl.u32 s12, $0x3;
	s12 =	simm.s32 $0x50;
	s4 =	sadd.s32 $0x1AE00, s4  }
0xe: {  	s5 =	sadd.s32 $0x4C4, s30;
	s6 =	sadd.s32 $0x4CE, s30;
	s7 =	sadd.s32 $0x4D8, s30  }
0xf: {  	s9 =	sadd.s32 s31, s10;
	s10 =	sadd.s32 s11, s10;
	s11 =	simm.s32 $0x5  }
.LBB2_1:
0x10: {  	[tilespmem:s3], [sflag:$0x5] =	stream.linear.gather [hbm4b:s4+s3], $0x2710, $0x38;
	[tilespmem:$0x27B0] =	vst v63  }
0x11: {  	_ =	swait.ge [sflag:s11], $0x2710  }
0x12: {  	[sflag:s11] =	ssyncset.done $0x0  }
0x13: {  	[sflag:s11] =	ssyncadd.s32 $0xFFFFD8F0  }
0x14: {  	[tilespmem:s13], [sflag:$0x1] =	stream.indirect.gather [hbm4b:s2+s12], $0x1, s3, s12, $0xb8;
	[tilespmem:$0x27B0] =	vst v63  }
0x15: {  	_ = 	snop  }
0x16: {  	[tilespmem:s14], [sflag:$0x2] =	stream.indirect.gather [hbm4b:s2+s12], $0x1, s12, s12, $0xb8;
	[tilespmem:$0x27B0] =	vst v63  }
0x17: {  	_ =	swait.ge [sflag:s15], $0x50  }
0x18: {  	[sflag:s15] =	ssyncset.done $0x0  }
0x19: {  	s21 =	sadd.s32 $0x0, s10;
	[sflag:s15] =	ssyncadd.s32 $0xFFFFFFB0  }
0x1a: {  	[hbm4b:s21+s3] =	stream.linear.scatter [tilespmem:s13], [sflag:$0x3], $0x50, $0x38;
	[tilespmem:$0x27B0] =	vst v63  }
0x1b: {  	_ =	swait.ge [sflag:s16], $0x50  }
0x1c: {  	[sflag:s16] =	ssyncset.done $0x0  }
0x1d: {  	s30 =	sadd.s32 $0x0, s9;
	[sflag:s16] =	ssyncadd.s32 $0xFFFFFFB0  }
0x1e: {  	[hbm4b:s30+s3] =	stream.linear.scatter [tilespmem:s14], [sflag:$0x4], $0x50, $0x38;
	[tilespmem:$0x27B0] =	vst v63  }
0x1f: {  	_ =	swait.ge [sflag:s17], $0x50  }
0x20: {  	[sflag:s17] =	ssyncset.done $0x0  }
0x21: {  	s31 =	simm.s32 $0xA0;
	[sflag:s17] =	ssyncadd.s32 $0xFFFFFFB0  }
0x22: {  	[tilespmem:s13], [sflag:$0x1] =	stream.indirect.gather [hbm4b:s2+s12], $0x1, s31, s12, $0xb8;
	[tilespmem:$0x27B0] =	vst v63  }
0x23: {  	_ =	swait.ge [sflag:s18], $0x50  }
0x24: {  	s22 =	simm.s32 $0x14;
	[sflag:s18] =	ssyncset.done $0x0  }
0x25: {  	s23 =	simm.s32 $0x190;
	s21 =	simm.s32 $0xF0;
	[sflag:s18] =	ssyncadd.s32 $0xFFFFFFB0  }
.LBB2_2:
0x26: {  	[tilespmem:s14], [sflag:$0x2] =	stream.indirect.gather [hbm4b:s2+s12], $0x1, s21, s12, $0xb8;
	[tilespmem:$0x27B0] =	vst v63  }
0x27: {  	s24 =	smov.u32 s22;
	s21 =	smov.u32 s23  }
0x28: {  	p0 =	sne.s32 s22, $0x4B0;
	s22 =	sadd.s32 $0x14, s22;
	_ =	swait.ge [sflag:s15], $0x50  }
0x29: {  	[sflag:s15] =	ssyncset.done $0x0  }
0x2a: {  	s25 =	sadd.s32 s24, s10;
	[sflag:s15] =	ssyncadd.s32 $0xFFFFFFB0  }
0x2b: {  	[hbm4b:s25+s3] =	stream.linear.scatter [tilespmem:s13], [sflag:$0x3], $0x50, $0x38;
	[tilespmem:$0x27B0] =	vst v63  }
0x2c: {  	_ =	swait.ge [sflag:s16], $0x50  }
0x2d: {  	[sflag:s16] =	ssyncset.done $0x0  }
0x2e: {  	s24 =	sadd.s32 s24, s9;
	[sflag:s16] =	ssyncadd.s32 $0xFFFFFFB0  }
0x2f: {  	[hbm4b:s24+s3] =	stream.linear.scatter [tilespmem:s14], [sflag:$0x4], $0x50, $0x38;
	[tilespmem:$0x27B0] =	vst v63  }
0x30: {  	_ =	swait.ge [sflag:s17], $0x50  }
0x31: {  	[sflag:s17] =	ssyncset.done $0x0  }
.Ltmp0:
0x32: {  	s24 =	sadd.s32 $0xFFFFFFB0, s23;
	[sflag:s17] =	ssyncadd.s32 $0xFFFFFFB0;
	(pc) =	sbr.rel @p0 .LBB2_2-.Ltmp0, $4  }
0x33: {  	[tilespmem:s13], [sflag:$0x1] =	stream.indirect.gather [hbm4b:s2+s12], $0x1, s24, s12, $0xb8;
	[tilespmem:$0x27B0] =	vst v63  }
0x34: {  	_ =	swait.ge [sflag:s18], $0x50  }
0x35: {  	[sflag:s18] =	ssyncset.done $0x0  }
0x36: {  	s23 =	sadd.s32 $0xA0, s23;
	[sflag:s18] =	ssyncadd.s32 $0xFFFFFFB0  }
0x37: {  	[tilespmem:s14], [sflag:$0x2] =	stream.indirect.gather [hbm4b:s2+s12], $0x1, s21, s12, $0xb8;
	[tilespmem:$0x27B0] =	vst v63  }
0x38: {  	_ =	swait.ge [sflag:s15], $0x50  }
0x39: {  	[sflag:s15] =	ssyncset.done $0x0  }
0x3a: {  	[sflag:s15] =	ssyncadd.s32 $0xFFFFFFB0  }
0x3b: {  	[hbm4b:s5+s3] =	stream.linear.scatter [tilespmem:s13], [sflag:$0x3], $0x50, $0x38;
	[tilespmem:$0x27B0] =	vst v63  }
0x3c: {  	_ =	swait.ge [sflag:s16], $0x50  }
0x3d: {  	[sflag:s16] =	ssyncset.done $0x0  }
0x3e: {  	[sflag:s16] =	ssyncadd.s32 $0xFFFFFFB0  }
0x3f: {  	[hbm4b:s6+s3] =	stream.linear.scatter [tilespmem:s14], [sflag:$0x4], $0x50, $0x38;
	[tilespmem:$0x27B0] =	vst v63  }
0x40: {  	_ =	swait.ge [sflag:s17], $0x50  }
0x41: {  	[sflag:s17] =	ssyncset.done $0x0  }
0x42: {  	[sflag:s17] =	ssyncadd.s32 $0xFFFFFFB0  }
0x43: {  	[tilespmem:s13], [sflag:$0x1] =	stream.indirect.gather [hbm4b:s2+s12], $0x1, s19, s12, $0xb8;
	[tilespmem:$0x27B0] =	vst v63  }
0x44: {  	_ =	swait.ge [sflag:s15], $0x50  }
0x45: {  	[sflag:s15] =	ssyncset.done $0x0  }
0x46: {  	s20 =	sadd.s32 $0x1, s20;
	[sflag:s15] =	ssyncadd.s32 $0xFFFFFFB0  }
0x47: {  	[hbm4b:s7+s3] =	stream.linear.scatter [tilespmem:s13], [sflag:$0x3], $0x50, $0x38;
	[tilespmem:$0x27B0] =	vst v63  }
0x48: {  	p0 =	sne.s32 s20, s8;
	_ =	swait.ge [sflag:s17], $0x50  }
.Ltmp1:
0x49: {  	[sflag:s17] =	ssyncset.done $0x0;
	(pc) =	sbr.rel @p0 .LBB2_1-.Ltmp1, $4  }
0x4a: {  	[sflag:s17] =	ssyncadd.s32 $0xFFFFFFB0  }
0x4b: {  	_ =	swait.ge [sflag:s18], $0x50  }
0x4c: {  	[sflag:s18] =	ssyncset.done $0x0  }
0x4d: {  	[sflag:s18] =	ssyncadd.s32 $0xFFFFFFB0  }
0x4e: {  	_ =	sfence.sel $0x180000  }
0x4f: {  	[bflag:$0x0] =	sbarrier.arrive $0xFFFF  }
0x50: {  	p0 =	sne.s32 s0, $0x0;
	_ =	strace $0x90000047  }
0x51: {  	s0 =	sadd.s32 @!p0 $0x100000, s1;
	[bflag:$0x2] =	sbarrier.arrive $0xFFFF  }
0x52: {  	[sflag:s0] =	ssyncadd.tile.s32 @!p0 $0x1;
	_ =	shalt  }
.Lfunc_end2:
_tile_overlayer_lowered:
.L_overlay_start_2:
0x53: {  	(tag) =	ssettag $0x2  }
0x54: {  	s0 =	rddreg [dreg:$0x0];
	s2 =	stileid.u32  }
0x55: {  	s1 =	rddreg [dreg:$0x1];
	p0 =	sne.s32 s2, $0x0  }
0x56: {  	s3 =	rddreg [dreg:$0x2];
	[bflag:$0x3] =	sbarrier.arrive $0xFFFF;
	s2 =	simm.s32 @!p0 $0x1C05  }
0x57: {  	[timem:s3], [sflag:s2] =	dma.local @!p0 [hbm:s0], s1  }
0x58: {  	s0 =	simm.s32 @!p0 $0x5  }
0x59: {  	_ =	swait.ge @!p0 [sflag:s0], s1  }
0x5a: {  	s1 =	ssub.s32 @!p0 $0x0, s1;
	[sflag:s0] =	ssyncset.done @!p0 $0x0  }
0x5b: {  	[sflag:s0] =	ssyncadd.s32 @!p0 s1  }
0x5c: {  	[bflag:$0x3] =	sbarrier.arrive $0xFFFF  }
0x5d: {  	_ =	shalt  }

// kernel: kernel.22.cloned.1.call-start
scs
__scs_entry_jumppad:
0x0: {  	(pc) =	sbr.rel $0x88, $3  }
0x1: {  	(tag) =	ssettag $0x0;
	lr =	simm.s32 $0x1  }
0x2: {  	[smem:$0x3F5B] =	sst lr;
	_ =	strace $0xD0000000  }
0x3: {  	_ = 	snop  }
0x4: {  	_ = 	snop  }
0x5: {  	_ = 	snop  }
0x6: {  	_ = 	snop  }
0x7: {  	_ = 	snop  }
__scs_overlays_trampoline_lowered:
0x8: {  	[smem:$0x3F6A] =	sst s0  }
0x9: {  	[smem:$0x3F6B] =	sst s1  }
0xa: {  	[smem:$0x3F6C] =	sst s2  }
0xb: {  	[smem:$0x3F6D] =	sst s3  }
0xc: {  	[smem:$0x3F6E] =	sst s4  }
0xd: {  	[smem:$0x3F6F] =	sst s5  }
0xe: {  	[smem:$0x3F70] =	sst s6  }
0xf: {  	[smem:$0x3F71] =	sst s7  }
0x10: {  	[smem:$0x3F72] =	sst s8  }
0x11: {  	[smem:$0x3F73] =	sst s9;
	s0 =	simm.s32 @!p0 $0x0  }
0x12: {  	s1 =	sld [smem:$0x3F59];
	s0 =	simm.s32 @p0 $0x1  }
0x13: {  	[smem:$0x3F74] =	sst s0;
	s0 =	simm.s32 @!p1 $0x0  }
0x14: {  	s2 =	sld [smem:$0x3F58];
	s0 =	simm.s32 @p1 $0x1  }
0x15: {  	[smem:$0x3F75] =	sst s0;
	s0 =	simm.s32 @!p2 $0x0  }
0x16: {  	s3 =	sld [smem:$0x3FDB];
	s0 =	simm.s32 @p2 $0x1  }
0x17: {  	s4 =	simm.s32 $0x1BF5;
	[smem:$0x3F77] =	sst s0  }
0x18: {  	s0 =	sld [smem:$0x3F5A];
	_ =	swait.ge [sflag:s4], $0x0  }
0x19: {  	s7 =	sld [smem:$0x3F5B]  }
0x1a: {  	s8 =	sadd.s32 $0xFFFFE003, lr  }
0x1b: {  	s9 =	sadd.s32 $0xFFFFFEF7, lr;
	s5 =	simm.s32 $0xFFFFFFFF;
	p2 =	slt.u32 s8, $0xFFFFF086  }
0x1c: {  	p1 =	slt.u32 s9, $0xF7A;
	s5 =	simm.s32 @!p2 $0x0  }
0x1d: {  	s5 =	simm.s32 @p1 $0x1;
	p0 =	seq.s32 s7, s2  }
0x1e: {  	s7 =	smul.u32 @!p0 $0xF7A, s2;
	p2 =	seq.s32 @!p0 s5, $0x0  }
0x1f: {  	s9 =	smul.u32 $0xF7A, s1;
	s8 =	simm.s32 @!p0 $0x1BF5;
	p2 =	por !p2, p0  }
0x20: {  	[sflag:s8] =	ssyncset.s32 @!p0 $0xFFFFF086;
	s6 =	sadd.s32 @!p0 s3, s7;
	s7 =	simm.s32 @!p0 $0x108  }
0x21: {  	s3 =	sadd.s32 s3, s9;
	s6 =	sadd.s32 @!p0 $0x88, s6;
	s7 =	simm.s32 @p2 $0x1082  }
0x22: {  	[simem:s7], [sflag:s8] =	dma.local @!p0 [hbm:s6], $0xF7A  }
0x23: {  	s9 =	sor.u32 $0xD0000000, s2;
	s6 =	simm.s32 $0x108;
	_ =	swait.ge @!p0 [sflag:s8], $0x0  }
0x24: {  	s3 =	sadd.s32 $0x88, s3;
	s6 =	simm.s32 @!p1 $0x1082;
	[sflag:s4] =	ssyncset.s32 $0xFFFFF086  }
0x25: {  	[simem:s6], [sflag:s4] =	dma.local [hbm:s3], $0xF7A  }
0x26: {  	[smem:$0x3F5B] =	sst s1;
	(tag) =	ssettag s2;
	_ =	strace s9  }
0x27: {  	s1 =	sld [smem:$0x3F6B]  }
0x28: {  	s2 =	sld [smem:$0x3F6C]  }
0x29: {  	s4 =	sld [smem:$0x3F6E]  }
0x2a: {  	p0 =	seq.s32 s5, $0x0;
	s5 =	sld [smem:$0x3F6F]  }
0x2b: {  	s6 =	sld [smem:$0x3F70]  }
0x2c: {  	s7 =	sld [smem:$0x3F71]  }
0x2d: {  	s3 =	simm.s32 $0x108;
	s8 =	sld [smem:$0x3F72]  }
0x2e: {  	s3 =	simm.s32 @!p0 $0x1082;
	s9 =	sld [smem:$0x3F73]  }
0x2f: {  	lr =	sadd.s32 s0, s3;
	s0 =	sld [smem:$0x3F6A]  }
0x30: {  	s3 =	sld [smem:$0x3F6D]  }
0x31: {  	[smem:$0x3F76] =	sst s10  }
0x32: {  	s10 =	sld [smem:$0x3F74];
	_ =	sdelay $0x3  }
0x33: {  	p0 =	seq.s32 s10, $0x1;
	s10 =	sld [smem:$0x3F76];
	_ =	sdelay $0x3  }
0x34: {  	[smem:$0x3F76] =	sst s10  }
0x35: {  	s10 =	sld [smem:$0x3F75];
	_ =	sdelay $0x3  }
0x36: {  	p1 =	seq.s32 s10, $0x1;
	s10 =	sld [smem:$0x3F76];
	_ =	sdelay $0x3  }
0x37: {  	[smem:$0x3F76] =	sst s10  }
0x38: {  	s10 =	sld [smem:$0x3F77]  }
0x39: {  	_ = 	snop;
	(pc) =	sbr.ind lr, $3  }
0x3a: {  	_ = 	snop  }
0x3b: {  	_ = 	snop  }
0x3c: {  	p2 =	seq.s32 s10, $0x1;
	s10 =	sld [smem:$0x3F76]  }
0x3d: {  	_ =	shalt  }
0x3e: {  	_ =	shalt  }
0x3f: {  	_ =	shalt  }
0x40: {  	_ =	shalt  }
0x41: {  	_ =	shalt  }
0x42: {  	_ =	shalt  }
0x43: {  	_ =	shalt  }
0x44: {  	_ =	shalt  }
0x45: {  	_ =	shalt  }
0x46: {  	_ =	shalt  }
0x47: {  	_ =	shalt  }
0x48: {  	_ =	shalt  }
0x49: {  	_ =	shalt  }
0x4a: {  	_ =	shalt  }
0x4b: {  	_ =	shalt  }
0x4c: {  	_ =	shalt  }
0x4d: {  	_ =	shalt  }
0x4e: {  	_ =	shalt  }
0x4f: {  	_ =	shalt  }
0x50: {  	_ =	shalt  }
0x51: {  	_ =	shalt  }
0x52: {  	_ =	shalt  }
0x53: {  	_ =	shalt  }
0x54: {  	_ =	shalt  }
0x55: {  	_ =	shalt  }
0x56: {  	_ =	shalt  }
0x57: {  	_ =	shalt  }
0x58: {  	_ =	shalt  }
0x59: {  	_ =	shalt  }
0x5a: {  	_ =	shalt  }
0x5b: {  	_ =	shalt  }
0x5c: {  	_ =	shalt  }
0x5d: {  	_ =	shalt  }
0x5e: {  	_ =	shalt  }
0x5f: {  	_ =	shalt  }
0x60: {  	_ =	shalt  }
0x61: {  	_ =	shalt  }
0x62: {  	_ =	shalt  }
0x63: {  	_ =	shalt  }
0x64: {  	_ =	shalt  }
0x65: {  	_ =	shalt  }
0x66: {  	_ =	shalt  }
0x67: {  	_ =	shalt  }
0x68: {  	_ =	shalt  }
0x69: {  	_ =	shalt  }
0x6a: {  	_ =	shalt  }
0x6b: {  	_ =	shalt  }
0x6c: {  	_ =	shalt  }
0x6d: {  	_ =	shalt  }
0x6e: {  	_ =	shalt  }
0x6f: {  	_ =	shalt  }
0x70: {  	_ =	shalt  }
0x71: {  	_ =	shalt  }
0x72: {  	_ =	shalt  }
0x73: {  	_ =	shalt  }
0x74: {  	_ =	shalt  }
0x75: {  	_ =	shalt  }
0x76: {  	_ =	shalt  }
0x77: {  	_ =	shalt  }
0x78: {  	_ =	shalt  }
0x79: {  	_ =	shalt  }
0x7a: {  	_ =	shalt  }
0x7b: {  	_ =	shalt  }
0x7c: {  	_ =	shalt  }
0x7d: {  	_ =	shalt  }
0x7e: {  	_ =	shalt  }
0x7f: {  	_ =	shalt  }
0x80: {  	_ =	shalt  }
0x81: {  	_ =	shalt  }
0x82: {  	_ =	shalt  }
0x83: {  	_ =	shalt  }
0x84: {  	_ =	shalt  }
0x85: {  	_ =	shalt  }
0x86: {  	_ =	shalt  }
0x87: {  	_ =	shalt  }
.Lfunc_end0:
.L_simem_size_0:
called_computation.1_lowered:
.L_overlay_start_0:
0x88: {  	s2 =	sld [smem:$0x3FD9]  }
0x89: {  	s3 =	sld [smem:$0x3FFE];
	_ =	sdelay $0x1  }
0x8a: {  	s1 =	srdreg.scid  }
0x8b: {  	s0 =	sand.u32 $0x1, s1  }
0x8c: {  	s16 =	sshll.u32 s0, $0xA;
	s2 =	sadd.s32 s3, s2  }
0x8d: {  	s2 =	sadd.s32 s2, s16  }
0x8e: {  	[smem:$0x3F82] =	sst s2  }
0x8f: {  	_ = 	snop  }
0x90: {  	(tm) =	ssettm $0x1  }
0x91: {  	s17 =	sld [smem:$0x3FFB];
	_ =	sdelay $0x3  }
0x92: {  	_ =	strace s17  }
0x93: {  	s2 =	sld [smem:$0x3FFC];
	_ =	sdelay $0x3  }
0x94: {  	_ =	strace s2  }
0x95: {  	s2 =	sld [smem:$0x3FFD];
	_ =	sdelay $0x3  }
0x96: {  	_ =	strace s2  }
0x97: {  	_ =	strace $0x8FFFFFFF  }
0x98: {  	s18 =	sld [smem:$0x3FDB];
	_ =	sdelay $0x1  }
0x99: {  	s19 =	simm.s32 $_scs_section_size  }
0x9a: {  	s4 =	simm.s32 $_size__tile_overlayer_lowered;
	s5 =	simm.s32 $_tile_overlayer_lowered  }
0x9b: {  	s22 =	simm.s32 $0x1BFF;
	s21 =	sshll.u32 s5, $0x1;
	s2 =	sadd.s32 s19, s18  }
0x9c: {  	s6 =	simm.s32 $0x0;
	s20 =	sshll.u32 s4, $0x1;
	s4 =	sadd.s32 s21, s2  }
0x9d: {  	[timem:s6], [sflag:s22] =	dma.local [hbm:s4], s20  }
0x9e: {  	_ =	swait.ge [sflag:s22], s20  }
0x9f: {  	s3 =	ssub.s32 $0x0, s20;
	[sflag:s22] =	ssyncset.done $0x0  }
0xa0: {  	[sflag:s22] =	ssyncadd.s32 s3;
	_ =	sdelay $0x1  }
0xa1: {  	s23 =	simm.s32 $0x1B8B  }
0xa2: {  	_ =	swait.ge [sflag:s23], $0x1  }
0xa3: {  	[sflag:s23] =	ssyncset.done $0x0  }
0xa4: {  	s25 =	simm.s32 $0x1B8E;
	s24 =	sld [smem:$0x3FFE];
	[sflag:s23] =	ssyncadd.s32 $0xFFFFFFFF  }
0xa5: {  	s26 =	simm.s32 $execute0_lowered;
	[smem:$0x3FD2] =	sst s25  }
0xa6: {  	s4 =	sshll.u32 s26, $0x1;
	_ =	strace $0x80000049;
	[dreg:$0x1] =	wrdreg $0xFFFFFFFF  }
0xa7: {  	s28 =	simm.s32 $_size_execute0_lowered;
	s2 =	sadd.s32 s2, s4;
	[dreg:$0x0] =	wrdreg $0x0  }
0xa8: {  	s4 =	sshll.u32 s28, $0x1;
	[dreg:$0x2] =	wrdreg s2  }
0xa9: {  	[dreg:$0x3] =	wrdreg s4  }
0xaa: {  	[dreg:$0x4] =	wrdreg $0xC0  }
0xab: {  	_ =	task [dreg:s6], $0x5FFFF  }
0xac: {  	[dreg:$0x1] =	wrdreg $0xFFFFFFFF  }
0xad: {  	[dreg:$0x0] =	wrdreg $0x60  }
0xae: {  	[dreg:$0x2] =	wrdreg s24  }
0xaf: {  	[dreg:$0x3] =	wrdreg $0x9  }
0xb0: {  	_ =	task.clear_ibuf [dreg:s6], $0x4FFFF;
	_ =	strace $0x90000049  }
0xb1: {  	s29 =	simm.s32 $0x9;
	_ =	strace $0x8000004B  }
0xb2: {  	_ =	swait.ge [sflag:s29], $0x1  }
0xb3: {  	[sflag:s29] =	ssyncadd.s32 $0xFFFFFFFF  }
0xb4: {  	_ =	strace $0x9000004B  }
0xb5: {  	_ =	sfence  }
0xb6: {  	s30 =	sld [smem:$0x0];
	_ =	sdelay $0x2  }
0xb7: {  	s31 =	sshll.u32 s1, $0xD;
	s1 =	sshrl.u32 s1, $0x2  }
0xb8: {  	s3 =	sand.u32 $0x4000, s31;
	s1 =	sadd.s32 s1, s30  }
0xb9: {  	s0 =	sor.u32 s3, s0;
	s1 =	sshll.u32 s1, $0x11  }
0xba: {  	s0 =	sor.u32 s1, s0  }
0xbb: {  	s0 =	sadd.s32 $0x8F2B, s0  }
0xbc: {  	[sflag:s0] =	ssyncadd.remote.s32 $0x1  }
0xbd: {  	_ =	sfence.sel $0xFFFF  }
0xbe: {  	[dreg:$0x0] =	wrdreg $0xFFFFFFFF;
	(pc) =	sbr.abs _section_cstart, $3  }
0xbf: {  	[dreg:$0x1] =	wrdreg $0xFFFFFFFF  }
0xc0: {  	_ =	task.clear_ibuf [dreg:s6], $0x2FFFF;
	_ =	strace $0x9FFFFFFF  }
0xc1: {  	(tm) =	ssettm $0x7FFFFFFF  }
tec
execute0_lowered:
.L_overlay_start_1:
0x0: {  	(tag) =	ssettag $0x1  }
0x1: {  	s0 =	srdreg.scid  }
0x2: {  	s8 =	stileid.u32;
	s5 =	rddreg [dreg:$0x0];
	s2 =	simm.s32 $0x0  }
0x3: {  	s18 =	simm.s32 $0x5;
	s19 =	simm.s32 $0x2710;
	s20 =	simm.s32 $0x50  }
0x4: {  	s21 =	simm.s32 $0x4E20;
	s22 =	simm.s32 $0x7620;
	s23 =	simm.s32 $0x6220  }
0x5: {  	s28 =	simm.s32 $0x2;
	s29 =	simm.s32 $0x3;
	s30 =	simm.s32 $0x4  }
0x6: {  	s0 =	sand.u32 $0x1, s0;
	s1 =	sshll.u32 s8, $0x1;
	s8 =	smul.u32 $0x4E20, s8  }
0x7: {  	s1 =	sor.u32 s0, s1;
	s7 =	ssub.s32 $0x2, s0;
	s0 =	smul.u32 $0x2710, s0  }
0x8: {  	[smem:$0x7FF] =	sst s2;
	s4 =	sadd.s32 $0x56200, s5;
	s3 =	smul.u32 $0x2710, s1  }
0x9: {  	s16 =	sadd.s32 $0x9FD000, s5;
	s1 =	smul.u32 $0x9C400, s1;
	s9 =	sshrl.u32 s7, $0x1  }
0xa: {  	_ =	strace $0x8000004A;
	s13 =	ssub.s32 s7, s9;
	s0 =	sadd.s32 s0, s8  }
0xb: {  	s3 =	sshrl.u32 s3, $0x3;
	s1 =	sshrl.u32 s1, $0x3;
	s0 =	sshll.u32 s0, $0x3  }
0xc: {  	s13 =	smax.u32 s13, $0x1;
	s6 =	sadd.s32 s3, s5;
	s3 =	sadd.s32 $0x69C00, s5  }
0xd: {  	s5 =	sadd.s32 $0x7D600, s5;
	s26 =	sadd.s32 $0x13100, s1;
	s10 =	sadd.s32 $0x13380, s1  }
0xe: {  	s1 =	sadd.s32 $0x13600, s1;
	s12 =	sadd.s32 $0x20000280, s0;
	s25 =	sadd.s32 $0x1AE00, s6  }
0xf: {  	s6 =	sadd.s32 $0x11000, s6;
	s31 =	sadd.s32 s16, s26;
	s8 =	sadd.s32 s5, s26  }
0x10: {  	s9 =	sadd.s32 s16, s10;
	s10 =	sadd.s32 s5, s10;
	s11 =	sadd.s32 s16, s1  }
0x11: {  	s15 =	sand.u32 $0xFFFF80, s12;
	s12 =	sadd.s32 s5, s1;
	[dreg:$0x2] =	wrdreg s25  }
0x12: {  	s17 =	sadd.s32 s0, s5;
	s26 =	simm.s32 $0x1;
	[dreg:$0x3] =	wrdreg s6  }
0x13: {  	[dreg:$0x4] =	wrdreg s31;
	s14 =	sadd.s32 s15, s16;
	s15 =	sadd.s32 s15, s5  }
0x14: {  	s16 =	sadd.s32 s0, s16;
	s25 =	simm.s32 $0x8A20;
	s0 =	simm.s32 $0x0  }
.LBB2_1:
0x15: {  	s1 =	rddreg [dreg:$0x2]  }
0x16: {  	[tilespmem:s2], [sflag:$0x5] =	stream.linear.gather [hbm4b:s1+s2], $0x2710, $0x38;
	[tilespmem:$0x9E20] =	vst v63  }
0x17: {  	_ =	swait.ge [sflag:s18], $0x2710  }
0x18: {  	[sflag:s18] =	ssyncset.done $0x0  }
0x19: {  	s24 =	rddreg [dreg:$0x3];
	[sflag:s18] =	ssyncadd.s32 $0xFFFFD8F0  }
0x1a: {  	[tilespmem:s19], [sflag:$0x5] =	stream.linear.gather [hbm4b:s24+s2], $0x2710, $0x38;
	[tilespmem:$0x9E20] =	vst v63  }
0x1b: {  	_ =	swait.ge [sflag:s18], $0x2710  }
0x1c: {  	[sflag:s18] =	ssyncset.done $0x0  }
0x1d: {  	[sflag:s18] =	ssyncadd.s32 $0xFFFFD8F0  }
0x1e: {  	[tilespmem:s21], [sflag:$0x1] =	stream.indirect.gather [hbm4b:s3+s20], $0x40, s2, s20, $0xb8;
	[tilespmem:$0x9E20] =	vst v63  }
0x1f: {  	_ = 	snop  }
0x20: {  	[tilespmem:s22], [sflag:$0x1] =	stream.indirect.gather [hbm4b:s4+s20], $0x40, s19, s20, $0xb8;
	[tilespmem:$0x9E20] =	vst v63  }
0x21: {  	_ = 	snop  }
0x22: {  	[tilespmem:s23], [sflag:$0x2] =	stream.indirect.gather [hbm4b:s3+s20], $0x40, s20, s20, $0xb8;
	[tilespmem:$0x9E20] =	vst v63  }
0x23: {  	s5 =	simm.s32 $0x2760  }
0x24: {  	[tilespmem:s25], [sflag:$0x2] =	stream.indirect.gather [hbm4b:s4+s20], $0x40, s5, s20, $0xb8;
	[tilespmem:$0x9E20] =	vst v63  }
0x25: {  	_ =	swait.ge [sflag:s26], $0x1400  }
0x26: {  	[sflag:s26] =	ssyncset.done $0x0  }
0x27: {  	[sflag:s26] =	ssyncadd.s32 $0xFFFFEC00  }
0x28: {  	_ =	swait.ge [sflag:s26], $0x1400  }
0x29: {  	[sflag:s26] =	ssyncset.done $0x0  }
0x2a: {  	s6 =	sadd.s32 $0x0, s16;
	[sflag:s26] =	ssyncadd.s32 $0xFFFFEC00  }
0x2b: {  	[hbm4b:s6+s2] =	stream.linear.scatter [tilespmem:s21], [sflag:$0x3], $0x1400, $0x38;
	[tilespmem:$0x9E20] =	vst v63  }
0x2c: {  	s7 =	sadd.s32 $0x0, s17  }
0x2d: {  	[hbm4b:s7+s2] =	stream.linear.scatter [tilespmem:s22], [sflag:$0x3], $0x1400, $0x38;
	[tilespmem:$0x9E20] =	vst v63  }
0x2e: {  	_ =	swait.ge [sflag:s28], $0x1400  }
0x2f: {  	[sflag:s28] =	ssyncset.done $0x0  }
0x30: {  	[sflag:s28] =	ssyncadd.s32 $0xFFFFEC00  }
0x31: {  	_ =	swait.ge [sflag:s28], $0x1400  }
0x32: {  	[sflag:s28] =	ssyncset.done $0x0  }
0x33: {  	s24 =	sadd.s32 $0x0, s14;
	[sflag:s28] =	ssyncadd.s32 $0xFFFFEC00  }
0x34: {  	[hbm4b:s24+s2] =	stream.linear.scatter [tilespmem:s23], [sflag:$0x4], $0x1400, $0x38;
	[tilespmem:$0x9E20] =	vst v63  }
0x35: {  	s5 =	sadd.s32 $0x0, s15  }
0x36: {  	[hbm4b:s5+s2] =	stream.linear.scatter [tilespmem:s25], [sflag:$0x4], $0x1400, $0x38;
	[tilespmem:$0x9E20] =	vst v63  }
0x37: {  	_ =	swait.ge [sflag:s29], $0x1400  }
0x38: {  	[sflag:s29] =	ssyncset.done $0x0  }
0x39: {  	[sflag:s29] =	ssyncadd.s32 $0xFFFFEC00  }
0x3a: {  	_ =	swait.ge [sflag:s29], $0x1400  }
0x3b: {  	[sflag:s29] =	ssyncset.done $0x0  }
0x3c: {  	s6 =	simm.s32 $0xA0;
	[sflag:s29] =	ssyncadd.s32 $0xFFFFEC00  }
0x3d: {  	[tilespmem:s21], [sflag:$0x1] =	stream.indirect.gather [hbm4b:s3+s20], $0x40, s6, s20, $0xb8;
	[tilespmem:$0x9E20] =	vst v63  }
0x3e: {  	s7 =	simm.s32 $0x27B0  }
0x3f: {  	[tilespmem:s22], [sflag:$0x1] =	stream.indirect.gather [hbm4b:s4+s20], $0x40, s7, s20, $0xb8;
	[tilespmem:$0x9E20] =	vst v63  }
0x40: {  	_ =	swait.ge [sflag:s30], $0x1400  }
0x41: {  	[sflag:s30] =	ssyncset.done $0x0  }
0x42: {  	[sflag:s30] =	ssyncadd.s32 $0xFFFFEC00  }
0x43: {  	_ =	swait.ge [sflag:s30], $0x1400  }
0x44: {  	[sflag:s30] =	ssyncset.done $0x0  }
0x45: {  	s31 =	simm.s32 $0x500;
	s24 =	simm.s32 $0xF0;
	[sflag:s30] =	ssyncadd.s32 $0xFFFFEC00  }
0x46: {  	[tilespmem:s23], [sflag:$0x2] =	stream.indirect.gather [hbm4b:s3+s20], $0x40, s24, s20, $0xb8;
	[tilespmem:$0x9E20] =	vst v63  }
0x47: {  	s1 =	simm.s32 $0x190;
	s5 =	simm.s32 $0x28A0;
	s24 =	simm.s32 $0x2800  }
.LBB2_2:
0x48: {  	[tilespmem:s25], [sflag:$0x2] =	stream.indirect.gather [hbm4b:s4+s20], $0x40, s24, s20, $0xb8;
	[tilespmem:$0x9E20] =	vst v63  }
0x49: {  	s6 =	smov.u32 s31;
	s24 =	smov.u32 s5  }
0x4a: {  	p0 =	sne.s32 s31, $0x12C00;
	s31 =	sadd.s32 $0x500, s31;
	_ =	swait.ge [sflag:s26], $0x1400  }
0x4b: {  	[sflag:s26] =	ssyncset.done $0x0  }
0x4c: {  	[sflag:s26] =	ssyncadd.s32 $0xFFFFEC00  }
0x4d: {  	_ =	swait.ge [sflag:s26], $0x1400  }
0x4e: {  	[sflag:s26] =	ssyncset.done $0x0  }
0x4f: {  	s7 =	sadd.s32 s6, s16;
	[sflag:s26] =	ssyncadd.s32 $0xFFFFEC00  }
0x50: {  	[hbm4b:s7+s2] =	stream.linear.scatter [tilespmem:s21], [sflag:$0x3], $0x1400, $0x38;
	[tilespmem:$0x9E20] =	vst v63  }
0x51: {  	s7 =	sadd.s32 s6, s17  }
0x52: {  	[hbm4b:s7+s2] =	stream.linear.scatter [tilespmem:s22], [sflag:$0x3], $0x1400, $0x38;
	[tilespmem:$0x9E20] =	vst v63  }
0x53: {  	_ =	swait.ge [sflag:s28], $0x1400  }
0x54: {  	[sflag:s28] =	ssyncset.done $0x0  }
0x55: {  	[sflag:s28] =	ssyncadd.s32 $0xFFFFEC00  }
0x56: {  	_ =	swait.ge [sflag:s28], $0x1400  }
0x57: {  	[sflag:s28] =	ssyncset.done $0x0  }
0x58: {  	s7 =	sadd.s32 s6, s14;
	[sflag:s28] =	ssyncadd.s32 $0xFFFFEC00  }
0x59: {  	[hbm4b:s7+s2] =	stream.linear.scatter [tilespmem:s23], [sflag:$0x4], $0x1400, $0x38;
	[tilespmem:$0x9E20] =	vst v63  }
0x5a: {  	s6 =	sadd.s32 s6, s15  }
0x5b: {  	[hbm4b:s6+s2] =	stream.linear.scatter [tilespmem:s25], [sflag:$0x4], $0x1400, $0x38;
	[tilespmem:$0x9E20] =	vst v63  }
0x5c: {  	_ =	swait.ge [sflag:s29], $0x1400  }
0x5d: {  	[sflag:s29] =	ssyncset.done $0x0  }
0x5e: {  	[sflag:s29] =	ssyncadd.s32 $0xFFFFEC00  }
0x5f: {  	_ =	swait.ge [sflag:s29], $0x1400  }
0x60: {  	[sflag:s29] =	ssyncset.done $0x0  }
0x61: {  	s6 =	sadd.s32 $0xFFFFFFB0, s1;
	[sflag:s29] =	ssyncadd.s32 $0xFFFFEC00  }
0x62: {  	[tilespmem:s21], [sflag:$0x1] =	stream.indirect.gather [hbm4b:s3+s20], $0x40, s6, s20, $0xb8;
	[tilespmem:$0x9E20] =	vst v63  }
0x63: {  	s6 =	sadd.s32 $0xFFFFFFB0, s5  }
0x64: {  	[tilespmem:s22], [sflag:$0x1] =	stream.indirect.gather [hbm4b:s4+s20], $0x40, s6, s20, $0xb8;
	[tilespmem:$0x9E20] =	vst v63  }
0x65: {  	_ =	swait.ge [sflag:s30], $0x1400  }
0x66: {  	[sflag:s30] =	ssyncset.done $0x0  }
0x67: {  	[sflag:s30] =	ssyncadd.s32 $0xFFFFEC00  }
.Ltmp0:
0x68: {  	_ =	swait.ge [sflag:s30], $0x1400;
	(pc) =	sbr.rel @p0 .LBB2_2-.Ltmp0, $4  }
0x69: {  	[sflag:s30] =	ssyncset.done $0x0  }
0x6a: {  	[sflag:s30] =	ssyncadd.s32 $0xFFFFEC00  }
0x6b: {  	[tilespmem:s23], [sflag:$0x2] =	stream.indirect.gather [hbm4b:s3+s20], $0x40, s1, s20, $0xb8;
	[tilespmem:$0x9E20] =	vst v63  }
0x6c: {  	s5 =	sadd.s32 $0xA0, s5;
	s1 =	sadd.s32 $0xA0, s1  }
0x6d: {  	[tilespmem:s25], [sflag:$0x2] =	stream.indirect.gather [hbm4b:s4+s20], $0x40, s24, s20, $0xb8;
	[tilespmem:$0x9E20] =	vst v63  }
0x6e: {  	_ =	swait.ge [sflag:s26], $0x1400  }
0x6f: {  	[sflag:s26] =	ssyncset.done $0x0  }
0x70: {  	[sflag:s26] =	ssyncadd.s32 $0xFFFFEC00  }
0x71: {  	_ =	swait.ge [sflag:s26], $0x1400  }
0x72: {  	[sflag:s26] =	ssyncset.done $0x0  }
0x73: {  	s1 =	rddreg [dreg:$0x4];
	[sflag:s26] =	ssyncadd.s32 $0xFFFFEC00  }
0x74: {  	[hbm4b:s1+s2] =	stream.linear.scatter [tilespmem:s21], [sflag:$0x3], $0x1400, $0x38;
	[tilespmem:$0x9E20] =	vst v63  }
0x75: {  	_ = 	snop  }
0x76: {  	[hbm4b:s8+s2] =	stream.linear.scatter [tilespmem:s22], [sflag:$0x3], $0x1400, $0x38;
	[tilespmem:$0x9E20] =	vst v63  }
0x77: {  	_ =	swait.ge [sflag:s28], $0x1400  }
0x78: {  	[sflag:s28] =	ssyncset.done $0x0  }
0x79: {  	[sflag:s28] =	ssyncadd.s32 $0xFFFFEC00  }
0x7a: {  	_ =	swait.ge [sflag:s28], $0x1400  }
0x7b: {  	[sflag:s28] =	ssyncset.done $0x0  }
0x7c: {  	[sflag:s28] =	ssyncadd.s32 $0xFFFFEC00  }
0x7d: {  	[hbm4b:s9+s2] =	stream.linear.scatter [tilespmem:s23], [sflag:$0x4], $0x1400, $0x38;
	[tilespmem:$0x9E20] =	vst v63  }
0x7e: {  	_ = 	snop  }
0x7f: {  	[hbm4b:s10+s2] =	stream.linear.scatter [tilespmem:s25], [sflag:$0x4], $0x1400, $0x38;
	[tilespmem:$0x9E20] =	vst v63  }
0x80: {  	_ =	swait.ge [sflag:s29], $0x1400  }
0x81: {  	[sflag:s29] =	ssyncset.done $0x0  }
0x82: {  	[sflag:s29] =	ssyncadd.s32 $0xFFFFEC00  }
0x83: {  	_ =	swait.ge [sflag:s29], $0x1400  }
0x84: {  	[sflag:s29] =	ssyncset.done $0x0  }
0x85: {  	s24 =	simm.s32 $0x26C0;
	[sflag:s29] =	ssyncadd.s32 $0xFFFFEC00  }
0x86: {  	[tilespmem:s21], [sflag:$0x1] =	stream.indirect.gather [hbm4b:s3+s20], $0x40, s24, s20, $0xb8;
	[tilespmem:$0x9E20] =	vst v63  }
0x87: {  	s31 =	simm.s32 $0x4DD0  }
0x88: {  	[tilespmem:s22], [sflag:$0x1] =	stream.indirect.gather [hbm4b:s4+s20], $0x40, s31, s20, $0xb8;
	[tilespmem:$0x9E20] =	vst v63  }
0x89: {  	_ =	swait.ge [sflag:s26], $0x1400  }
0x8a: {  	[sflag:s26] =	ssyncset.done $0x0  }
0x8b: {  	[sflag:s26] =	ssyncadd.s32 $0xFFFFEC00  }
0x8c: {  	_ =	swait.ge [sflag:s26], $0x1400  }
0x8d: {  	[sflag:s26] =	ssyncset.done $0x0  }
0x8e: {  	[sflag:s26] =	ssyncadd.s32 $0xFFFFEC00  }
0x8f: {  	[hbm4b:s11+s2] =	stream.linear.scatter [tilespmem:s21], [sflag:$0x3], $0x1400, $0x38;
	[tilespmem:$0x9E20] =	vst v63  }
0x90: {  	_ = 	snop  }
0x91: {  	[hbm4b:s12+s2] =	stream.linear.scatter [tilespmem:s22], [sflag:$0x3], $0x1400, $0x38;
	[tilespmem:$0x9E20] =	vst v63  }
0x92: {  	_ =	swait.ge [sflag:s29], $0x1400  }
0x93: {  	[sflag:s29] =	ssyncset.done $0x0  }
0x94: {  	[sflag:s29] =	ssyncadd.s32 $0xFFFFEC00  }
0x95: {  	_ =	swait.ge [sflag:s29], $0x1400  }
0x96: {  	[sflag:s29] =	ssyncset.done $0x0  }
0x97: {  	s0 =	sadd.s32 $0x1, s0;
	[sflag:s29] =	ssyncadd.s32 $0xFFFFEC00  }
0x98: {  	p0 =	sne.s32 s0, s13;
	_ =	swait.ge [sflag:s30], $0x1400  }
.Ltmp1:
0x99: {  	[sflag:s30] =	ssyncset.done $0x0;
	(pc) =	sbr.rel @p0 .LBB2_1-.Ltmp1, $4  }
0x9a: {  	[sflag:s30] =	ssyncadd.s32 $0xFFFFEC00  }
0x9b: {  	_ =	swait.ge [sflag:s30], $0x1400  }
0x9c: {  	[sflag:s30] =	ssyncset.done $0x0  }
0x9d: {  	[sflag:s30] =	ssyncadd.s32 $0xFFFFEC00  }
0x9e: {  	_ =	sfence.sel $0x180000  }
0x9f: {  	[bflag:$0x0] =	sbarrier.arrive $0xFFFF  }
0xa0: {  	_ =	strace $0x9000004A  }
0xa1: {  	s0 =	stileid.u32;
	[bflag:$0x2] =	sbarrier.arrive $0xFFFF  }
0xa2: {  	p0 =	sne.s32 s0, $0x0;
	s0 =	rddreg [dreg:$0x1]  }
0xa3: {  	s0 =	sadd.s32 @!p0 $0x100000, s0  }
0xa4: {  	[sflag:s0] =	ssyncadd.tile.s32 @!p0 $0x1;
	_ =	shalt  }
.Lfunc_end2:
_tile_overlayer_lowered:
.L_overlay_start_2:
0xa5: {  	(tag) =	ssettag $0x2  }
0xa6: {  	s0 =	rddreg [dreg:$0x0];
	s2 =	stileid.u32  }
0xa7: {  	s1 =	rddreg [dreg:$0x1];
	p0 =	sne.s32 s2, $0x0  }
0xa8: {  	s3 =	rddreg [dreg:$0x2];
	[bflag:$0x3] =	sbarrier.arrive $0xFFFF;
	s2 =	simm.s32 @!p0 $0x1C05  }
0xa9: {  	[timem:s3], [sflag:s2] =	dma.local @!p0 [hbm:s0], s1  }
0xaa: {  	s0 =	simm.s32 @!p0 $0x5  }
0xab: {  	_ =	swait.ge @!p0 [sflag:s0], s1  }
0xac: {  	s1 =	ssub.s32 @!p0 $0x0, s1;
	[sflag:s0] =	ssyncset.done @!p0 $0x0  }
0xad: {  	[sflag:s0] =	ssyncadd.s32 @!p0 s1  }
0xae: {  	[bflag:$0x3] =	sbarrier.arrive $0xFFFF  }
0xaf: {  	_ =	shalt  }

// kernel: kernel.25.cloned.1.call-start
scs
__scs_entry_jumppad:
0x0: {  	(pc) =	sbr.rel $0x88, $3  }
0x1: {  	(tag) =	ssettag $0x0;
	lr =	simm.s32 $0x1  }
0x2: {  	[smem:$0x3F5B] =	sst lr;
	_ =	strace $0xD0000000  }
0x3: {  	_ = 	snop  }
0x4: {  	_ = 	snop  }
0x5: {  	_ = 	snop  }
0x6: {  	_ = 	snop  }
0x7: {  	_ = 	snop  }
__scs_overlays_trampoline_lowered:
0x8: {  	[smem:$0x3F6A] =	sst s0  }
0x9: {  	[smem:$0x3F6B] =	sst s1  }
0xa: {  	[smem:$0x3F6C] =	sst s2  }
0xb: {  	[smem:$0x3F6D] =	sst s3  }
0xc: {  	[smem:$0x3F6E] =	sst s4  }
0xd: {  	[smem:$0x3F6F] =	sst s5  }
0xe: {  	[smem:$0x3F70] =	sst s6  }
0xf: {  	[smem:$0x3F71] =	sst s7  }
0x10: {  	[smem:$0x3F72] =	sst s8  }
0x11: {  	[smem:$0x3F73] =	sst s9;
	s0 =	simm.s32 @!p0 $0x0  }
0x12: {  	s1 =	sld [smem:$0x3F59];
	s0 =	simm.s32 @p0 $0x1  }
0x13: {  	[smem:$0x3F74] =	sst s0;
	s0 =	simm.s32 @!p1 $0x0  }
0x14: {  	s2 =	sld [smem:$0x3F58];
	s0 =	simm.s32 @p1 $0x1  }
0x15: {  	[smem:$0x3F75] =	sst s0;
	s0 =	simm.s32 @!p2 $0x0  }
0x16: {  	s3 =	sld [smem:$0x3FDB];
	s0 =	simm.s32 @p2 $0x1  }
0x17: {  	s4 =	simm.s32 $0x1BF5;
	[smem:$0x3F77] =	sst s0  }
0x18: {  	s0 =	sld [smem:$0x3F5A];
	_ =	swait.ge [sflag:s4], $0x0  }
0x19: {  	s7 =	sld [smem:$0x3F5B]  }
0x1a: {  	s8 =	sadd.s32 $0xFFFFE003, lr  }
0x1b: {  	s9 =	sadd.s32 $0xFFFFFEF7, lr;
	s5 =	simm.s32 $0xFFFFFFFF;
	p2 =	slt.u32 s8, $0xFFFFF086  }
0x1c: {  	p1 =	slt.u32 s9, $0xF7A;
	s5 =	simm.s32 @!p2 $0x0  }
0x1d: {  	s5 =	simm.s32 @p1 $0x1;
	p0 =	seq.s32 s7, s2  }
0x1e: {  	s7 =	smul.u32 @!p0 $0xF7A, s2;
	p2 =	seq.s32 @!p0 s5, $0x0  }
0x1f: {  	s9 =	smul.u32 $0xF7A, s1;
	s8 =	simm.s32 @!p0 $0x1BF5;
	p2 =	por !p2, p0  }
0x20: {  	[sflag:s8] =	ssyncset.s32 @!p0 $0xFFFFF086;
	s6 =	sadd.s32 @!p0 s3, s7;
	s7 =	simm.s32 @!p0 $0x108  }
0x21: {  	s3 =	sadd.s32 s3, s9;
	s6 =	sadd.s32 @!p0 $0x88, s6;
	s7 =	simm.s32 @p2 $0x1082  }
0x22: {  	[simem:s7], [sflag:s8] =	dma.local @!p0 [hbm:s6], $0xF7A  }
0x23: {  	s9 =	sor.u32 $0xD0000000, s2;
	s6 =	simm.s32 $0x108;
	_ =	swait.ge @!p0 [sflag:s8], $0x0  }
0x24: {  	s3 =	sadd.s32 $0x88, s3;
	s6 =	simm.s32 @!p1 $0x1082;
	[sflag:s4] =	ssyncset.s32 $0xFFFFF086  }
0x25: {  	[simem:s6], [sflag:s4] =	dma.local [hbm:s3], $0xF7A  }
0x26: {  	[smem:$0x3F5B] =	sst s1;
	(tag) =	ssettag s2;
	_ =	strace s9  }
0x27: {  	s1 =	sld [smem:$0x3F6B]  }
0x28: {  	s2 =	sld [smem:$0x3F6C]  }
0x29: {  	s4 =	sld [smem:$0x3F6E]  }
0x2a: {  	p0 =	seq.s32 s5, $0x0;
	s5 =	sld [smem:$0x3F6F]  }
0x2b: {  	s6 =	sld [smem:$0x3F70]  }
0x2c: {  	s7 =	sld [smem:$0x3F71]  }
0x2d: {  	s3 =	simm.s32 $0x108;
	s8 =	sld [smem:$0x3F72]  }
0x2e: {  	s3 =	simm.s32 @!p0 $0x1082;
	s9 =	sld [smem:$0x3F73]  }
0x2f: {  	lr =	sadd.s32 s0, s3;
	s0 =	sld [smem:$0x3F6A]  }
0x30: {  	s3 =	sld [smem:$0x3F6D]  }
0x31: {  	[smem:$0x3F76] =	sst s10  }
0x32: {  	s10 =	sld [smem:$0x3F74];
	_ =	sdelay $0x3  }
0x33: {  	p0 =	seq.s32 s10, $0x1;
	s10 =	sld [smem:$0x3F76];
	_ =	sdelay $0x3  }
0x34: {  	[smem:$0x3F76] =	sst s10  }
0x35: {  	s10 =	sld [smem:$0x3F75];
	_ =	sdelay $0x3  }
0x36: {  	p1 =	seq.s32 s10, $0x1;
	s10 =	sld [smem:$0x3F76];
	_ =	sdelay $0x3  }
0x37: {  	[smem:$0x3F76] =	sst s10  }
0x38: {  	s10 =	sld [smem:$0x3F77]  }
0x39: {  	_ = 	snop;
	(pc) =	sbr.ind lr, $3  }
0x3a: {  	_ = 	snop  }
0x3b: {  	_ = 	snop  }
0x3c: {  	p2 =	seq.s32 s10, $0x1;
	s10 =	sld [smem:$0x3F76]  }
0x3d: {  	_ =	shalt  }
0x3e: {  	_ =	shalt  }
0x3f: {  	_ =	shalt  }
0x40: {  	_ =	shalt  }
0x41: {  	_ =	shalt  }
0x42: {  	_ =	shalt  }
0x43: {  	_ =	shalt  }
0x44: {  	_ =	shalt  }
0x45: {  	_ =	shalt  }
0x46: {  	_ =	shalt  }
0x47: {  	_ =	shalt  }
0x48: {  	_ =	shalt  }
0x49: {  	_ =	shalt  }
0x4a: {  	_ =	shalt  }
0x4b: {  	_ =	shalt  }
0x4c: {  	_ =	shalt  }
0x4d: {  	_ =	shalt  }
0x4e: {  	_ =	shalt  }
0x4f: {  	_ =	shalt  }
0x50: {  	_ =	shalt  }
0x51: {  	_ =	shalt  }
0x52: {  	_ =	shalt  }
0x53: {  	_ =	shalt  }
0x54: {  	_ =	shalt  }
0x55: {  	_ =	shalt  }
0x56: {  	_ =	shalt  }
0x57: {  	_ =	shalt  }
0x58: {  	_ =	shalt  }
0x59: {  	_ =	shalt  }
0x5a: {  	_ =	shalt  }
0x5b: {  	_ =	shalt  }
0x5c: {  	_ =	shalt  }
0x5d: {  	_ =	shalt  }
0x5e: {  	_ =	shalt  }
0x5f: {  	_ =	shalt  }
0x60: {  	_ =	shalt  }
0x61: {  	_ =	shalt  }
0x62: {  	_ =	shalt  }
0x63: {  	_ =	shalt  }
0x64: {  	_ =	shalt  }
0x65: {  	_ =	shalt  }
0x66: {  	_ =	shalt  }
0x67: {  	_ =	shalt  }
0x68: {  	_ =	shalt  }
0x69: {  	_ =	shalt  }
0x6a: {  	_ =	shalt  }
0x6b: {  	_ =	shalt  }
0x6c: {  	_ =	shalt  }
0x6d: {  	_ =	shalt  }
0x6e: {  	_ =	shalt  }
0x6f: {  	_ =	shalt  }
0x70: {  	_ =	shalt  }
0x71: {  	_ =	shalt  }
0x72: {  	_ =	shalt  }
0x73: {  	_ =	shalt  }
0x74: {  	_ =	shalt  }
0x75: {  	_ =	shalt  }
0x76: {  	_ =	shalt  }
0x77: {  	_ =	shalt  }
0x78: {  	_ =	shalt  }
0x79: {  	_ =	shalt  }
0x7a: {  	_ =	shalt  }
0x7b: {  	_ =	shalt  }
0x7c: {  	_ =	shalt  }
0x7d: {  	_ =	shalt  }
0x7e: {  	_ =	shalt  }
0x7f: {  	_ =	shalt  }
0x80: {  	_ =	shalt  }
0x81: {  	_ =	shalt  }
0x82: {  	_ =	shalt  }
0x83: {  	_ =	shalt  }
0x84: {  	_ =	shalt  }
0x85: {  	_ =	shalt  }
0x86: {  	_ =	shalt  }
0x87: {  	_ =	shalt  }
.Lfunc_end0:
.L_simem_size_0:
called_computation.2_lowered:
.L_overlay_start_0:
0x88: {  	s2 =	sld [smem:$0x3FD9]  }
0x89: {  	s3 =	sld [smem:$0x3FFE];
	_ =	sdelay $0x1  }
0x8a: {  	s1 =	srdreg.scid  }
0x8b: {  	s0 =	sand.u32 $0x1, s1  }
0x8c: {  	s16 =	sshll.u32 s0, $0xA;
	s2 =	sadd.s32 s3, s2  }
0x8d: {  	s2 =	sadd.s32 s2, s16  }
0x8e: {  	[smem:$0x3F82] =	sst s2  }
0x8f: {  	_ = 	snop  }
0x90: {  	(tm) =	ssettm $0x1  }
0x91: {  	s17 =	sld [smem:$0x3FFB];
	_ =	sdelay $0x3  }
0x92: {  	_ =	strace s17  }
0x93: {  	s2 =	sld [smem:$0x3FFC];
	_ =	sdelay $0x3  }
0x94: {  	_ =	strace s2  }
0x95: {  	s2 =	sld [smem:$0x3FFD];
	_ =	sdelay $0x3  }
0x96: {  	_ =	strace s2  }
0x97: {  	_ =	strace $0x8FFFFFFF  }
0x98: {  	s18 =	sld [smem:$0x3FDB];
	_ =	sdelay $0x1  }
0x99: {  	s19 =	simm.s32 $_scs_section_size  }
0x9a: {  	s4 =	simm.s32 $_size__tile_overlayer_lowered;
	s5 =	simm.s32 $_tile_overlayer_lowered  }
0x9b: {  	s22 =	simm.s32 $0x1BFF;
	s21 =	sshll.u32 s5, $0x1;
	s2 =	sadd.s32 s19, s18  }
0x9c: {  	s6 =	simm.s32 $0x0;
	s20 =	sshll.u32 s4, $0x1;
	s4 =	sadd.s32 s21, s2  }
0x9d: {  	[timem:s6], [sflag:s22] =	dma.local [hbm:s4], s20  }
0x9e: {  	_ =	swait.ge [sflag:s22], s20  }
0x9f: {  	s3 =	ssub.s32 $0x0, s20;
	[sflag:s22] =	ssyncset.done $0x0  }
0xa0: {  	[sflag:s22] =	ssyncadd.s32 s3;
	_ =	sdelay $0x1  }
0xa1: {  	s23 =	simm.s32 $0x1B8B  }
0xa2: {  	_ =	swait.ge [sflag:s23], $0x1  }
0xa3: {  	[sflag:s23] =	ssyncset.done $0x0  }
0xa4: {  	s25 =	simm.s32 $0x1B8E;
	s24 =	sld [smem:$0x3FFE];
	[sflag:s23] =	ssyncadd.s32 $0xFFFFFFFF  }
0xa5: {  	s26 =	simm.s32 $execute0_lowered;
	[smem:$0x3FD2] =	sst s25  }
0xa6: {  	s4 =	sshll.u32 s26, $0x1;
	_ =	strace $0x8000004C;
	[dreg:$0x1] =	wrdreg $0xFFFFFFFF  }
0xa7: {  	s28 =	simm.s32 $_size_execute0_lowered;
	s2 =	sadd.s32 s2, s4;
	[dreg:$0x0] =	wrdreg $0x0  }
0xa8: {  	s4 =	sshll.u32 s28, $0x1;
	[dreg:$0x2] =	wrdreg s2  }
0xa9: {  	[dreg:$0x3] =	wrdreg s4  }
0xaa: {  	[dreg:$0x4] =	wrdreg $0xC0  }
0xab: {  	_ =	task [dreg:s6], $0x5FFFF  }
0xac: {  	[dreg:$0x1] =	wrdreg $0xFFFFFFFF  }
0xad: {  	[dreg:$0x0] =	wrdreg $0x60  }
0xae: {  	[dreg:$0x2] =	wrdreg s24  }
0xaf: {  	[dreg:$0x3] =	wrdreg $0x9E200  }
0xb0: {  	[dreg:$0x4] =	wrdreg $0x13E200  }
0xb1: {  	[dreg:$0x5] =	wrdreg $0x9  }
0xb2: {  	_ =	task.clear_ibuf [dreg:s6], $0x6FFFF;
	_ =	strace $0x9000004C  }
0xb3: {  	s29 =	simm.s32 $0x9;
	_ =	strace $0x8000004E  }
0xb4: {  	_ =	swait.ge [sflag:s29], $0x1  }
0xb5: {  	[sflag:s29] =	ssyncadd.s32 $0xFFFFFFFF  }
0xb6: {  	_ =	strace $0x9000004E  }
0xb7: {  	_ =	sfence  }
0xb8: {  	s30 =	sld [smem:$0x0];
	_ =	sdelay $0x2  }
0xb9: {  	s31 =	sshll.u32 s1, $0xD;
	s1 =	sshrl.u32 s1, $0x2  }
0xba: {  	s3 =	sand.u32 $0x4000, s31;
	s1 =	sadd.s32 s1, s30  }
0xbb: {  	s0 =	sor.u32 s3, s0;
	s1 =	sshll.u32 s1, $0x11  }
0xbc: {  	s0 =	sor.u32 s1, s0  }
0xbd: {  	s0 =	sadd.s32 $0x8F2B, s0  }
0xbe: {  	[sflag:s0] =	ssyncadd.remote.s32 $0x1  }
0xbf: {  	_ =	sfence.sel $0xFFFF  }
0xc0: {  	[dreg:$0x0] =	wrdreg $0xFFFFFFFF;
	(pc) =	sbr.abs _section_cstart, $3  }
0xc1: {  	[dreg:$0x1] =	wrdreg $0xFFFFFFFF  }
0xc2: {  	_ =	task.clear_ibuf [dreg:s6], $0x2FFFF;
	_ =	strace $0x9FFFFFFF  }
0xc3: {  	(tm) =	ssettm $0x7FFFFFFF  }
tec
execute0_lowered:
.L_overlay_start_1:
0x0: {  	(tag) =	ssettag $0x1  }
0x1: {  	s0 =	srdreg.scid;
	s1 =	rddreg [dreg:$0x0]  }
0x2: {  	s14 =	stileid.u32;
	s2 =	rddreg [dreg:$0x1];
	s4 =	simm.s32 $0x0  }
0x3: {  	s28 =	simm.s32 $0x1;
	s29 =	simm.s32 $0x2;
	s30 =	simm.s32 $0x3  }
0x4: {  	s31 =	simm.s32 $0x4;
	s0 =	sand.u32 $0x1, s0;
	s9 =	smul.u32 $0xA000, s14  }
0x5: {  	s3 =	sshll.u32 s14, $0x1;
	s21 =	sshll.u32 s14, $0x6;
	s14 =	smul.u32 $0x4E20, s14  }
0x6: {  	[smem:$0x7FF] =	sst s4;
	s11 =	sadd.s32 $0x56200, s1;
	s6 =	smul.u32 $0xA0000, s0  }
0x7: {  	s8 =	sor.u32 s0, s3;
	s12 =	ssub.s32 $0x2, s0;
	s0 =	smul.u32 $0x2710, s0  }
0x8: {  	s3 =	rddreg [dreg:$0x2];
	_ =	strace $0x8000004D;
	s5 =	smul.u32 $0x2710, s8  }
0x9: {  	s13 =	sshrl.u32 s12, $0x1;
	s20 =	smul.u32 $0x9C400, s8;
	s17 =	sadd.s32 s9, s2  }
0xa: {  	s8 =	smul.u32 $0x13880, s8;
	s7 =	sadd.s32 s9, s6;
	s6 =	sadd.s32 $0x26600, s1  }
0xb: {  	s12 =	ssub.s32 s12, s13;
	s9 =	sadd.s32 s9, s3;
	s0 =	sadd.s32 s0, s14  }
0xc: {  	s19 =	sshrl.u32 s17, $0x3;
	s5 =	sshrl.u32 s5, $0x3;
	s7 =	sshrl.u32 s7, $0x3  }
0xd: {  	[dreg:$0x4] =	wrdreg s9;
	s23 =	sshrl.u32 s20, $0x3;
	s8 =	sadd.s32 s11, s8  }
0xe: {  	s0 =	sshll.u32 s0, $0x3;
	s16 =	smax.u32 s12, $0x1;
	s20 =	simm.s32 $0x5  }
0xf: {  	s10 =	sadd.s32 s5, s1;
	s5 =	sadd.s32 $0x2EE600, s1;
	s1 =	sadd.s32 s7, s1  }
0x10: {  	s7 =	sor.u32 $0x1C05, s21;
	s9 =	sadd.s32 s11, s23;
	[dreg:$0x7] =	wrdreg s8  }
0x11: {  	s0 =	sadd.s32 s11, s0;
	s23 =	simm.s32 $0x4E20;
	s22 =	sadd.s32 $0x1AE00, s10  }
0x12: {  	s21 =	simm.s32 $0x4DD0;
	s10 =	sadd.s32 $0x11000, s10;
	[dreg:$0x5] =	wrdreg s22  }
0x13: {  	s8 =	simm.s32 $0x0;
	s24 =	sadd.s32 $0x280, s9;
	[dreg:$0x6] =	wrdreg s10  }
0x14: {  	s25 =	sadd.s32 $0x13600, s9;
	s26 =	sadd.s32 $0x32A000, s1;
	[dreg:$0x8] =	wrdreg s24  }
0x15: {  	s1 =	sadd.s32 $0x302000, s1;
	s13 =	sadd.s32 $0x780, s0;
	[dreg:$0x9] =	wrdreg s25  }
0x16: {  	s18 =	sadd.s32 $0x500, s0;
	s0 =	simm.s32 $0x4D80;
	[dreg:$0xa] =	wrdreg s26  }
0x17: {  	[dreg:$0xb] =	wrdreg s1;
	s22 =	simm.s32 $0x50;
	s24 =	simm.s32 $0x7620  }
0x18: {  	s25 =	simm.s32 $0x6220;
	s26 =	simm.s32 $0x8A20;
	s1 =	simm.s32 $0x4D30  }
.LBB2_1:
0x19: {  	[spmem:s19], [sflag:s7] =	dma.local [hbm:s6], $0x1400  }
0x1a: {  	_ =	swait.ge [sflag:s20], $0x1400  }
0x1b: {  	[sflag:s20] =	ssyncset.done $0x0;
	s9 =	rddreg [dreg:$0x4]  }
0x1c: {  	[sflag:s20] =	ssyncadd.s32 $0xFFFFEC00;
	s9 =	sshrl.u32 s9, $0x3  }
0x1d: {  	[spmem:s9], [sflag:s7] =	dma.local [hbm:s6], $0x1400  }
0x1e: {  	_ =	swait.ge [sflag:s20], $0x1400  }
0x1f: {  	[sflag:s20] =	ssyncset.done $0x0  }
0x20: {  	s10 =	rddreg [dreg:$0x5];
	[sflag:s20] =	ssyncadd.s32 $0xFFFFEC00  }
0x21: {  	[tilespmem:s4], [sflag:$0x5] =	stream.linear.gather [hbm4b:s10+s4], $0x2710, $0x38;
	[tilespmem:$0x1DE20] =	vst v63  }
0x22: {  	_ =	swait.ge [sflag:s20], $0x2710  }
0x23: {  	[sflag:s20] =	ssyncset.done $0x0  }
0x24: {  	s11 =	simm.s32 $0x2710;
	s15 =	rddreg [dreg:$0x6];
	[sflag:s20] =	ssyncadd.s32 $0xFFFFD8F0  }
0x25: {  	[tilespmem:s11], [sflag:$0x5] =	stream.linear.gather [hbm4b:s15+s4], $0x2710, $0x38;
	[tilespmem:$0x1DE20] =	vst v63  }
0x26: {  	_ =	swait.ge [sflag:s20], $0x2710  }
0x27: {  	[sflag:s20] =	ssyncset.done $0x0  }
0x28: {  	[sflag:s20] =	ssyncadd.s32 $0xFFFFD8F0  }
0x29: {  	[bflag:$0x0] =	sbarrier.arrive $0xFFFF  }
0x2a: {  	[tilespmem:s23], [sflag:$0x1] =	stream.indirect.gather [hbm4b:s5+s22], $0x40, s4, s22, $0xb8;
	[tilespmem:$0x1DE20] =	vst v63  }
0x2b: {  	s17 =	rddreg [dreg:$0x7]  }
0x2c: {  	[tilespmem:s24], [sflag:$0x1] =	stream.linear.gather [hbm4b:s17+s4], $0x1400, $0x38;
	[tilespmem:$0x1DE20] =	vst v63  }
0x2d: {  	_ = 	snop  }
0x2e: {  	[tilespmem:s25], [sflag:$0x2] =	stream.indirect.gather [hbm4b:s5+s22], $0x40, s22, s22, $0xb8;
	[tilespmem:$0x1DE20] =	vst v63  }
0x2f: {  	s11 =	rddreg [dreg:$0x8]  }
0x30: {  	[tilespmem:s26], [sflag:$0x2] =	stream.linear.gather [hbm4b:s11+s4], $0x1400, $0x38;
	[tilespmem:$0x1DE20] =	vst v63  }
0x31: {  	_ =	swait.ge [sflag:s28], $0x1400  }
0x32: {  	[sflag:s28] =	ssyncset.done $0x0  }
0x33: {  	[sflag:s28] =	ssyncadd.s32 $0xFFFFEC00  }
0x34: {  	_ =	swait.ge [sflag:s28], $0x1400  }
0x35: {  	[sflag:s28] =	ssyncset.done $0x0  }
0x36: {  	s12 =	simm.s32 $0x2710;
	[sflag:s28] =	ssyncadd.s32 $0xFFFFEC00  }
0x37: {  	[spmem:s2] =	stream.indirect.scatter.add.f32 [tilespmem:s23], [sflag:$0x3], $0x40, s12, s22, $0xb8;
	[tilespmem:$0x1DE20] =	vst v63  }
0x38: {  	_ = 	snop  }
0x39: {  	[spmem:s3] =	stream.indirect.scatter.add.f32 [tilespmem:s24], [sflag:$0x3], $0x40, s12, s22, $0xb8;
	[tilespmem:$0x1DE20] =	vst v63  }
0x3a: {  	_ =	swait.ge [sflag:s29], $0x1400  }
0x3b: {  	[sflag:s29] =	ssyncset.done $0x0  }
0x3c: {  	[sflag:s29] =	ssyncadd.s32 $0xFFFFEC00  }
0x3d: {  	_ =	swait.ge [sflag:s29], $0x1400  }
0x3e: {  	[sflag:s29] =	ssyncset.done $0x0  }
0x3f: {  	s14 =	simm.s32 $0x2760;
	[sflag:s29] =	ssyncadd.s32 $0xFFFFEC00  }
0x40: {  	[spmem:s2] =	stream.indirect.scatter.add.f32 [tilespmem:s25], [sflag:$0x4], $0x40, s14, s22, $0xb8;
	[tilespmem:$0x1DE20] =	vst v63  }
0x41: {  	_ = 	snop  }
0x42: {  	[spmem:s3] =	stream.indirect.scatter.add.f32 [tilespmem:s26], [sflag:$0x4], $0x40, s14, s22, $0xb8;
	[tilespmem:$0x1DE20] =	vst v63  }
0x43: {  	_ =	swait.ge [sflag:s30], $0x1400  }
0x44: {  	[sflag:s30] =	ssyncset.done $0x0  }
0x45: {  	[sflag:s30] =	ssyncadd.s32 $0xFFFFEC00  }
0x46: {  	_ =	swait.ge [sflag:s30], $0x1400  }
0x47: {  	[sflag:s30] =	ssyncset.done $0x0  }
0x48: {  	s15 =	simm.s32 $0xA0;
	[sflag:s30] =	ssyncadd.s32 $0xFFFFEC00  }
0x49: {  	[tilespmem:s23], [sflag:$0x1] =	stream.indirect.gather [hbm4b:s5+s22], $0x40, s15, s22, $0xb8;
	[tilespmem:$0x1DE20] =	vst v63  }
0x4a: {  	_ = 	snop  }
0x4b: {  	[tilespmem:s24], [sflag:$0x1] =	stream.linear.gather [hbm4b:s18+s4], $0x1400, $0x38;
	[tilespmem:$0x1DE20] =	vst v63  }
0x4c: {  	_ =	swait.ge [sflag:s31], $0x1400  }
0x4d: {  	[sflag:s31] =	ssyncset.done $0x0  }
0x4e: {  	[sflag:s31] =	ssyncadd.s32 $0xFFFFEC00  }
0x4f: {  	_ =	swait.ge [sflag:s31], $0x1400  }
0x50: {  	[sflag:s31] =	ssyncset.done $0x0  }
0x51: {  	s10 =	simm.s32 $0x280;
	s17 =	simm.s32 $0xF0;
	[sflag:s31] =	ssyncadd.s32 $0xFFFFEC00  }
0x52: {  	[tilespmem:s25], [sflag:$0x2] =	stream.indirect.gather [hbm4b:s5+s22], $0x40, s17, s22, $0xb8;
	[tilespmem:$0x1DE20] =	vst v63  }
0x53: {  	s11 =	sadd.s32 $0x500, s13;
	s12 =	sadd.s32 $0x500, s18;
	s17 =	smov.u32 s13  }
.LBB2_2:
0x54: {  	[tilespmem:s26], [sflag:$0x2] =	stream.linear.gather [hbm4b:s17+s4], $0x1400, $0x38;
	[tilespmem:$0x1DE20] =	vst v63  }
0x55: {  	s14 =	smov.u32 s10;
	s17 =	smov.u32 s11  }
0x56: {  	p0 =	sne.s32 s10, $0x9600;
	s10 =	sadd.s32 $0x280, s10;
	_ =	swait.ge [sflag:s28], $0x1400  }
0x57: {  	[sflag:s28] =	ssyncset.done $0x0  }
0x58: {  	[sflag:s28] =	ssyncadd.s32 $0xFFFFEC00  }
0x59: {  	_ =	swait.ge [sflag:s28], $0x1400  }
0x5a: {  	s14 =	sshra.s32 s14, $0x2;
	[sflag:s28] =	ssyncset.done $0x0  }
0x5b: {  	s15 =	sadd.s32 $0x2710, s14;
	[sflag:s28] =	ssyncadd.s32 $0xFFFFEC00  }
0x5c: {  	[spmem:s2] =	stream.indirect.scatter.add.f32 [tilespmem:s23], [sflag:$0x3], $0x40, s15, s22, $0xb8;
	[tilespmem:$0x1DE20] =	vst v63  }
0x5d: {  	_ = 	snop  }
0x5e: {  	[spmem:s3] =	stream.indirect.scatter.add.f32 [tilespmem:s24], [sflag:$0x3], $0x40, s15, s22, $0xb8;
	[tilespmem:$0x1DE20] =	vst v63  }
0x5f: {  	_ =	swait.ge [sflag:s29], $0x1400  }
0x60: {  	[sflag:s29] =	ssyncset.done $0x0  }
0x61: {  	[sflag:s29] =	ssyncadd.s32 $0xFFFFEC00  }
0x62: {  	_ =	swait.ge [sflag:s29], $0x1400  }
0x63: {  	[sflag:s29] =	ssyncset.done $0x0  }
0x64: {  	s15 =	sadd.s32 $0x2760, s14;
	[sflag:s29] =	ssyncadd.s32 $0xFFFFEC00  }
0x65: {  	[spmem:s2] =	stream.indirect.scatter.add.f32 [tilespmem:s25], [sflag:$0x4], $0x40, s15, s22, $0xb8;
	[tilespmem:$0x1DE20] =	vst v63  }
0x66: {  	_ = 	snop  }
0x67: {  	[spmem:s3] =	stream.indirect.scatter.add.f32 [tilespmem:s26], [sflag:$0x4], $0x40, s15, s22, $0xb8;
	[tilespmem:$0x1DE20] =	vst v63  }
0x68: {  	_ =	swait.ge [sflag:s30], $0x1400  }
0x69: {  	[sflag:s30] =	ssyncset.done $0x0  }
0x6a: {  	[sflag:s30] =	ssyncadd.s32 $0xFFFFEC00  }
0x6b: {  	_ =	swait.ge [sflag:s30], $0x1400  }
0x6c: {  	[sflag:s30] =	ssyncset.done $0x0  }
0x6d: {  	s15 =	sadd.s32 $0xA0, s14;
	[sflag:s30] =	ssyncadd.s32 $0xFFFFEC00  }
0x6e: {  	[tilespmem:s23], [sflag:$0x1] =	stream.indirect.gather [hbm4b:s5+s22], $0x40, s15, s22, $0xb8;
	[tilespmem:$0x1DE20] =	vst v63  }
0x6f: {  	_ = 	snop  }
0x70: {  	[tilespmem:s24], [sflag:$0x1] =	stream.linear.gather [hbm4b:s12+s4], $0x1400, $0x38;
	[tilespmem:$0x1DE20] =	vst v63  }
0x71: {  	_ =	swait.ge [sflag:s31], $0x1400  }
0x72: {  	[sflag:s31] =	ssyncset.done $0x0  }
0x73: {  	[sflag:s31] =	ssyncadd.s32 $0xFFFFEC00  }
.Ltmp0:
0x74: {  	_ =	swait.ge [sflag:s31], $0x1400;
	(pc) =	sbr.rel @p0 .LBB2_2-.Ltmp0, $4  }
0x75: {  	[sflag:s31] =	ssyncset.done $0x0  }
0x76: {  	s14 =	sadd.s32 $0xF0, s14;
	[sflag:s31] =	ssyncadd.s32 $0xFFFFEC00  }
0x77: {  	[tilespmem:s25], [sflag:$0x2] =	stream.indirect.gather [hbm4b:s5+s22], $0x40, s14, s22, $0xb8;
	[tilespmem:$0x1DE20] =	vst v63  }
0x78: {  	s11 =	sadd.s32 $0x500, s11;
	s12 =	sadd.s32 $0x500, s12  }
0x79: {  	[tilespmem:s26], [sflag:$0x2] =	stream.linear.gather [hbm4b:s17+s4], $0x1400, $0x38;
	[tilespmem:$0x1DE20] =	vst v63  }
0x7a: {  	_ =	swait.ge [sflag:s28], $0x1400  }
0x7b: {  	[sflag:s28] =	ssyncset.done $0x0  }
0x7c: {  	[sflag:s28] =	ssyncadd.s32 $0xFFFFEC00  }
0x7d: {  	_ =	swait.ge [sflag:s28], $0x1400  }
0x7e: {  	[sflag:s28] =	ssyncset.done $0x0  }
0x7f: {  	[sflag:s28] =	ssyncadd.s32 $0xFFFFEC00  }
0x80: {  	[spmem:s2] =	stream.indirect.scatter.add.f32 [tilespmem:s23], [sflag:$0x3], $0x40, s1, s22, $0xb8;
	[tilespmem:$0x1DE20] =	vst v63  }
0x81: {  	_ = 	snop  }
0x82: {  	[spmem:s3] =	stream.indirect.scatter.add.f32 [tilespmem:s24], [sflag:$0x3], $0x40, s1, s22, $0xb8;
	[tilespmem:$0x1DE20] =	vst v63  }
0x83: {  	_ =	swait.ge [sflag:s29], $0x1400  }
0x84: {  	[sflag:s29] =	ssyncset.done $0x0  }
0x85: {  	[sflag:s29] =	ssyncadd.s32 $0xFFFFEC00  }
0x86: {  	_ =	swait.ge [sflag:s29], $0x1400  }
0x87: {  	[sflag:s29] =	ssyncset.done $0x0  }
0x88: {  	[sflag:s29] =	ssyncadd.s32 $0xFFFFEC00  }
0x89: {  	[spmem:s2] =	stream.indirect.scatter.add.f32 [tilespmem:s25], [sflag:$0x4], $0x40, s0, s22, $0xb8;
	[tilespmem:$0x1DE20] =	vst v63  }
0x8a: {  	_ = 	snop  }
0x8b: {  	[spmem:s3] =	stream.indirect.scatter.add.f32 [tilespmem:s26], [sflag:$0x4], $0x40, s0, s22, $0xb8;
	[tilespmem:$0x1DE20] =	vst v63  }
0x8c: {  	_ =	swait.ge [sflag:s30], $0x1400  }
0x8d: {  	[sflag:s30] =	ssyncset.done $0x0  }
0x8e: {  	[sflag:s30] =	ssyncadd.s32 $0xFFFFEC00  }
0x8f: {  	_ =	swait.ge [sflag:s30], $0x1400  }
0x90: {  	[sflag:s30] =	ssyncset.done $0x0  }
0x91: {  	s10 =	simm.s32 $0x26C0;
	[sflag:s30] =	ssyncadd.s32 $0xFFFFEC00  }
0x92: {  	[tilespmem:s23], [sflag:$0x1] =	stream.indirect.gather [hbm4b:s5+s22], $0x40, s10, s22, $0xb8;
	[tilespmem:$0x1DE20] =	vst v63  }
0x93: {  	s14 =	rddreg [dreg:$0x9]  }
0x94: {  	[tilespmem:s24], [sflag:$0x1] =	stream.linear.gather [hbm4b:s14+s4], $0x1400, $0x38;
	[tilespmem:$0x1DE20] =	vst v63  }
0x95: {  	_ =	swait.ge [sflag:s28], $0x1400  }
0x96: {  	[sflag:s28] =	ssyncset.done $0x0  }
0x97: {  	[sflag:s28] =	ssyncadd.s32 $0xFFFFEC00  }
0x98: {  	_ =	swait.ge [sflag:s28], $0x1400  }
0x99: {  	[sflag:s28] =	ssyncset.done $0x0  }
0x9a: {  	[sflag:s28] =	ssyncadd.s32 $0xFFFFEC00  }
0x9b: {  	[spmem:s2] =	stream.indirect.scatter.add.f32 [tilespmem:s23], [sflag:$0x3], $0x40, s21, s22, $0xb8;
	[tilespmem:$0x1DE20] =	vst v63  }
0x9c: {  	_ = 	snop  }
0x9d: {  	[spmem:s3] =	stream.indirect.scatter.add.f32 [tilespmem:s24], [sflag:$0x3], $0x40, s21, s22, $0xb8;
	[tilespmem:$0x1DE20] =	vst v63  }
0x9e: {  	_ =	swait.ge [sflag:s30], $0x1400  }
0x9f: {  	[sflag:s30] =	ssyncset.done $0x0  }
0xa0: {  	[sflag:s30] =	ssyncadd.s32 $0xFFFFEC00  }
0xa1: {  	_ =	swait.ge [sflag:s30], $0x1400  }
0xa2: {  	[sflag:s30] =	ssyncset.done $0x0  }
0xa3: {  	[sflag:s30] =	ssyncadd.s32 $0xFFFFEC00  }
0xa4: {  	_ =	swait.ge [sflag:s31], $0x1400  }
0xa5: {  	[sflag:s31] =	ssyncset.done $0x0  }
0xa6: {  	[sflag:s31] =	ssyncadd.s32 $0xFFFFEC00  }
0xa7: {  	_ =	swait.ge [sflag:s31], $0x1400  }
0xa8: {  	[sflag:s31] =	ssyncset.done $0x0  }
0xa9: {  	[sflag:s31] =	ssyncadd.s32 $0xFFFFEC00  }
0xaa: {  	[bflag:$0x0] =	sbarrier.arrive $0xFFFF  }
0xab: {  	s15 =	rddreg [dreg:$0xa]  }
0xac: {  	[hbm:s15], [sflag:s7] =	dma.local [spmem:s19], $0x1400  }
0xad: {  	s8 =	sadd.s32 $0x1, s8;
	_ =	swait.ge [sflag:s20], $0x1400  }
0xae: {  	p0 =	sne.s32 s8, s16;
	[sflag:s20] =	ssyncset.done $0x0  }
.Ltmp1:
0xaf: {  	s17 =	rddreg [dreg:$0xb];
	[sflag:s20] =	ssyncadd.s32 $0xFFFFEC00;
	(pc) =	sbr.rel @p0 .LBB2_1-.Ltmp1, $4  }
0xb0: {  	[hbm:s17], [sflag:s7] =	dma.local [spmem:s9], $0x1400  }
0xb1: {  	_ =	swait.ge [sflag:s20], $0x1400  }
0xb2: {  	[sflag:s20] =	ssyncset.done $0x0  }
0xb3: {  	[sflag:s20] =	ssyncadd.s32 $0xFFFFEC00  }
0xb4: {  	_ =	sfence.sel $0x180000  }
0xb5: {  	[bflag:$0x0] =	sbarrier.arrive $0xFFFF  }
0xb6: {  	_ =	strace $0x9000004D  }
0xb7: {  	s0 =	stileid.u32;
	[bflag:$0x2] =	sbarrier.arrive $0xFFFF  }
0xb8: {  	p0 =	sne.s32 s0, $0x0;
	s0 =	rddreg [dreg:$0x3]  }
0xb9: {  	s0 =	sadd.s32 @!p0 $0x100000, s0  }
0xba: {  	[sflag:s0] =	ssyncadd.tile.s32 @!p0 $0x1;
	_ =	shalt  }
.Lfunc_end2:
_tile_overlayer_lowered:
.L_overlay_start_2:
0xbb: {  	(tag) =	ssettag $0x2  }
0xbc: {  	s0 =	rddreg [dreg:$0x0];
	s2 =	stileid.u32  }
0xbd: {  	s1 =	rddreg [dreg:$0x1];
	p0 =	sne.s32 s2, $0x0  }
0xbe: {  	s3 =	rddreg [dreg:$0x2];
	[bflag:$0x3] =	sbarrier.arrive $0xFFFF;
	s2 =	simm.s32 @!p0 $0x1C05  }
0xbf: {  	[timem:s3], [sflag:s2] =	dma.local @!p0 [hbm:s0], s1  }
0xc0: {  	s0 =	simm.s32 @!p0 $0x5  }
0xc1: {  	_ =	swait.ge @!p0 [sflag:s0], s1  }
0xc2: {  	s1 =	ssub.s32 @!p0 $0x0, s1;
	[sflag:s0] =	ssyncset.done @!p0 $0x0  }
0xc3: {  	[sflag:s0] =	ssyncadd.s32 @!p0 s1  }
0xc4: {  	[bflag:$0x3] =	sbarrier.arrive $0xFFFF  }
0xc5: {  	_ =	shalt  }

// kernel: kernel.28.cloned.1.call-start
scs
__scs_entry_jumppad:
0x0: {  	(pc) =	sbr.rel $0x88, $3  }
0x1: {  	(tag) =	ssettag $0x0;
	lr =	simm.s32 $0x1  }
0x2: {  	[smem:$0x3F5B] =	sst lr;
	_ =	strace $0xD0000000  }
0x3: {  	_ = 	snop  }
0x4: {  	_ = 	snop  }
0x5: {  	_ = 	snop  }
0x6: {  	_ = 	snop  }
0x7: {  	_ = 	snop  }
__scs_overlays_trampoline_lowered:
0x8: {  	[smem:$0x3F6A] =	sst s0  }
0x9: {  	[smem:$0x3F6B] =	sst s1  }
0xa: {  	[smem:$0x3F6C] =	sst s2  }
0xb: {  	[smem:$0x3F6D] =	sst s3  }
0xc: {  	[smem:$0x3F6E] =	sst s4  }
0xd: {  	[smem:$0x3F6F] =	sst s5  }
0xe: {  	[smem:$0x3F70] =	sst s6  }
0xf: {  	[smem:$0x3F71] =	sst s7  }
0x10: {  	[smem:$0x3F72] =	sst s8  }
0x11: {  	[smem:$0x3F73] =	sst s9;
	s0 =	simm.s32 @!p0 $0x0  }
0x12: {  	s1 =	sld [smem:$0x3F59];
	s0 =	simm.s32 @p0 $0x1  }
0x13: {  	[smem:$0x3F74] =	sst s0;
	s0 =	simm.s32 @!p1 $0x0  }
0x14: {  	s2 =	sld [smem:$0x3F58];
	s0 =	simm.s32 @p1 $0x1  }
0x15: {  	[smem:$0x3F75] =	sst s0;
	s0 =	simm.s32 @!p2 $0x0  }
0x16: {  	s3 =	sld [smem:$0x3FDB];
	s0 =	simm.s32 @p2 $0x1  }
0x17: {  	s4 =	simm.s32 $0x1BF5;
	[smem:$0x3F77] =	sst s0  }
0x18: {  	s0 =	sld [smem:$0x3F5A];
	_ =	swait.ge [sflag:s4], $0x0  }
0x19: {  	s7 =	sld [smem:$0x3F5B]  }
0x1a: {  	s8 =	sadd.s32 $0xFFFFE003, lr  }
0x1b: {  	s9 =	sadd.s32 $0xFFFFFEF7, lr;
	s5 =	simm.s32 $0xFFFFFFFF;
	p2 =	slt.u32 s8, $0xFFFFF086  }
0x1c: {  	p1 =	slt.u32 s9, $0xF7A;
	s5 =	simm.s32 @!p2 $0x0  }
0x1d: {  	s5 =	simm.s32 @p1 $0x1;
	p0 =	seq.s32 s7, s2  }
0x1e: {  	s7 =	smul.u32 @!p0 $0xF7A, s2;
	p2 =	seq.s32 @!p0 s5, $0x0  }
0x1f: {  	s9 =	smul.u32 $0xF7A, s1;
	s8 =	simm.s32 @!p0 $0x1BF5;
	p2 =	por !p2, p0  }
0x20: {  	[sflag:s8] =	ssyncset.s32 @!p0 $0xFFFFF086;
	s6 =	sadd.s32 @!p0 s3, s7;
	s7 =	simm.s32 @!p0 $0x108  }
0x21: {  	s3 =	sadd.s32 s3, s9;
	s6 =	sadd.s32 @!p0 $0x88, s6;
	s7 =	simm.s32 @p2 $0x1082  }
0x22: {  	[simem:s7], [sflag:s8] =	dma.local @!p0 [hbm:s6], $0xF7A  }
0x23: {  	s9 =	sor.u32 $0xD0000000, s2;
	s6 =	simm.s32 $0x108;
	_ =	swait.ge @!p0 [sflag:s8], $0x0  }
0x24: {  	s3 =	sadd.s32 $0x88, s3;
	s6 =	simm.s32 @!p1 $0x1082;
	[sflag:s4] =	ssyncset.s32 $0xFFFFF086  }
0x25: {  	[simem:s6], [sflag:s4] =	dma.local [hbm:s3], $0xF7A  }
0x26: {  	[smem:$0x3F5B] =	sst s1;
	(tag) =	ssettag s2;
	_ =	strace s9  }
0x27: {  	s1 =	sld [smem:$0x3F6B]  }
0x28: {  	s2 =	sld [smem:$0x3F6C]  }
0x29: {  	s4 =	sld [smem:$0x3F6E]  }
0x2a: {  	p0 =	seq.s32 s5, $0x0;
	s5 =	sld [smem:$0x3F6F]  }
0x2b: {  	s6 =	sld [smem:$0x3F70]  }
0x2c: {  	s7 =	sld [smem:$0x3F71]  }
0x2d: {  	s3 =	simm.s32 $0x108;
	s8 =	sld [smem:$0x3F72]  }
0x2e: {  	s3 =	simm.s32 @!p0 $0x1082;
	s9 =	sld [smem:$0x3F73]  }
0x2f: {  	lr =	sadd.s32 s0, s3;
	s0 =	sld [smem:$0x3F6A]  }
0x30: {  	s3 =	sld [smem:$0x3F6D]  }
0x31: {  	[smem:$0x3F76] =	sst s10  }
0x32: {  	s10 =	sld [smem:$0x3F74];
	_ =	sdelay $0x3  }
0x33: {  	p0 =	seq.s32 s10, $0x1;
	s10 =	sld [smem:$0x3F76];
	_ =	sdelay $0x3  }
0x34: {  	[smem:$0x3F76] =	sst s10  }
0x35: {  	s10 =	sld [smem:$0x3F75];
	_ =	sdelay $0x3  }
0x36: {  	p1 =	seq.s32 s10, $0x1;
	s10 =	sld [smem:$0x3F76];
	_ =	sdelay $0x3  }
0x37: {  	[smem:$0x3F76] =	sst s10  }
0x38: {  	s10 =	sld [smem:$0x3F77]  }
0x39: {  	_ = 	snop;
	(pc) =	sbr.ind lr, $3  }
0x3a: {  	_ = 	snop  }
0x3b: {  	_ = 	snop  }
0x3c: {  	p2 =	seq.s32 s10, $0x1;
	s10 =	sld [smem:$0x3F76]  }
0x3d: {  	_ =	shalt  }
0x3e: {  	_ =	shalt  }
0x3f: {  	_ =	shalt  }
0x40: {  	_ =	shalt  }
0x41: {  	_ =	shalt  }
0x42: {  	_ =	shalt  }
0x43: {  	_ =	shalt  }
0x44: {  	_ =	shalt  }
0x45: {  	_ =	shalt  }
0x46: {  	_ =	shalt  }
0x47: {  	_ =	shalt  }
0x48: {  	_ =	shalt  }
0x49: {  	_ =	shalt  }
0x4a: {  	_ =	shalt  }
0x4b: {  	_ =	shalt  }
0x4c: {  	_ =	shalt  }
0x4d: {  	_ =	shalt  }
0x4e: {  	_ =	shalt  }
0x4f: {  	_ =	shalt  }
0x50: {  	_ =	shalt  }
0x51: {  	_ =	shalt  }
0x52: {  	_ =	shalt  }
0x53: {  	_ =	shalt  }
0x54: {  	_ =	shalt  }
0x55: {  	_ =	shalt  }
0x56: {  	_ =	shalt  }
0x57: {  	_ =	shalt  }
0x58: {  	_ =	shalt  }
0x59: {  	_ =	shalt  }
0x5a: {  	_ =	shalt  }
0x5b: {  	_ =	shalt  }
0x5c: {  	_ =	shalt  }
0x5d: {  	_ =	shalt  }
0x5e: {  	_ =	shalt  }
0x5f: {  	_ =	shalt  }
0x60: {  	_ =	shalt  }
0x61: {  	_ =	shalt  }
0x62: {  	_ =	shalt  }
0x63: {  	_ =	shalt  }
0x64: {  	_ =	shalt  }
0x65: {  	_ =	shalt  }
0x66: {  	_ =	shalt  }
0x67: {  	_ =	shalt  }
0x68: {  	_ =	shalt  }
0x69: {  	_ =	shalt  }
0x6a: {  	_ =	shalt  }
0x6b: {  	_ =	shalt  }
0x6c: {  	_ =	shalt  }
0x6d: {  	_ =	shalt  }
0x6e: {  	_ =	shalt  }
0x6f: {  	_ =	shalt  }
0x70: {  	_ =	shalt  }
0x71: {  	_ =	shalt  }
0x72: {  	_ =	shalt  }
0x73: {  	_ =	shalt  }
0x74: {  	_ =	shalt  }
0x75: {  	_ =	shalt  }
0x76: {  	_ =	shalt  }
0x77: {  	_ =	shalt  }
0x78: {  	_ =	shalt  }
0x79: {  	_ =	shalt  }
0x7a: {  	_ =	shalt  }
0x7b: {  	_ =	shalt  }
0x7c: {  	_ =	shalt  }
0x7d: {  	_ =	shalt  }
0x7e: {  	_ =	shalt  }
0x7f: {  	_ =	shalt  }
0x80: {  	_ =	shalt  }
0x81: {  	_ =	shalt  }
0x82: {  	_ =	shalt  }
0x83: {  	_ =	shalt  }
0x84: {  	_ =	shalt  }
0x85: {  	_ =	shalt  }
0x86: {  	_ =	shalt  }
0x87: {  	_ =	shalt  }
.Lfunc_end0:
.L_simem_size_0:
called_computation.3_lowered:
.L_overlay_start_0:
0x88: {  	s2 =	sld [smem:$0x3FD9]  }
0x89: {  	s3 =	sld [smem:$0x3FFE];
	_ =	sdelay $0x1  }
0x8a: {  	s1 =	srdreg.scid  }
0x8b: {  	s0 =	sand.u32 $0x1, s1  }
0x8c: {  	s16 =	sshll.u32 s0, $0xA;
	s2 =	sadd.s32 s3, s2  }
0x8d: {  	s2 =	sadd.s32 s2, s16  }
0x8e: {  	[smem:$0x3F82] =	sst s2  }
0x8f: {  	_ = 	snop  }
0x90: {  	(tm) =	ssettm $0x1  }
0x91: {  	s17 =	sld [smem:$0x3FFB];
	_ =	sdelay $0x3  }
0x92: {  	_ =	strace s17  }
0x93: {  	s2 =	sld [smem:$0x3FFC];
	_ =	sdelay $0x3  }
0x94: {  	_ =	strace s2  }
0x95: {  	s2 =	sld [smem:$0x3FFD];
	_ =	sdelay $0x3  }
0x96: {  	_ =	strace s2  }
0x97: {  	_ =	strace $0x8FFFFFFF  }
0x98: {  	s18 =	sld [smem:$0x3FDB];
	_ =	sdelay $0x1  }
0x99: {  	s19 =	simm.s32 $_scs_section_size  }
0x9a: {  	s4 =	simm.s32 $_size__tile_overlayer_lowered;
	s5 =	simm.s32 $_tile_overlayer_lowered  }
0x9b: {  	s22 =	simm.s32 $0x1BFF;
	s21 =	sshll.u32 s5, $0x1;
	s2 =	sadd.s32 s19, s18  }
0x9c: {  	s6 =	simm.s32 $0x0;
	s20 =	sshll.u32 s4, $0x1;
	s4 =	sadd.s32 s21, s2  }
0x9d: {  	[timem:s6], [sflag:s22] =	dma.local [hbm:s4], s20  }
0x9e: {  	_ =	swait.ge [sflag:s22], s20  }
0x9f: {  	s3 =	ssub.s32 $0x0, s20;
	[sflag:s22] =	ssyncset.done $0x0  }
0xa0: {  	[sflag:s22] =	ssyncadd.s32 s3;
	_ =	sdelay $0x1  }
0xa1: {  	s23 =	simm.s32 $0x1B8B  }
0xa2: {  	_ =	swait.ge [sflag:s23], $0x1  }
0xa3: {  	[sflag:s23] =	ssyncset.done $0x0  }
0xa4: {  	s25 =	simm.s32 $0x1B8E;
	s24 =	sld [smem:$0x3FFE];
	[sflag:s23] =	ssyncadd.s32 $0xFFFFFFFF  }
0xa5: {  	s26 =	simm.s32 $execute0_lowered;
	[smem:$0x3FD2] =	sst s25  }
0xa6: {  	s4 =	sshll.u32 s26, $0x1;
	_ =	strace $0x8000004F;
	[dreg:$0x1] =	wrdreg $0xFFFFFFFF  }
0xa7: {  	s28 =	simm.s32 $_size_execute0_lowered;
	s2 =	sadd.s32 s2, s4;
	[dreg:$0x0] =	wrdreg $0x0  }
0xa8: {  	s4 =	sshll.u32 s28, $0x1;
	[dreg:$0x2] =	wrdreg s2  }
0xa9: {  	[dreg:$0x3] =	wrdreg s4  }
0xaa: {  	[dreg:$0x4] =	wrdreg $0xC0  }
0xab: {  	_ =	task [dreg:s6], $0x5FFFF  }
0xac: {  	[dreg:$0x1] =	wrdreg $0xFFFFFFFF  }
0xad: {  	[dreg:$0x0] =	wrdreg $0x60  }
0xae: {  	[dreg:$0x2] =	wrdreg s24  }
0xaf: {  	[dreg:$0x3] =	wrdreg $0x9  }
0xb0: {  	_ =	task.clear_ibuf [dreg:s6], $0x4FFFF;
	_ =	strace $0x9000004F  }
0xb1: {  	s29 =	simm.s32 $0x9;
	_ =	strace $0x80000051  }
0xb2: {  	_ =	swait.ge [sflag:s29], $0x1  }
0xb3: {  	[sflag:s29] =	ssyncadd.s32 $0xFFFFFFFF  }
0xb4: {  	_ =	strace $0x90000051  }
0xb5: {  	_ =	sfence  }
0xb6: {  	s30 =	sld [smem:$0x0];
	_ =	sdelay $0x2  }
0xb7: {  	s31 =	sshll.u32 s1, $0xD;
	s1 =	sshrl.u32 s1, $0x2  }
0xb8: {  	s3 =	sand.u32 $0x4000, s31;
	s1 =	sadd.s32 s1, s30  }
0xb9: {  	s0 =	sor.u32 s3, s0;
	s1 =	sshll.u32 s1, $0x11  }
0xba: {  	s0 =	sor.u32 s1, s0  }
0xbb: {  	s0 =	sadd.s32 $0x8F2B, s0  }
0xbc: {  	[sflag:s0] =	ssyncadd.remote.s32 $0x1  }
0xbd: {  	_ =	sfence.sel $0xFFFF  }
0xbe: {  	[dreg:$0x0] =	wrdreg $0xFFFFFFFF;
	(pc) =	sbr.abs _section_cstart, $3  }
0xbf: {  	[dreg:$0x1] =	wrdreg $0xFFFFFFFF  }
0xc0: {  	_ =	task.clear_ibuf [dreg:s6], $0x2FFFF;
	_ =	strace $0x9FFFFFFF  }
0xc1: {  	(tm) =	ssettm $0x7FFFFFFF  }
tec
execute0_lowered:
.L_overlay_start_1:
0x0: {  	(tag) =	ssettag $0x1  }
0x1: {  	s0 =	srdreg.scid  }
0x2: {  	s8 =	stileid.u32;
	s5 =	rddreg [dreg:$0x0];
	s2 =	simm.s32 $0x0  }
0x3: {  	s18 =	simm.s32 $0x5;
	s19 =	simm.s32 $0x2710;
	s20 =	simm.s32 $0x50  }
0x4: {  	s21 =	simm.s32 $0x4E20;
	s22 =	simm.s32 $0x7620;
	s23 =	simm.s32 $0x6220  }
0x5: {  	s28 =	simm.s32 $0x2;
	s29 =	simm.s32 $0x3;
	s30 =	simm.s32 $0x4  }
0x6: {  	s0 =	sand.u32 $0x1, s0;
	s1 =	sshll.u32 s8, $0x1;
	s8 =	smul.u32 $0x4E20, s8  }
0x7: {  	s1 =	sor.u32 s0, s1;
	s7 =	ssub.s32 $0x2, s0;
	s0 =	smul.u32 $0x2710, s0  }
0x8: {  	[smem:$0x7FF] =	sst s2;
	s4 =	sadd.s32 $0x69C00, s5;
	s3 =	smul.u32 $0x2710, s1  }
0x9: {  	s16 =	sadd.s32 $0x51B000, s5;
	s1 =	smul.u32 $0x9C400, s1;
	s9 =	sshrl.u32 s7, $0x1  }
0xa: {  	_ =	strace $0x80000050;
	s13 =	ssub.s32 s7, s9;
	s0 =	sadd.s32 s0, s8  }
0xb: {  	s3 =	sshrl.u32 s3, $0x3;
	s1 =	sshrl.u32 s1, $0x3;
	s0 =	sshll.u32 s0, $0x3  }
0xc: {  	s13 =	smax.u32 s13, $0x1;
	s6 =	sadd.s32 s3, s5;
	s3 =	sadd.s32 $0x56200, s5  }
0xd: {  	s5 =	sadd.s32 $0x7D600, s5;
	s26 =	sadd.s32 $0x13100, s1;
	s10 =	sadd.s32 $0x13380, s1  }
0xe: {  	s1 =	sadd.s32 $0x13600, s1;
	s12 =	sadd.s32 $0x20000280, s0;
	s25 =	sadd.s32 $0x1AE00, s6  }
0xf: {  	s6 =	sadd.s32 $0x11000, s6;
	s31 =	sadd.s32 s16, s26;
	s8 =	sadd.s32 s5, s26  }
0x10: {  	s9 =	sadd.s32 s16, s10;
	s10 =	sadd.s32 s5, s10;
	s11 =	sadd.s32 s16, s1  }
0x11: {  	s15 =	sand.u32 $0xFFFF80, s12;
	s12 =	sadd.s32 s5, s1;
	[dreg:$0x2] =	wrdreg s25  }
0x12: {  	s17 =	sadd.s32 s0, s5;
	s26 =	simm.s32 $0x1;
	[dreg:$0x3] =	wrdreg s6  }
0x13: {  	[dreg:$0x4] =	wrdreg s31;
	s14 =	sadd.s32 s15, s16;
	s15 =	sadd.s32 s15, s5  }
0x14: {  	s16 =	sadd.s32 s0, s16;
	s25 =	simm.s32 $0x8A20;
	s0 =	simm.s32 $0x0  }
.LBB2_1:
0x15: {  	s1 =	rddreg [dreg:$0x2]  }
0x16: {  	[tilespmem:s2], [sflag:$0x5] =	stream.linear.gather [hbm4b:s1+s2], $0x2710, $0x38;
	[tilespmem:$0x9E20] =	vst v63  }
0x17: {  	_ =	swait.ge [sflag:s18], $0x2710  }
0x18: {  	[sflag:s18] =	ssyncset.done $0x0  }
0x19: {  	s24 =	rddreg [dreg:$0x3];
	[sflag:s18] =	ssyncadd.s32 $0xFFFFD8F0  }
0x1a: {  	[tilespmem:s19], [sflag:$0x5] =	stream.linear.gather [hbm4b:s24+s2], $0x2710, $0x38;
	[tilespmem:$0x9E20] =	vst v63  }
0x1b: {  	_ =	swait.ge [sflag:s18], $0x2710  }
0x1c: {  	[sflag:s18] =	ssyncset.done $0x0  }
0x1d: {  	[sflag:s18] =	ssyncadd.s32 $0xFFFFD8F0  }
0x1e: {  	[tilespmem:s21], [sflag:$0x1] =	stream.indirect.gather [hbm4b:s3+s20], $0x40, s2, s20, $0xb8;
	[tilespmem:$0x9E20] =	vst v63  }
0x1f: {  	_ = 	snop  }
0x20: {  	[tilespmem:s22], [sflag:$0x1] =	stream.indirect.gather [hbm4b:s4+s20], $0x40, s19, s20, $0xb8;
	[tilespmem:$0x9E20] =	vst v63  }
0x21: {  	_ = 	snop  }
0x22: {  	[tilespmem:s23], [sflag:$0x2] =	stream.indirect.gather [hbm4b:s3+s20], $0x40, s20, s20, $0xb8;
	[tilespmem:$0x9E20] =	vst v63  }
0x23: {  	s5 =	simm.s32 $0x2760  }
0x24: {  	[tilespmem:s25], [sflag:$0x2] =	stream.indirect.gather [hbm4b:s4+s20], $0x40, s5, s20, $0xb8;
	[tilespmem:$0x9E20] =	vst v63  }
0x25: {  	_ =	swait.ge [sflag:s26], $0x1400  }
0x26: {  	[sflag:s26] =	ssyncset.done $0x0  }
0x27: {  	[sflag:s26] =	ssyncadd.s32 $0xFFFFEC00  }
0x28: {  	_ =	swait.ge [sflag:s26], $0x1400  }
0x29: {  	[sflag:s26] =	ssyncset.done $0x0  }
0x2a: {  	s6 =	sadd.s32 $0x0, s16;
	[sflag:s26] =	ssyncadd.s32 $0xFFFFEC00  }
0x2b: {  	[hbm4b:s6+s2] =	stream.linear.scatter [tilespmem:s21], [sflag:$0x3], $0x1400, $0x38;
	[tilespmem:$0x9E20] =	vst v63  }
0x2c: {  	s7 =	sadd.s32 $0x0, s17  }
0x2d: {  	[hbm4b:s7+s2] =	stream.linear.scatter [tilespmem:s22], [sflag:$0x3], $0x1400, $0x38;
	[tilespmem:$0x9E20] =	vst v63  }
0x2e: {  	_ =	swait.ge [sflag:s28], $0x1400  }
0x2f: {  	[sflag:s28] =	ssyncset.done $0x0  }
0x30: {  	[sflag:s28] =	ssyncadd.s32 $0xFFFFEC00  }
0x31: {  	_ =	swait.ge [sflag:s28], $0x1400  }
0x32: {  	[sflag:s28] =	ssyncset.done $0x0  }
0x33: {  	s24 =	sadd.s32 $0x0, s14;
	[sflag:s28] =	ssyncadd.s32 $0xFFFFEC00  }
0x34: {  	[hbm4b:s24+s2] =	stream.linear.scatter [tilespmem:s23], [sflag:$0x4], $0x1400, $0x38;
	[tilespmem:$0x9E20] =	vst v63  }
0x35: {  	s5 =	sadd.s32 $0x0, s15  }
0x36: {  	[hbm4b:s5+s2] =	stream.linear.scatter [tilespmem:s25], [sflag:$0x4], $0x1400, $0x38;
	[tilespmem:$0x9E20] =	vst v63  }
0x37: {  	_ =	swait.ge [sflag:s29], $0x1400  }
0x38: {  	[sflag:s29] =	ssyncset.done $0x0  }
0x39: {  	[sflag:s29] =	ssyncadd.s32 $0xFFFFEC00  }
0x3a: {  	_ =	swait.ge [sflag:s29], $0x1400  }
0x3b: {  	[sflag:s29] =	ssyncset.done $0x0  }
0x3c: {  	s6 =	simm.s32 $0xA0;
	[sflag:s29] =	ssyncadd.s32 $0xFFFFEC00  }
0x3d: {  	[tilespmem:s21], [sflag:$0x1] =	stream.indirect.gather [hbm4b:s3+s20], $0x40, s6, s20, $0xb8;
	[tilespmem:$0x9E20] =	vst v63  }
0x3e: {  	s7 =	simm.s32 $0x27B0  }
0x3f: {  	[tilespmem:s22], [sflag:$0x1] =	stream.indirect.gather [hbm4b:s4+s20], $0x40, s7, s20, $0xb8;
	[tilespmem:$0x9E20] =	vst v63  }
0x40: {  	_ =	swait.ge [sflag:s30], $0x1400  }
0x41: {  	[sflag:s30] =	ssyncset.done $0x0  }
0x42: {  	[sflag:s30] =	ssyncadd.s32 $0xFFFFEC00  }
0x43: {  	_ =	swait.ge [sflag:s30], $0x1400  }
0x44: {  	[sflag:s30] =	ssyncset.done $0x0  }
0x45: {  	s31 =	simm.s32 $0x500;
	s24 =	simm.s32 $0xF0;
	[sflag:s30] =	ssyncadd.s32 $0xFFFFEC00  }
0x46: {  	[tilespmem:s23], [sflag:$0x2] =	stream.indirect.gather [hbm4b:s3+s20], $0x40, s24, s20, $0xb8;
	[tilespmem:$0x9E20] =	vst v63  }
0x47: {  	s1 =	simm.s32 $0x190;
	s5 =	simm.s32 $0x28A0;
	s24 =	simm.s32 $0x2800  }
.LBB2_2:
0x48: {  	[tilespmem:s25], [sflag:$0x2] =	stream.indirect.gather [hbm4b:s4+s20], $0x40, s24, s20, $0xb8;
	[tilespmem:$0x9E20] =	vst v63  }
0x49: {  	s6 =	smov.u32 s31;
	s24 =	smov.u32 s5  }
0x4a: {  	p0 =	sne.s32 s31, $0x12C00;
	s31 =	sadd.s32 $0x500, s31;
	_ =	swait.ge [sflag:s26], $0x1400  }
0x4b: {  	[sflag:s26] =	ssyncset.done $0x0  }
0x4c: {  	[sflag:s26] =	ssyncadd.s32 $0xFFFFEC00  }
0x4d: {  	_ =	swait.ge [sflag:s26], $0x1400  }
0x4e: {  	[sflag:s26] =	ssyncset.done $0x0  }
0x4f: {  	s7 =	sadd.s32 s6, s16;
	[sflag:s26] =	ssyncadd.s32 $0xFFFFEC00  }
0x50: {  	[hbm4b:s7+s2] =	stream.linear.scatter [tilespmem:s21], [sflag:$0x3], $0x1400, $0x38;
	[tilespmem:$0x9E20] =	vst v63  }
0x51: {  	s7 =	sadd.s32 s6, s17  }
0x52: {  	[hbm4b:s7+s2] =	stream.linear.scatter [tilespmem:s22], [sflag:$0x3], $0x1400, $0x38;
	[tilespmem:$0x9E20] =	vst v63  }
0x53: {  	_ =	swait.ge [sflag:s28], $0x1400  }
0x54: {  	[sflag:s28] =	ssyncset.done $0x0  }
0x55: {  	[sflag:s28] =	ssyncadd.s32 $0xFFFFEC00  }
0x56: {  	_ =	swait.ge [sflag:s28], $0x1400  }
0x57: {  	[sflag:s28] =	ssyncset.done $0x0  }
0x58: {  	s7 =	sadd.s32 s6, s14;
	[sflag:s28] =	ssyncadd.s32 $0xFFFFEC00  }
0x59: {  	[hbm4b:s7+s2] =	stream.linear.scatter [tilespmem:s23], [sflag:$0x4], $0x1400, $0x38;
	[tilespmem:$0x9E20] =	vst v63  }
0x5a: {  	s6 =	sadd.s32 s6, s15  }
0x5b: {  	[hbm4b:s6+s2] =	stream.linear.scatter [tilespmem:s25], [sflag:$0x4], $0x1400, $0x38;
	[tilespmem:$0x9E20] =	vst v63  }
0x5c: {  	_ =	swait.ge [sflag:s29], $0x1400  }
0x5d: {  	[sflag:s29] =	ssyncset.done $0x0  }
0x5e: {  	[sflag:s29] =	ssyncadd.s32 $0xFFFFEC00  }
0x5f: {  	_ =	swait.ge [sflag:s29], $0x1400  }
0x60: {  	[sflag:s29] =	ssyncset.done $0x0  }
0x61: {  	s6 =	sadd.s32 $0xFFFFFFB0, s1;
	[sflag:s29] =	ssyncadd.s32 $0xFFFFEC00  }
0x62: {  	[tilespmem:s21], [sflag:$0x1] =	stream.indirect.gather [hbm4b:s3+s20], $0x40, s6, s20, $0xb8;
	[tilespmem:$0x9E20] =	vst v63  }
0x63: {  	s6 =	sadd.s32 $0xFFFFFFB0, s5  }
0x64: {  	[tilespmem:s22], [sflag:$0x1] =	stream.indirect.gather [hbm4b:s4+s20], $0x40, s6, s20, $0xb8;
	[tilespmem:$0x9E20] =	vst v63  }
0x65: {  	_ =	swait.ge [sflag:s30], $0x1400  }
0x66: {  	[sflag:s30] =	ssyncset.done $0x0  }
0x67: {  	[sflag:s30] =	ssyncadd.s32 $0xFFFFEC00  }
.Ltmp0:
0x68: {  	_ =	swait.ge [sflag:s30], $0x1400;
	(pc) =	sbr.rel @p0 .LBB2_2-.Ltmp0, $4  }
0x69: {  	[sflag:s30] =	ssyncset.done $0x0  }
0x6a: {  	[sflag:s30] =	ssyncadd.s32 $0xFFFFEC00  }
0x6b: {  	[tilespmem:s23], [sflag:$0x2] =	stream.indirect.gather [hbm4b:s3+s20], $0x40, s1, s20, $0xb8;
	[tilespmem:$0x9E20] =	vst v63  }
0x6c: {  	s5 =	sadd.s32 $0xA0, s5;
	s1 =	sadd.s32 $0xA0, s1  }
0x6d: {  	[tilespmem:s25], [sflag:$0x2] =	stream.indirect.gather [hbm4b:s4+s20], $0x40, s24, s20, $0xb8;
	[tilespmem:$0x9E20] =	vst v63  }
0x6e: {  	_ =	swait.ge [sflag:s26], $0x1400  }
0x6f: {  	[sflag:s26] =	ssyncset.done $0x0  }
0x70: {  	[sflag:s26] =	ssyncadd.s32 $0xFFFFEC00  }
0x71: {  	_ =	swait.ge [sflag:s26], $0x1400  }
0x72: {  	[sflag:s26] =	ssyncset.done $0x0  }
0x73: {  	s1 =	rddreg [dreg:$0x4];
	[sflag:s26] =	ssyncadd.s32 $0xFFFFEC00  }
0x74: {  	[hbm4b:s1+s2] =	stream.linear.scatter [tilespmem:s21], [sflag:$0x3], $0x1400, $0x38;
	[tilespmem:$0x9E20] =	vst v63  }
0x75: {  	_ = 	snop  }
0x76: {  	[hbm4b:s8+s2] =	stream.linear.scatter [tilespmem:s22], [sflag:$0x3], $0x1400, $0x38;
	[tilespmem:$0x9E20] =	vst v63  }
0x77: {  	_ =	swait.ge [sflag:s28], $0x1400  }
0x78: {  	[sflag:s28] =	ssyncset.done $0x0  }
0x79: {  	[sflag:s28] =	ssyncadd.s32 $0xFFFFEC00  }
0x7a: {  	_ =	swait.ge [sflag:s28], $0x1400  }
0x7b: {  	[sflag:s28] =	ssyncset.done $0x0  }
0x7c: {  	[sflag:s28] =	ssyncadd.s32 $0xFFFFEC00  }
0x7d: {  	[hbm4b:s9+s2] =	stream.linear.scatter [tilespmem:s23], [sflag:$0x4], $0x1400, $0x38;
	[tilespmem:$0x9E20] =	vst v63  }
0x7e: {  	_ = 	snop  }
0x7f: {  	[hbm4b:s10+s2] =	stream.linear.scatter [tilespmem:s25], [sflag:$0x4], $0x1400, $0x38;
	[tilespmem:$0x9E20] =	vst v63  }
0x80: {  	_ =	swait.ge [sflag:s29], $0x1400  }
0x81: {  	[sflag:s29] =	ssyncset.done $0x0  }
0x82: {  	[sflag:s29] =	ssyncadd.s32 $0xFFFFEC00  }
0x83: {  	_ =	swait.ge [sflag:s29], $0x1400  }
0x84: {  	[sflag:s29] =	ssyncset.done $0x0  }
0x85: {  	s24 =	simm.s32 $0x26C0;
	[sflag:s29] =	ssyncadd.s32 $0xFFFFEC00  }
0x86: {  	[tilespmem:s21], [sflag:$0x1] =	stream.indirect.gather [hbm4b:s3+s20], $0x40, s24, s20, $0xb8;
	[tilespmem:$0x9E20] =	vst v63  }
0x87: {  	s31 =	simm.s32 $0x4DD0  }
0x88: {  	[tilespmem:s22], [sflag:$0x1] =	stream.indirect.gather [hbm4b:s4+s20], $0x40, s31, s20, $0xb8;
	[tilespmem:$0x9E20] =	vst v63  }
0x89: {  	_ =	swait.ge [sflag:s26], $0x1400  }
0x8a: {  	[sflag:s26] =	ssyncset.done $0x0  }
0x8b: {  	[sflag:s26] =	ssyncadd.s32 $0xFFFFEC00  }
0x8c: {  	_ =	swait.ge [sflag:s26], $0x1400  }
0x8d: {  	[sflag:s26] =	ssyncset.done $0x0  }
0x8e: {  	[sflag:s26] =	ssyncadd.s32 $0xFFFFEC00  }
0x8f: {  	[hbm4b:s11+s2] =	stream.linear.scatter [tilespmem:s21], [sflag:$0x3], $0x1400, $0x38;
	[tilespmem:$0x9E20] =	vst v63  }
0x90: {  	_ = 	snop  }
0x91: {  	[hbm4b:s12+s2] =	stream.linear.scatter [tilespmem:s22], [sflag:$0x3], $0x1400, $0x38;
	[tilespmem:$0x9E20] =	vst v63  }
0x92: {  	_ =	swait.ge [sflag:s29], $0x1400  }
0x93: {  	[sflag:s29] =	ssyncset.done $0x0  }
0x94: {  	[sflag:s29] =	ssyncadd.s32 $0xFFFFEC00  }
0x95: {  	_ =	swait.ge [sflag:s29], $0x1400  }
0x96: {  	[sflag:s29] =	ssyncset.done $0x0  }
0x97: {  	s0 =	sadd.s32 $0x1, s0;
	[sflag:s29] =	ssyncadd.s32 $0xFFFFEC00  }
0x98: {  	p0 =	sne.s32 s0, s13;
	_ =	swait.ge [sflag:s30], $0x1400  }
.Ltmp1:
0x99: {  	[sflag:s30] =	ssyncset.done $0x0;
	(pc) =	sbr.rel @p0 .LBB2_1-.Ltmp1, $4  }
0x9a: {  	[sflag:s30] =	ssyncadd.s32 $0xFFFFEC00  }
0x9b: {  	_ =	swait.ge [sflag:s30], $0x1400  }
0x9c: {  	[sflag:s30] =	ssyncset.done $0x0  }
0x9d: {  	[sflag:s30] =	ssyncadd.s32 $0xFFFFEC00  }
0x9e: {  	_ =	sfence.sel $0x180000  }
0x9f: {  	[bflag:$0x0] =	sbarrier.arrive $0xFFFF  }
0xa0: {  	_ =	strace $0x90000050  }
0xa1: {  	s0 =	stileid.u32;
	[bflag:$0x2] =	sbarrier.arrive $0xFFFF  }
0xa2: {  	p0 =	sne.s32 s0, $0x0;
	s0 =	rddreg [dreg:$0x1]  }
0xa3: {  	s0 =	sadd.s32 @!p0 $0x100000, s0  }
0xa4: {  	[sflag:s0] =	ssyncadd.tile.s32 @!p0 $0x1;
	_ =	shalt  }
.Lfunc_end2:
_tile_overlayer_lowered:
.L_overlay_start_2:
0xa5: {  	(tag) =	ssettag $0x2  }
0xa6: {  	s0 =	rddreg [dreg:$0x0];
	s2 =	stileid.u32  }
0xa7: {  	s1 =	rddreg [dreg:$0x1];
	p0 =	sne.s32 s2, $0x0  }
0xa8: {  	s3 =	rddreg [dreg:$0x2];
	[bflag:$0x3] =	sbarrier.arrive $0xFFFF;
	s2 =	simm.s32 @!p0 $0x1C05  }
0xa9: {  	[timem:s3], [sflag:s2] =	dma.local @!p0 [hbm:s0], s1  }
0xaa: {  	s0 =	simm.s32 @!p0 $0x5  }
0xab: {  	_ =	swait.ge @!p0 [sflag:s0], s1  }
0xac: {  	s1 =	ssub.s32 @!p0 $0x0, s1;
	[sflag:s0] =	ssyncset.done @!p0 $0x0  }
0xad: {  	[sflag:s0] =	ssyncadd.s32 @!p0 s1  }
0xae: {  	[bflag:$0x3] =	sbarrier.arrive $0xFFFF  }
0xaf: {  	_ =	shalt  }

// kernel: kernel.31.cloned.1.call-start
scs
__scs_entry_jumppad:
0x0: {  	(pc) =	sbr.rel $0x88, $3  }
0x1: {  	(tag) =	ssettag $0x0;
	lr =	simm.s32 $0x1  }
0x2: {  	[smem:$0x3F5B] =	sst lr;
	_ =	strace $0xD0000000  }
0x3: {  	_ = 	snop  }
0x4: {  	_ = 	snop  }
0x5: {  	_ = 	snop  }
0x6: {  	_ = 	snop  }
0x7: {  	_ = 	snop  }
__scs_overlays_trampoline_lowered:
0x8: {  	[smem:$0x3F6A] =	sst s0  }
0x9: {  	[smem:$0x3F6B] =	sst s1  }
0xa: {  	[smem:$0x3F6C] =	sst s2  }
0xb: {  	[smem:$0x3F6D] =	sst s3  }
0xc: {  	[smem:$0x3F6E] =	sst s4  }
0xd: {  	[smem:$0x3F6F] =	sst s5  }
0xe: {  	[smem:$0x3F70] =	sst s6  }
0xf: {  	[smem:$0x3F71] =	sst s7  }
0x10: {  	[smem:$0x3F72] =	sst s8  }
0x11: {  	[smem:$0x3F73] =	sst s9;
	s0 =	simm.s32 @!p0 $0x0  }
0x12: {  	s1 =	sld [smem:$0x3F59];
	s0 =	simm.s32 @p0 $0x1  }
0x13: {  	[smem:$0x3F74] =	sst s0;
	s0 =	simm.s32 @!p1 $0x0  }
0x14: {  	s2 =	sld [smem:$0x3F58];
	s0 =	simm.s32 @p1 $0x1  }
0x15: {  	[smem:$0x3F75] =	sst s0;
	s0 =	simm.s32 @!p2 $0x0  }
0x16: {  	s3 =	sld [smem:$0x3FDB];
	s0 =	simm.s32 @p2 $0x1  }
0x17: {  	s4 =	simm.s32 $0x1BF5;
	[smem:$0x3F77] =	sst s0  }
0x18: {  	s0 =	sld [smem:$0x3F5A];
	_ =	swait.ge [sflag:s4], $0x0  }
0x19: {  	s7 =	sld [smem:$0x3F5B]  }
0x1a: {  	s8 =	sadd.s32 $0xFFFFE003, lr  }
0x1b: {  	s9 =	sadd.s32 $0xFFFFFEF7, lr;
	s5 =	simm.s32 $0xFFFFFFFF;
	p2 =	slt.u32 s8, $0xFFFFF086  }
0x1c: {  	p1 =	slt.u32 s9, $0xF7A;
	s5 =	simm.s32 @!p2 $0x0  }
0x1d: {  	s5 =	simm.s32 @p1 $0x1;
	p0 =	seq.s32 s7, s2  }
0x1e: {  	s7 =	smul.u32 @!p0 $0xF7A, s2;
	p2 =	seq.s32 @!p0 s5, $0x0  }
0x1f: {  	s9 =	smul.u32 $0xF7A, s1;
	s8 =	simm.s32 @!p0 $0x1BF5;
	p2 =	por !p2, p0  }
0x20: {  	[sflag:s8] =	ssyncset.s32 @!p0 $0xFFFFF086;
	s6 =	sadd.s32 @!p0 s3, s7;
	s7 =	simm.s32 @!p0 $0x108  }
0x21: {  	s3 =	sadd.s32 s3, s9;
	s6 =	sadd.s32 @!p0 $0x88, s6;
	s7 =	simm.s32 @p2 $0x1082  }
0x22: {  	[simem:s7], [sflag:s8] =	dma.local @!p0 [hbm:s6], $0xF7A  }
0x23: {  	s9 =	sor.u32 $0xD0000000, s2;
	s6 =	simm.s32 $0x108;
	_ =	swait.ge @!p0 [sflag:s8], $0x0  }
0x24: {  	s3 =	sadd.s32 $0x88, s3;
	s6 =	simm.s32 @!p1 $0x1082;
	[sflag:s4] =	ssyncset.s32 $0xFFFFF086  }
0x25: {  	[simem:s6], [sflag:s4] =	dma.local [hbm:s3], $0xF7A  }
0x26: {  	[smem:$0x3F5B] =	sst s1;
	(tag) =	ssettag s2;
	_ =	strace s9  }
0x27: {  	s1 =	sld [smem:$0x3F6B]  }
0x28: {  	s2 =	sld [smem:$0x3F6C]  }
0x29: {  	s4 =	sld [smem:$0x3F6E]  }
0x2a: {  	p0 =	seq.s32 s5, $0x0;
	s5 =	sld [smem:$0x3F6F]  }
0x2b: {  	s6 =	sld [smem:$0x3F70]  }
0x2c: {  	s7 =	sld [smem:$0x3F71]  }
0x2d: {  	s3 =	simm.s32 $0x108;
	s8 =	sld [smem:$0x3F72]  }
0x2e: {  	s3 =	simm.s32 @!p0 $0x1082;
	s9 =	sld [smem:$0x3F73]  }
0x2f: {  	lr =	sadd.s32 s0, s3;
	s0 =	sld [smem:$0x3F6A]  }
0x30: {  	s3 =	sld [smem:$0x3F6D]  }
0x31: {  	[smem:$0x3F76] =	sst s10  }
0x32: {  	s10 =	sld [smem:$0x3F74];
	_ =	sdelay $0x3  }
0x33: {  	p0 =	seq.s32 s10, $0x1;
	s10 =	sld [smem:$0x3F76];
	_ =	sdelay $0x3  }
0x34: {  	[smem:$0x3F76] =	sst s10  }
0x35: {  	s10 =	sld [smem:$0x3F75];
	_ =	sdelay $0x3  }
0x36: {  	p1 =	seq.s32 s10, $0x1;
	s10 =	sld [smem:$0x3F76];
	_ =	sdelay $0x3  }
0x37: {  	[smem:$0x3F76] =	sst s10  }
0x38: {  	s10 =	sld [smem:$0x3F77]  }
0x39: {  	_ = 	snop;
	(pc) =	sbr.ind lr, $3  }
0x3a: {  	_ = 	snop  }
0x3b: {  	_ = 	snop  }
0x3c: {  	p2 =	seq.s32 s10, $0x1;
	s10 =	sld [smem:$0x3F76]  }
0x3d: {  	_ =	shalt  }
0x3e: {  	_ =	shalt  }
0x3f: {  	_ =	shalt  }
0x40: {  	_ =	shalt  }
0x41: {  	_ =	shalt  }
0x42: {  	_ =	shalt  }
0x43: {  	_ =	shalt  }
0x44: {  	_ =	shalt  }
0x45: {  	_ =	shalt  }
0x46: {  	_ =	shalt  }
0x47: {  	_ =	shalt  }
0x48: {  	_ =	shalt  }
0x49: {  	_ =	shalt  }
0x4a: {  	_ =	shalt  }
0x4b: {  	_ =	shalt  }
0x4c: {  	_ =	shalt  }
0x4d: {  	_ =	shalt  }
0x4e: {  	_ =	shalt  }
0x4f: {  	_ =	shalt  }
0x50: {  	_ =	shalt  }
0x51: {  	_ =	shalt  }
0x52: {  	_ =	shalt  }
0x53: {  	_ =	shalt  }
0x54: {  	_ =	shalt  }
0x55: {  	_ =	shalt  }
0x56: {  	_ =	shalt  }
0x57: {  	_ =	shalt  }
0x58: {  	_ =	shalt  }
0x59: {  	_ =	shalt  }
0x5a: {  	_ =	shalt  }
0x5b: {  	_ =	shalt  }
0x5c: {  	_ =	shalt  }
0x5d: {  	_ =	shalt  }
0x5e: {  	_ =	shalt  }
0x5f: {  	_ =	shalt  }
0x60: {  	_ =	shalt  }
0x61: {  	_ =	shalt  }
0x62: {  	_ =	shalt  }
0x63: {  	_ =	shalt  }
0x64: {  	_ =	shalt  }
0x65: {  	_ =	shalt  }
0x66: {  	_ =	shalt  }
0x67: {  	_ =	shalt  }
0x68: {  	_ =	shalt  }
0x69: {  	_ =	shalt  }
0x6a: {  	_ =	shalt  }
0x6b: {  	_ =	shalt  }
0x6c: {  	_ =	shalt  }
0x6d: {  	_ =	shalt  }
0x6e: {  	_ =	shalt  }
0x6f: {  	_ =	shalt  }
0x70: {  	_ =	shalt  }
0x71: {  	_ =	shalt  }
0x72: {  	_ =	shalt  }
0x73: {  	_ =	shalt  }
0x74: {  	_ =	shalt  }
0x75: {  	_ =	shalt  }
0x76: {  	_ =	shalt  }
0x77: {  	_ =	shalt  }
0x78: {  	_ =	shalt  }
0x79: {  	_ =	shalt  }
0x7a: {  	_ =	shalt  }
0x7b: {  	_ =	shalt  }
0x7c: {  	_ =	shalt  }
0x7d: {  	_ =	shalt  }
0x7e: {  	_ =	shalt  }
0x7f: {  	_ =	shalt  }
0x80: {  	_ =	shalt  }
0x81: {  	_ =	shalt  }
0x82: {  	_ =	shalt  }
0x83: {  	_ =	shalt  }
0x84: {  	_ =	shalt  }
0x85: {  	_ =	shalt  }
0x86: {  	_ =	shalt  }
0x87: {  	_ =	shalt  }
.Lfunc_end0:
.L_simem_size_0:
called_computation.4_lowered:
.L_overlay_start_0:
0x88: {  	s2 =	sld [smem:$0x3FD9]  }
0x89: {  	s3 =	sld [smem:$0x3FFE];
	_ =	sdelay $0x1  }
0x8a: {  	s1 =	srdreg.scid  }
0x8b: {  	s0 =	sand.u32 $0x1, s1  }
0x8c: {  	s16 =	sshll.u32 s0, $0xA;
	s2 =	sadd.s32 s3, s2  }
0x8d: {  	s2 =	sadd.s32 s2, s16  }
0x8e: {  	[smem:$0x3F82] =	sst s2  }
0x8f: {  	_ = 	snop  }
0x90: {  	(tm) =	ssettm $0x1  }
0x91: {  	s17 =	sld [smem:$0x3FFB];
	_ =	sdelay $0x3  }
0x92: {  	_ =	strace s17  }
0x93: {  	s2 =	sld [smem:$0x3FFC];
	_ =	sdelay $0x3  }
0x94: {  	_ =	strace s2  }
0x95: {  	s2 =	sld [smem:$0x3FFD];
	_ =	sdelay $0x3  }
0x96: {  	_ =	strace s2  }
0x97: {  	_ =	strace $0x8FFFFFFF  }
0x98: {  	s18 =	sld [smem:$0x3FDB];
	_ =	sdelay $0x1  }
0x99: {  	s19 =	simm.s32 $_scs_section_size  }
0x9a: {  	s4 =	simm.s32 $_size__tile_overlayer_lowered;
	s5 =	simm.s32 $_tile_overlayer_lowered  }
0x9b: {  	s22 =	simm.s32 $0x1BFF;
	s21 =	sshll.u32 s5, $0x1;
	s2 =	sadd.s32 s19, s18  }
0x9c: {  	s6 =	simm.s32 $0x0;
	s20 =	sshll.u32 s4, $0x1;
	s4 =	sadd.s32 s21, s2  }
0x9d: {  	[timem:s6], [sflag:s22] =	dma.local [hbm:s4], s20  }
0x9e: {  	_ =	swait.ge [sflag:s22], s20  }
0x9f: {  	s3 =	ssub.s32 $0x0, s20;
	[sflag:s22] =	ssyncset.done $0x0  }
0xa0: {  	[sflag:s22] =	ssyncadd.s32 s3;
	_ =	sdelay $0x1  }
0xa1: {  	s23 =	simm.s32 $0x1B8B  }
0xa2: {  	_ =	swait.ge [sflag:s23], $0x1  }
0xa3: {  	[sflag:s23] =	ssyncset.done $0x0  }
0xa4: {  	s25 =	simm.s32 $0x1B8E;
	s24 =	sld [smem:$0x3FFE];
	[sflag:s23] =	ssyncadd.s32 $0xFFFFFFFF  }
0xa5: {  	s26 =	simm.s32 $execute0_lowered;
	[smem:$0x3FD2] =	sst s25  }
0xa6: {  	s4 =	sshll.u32 s26, $0x1;
	_ =	strace $0x80000052;
	[dreg:$0x1] =	wrdreg $0xFFFFFFFF  }
0xa7: {  	s28 =	simm.s32 $_size_execute0_lowered;
	s2 =	sadd.s32 s2, s4;
	[dreg:$0x0] =	wrdreg $0x0  }
0xa8: {  	s4 =	sshll.u32 s28, $0x1;
	[dreg:$0x2] =	wrdreg s2  }
0xa9: {  	[dreg:$0x3] =	wrdreg s4  }
0xaa: {  	[dreg:$0x4] =	wrdreg $0xC0  }
0xab: {  	_ =	task [dreg:s6], $0x5FFFF  }
0xac: {  	[dreg:$0x1] =	wrdreg $0xFFFFFFFF  }
0xad: {  	[dreg:$0x0] =	wrdreg $0x60  }
0xae: {  	[dreg:$0x2] =	wrdreg s24  }
0xaf: {  	[dreg:$0x3] =	wrdreg $0x9E200  }
0xb0: {  	[dreg:$0x4] =	wrdreg $0x13E200  }
0xb1: {  	[dreg:$0x5] =	wrdreg $0x9  }
0xb2: {  	_ =	task.clear_ibuf [dreg:s6], $0x6FFFF;
	_ =	strace $0x90000052  }
0xb3: {  	s29 =	simm.s32 $0x9;
	_ =	strace $0x80000054  }
0xb4: {  	_ =	swait.ge [sflag:s29], $0x1  }
0xb5: {  	[sflag:s29] =	ssyncadd.s32 $0xFFFFFFFF  }
0xb6: {  	_ =	strace $0x90000054  }
0xb7: {  	_ =	sfence  }
0xb8: {  	s30 =	sld [smem:$0x0];
	_ =	sdelay $0x2  }
0xb9: {  	s31 =	sshll.u32 s1, $0xD;
	s1 =	sshrl.u32 s1, $0x2  }
0xba: {  	s3 =	sand.u32 $0x4000, s31;
	s1 =	sadd.s32 s1, s30  }
0xbb: {  	s0 =	sor.u32 s3, s0;
	s1 =	sshll.u32 s1, $0x11  }
0xbc: {  	s0 =	sor.u32 s1, s0  }
0xbd: {  	s0 =	sadd.s32 $0x8F2B, s0  }
0xbe: {  	[sflag:s0] =	ssyncadd.remote.s32 $0x1  }
0xbf: {  	_ =	sfence.sel $0xFFFF  }
0xc0: {  	[dreg:$0x0] =	wrdreg $0xFFFFFFFF;
	(pc) =	sbr.abs _section_cstart, $3  }
0xc1: {  	[dreg:$0x1] =	wrdreg $0xFFFFFFFF  }
0xc2: {  	_ =	task.clear_ibuf [dreg:s6], $0x2FFFF;
	_ =	strace $0x9FFFFFFF  }
0xc3: {  	(tm) =	ssettm $0x7FFFFFFF  }
tec
execute0_lowered:
.L_overlay_start_1:
0x0: {  	(tag) =	ssettag $0x1  }
0x1: {  	s0 =	srdreg.scid;
	s1 =	rddreg [dreg:$0x0]  }
0x2: {  	s14 =	stileid.u32;
	s2 =	rddreg [dreg:$0x1];
	s4 =	simm.s32 $0x0  }
0x3: {  	s28 =	simm.s32 $0x1;
	s29 =	simm.s32 $0x2;
	s30 =	simm.s32 $0x3  }
0x4: {  	s31 =	simm.s32 $0x4;
	s0 =	sand.u32 $0x1, s0;
	s9 =	smul.u32 $0xA000, s14  }
0x5: {  	s3 =	sshll.u32 s14, $0x1;
	s21 =	sshll.u32 s14, $0x6;
	s14 =	smul.u32 $0x4E20, s14  }
0x6: {  	[smem:$0x7FF] =	sst s4;
	s11 =	sadd.s32 $0x56200, s1;
	s6 =	smul.u32 $0xA0000, s0  }
0x7: {  	s8 =	sor.u32 s0, s3;
	s12 =	ssub.s32 $0x2, s0;
	s0 =	smul.u32 $0x2710, s0  }
0x8: {  	s3 =	rddreg [dreg:$0x2];
	_ =	strace $0x80000053;
	s5 =	smul.u32 $0x2710, s8  }
0x9: {  	s13 =	sshrl.u32 s12, $0x1;
	s20 =	smul.u32 $0x9C400, s8;
	s17 =	sadd.s32 s9, s2  }
0xa: {  	s8 =	smul.u32 $0x13880, s8;
	s7 =	sadd.s32 s9, s6;
	s6 =	sadd.s32 $0x26600, s1  }
0xb: {  	s12 =	ssub.s32 s12, s13;
	s9 =	sadd.s32 s9, s3;
	s0 =	sadd.s32 s0, s14  }
0xc: {  	s19 =	sshrl.u32 s17, $0x3;
	s5 =	sshrl.u32 s5, $0x3;
	s7 =	sshrl.u32 s7, $0x3  }
0xd: {  	[dreg:$0x4] =	wrdreg s9;
	s23 =	sshrl.u32 s20, $0x3;
	s8 =	sadd.s32 s11, s8  }
0xe: {  	s0 =	sshll.u32 s0, $0x3;
	s16 =	smax.u32 s12, $0x1;
	s20 =	simm.s32 $0x5  }
0xf: {  	s10 =	sadd.s32 s5, s1;
	s5 =	sadd.s32 $0x2EE600, s1;
	s1 =	sadd.s32 s7, s1  }
0x10: {  	s7 =	sor.u32 $0x1C05, s21;
	s9 =	sadd.s32 s11, s23;
	[dreg:$0x7] =	wrdreg s8  }
0x11: {  	s0 =	sadd.s32 s11, s0;
	s23 =	simm.s32 $0x4E20;
	s22 =	sadd.s32 $0x1AE00, s10  }
0x12: {  	s21 =	simm.s32 $0x4DD0;
	s10 =	sadd.s32 $0x11000, s10;
	[dreg:$0x5] =	wrdreg s22  }
0x13: {  	s8 =	simm.s32 $0x0;
	s24 =	sadd.s32 $0x280, s9;
	[dreg:$0x6] =	wrdreg s10  }
0x14: {  	s25 =	sadd.s32 $0x13600, s9;
	s26 =	sadd.s32 $0x32A000, s1;
	[dreg:$0x8] =	wrdreg s24  }
0x15: {  	s1 =	sadd.s32 $0x302000, s1;
	s13 =	sadd.s32 $0x780, s0;
	[dreg:$0x9] =	wrdreg s25  }
0x16: {  	s18 =	sadd.s32 $0x500, s0;
	s0 =	simm.s32 $0x4D80;
	[dreg:$0xa] =	wrdreg s26  }
0x17: {  	[dreg:$0xb] =	wrdreg s1;
	s22 =	simm.s32 $0x50;
	s24 =	simm.s32 $0x7620  }
0x18: {  	s25 =	simm.s32 $0x6220;
	s26 =	simm.s32 $0x8A20;
	s1 =	simm.s32 $0x4D30  }
.LBB2_1:
0x19: {  	[spmem:s19], [sflag:s7] =	dma.local [hbm:s6], $0x1400  }
0x1a: {  	_ =	swait.ge [sflag:s20], $0x1400  }
0x1b: {  	[sflag:s20] =	ssyncset.done $0x0;
	s9 =	rddreg [dreg:$0x4]  }
0x1c: {  	[sflag:s20] =	ssyncadd.s32 $0xFFFFEC00;
	s9 =	sshrl.u32 s9, $0x3  }
0x1d: {  	[spmem:s9], [sflag:s7] =	dma.local [hbm:s6], $0x1400  }
0x1e: {  	_ =	swait.ge [sflag:s20], $0x1400  }
0x1f: {  	[sflag:s20] =	ssyncset.done $0x0  }
0x20: {  	s10 =	rddreg [dreg:$0x5];
	[sflag:s20] =	ssyncadd.s32 $0xFFFFEC00  }
0x21: {  	[tilespmem:s4], [sflag:$0x5] =	stream.linear.gather [hbm4b:s10+s4], $0x2710, $0x38;
	[tilespmem:$0x1DE20] =	vst v63  }
0x22: {  	_ =	swait.ge [sflag:s20], $0x2710  }
0x23: {  	[sflag:s20] =	ssyncset.done $0x0  }
0x24: {  	s11 =	simm.s32 $0x2710;
	s15 =	rddreg [dreg:$0x6];
	[sflag:s20] =	ssyncadd.s32 $0xFFFFD8F0  }
0x25: {  	[tilespmem:s11], [sflag:$0x5] =	stream.linear.gather [hbm4b:s15+s4], $0x2710, $0x38;
	[tilespmem:$0x1DE20] =	vst v63  }
0x26: {  	_ =	swait.ge [sflag:s20], $0x2710  }
0x27: {  	[sflag:s20] =	ssyncset.done $0x0  }
0x28: {  	[sflag:s20] =	ssyncadd.s32 $0xFFFFD8F0  }
0x29: {  	[bflag:$0x0] =	sbarrier.arrive $0xFFFF  }
0x2a: {  	[tilespmem:s23], [sflag:$0x1] =	stream.indirect.gather [hbm4b:s5+s22], $0x40, s4, s22, $0xb8;
	[tilespmem:$0x1DE20] =	vst v63  }
0x2b: {  	s17 =	rddreg [dreg:$0x7]  }
0x2c: {  	[tilespmem:s24], [sflag:$0x1] =	stream.linear.gather [hbm4b:s17+s4], $0x1400, $0x38;
	[tilespmem:$0x1DE20] =	vst v63  }
0x2d: {  	_ = 	snop  }
0x2e: {  	[tilespmem:s25], [sflag:$0x2] =	stream.indirect.gather [hbm4b:s5+s22], $0x40, s22, s22, $0xb8;
	[tilespmem:$0x1DE20] =	vst v63  }
0x2f: {  	s11 =	rddreg [dreg:$0x8]  }
0x30: {  	[tilespmem:s26], [sflag:$0x2] =	stream.linear.gather [hbm4b:s11+s4], $0x1400, $0x38;
	[tilespmem:$0x1DE20] =	vst v63  }
0x31: {  	_ =	swait.ge [sflag:s28], $0x1400  }
0x32: {  	[sflag:s28] =	ssyncset.done $0x0  }
0x33: {  	[sflag:s28] =	ssyncadd.s32 $0xFFFFEC00  }
0x34: {  	_ =	swait.ge [sflag:s28], $0x1400  }
0x35: {  	[sflag:s28] =	ssyncset.done $0x0  }
0x36: {  	s12 =	simm.s32 $0x2710;
	[sflag:s28] =	ssyncadd.s32 $0xFFFFEC00  }
0x37: {  	[spmem:s2] =	stream.indirect.scatter.add.f32 [tilespmem:s23], [sflag:$0x3], $0x40, s12, s22, $0xb8;
	[tilespmem:$0x1DE20] =	vst v63  }
0x38: {  	_ = 	snop  }
0x39: {  	[spmem:s3] =	stream.indirect.scatter.add.f32 [tilespmem:s24], [sflag:$0x3], $0x40, s12, s22, $0xb8;
	[tilespmem:$0x1DE20] =	vst v63  }
0x3a: {  	_ =	swait.ge [sflag:s29], $0x1400  }
0x3b: {  	[sflag:s29] =	ssyncset.done $0x0  }
0x3c: {  	[sflag:s29] =	ssyncadd.s32 $0xFFFFEC00  }
0x3d: {  	_ =	swait.ge [sflag:s29], $0x1400  }
0x3e: {  	[sflag:s29] =	ssyncset.done $0x0  }
0x3f: {  	s14 =	simm.s32 $0x2760;
	[sflag:s29] =	ssyncadd.s32 $0xFFFFEC00  }
0x40: {  	[spmem:s2] =	stream.indirect.scatter.add.f32 [tilespmem:s25], [sflag:$0x4], $0x40, s14, s22, $0xb8;
	[tilespmem:$0x1DE20] =	vst v63  }
0x41: {  	_ = 	snop  }
0x42: {  	[spmem:s3] =	stream.indirect.scatter.add.f32 [tilespmem:s26], [sflag:$0x4], $0x40, s14, s22, $0xb8;
	[tilespmem:$0x1DE20] =	vst v63  }
0x43: {  	_ =	swait.ge [sflag:s30], $0x1400  }
0x44: {  	[sflag:s30] =	ssyncset.done $0x0  }
0x45: {  	[sflag:s30] =	ssyncadd.s32 $0xFFFFEC00  }
0x46: {  	_ =	swait.ge [sflag:s30], $0x1400  }
0x47: {  	[sflag:s30] =	ssyncset.done $0x0  }
0x48: {  	s15 =	simm.s32 $0xA0;
	[sflag:s30] =	ssyncadd.s32 $0xFFFFEC00  }
0x49: {  	[tilespmem:s23], [sflag:$0x1] =	stream.indirect.gather [hbm4b:s5+s22], $0x40, s15, s22, $0xb8;
	[tilespmem:$0x1DE20] =	vst v63  }
0x4a: {  	_ = 	snop  }
0x4b: {  	[tilespmem:s24], [sflag:$0x1] =	stream.linear.gather [hbm4b:s18+s4], $0x1400, $0x38;
	[tilespmem:$0x1DE20] =	vst v63  }
0x4c: {  	_ =	swait.ge [sflag:s31], $0x1400  }
0x4d: {  	[sflag:s31] =	ssyncset.done $0x0  }
0x4e: {  	[sflag:s31] =	ssyncadd.s32 $0xFFFFEC00  }
0x4f: {  	_ =	swait.ge [sflag:s31], $0x1400  }
0x50: {  	[sflag:s31] =	ssyncset.done $0x0  }
0x51: {  	s10 =	simm.s32 $0x280;
	s17 =	simm.s32 $0xF0;
	[sflag:s31] =	ssyncadd.s32 $0xFFFFEC00  }
0x52: {  	[tilespmem:s25], [sflag:$0x2] =	stream.indirect.gather [hbm4b:s5+s22], $0x40, s17, s22, $0xb8;
	[tilespmem:$0x1DE20] =	vst v63  }
0x53: {  	s11 =	sadd.s32 $0x500, s13;
	s12 =	sadd.s32 $0x500, s18;
	s17 =	smov.u32 s13  }
.LBB2_2:
0x54: {  	[tilespmem:s26], [sflag:$0x2] =	stream.linear.gather [hbm4b:s17+s4], $0x1400, $0x38;
	[tilespmem:$0x1DE20] =	vst v63  }
0x55: {  	s14 =	smov.u32 s10;
	s17 =	smov.u32 s11  }
0x56: {  	p0 =	sne.s32 s10, $0x9600;
	s10 =	sadd.s32 $0x280, s10;
	_ =	swait.ge [sflag:s28], $0x1400  }
0x57: {  	[sflag:s28] =	ssyncset.done $0x0  }
0x58: {  	[sflag:s28] =	ssyncadd.s32 $0xFFFFEC00  }
0x59: {  	_ =	swait.ge [sflag:s28], $0x1400  }
0x5a: {  	s14 =	sshra.s32 s14, $0x2;
	[sflag:s28] =	ssyncset.done $0x0  }
0x5b: {  	s15 =	sadd.s32 $0x2710, s14;
	[sflag:s28] =	ssyncadd.s32 $0xFFFFEC00  }
0x5c: {  	[spmem:s2] =	stream.indirect.scatter.add.f32 [tilespmem:s23], [sflag:$0x3], $0x40, s15, s22, $0xb8;
	[tilespmem:$0x1DE20] =	vst v63  }
0x5d: {  	_ = 	snop  }
0x5e: {  	[spmem:s3] =	stream.indirect.scatter.add.f32 [tilespmem:s24], [sflag:$0x3], $0x40, s15, s22, $0xb8;
	[tilespmem:$0x1DE20] =	vst v63  }
0x5f: {  	_ =	swait.ge [sflag:s29], $0x1400  }
0x60: {  	[sflag:s29] =	ssyncset.done $0x0  }
0x61: {  	[sflag:s29] =	ssyncadd.s32 $0xFFFFEC00  }
0x62: {  	_ =	swait.ge [sflag:s29], $0x1400  }
0x63: {  	[sflag:s29] =	ssyncset.done $0x0  }
0x64: {  	s15 =	sadd.s32 $0x2760, s14;
	[sflag:s29] =	ssyncadd.s32 $0xFFFFEC00  }
0x65: {  	[spmem:s2] =	stream.indirect.scatter.add.f32 [tilespmem:s25], [sflag:$0x4], $0x40, s15, s22, $0xb8;
	[tilespmem:$0x1DE20] =	vst v63  }
0x66: {  	_ = 	snop  }
0x67: {  	[spmem:s3] =	stream.indirect.scatter.add.f32 [tilespmem:s26], [sflag:$0x4], $0x40, s15, s22, $0xb8;
	[tilespmem:$0x1DE20] =	vst v63  }
0x68: {  	_ =	swait.ge [sflag:s30], $0x1400  }
0x69: {  	[sflag:s30] =	ssyncset.done $0x0  }
0x6a: {  	[sflag:s30] =	ssyncadd.s32 $0xFFFFEC00  }
0x6b: {  	_ =	swait.ge [sflag:s30], $0x1400  }
0x6c: {  	[sflag:s30] =	ssyncset.done $0x0  }
0x6d: {  	s15 =	sadd.s32 $0xA0, s14;
	[sflag:s30] =	ssyncadd.s32 $0xFFFFEC00  }
0x6e: {  	[tilespmem:s23], [sflag:$0x1] =	stream.indirect.gather [hbm4b:s5+s22], $0x40, s15, s22, $0xb8;
	[tilespmem:$0x1DE20] =	vst v63  }
0x6f: {  	_ = 	snop  }
0x70: {  	[tilespmem:s24], [sflag:$0x1] =	stream.linear.gather [hbm4b:s12+s4], $0x1400, $0x38;
	[tilespmem:$0x1DE20] =	vst v63  }
0x71: {  	_ =	swait.ge [sflag:s31], $0x1400  }
0x72: {  	[sflag:s31] =	ssyncset.done $0x0  }
0x73: {  	[sflag:s31] =	ssyncadd.s32 $0xFFFFEC00  }
.Ltmp0:
0x74: {  	_ =	swait.ge [sflag:s31], $0x1400;
	(pc) =	sbr.rel @p0 .LBB2_2-.Ltmp0, $4  }
0x75: {  	[sflag:s31] =	ssyncset.done $0x0  }
0x76: {  	s14 =	sadd.s32 $0xF0, s14;
	[sflag:s31] =	ssyncadd.s32 $0xFFFFEC00  }
0x77: {  	[tilespmem:s25], [sflag:$0x2] =	stream.indirect.gather [hbm4b:s5+s22], $0x40, s14, s22, $0xb8;
	[tilespmem:$0x1DE20] =	vst v63  }
0x78: {  	s11 =	sadd.s32 $0x500, s11;
	s12 =	sadd.s32 $0x500, s12  }
0x79: {  	[tilespmem:s26], [sflag:$0x2] =	stream.linear.gather [hbm4b:s17+s4], $0x1400, $0x38;
	[tilespmem:$0x1DE20] =	vst v63  }
0x7a: {  	_ =	swait.ge [sflag:s28], $0x1400  }
0x7b: {  	[sflag:s28] =	ssyncset.done $0x0  }
0x7c: {  	[sflag:s28] =	ssyncadd.s32 $0xFFFFEC00  }
0x7d: {  	_ =	swait.ge [sflag:s28], $0x1400  }
0x7e: {  	[sflag:s28] =	ssyncset.done $0x0  }
0x7f: {  	[sflag:s28] =	ssyncadd.s32 $0xFFFFEC00  }
0x80: {  	[spmem:s2] =	stream.indirect.scatter.add.f32 [tilespmem:s23], [sflag:$0x3], $0x40, s1, s22, $0xb8;
	[tilespmem:$0x1DE20] =	vst v63  }
0x81: {  	_ = 	snop  }
0x82: {  	[spmem:s3] =	stream.indirect.scatter.add.f32 [tilespmem:s24], [sflag:$0x3], $0x40, s1, s22, $0xb8;
	[tilespmem:$0x1DE20] =	vst v63  }
0x83: {  	_ =	swait.ge [sflag:s29], $0x1400  }
0x84: {  	[sflag:s29] =	ssyncset.done $0x0  }
0x85: {  	[sflag:s29] =	ssyncadd.s32 $0xFFFFEC00  }
0x86: {  	_ =	swait.ge [sflag:s29], $0x1400  }
0x87: {  	[sflag:s29] =	ssyncset.done $0x0  }
0x88: {  	[sflag:s29] =	ssyncadd.s32 $0xFFFFEC00  }
0x89: {  	[spmem:s2] =	stream.indirect.scatter.add.f32 [tilespmem:s25], [sflag:$0x4], $0x40, s0, s22, $0xb8;
	[tilespmem:$0x1DE20] =	vst v63  }
0x8a: {  	_ = 	snop  }
0x8b: {  	[spmem:s3] =	stream.indirect.scatter.add.f32 [tilespmem:s26], [sflag:$0x4], $0x40, s0, s22, $0xb8;
	[tilespmem:$0x1DE20] =	vst v63  }
0x8c: {  	_ =	swait.ge [sflag:s30], $0x1400  }
0x8d: {  	[sflag:s30] =	ssyncset.done $0x0  }
0x8e: {  	[sflag:s30] =	ssyncadd.s32 $0xFFFFEC00  }
0x8f: {  	_ =	swait.ge [sflag:s30], $0x1400  }
0x90: {  	[sflag:s30] =	ssyncset.done $0x0  }
0x91: {  	s10 =	simm.s32 $0x26C0;
	[sflag:s30] =	ssyncadd.s32 $0xFFFFEC00  }
0x92: {  	[tilespmem:s23], [sflag:$0x1] =	stream.indirect.gather [hbm4b:s5+s22], $0x40, s10, s22, $0xb8;
	[tilespmem:$0x1DE20] =	vst v63  }
0x93: {  	s14 =	rddreg [dreg:$0x9]  }
0x94: {  	[tilespmem:s24], [sflag:$0x1] =	stream.linear.gather [hbm4b:s14+s4], $0x1400, $0x38;
	[tilespmem:$0x1DE20] =	vst v63  }
0x95: {  	_ =	swait.ge [sflag:s28], $0x1400  }
0x96: {  	[sflag:s28] =	ssyncset.done $0x0  }
0x97: {  	[sflag:s28] =	ssyncadd.s32 $0xFFFFEC00  }
0x98: {  	_ =	swait.ge [sflag:s28], $0x1400  }
0x99: {  	[sflag:s28] =	ssyncset.done $0x0  }
0x9a: {  	[sflag:s28] =	ssyncadd.s32 $0xFFFFEC00  }
0x9b: {  	[spmem:s2] =	stream.indirect.scatter.add.f32 [tilespmem:s23], [sflag:$0x3], $0x40, s21, s22, $0xb8;
	[tilespmem:$0x1DE20] =	vst v63  }
0x9c: {  	_ = 	snop  }
0x9d: {  	[spmem:s3] =	stream.indirect.scatter.add.f32 [tilespmem:s24], [sflag:$0x3], $0x40, s21, s22, $0xb8;
	[tilespmem:$0x1DE20] =	vst v63  }
0x9e: {  	_ =	swait.ge [sflag:s30], $0x1400  }
0x9f: {  	[sflag:s30] =	ssyncset.done $0x0  }
0xa0: {  	[sflag:s30] =	ssyncadd.s32 $0xFFFFEC00  }
0xa1: {  	_ =	swait.ge [sflag:s30], $0x1400  }
0xa2: {  	[sflag:s30] =	ssyncset.done $0x0  }
0xa3: {  	[sflag:s30] =	ssyncadd.s32 $0xFFFFEC00  }
0xa4: {  	_ =	swait.ge [sflag:s31], $0x1400  }
0xa5: {  	[sflag:s31] =	ssyncset.done $0x0  }
0xa6: {  	[sflag:s31] =	ssyncadd.s32 $0xFFFFEC00  }
0xa7: {  	_ =	swait.ge [sflag:s31], $0x1400  }
0xa8: {  	[sflag:s31] =	ssyncset.done $0x0  }
0xa9: {  	[sflag:s31] =	ssyncadd.s32 $0xFFFFEC00  }
0xaa: {  	[bflag:$0x0] =	sbarrier.arrive $0xFFFF  }
0xab: {  	s15 =	rddreg [dreg:$0xa]  }
0xac: {  	[hbm:s15], [sflag:s7] =	dma.local [spmem:s19], $0x1400  }
0xad: {  	s8 =	sadd.s32 $0x1, s8;
	_ =	swait.ge [sflag:s20], $0x1400  }
0xae: {  	p0 =	sne.s32 s8, s16;
	[sflag:s20] =	ssyncset.done $0x0  }
.Ltmp1:
0xaf: {  	s17 =	rddreg [dreg:$0xb];
	[sflag:s20] =	ssyncadd.s32 $0xFFFFEC00;
	(pc) =	sbr.rel @p0 .LBB2_1-.Ltmp1, $4  }
0xb0: {  	[hbm:s17], [sflag:s7] =	dma.local [spmem:s9], $0x1400  }
0xb1: {  	_ =	swait.ge [sflag:s20], $0x1400  }
0xb2: {  	[sflag:s20] =	ssyncset.done $0x0  }
0xb3: {  	[sflag:s20] =	ssyncadd.s32 $0xFFFFEC00  }
0xb4: {  	_ =	sfence.sel $0x180000  }
0xb5: {  	[bflag:$0x0] =	sbarrier.arrive $0xFFFF  }
0xb6: {  	_ =	strace $0x90000053  }
0xb7: {  	s0 =	stileid.u32;
	[bflag:$0x2] =	sbarrier.arrive $0xFFFF  }
0xb8: {  	p0 =	sne.s32 s0, $0x0;
	s0 =	rddreg [dreg:$0x3]  }
0xb9: {  	s0 =	sadd.s32 @!p0 $0x100000, s0  }
0xba: {  	[sflag:s0] =	ssyncadd.tile.s32 @!p0 $0x1;
	_ =	shalt  }
.Lfunc_end2:
_tile_overlayer_lowered:
.L_overlay_start_2:
0xbb: {  	(tag) =	ssettag $0x2  }
0xbc: {  	s0 =	rddreg [dreg:$0x0];
	s2 =	stileid.u32  }
0xbd: {  	s1 =	rddreg [dreg:$0x1];
	p0 =	sne.s32 s2, $0x0  }
0xbe: {  	s3 =	rddreg [dreg:$0x2];
	[bflag:$0x3] =	sbarrier.arrive $0xFFFF;
	s2 =	simm.s32 @!p0 $0x1C05  }
0xbf: {  	[timem:s3], [sflag:s2] =	dma.local @!p0 [hbm:s0], s1  }
0xc0: {  	s0 =	simm.s32 @!p0 $0x5  }
0xc1: {  	_ =	swait.ge @!p0 [sflag:s0], s1  }
0xc2: {  	s1 =	ssub.s32 @!p0 $0x0, s1;
	[sflag:s0] =	ssyncset.done @!p0 $0x0  }
0xc3: {  	[sflag:s0] =	ssyncadd.s32 @!p0 s1  }
0xc4: {  	[bflag:$0x3] =	sbarrier.arrive $0xFFFF  }
0xc5: {  	_ =	shalt  }

</sc_bundles>
